<compile_context>
chip_gen: v7x
topology: tpu7x:2x2x1
jax: 0.10.2.dev20260603
libtpu: 0.0.44.dev20260713+nightly
codegen_flags: <defaults>
</compile_context>

<pallas_src>
import functools

import jax
import jax.numpy as jnp
from jax import lax
from jax.experimental import pallas as pl
from jax.experimental.pallas import tpu as pltpu
from jax.experimental.pallas import tpu_sc as plsc

NC = 2
NS = 16
NW = NC * NS
L = 16

B = 16384
V = 1000000
R = 8
D = 64
MARGIN = 1.0
K = 2

S = B // NW
CHUNK = 64
NCHUNK = S // CHUNK
GROUPS = CHUNK // L
TP = L + 1
W = 2 * D


def _body(hidx, tidx, jhidx, jtidx, sp, pw, nw,
          ent, relf,
          out_hbm,
          hidx_v, tidx_v, jhidx_v, jtidx_v,
          sp_v, pw_v, nw_v, relf_v,
          ph0, pt0, nh0, nt0, ph1, pt1, nh1, nt1,
          tsp, tsn, out_v, sem0, sem1):
    cid = lax.axis_index("c")
    sid = lax.axis_index("s")
    wid = sid * NC + cid
    base = wid * S

    stage = [
        pltpu.async_copy(hidx.at[pl.ds(base, S)], hidx_v, sem0),
        pltpu.async_copy(tidx.at[pl.ds(base, S)], tidx_v, sem0),
        pltpu.async_copy(jhidx.at[pl.ds(base, S)], jhidx_v, sem0),
        pltpu.async_copy(jtidx.at[pl.ds(base, S)], jtidx_v, sem0),
        pltpu.async_copy(sp.at[pl.ds(base * K, S * K)],
                         sp_v.at[pl.ds(0, S * K)], sem0),
        pltpu.async_copy(pw.at[pl.ds(base, S)], pw_v, sem0),
        pltpu.async_copy(nw.at[pl.ds(base, S)], nw_v, sem0),
        pltpu.async_copy(relf, relf_v, sem0),
    ]
    for dsc in stage:
        dsc.wait()

    bufs = ((ph0, pt0, nh0, nt0), (ph1, pt1, nh1, nt1))
    sems = (sem0, sem1)
    idxs = (hidx_v, tidx_v, jhidx_v, jtidx_v)

    def fire(c):
        p = c % 2
        return [
            pltpu.async_copy(ent.at[idxs[k].at[pl.ds(c * CHUNK, CHUNK)]],
                             bufs[p][k], sems[p])
            for k in range(4)
        ]

    lanes = lax.iota(jnp.int32, L)
    cols = lanes * TP
    zf = jnp.zeros((L,), jnp.float32)

    pending = fire(0)
    total = zf
    for c in range(NCHUNK):
        nxt = fire(c + 1) if c + 1 < NCHUNK else []
        for dsc in pending:
            dsc.wait()
        phb, ptb, nhb, ntb = bufs[c % 2]

        def group_body(g, tot, phb=phb, ptb=ptb, nhb=nhb, ntb=ntb, c=c):
            goff = c * CHUNK + g * L

            def elem_body(i, _):
                e = g * L + i
                sv = sp_v[pl.ds((goff + i) * K, L)]
                pb = sv[0]
                nb = sv[1]
                ap = zf
                an = zf
                for f in range(D // L):
                    hp = phb[e, pl.ds(f * L, L)]
                    tp = ptb[e, pl.ds(f * L, L)]
                    rp = relf_v[pl.ds(pb + f * L, L)]
                    hn = nhb[e, pl.ds(f * L, L)]
                    tn = ntb[e, pl.ds(f * L, L)]
                    rn = relf_v[pl.ds(nb + f * L, L)]
                    ap = ap + jnp.abs(hp + rp - tp)
                    an = an + jnp.abs(hn + rn - tn)
                tsp[pl.ds(i * TP, L)] = ap
                tsn[pl.ds(i * TP, L)] = an
                return 0

            lax.fori_loop(0, L, elem_body, 0)

            ps = zf
            ns = zf
            for f in range(L):
                ps = ps + plsc.load_gather(tsp, [cols + f])
                ns = ns + plsc.load_gather(tsn, [cols + f])
            pwv = pw_v[pl.ds(goff, L)]
            nwv = nw_v[pl.ds(goff, L)]
            return tot + jnp.maximum(pwv * ps - nwv * ns + MARGIN, 0.0)

        total = lax.fori_loop(0, GROUPS, group_body, total)
        pending = nxt

    out_v[...] = total
    pltpu.sync_copy(out_v, out_hbm.at[pl.ds(wid * L, L)])


_rhine_sc = functools.partial(
    pl.kernel,
    out_type=jax.ShapeDtypeStruct((NW * L,), jnp.float32),
    mesh=plsc.VectorSubcoreMesh(core_axis_name="c", subcore_axis_name="s"),
    compiler_params=pltpu.CompilerParams(
        needs_layout_passes=False, use_tc_tiling_on_sc=True),
    scratch_types=[
        pltpu.VMEM((S,), jnp.int32),
        pltpu.VMEM((S,), jnp.int32),
        pltpu.VMEM((S,), jnp.int32),
        pltpu.VMEM((S,), jnp.int32),
        pltpu.VMEM((S * K + L,), jnp.int32),
        pltpu.VMEM((S,), jnp.float32),
        pltpu.VMEM((S,), jnp.float32),
        pltpu.VMEM((R * D,), jnp.float32),
        pltpu.VMEM((CHUNK, W), jnp.float32),
        pltpu.VMEM((CHUNK, W), jnp.float32),
        pltpu.VMEM((CHUNK, W), jnp.float32),
        pltpu.VMEM((CHUNK, W), jnp.float32),
        pltpu.VMEM((CHUNK, W), jnp.float32),
        pltpu.VMEM((CHUNK, W), jnp.float32),
        pltpu.VMEM((CHUNK, W), jnp.float32),
        pltpu.VMEM((CHUNK, W), jnp.float32),
        pltpu.VMEM((L * TP,), jnp.float32),
        pltpu.VMEM((L * TP,), jnp.float32),
        pltpu.VMEM((L,), jnp.float32),
        pltpu.SemaphoreType.DMA,
        pltpu.SemaphoreType.DMA,
    ],
)(_body)


@jax.jit
def _run(pos_h, pos_t, pos_r, pos_w, neg_h, neg_t, neg_r, neg_w,
         ent_emb, rel_emb):
    i32 = lambda x: x.astype(jnp.int32)
    sp = jnp.stack([i32(pos_r) * D, i32(neg_r) * D], axis=1).reshape(B * K)
    out = _rhine_sc(
        i32(pos_h), i32(pos_t), i32(neg_h), i32(neg_t),
        sp,
        pos_w.astype(jnp.float32), neg_w.astype(jnp.float32),
        jnp.pad(ent_emb, ((0, 0), (0, D))),
        rel_emb.astype(jnp.float32).reshape(R * D),
    )
    return jnp.sum(out)


def kernel(pos_h, pos_t, pos_r, pos_w, neg_h, neg_t, neg_r, neg_w,
           ent_emb, rel_emb):
    return _run(pos_h, pos_t, pos_r, pos_w, neg_h, neg_t, neg_r, neg_w,
                ent_emb, rel_emb)

# --- scband reference (transcript-rebuilt; emitter-appended) ---
"""Pipeline reference for scband-rhine-69492570849907 (READ-ONLY COPY).

The authoritative reference and input builder live on the scoring server;
editing this copy changes nothing except your own understanding.
"""

import jax, jax.numpy as jnp
import numpy as np

B = 16384
V = 1000000  # total_nodes
R = 8        # total_IRs
D = 64       # hidden_size
MARGIN = 1.0


def setup_inputs(seed: int = 0) -> dict:
    key = jax.random.key(seed)
    ks = jax.random.split(key, 10)
    pos_h = jax.random.randint(ks[0], (B,), 0, V, dtype=jnp.int64) if jax.config.jax_enable_x64 else jax.random.randint(ks[0], (B,), 0, V).astype(jnp.int32)
    pos_t = jax.random.randint(ks[1], (B,), 0, V)
    pos_r = jax.random.randint(ks[2], (B,), 0, R)
    neg_h = jax.random.randint(ks[3], (B,), 0, V)
    neg_t = jax.random.randint(ks[4], (B,), 0, V)
    neg_r = jax.random.randint(ks[5], (B,), 0, R)
    pos_w = jax.random.uniform(ks[6], (B,), dtype=jnp.float32)
    neg_w = jax.random.uniform(ks[7], (B,), dtype=jnp.float32)
    # xavier_uniform init for embedding tables
    ent_bound = float(np.sqrt(6.0 / (V + D)))
    rel_bound = float(np.sqrt(6.0 / (R + D)))
    ent_emb = jax.random.uniform(ks[8], (V, D), dtype=jnp.float32, minval=-ent_bound, maxval=ent_bound)
    rel_emb = jax.random.uniform(ks[9], (R, D), dtype=jnp.float32, minval=-rel_bound, maxval=rel_bound)
    return {
        "pos_h": pos_h, "pos_t": pos_t, "pos_r": pos_r, "pos_w": pos_w,
        "neg_h": neg_h, "neg_t": neg_t, "neg_r": neg_r, "neg_w": neg_w,
        "ent_emb": ent_emb, "rel_emb": rel_emb,
    }


def reference(pos_h, pos_t, pos_r, pos_w, neg_h, neg_t, neg_r, neg_w, ent_emb, rel_emb):
    # RHINE forward, mode='Trans' (translation distance + margin ranking loss)
    p_h = jnp.take(ent_emb, pos_h, axis=0)
    p_t = jnp.take(ent_emb, pos_t, axis=0)
    p_r = jnp.take(rel_emb, pos_r, axis=0)
    n_h = jnp.take(ent_emb, neg_h, axis=0)
    n_t = jnp.take(ent_emb, neg_t, axis=0)
    n_r = jnp.take(rel_emb, neg_r, axis=0)
    _p_score = jnp.abs(p_h + p_r - p_t)
    _n_score = jnp.abs(n_h + n_r - n_t)
    p_score = jnp.sum(_p_score, axis=1)
    n_score = jnp.sum(_n_score, axis=1)
    neg_rate = neg_h.shape[0] // pos_h.shape[0]  # = 1
    neg_step = pos_h.shape[0]
    trans_loss = jnp.float32(0.0)
    for i in range(int(neg_rate)):
        x1 = pos_w * p_score
        x2 = neg_w[i * neg_step:(i + 1) * neg_step] * n_score[i * neg_step:(i + 1) * neg_step]
        # MarginRankingLoss(margin, size_average=False) with y = -1 -> sum(max(0, (x1 - x2) + margin))
        trans_loss = trans_loss + jnp.sum(jnp.maximum(0.0, (x1 - x2) + MARGIN))
    return trans_loss

if __name__ == "__main__":
    import jax
    _d = setup_inputs()
    print(jax.jit(kernel)(*tuple(_d.values())))

</pallas_src>

<mosaic_0001>
#map = affine_map<(d0, d1) -> (0)>
#map1 = affine_map<(d0, d1) -> (0, 0)>
module attributes {stable_mosaic.version = 14 : i64} {
  func.func @_body(%arg0: i32, %arg1: i32, %arg2: memref<16384xi32, #tpu.memory_space<hbm>>, %arg3: memref<16384xi32, #tpu.memory_space<hbm>>, %arg4: memref<16384xi32, #tpu.memory_space<hbm>>, %arg5: memref<16384xi32, #tpu.memory_space<hbm>>, %arg6: memref<32768xi32, #tpu.memory_space<hbm>>, %arg7: memref<16384xf32, #tpu.memory_space<hbm>>, %arg8: memref<16384xf32, #tpu.memory_space<hbm>>, %arg9: memref<1000000x128xf32, #tpu.memory_space<hbm>>, %arg10: memref<512xf32, #tpu.memory_space<hbm>>, %arg11: memref<512xf32, #tpu.memory_space<hbm>>, %arg12: memref<512xi32, #tpu.memory_space<vmem>>, %arg13: memref<512xi32, #tpu.memory_space<vmem>>, %arg14: memref<512xi32, #tpu.memory_space<vmem>>, %arg15: memref<512xi32, #tpu.memory_space<vmem>>, %arg16: memref<1040xi32, #tpu.memory_space<vmem>>, %arg17: memref<512xf32, #tpu.memory_space<vmem>>, %arg18: memref<512xf32, #tpu.memory_space<vmem>>, %arg19: memref<512xf32, #tpu.memory_space<vmem>>, %arg20: memref<64x128xf32, #tpu.memory_space<vmem>>, %arg21: memref<64x128xf32, #tpu.memory_space<vmem>>, %arg22: memref<64x128xf32, #tpu.memory_space<vmem>>, %arg23: memref<64x128xf32, #tpu.memory_space<vmem>>, %arg24: memref<64x128xf32, #tpu.memory_space<vmem>>, %arg25: memref<64x128xf32, #tpu.memory_space<vmem>>, %arg26: memref<64x128xf32, #tpu.memory_space<vmem>>, %arg27: memref<64x128xf32, #tpu.memory_space<vmem>>, %arg28: memref<272xf32, #tpu.memory_space<vmem>>, %arg29: memref<272xf32, #tpu.memory_space<vmem>>, %arg30: memref<16xf32, #tpu.memory_space<vmem>>, %arg31: memref<!tpu.dma_semaphore, #tpu.memory_space<semaphore_mem>>, %arg32: memref<!tpu.dma_semaphore, #tpu.memory_space<semaphore_mem>>) attributes {dimension_semantics = [#tpu.dimension_semantics<core_parallel>, #tpu.dimension_semantics<subcore_parallel>], iteration_bounds = array<i64: 2, 16>, scalar_prefetch = 0 : i64, scratch_operands = 21 : i64, tpu.core_type = #tpu.core_type<sc_vector_subcore>, window_params = [{transform_indices = #map}, {transform_indices = #map}, {transform_indices = #map}, {transform_indices = #map}, {transform_indices = #map}, {transform_indices = #map}, {transform_indices = #map}, {transform_indices = #map1}, {transform_indices = #map}, {transform_indices = #map}]} {
    %mul3A = arith.constant 2 : i32
    %mul3A_0 = arith.muli %arg1, %mul3A : i32
    %add3A = arith.addi %mul3A_0, %arg0 : i32
    %mul3A_1 = arith.constant 512 : i32
    %mul3A_2 = arith.muli %add3A, %mul3A_1 : i32
    %dma_start3A = tpu.memref_slice %arg2[%mul3A_2] : memref<16384xi32, #tpu.memory_space<hbm>> -> memref<512xi32, #tpu.memory_space<hbm>>
    %dma_start3A_3 = tpu.memref_slice %arg2[%mul3A_2] : memref<16384xi32, #tpu.memory_space<hbm>> -> memref<512xi32, #tpu.memory_space<hbm>>
    tpu.enqueue_dma source(%dma_start3A_3 : memref<512xi32, #tpu.memory_space<hbm>>) target(%arg12 : memref<512xi32, #tpu.memory_space<vmem>>) target_semaphore(%arg31 : memref<!tpu.dma_semaphore, #tpu.memory_space<semaphore_mem>>)
    %dma_start3A_4 = tpu.memref_slice %arg3[%mul3A_2] : memref<16384xi32, #tpu.memory_space<hbm>> -> memref<512xi32, #tpu.memory_space<hbm>>
    %dma_start3A_5 = tpu.memref_slice %arg3[%mul3A_2] : memref<16384xi32, #tpu.memory_space<hbm>> -> memref<512xi32, #tpu.memory_space<hbm>>
    tpu.enqueue_dma source(%dma_start3A_5 : memref<512xi32, #tpu.memory_space<hbm>>) target(%arg13 : memref<512xi32, #tpu.memory_space<vmem>>) target_semaphore(%arg31 : memref<!tpu.dma_semaphore, #tpu.memory_space<semaphore_mem>>)
    %dma_start3A_6 = tpu.memref_slice %arg4[%mul3A_2] : memref<16384xi32, #tpu.memory_space<hbm>> -> memref<512xi32, #tpu.memory_space<hbm>>
    %dma_start3A_7 = tpu.memref_slice %arg4[%mul3A_2] : memref<16384xi32, #tpu.memory_space<hbm>> -> memref<512xi32, #tpu.memory_space<hbm>>
    tpu.enqueue_dma source(%dma_start3A_7 : memref<512xi32, #tpu.memory_space<hbm>>) target(%arg14 : memref<512xi32, #tpu.memory_space<vmem>>) target_semaphore(%arg31 : memref<!tpu.dma_semaphore, #tpu.memory_space<semaphore_mem>>)
    %dma_start3A_8 = tpu.memref_slice %arg5[%mul3A_2] : memref<16384xi32, #tpu.memory_space<hbm>> -> memref<512xi32, #tpu.memory_space<hbm>>
    %dma_start3A_9 = tpu.memref_slice %arg5[%mul3A_2] : memref<16384xi32, #tpu.memory_space<hbm>> -> memref<512xi32, #tpu.memory_space<hbm>>
    tpu.enqueue_dma source(%dma_start3A_9 : memref<512xi32, #tpu.memory_space<hbm>>) target(%arg15 : memref<512xi32, #tpu.memory_space<vmem>>) target_semaphore(%arg31 : memref<!tpu.dma_semaphore, #tpu.memory_space<semaphore_mem>>)
    %mul3A_10 = arith.constant 2 : i32
    %mul3A_11 = arith.muli %mul3A_2, %mul3A_10 : i32
    %dma_start3A_12 = arith.constant 0 : i32
    %dma_start3A_13 = tpu.memref_slice %arg16[%dma_start3A_12] : memref<1040xi32, #tpu.memory_space<vmem>> -> memref<1024xi32, #tpu.memory_space<vmem>>
    %dma_start3A_14 = tpu.memref_slice %arg6[%mul3A_11] : memref<32768xi32, #tpu.memory_space<hbm>> -> memref<1024xi32, #tpu.memory_space<hbm>>
    %dma_start3A_15 = arith.constant 0 : i32
    %dma_start3A_16 = tpu.memref_slice %arg16[%dma_start3A_15] : memref<1040xi32, #tpu.memory_space<vmem>> -> memref<1024xi32, #tpu.memory_space<vmem>>
    %dma_start3A_17 = tpu.memref_slice %arg6[%mul3A_11] : memref<32768xi32, #tpu.memory_space<hbm>> -> memref<1024xi32, #tpu.memory_space<hbm>>
    tpu.enqueue_dma source(%dma_start3A_17 : memref<1024xi32, #tpu.memory_space<hbm>>) target(%dma_start3A_16 : memref<1024xi32, #tpu.memory_space<vmem>>) target_semaphore(%arg31 : memref<!tpu.dma_semaphore, #tpu.memory_space<semaphore_mem>>)
    %dma_start3A_18 = tpu.memref_slice %arg7[%mul3A_2] : memref<16384xf32, #tpu.memory_space<hbm>> -> memref<512xf32, #tpu.memory_space<hbm>>
    %dma_start3A_19 = tpu.memref_slice %arg7[%mul3A_2] : memref<16384xf32, #tpu.memory_space<hbm>> -> memref<512xf32, #tpu.memory_space<hbm>>
    tpu.enqueue_dma source(%dma_start3A_19 : memref<512xf32, #tpu.memory_space<hbm>>) target(%arg17 : memref<512xf32, #tpu.memory_space<vmem>>) target_semaphore(%arg31 : memref<!tpu.dma_semaphore, #tpu.memory_space<semaphore_mem>>)
    %dma_start3A_20 = tpu.memref_slice %arg8[%mul3A_2] : memref<16384xf32, #tpu.memory_space<hbm>> -> memref<512xf32, #tpu.memory_space<hbm>>
    %dma_start3A_21 = tpu.memref_slice %arg8[%mul3A_2] : memref<16384xf32, #tpu.memory_space<hbm>> -> memref<512xf32, #tpu.memory_space<hbm>>
    tpu.enqueue_dma source(%dma_start3A_21 : memref<512xf32, #tpu.memory_space<hbm>>) target(%arg18 : memref<512xf32, #tpu.memory_space<vmem>>) target_semaphore(%arg31 : memref<!tpu.dma_semaphore, #tpu.memory_space<semaphore_mem>>)
    tpu.enqueue_dma source(%arg10 : memref<512xf32, #tpu.memory_space<hbm>>) target(%arg19 : memref<512xf32, #tpu.memory_space<vmem>>) target_semaphore(%arg31 : memref<!tpu.dma_semaphore, #tpu.memory_space<semaphore_mem>>)
    %dma_wait3A = tpu.memref_slice %arg2[%mul3A_2] : memref<16384xi32, #tpu.memory_space<hbm>> -> memref<512xi32, #tpu.memory_space<hbm>>
    %dma_wait3A_22 = tpu.memref_slice %arg2[%mul3A_2] : memref<16384xi32, #tpu.memory_space<hbm>> -> memref<512xi32, #tpu.memory_space<hbm>>
    tpu.wait_dma2 semaphore(%arg31 : memref<!tpu.dma_semaphore, #tpu.memory_space<semaphore_mem>>) src(%dma_wait3A_22 : memref<512xi32, #tpu.memory_space<hbm>>) dst(%arg12 : memref<512xi32, #tpu.memory_space<vmem>>)
    %dma_wait3A_23 = tpu.memref_slice %arg3[%mul3A_2] : memref<16384xi32, #tpu.memory_space<hbm>> -> memref<512xi32, #tpu.memory_space<hbm>>
    %dma_wait3A_24 = tpu.memref_slice %arg3[%mul3A_2] : memref<16384xi32, #tpu.memory_space<hbm>> -> memref<512xi32, #tpu.memory_space<hbm>>
    tpu.wait_dma2 semaphore(%arg31 : memref<!tpu.dma_semaphore, #tpu.memory_space<semaphore_mem>>) src(%dma_wait3A_24 : memref<512xi32, #tpu.memory_space<hbm>>) dst(%arg13 : memref<512xi32, #tpu.memory_space<vmem>>)
    %dma_wait3A_25 = tpu.memref_slice %arg4[%mul3A_2] : memref<16384xi32, #tpu.memory_space<hbm>> -> memref<512xi32, #tpu.memory_space<hbm>>
    %dma_wait3A_26 = tpu.memref_slice %arg4[%mul3A_2] : memref<16384xi32, #tpu.memory_space<hbm>> -> memref<512xi32, #tpu.memory_space<hbm>>
    tpu.wait_dma2 semaphore(%arg31 : memref<!tpu.dma_semaphore, #tpu.memory_space<semaphore_mem>>) src(%dma_wait3A_26 : memref<512xi32, #tpu.memory_space<hbm>>) dst(%arg14 : memref<512xi32, #tpu.memory_space<vmem>>)
    %dma_wait3A_27 = tpu.memref_slice %arg5[%mul3A_2] : memref<16384xi32, #tpu.memory_space<hbm>> -> memref<512xi32, #tpu.memory_space<hbm>>
    %dma_wait3A_28 = tpu.memref_slice %arg5[%mul3A_2] : memref<16384xi32, #tpu.memory_space<hbm>> -> memref<512xi32, #tpu.memory_space<hbm>>
    tpu.wait_dma2 semaphore(%arg31 : memref<!tpu.dma_semaphore, #tpu.memory_space<semaphore_mem>>) src(%dma_wait3A_28 : memref<512xi32, #tpu.memory_space<hbm>>) dst(%arg15 : memref<512xi32, #tpu.memory_space<vmem>>)
    %dma_wait3A_29 = arith.constant 0 : i32
    %dma_wait3A_30 = tpu.memref_slice %arg16[%dma_wait3A_29] : memref<1040xi32, #tpu.memory_space<vmem>> -> memref<1024xi32, #tpu.memory_space<vmem>>
    %dma_wait3A_31 = tpu.memref_slice %arg6[%mul3A_11] : memref<32768xi32, #tpu.memory_space<hbm>> -> memref<1024xi32, #tpu.memory_space<hbm>>
    %dma_wait3A_32 = arith.constant 0 : i32
    %dma_wait3A_33 = tpu.memref_slice %arg16[%dma_wait3A_32] : memref<1040xi32, #tpu.memory_space<vmem>> -> memref<1024xi32, #tpu.memory_space<vmem>>
    %dma_wait3A_34 = tpu.memref_slice %arg6[%mul3A_11] : memref<32768xi32, #tpu.memory_space<hbm>> -> memref<1024xi32, #tpu.memory_space<hbm>>
    tpu.wait_dma2 semaphore(%arg31 : memref<!tpu.dma_semaphore, #tpu.memory_space<semaphore_mem>>) src(%dma_wait3A_34 : memref<1024xi32, #tpu.memory_space<hbm>>) dst(%dma_wait3A_33 : memref<1024xi32, #tpu.memory_space<vmem>>)
    %dma_wait3A_35 = tpu.memref_slice %arg7[%mul3A_2] : memref<16384xf32, #tpu.memory_space<hbm>> -> memref<512xf32, #tpu.memory_space<hbm>>
    %dma_wait3A_36 = tpu.memref_slice %arg7[%mul3A_2] : memref<16384xf32, #tpu.memory_space<hbm>> -> memref<512xf32, #tpu.memory_space<hbm>>
    tpu.wait_dma2 semaphore(%arg31 : memref<!tpu.dma_semaphore, #tpu.memory_space<semaphore_mem>>) src(%dma_wait3A_36 : memref<512xf32, #tpu.memory_space<hbm>>) dst(%arg17 : memref<512xf32, #tpu.memory_space<vmem>>)
    %dma_wait3A_37 = tpu.memref_slice %arg8[%mul3A_2] : memref<16384xf32, #tpu.memory_space<hbm>> -> memref<512xf32, #tpu.memory_space<hbm>>
    %dma_wait3A_38 = tpu.memref_slice %arg8[%mul3A_2] : memref<16384xf32, #tpu.memory_space<hbm>> -> memref<512xf32, #tpu.memory_space<hbm>>
    tpu.wait_dma2 semaphore(%arg31 : memref<!tpu.dma_semaphore, #tpu.memory_space<semaphore_mem>>) src(%dma_wait3A_38 : memref<512xf32, #tpu.memory_space<hbm>>) dst(%arg18 : memref<512xf32, #tpu.memory_space<vmem>>)
    tpu.wait_dma2 semaphore(%arg31 : memref<!tpu.dma_semaphore, #tpu.memory_space<semaphore_mem>>) src(%arg10 : memref<512xf32, #tpu.memory_space<hbm>>) dst(%arg19 : memref<512xf32, #tpu.memory_space<vmem>>)
    %iota3A = tpu.iota {dimensions = array<i32: 0>} : vector<16xi32>
    %mul3A_39 = arith.constant 17 : i32
    %mul3A_40 = vector.broadcast %mul3A_39 : i32 to vector<16xi32>
    %mul3A_41 = arith.muli %iota3A, %mul3A_40 : vector<16xi32>
    %broadcast_in_dim3A = arith.constant 0.000000e+00 : f32
    %broadcast_in_dim3A_42 = vector.broadcast %broadcast_in_dim3A : f32 to vector<16xf32>
    %dma_start3A_43 = arith.constant 0 : i32
    %dma_start3A_44 = tpu.memref_slice %arg12[%dma_start3A_43] : memref<512xi32, #tpu.memory_space<vmem>> -> memref<64xi32, #tpu.memory_space<vmem>>
    %dma_start3A_45 = arith.constant 0 : i32
    %dma_start3A_46 = arith.constant 0 : i32
    %dma_start3A_47 = tpu.memref_slice %arg9[%dma_start3A_45, %dma_start3A_46] : memref<1000000x128xf32, #tpu.memory_space<hbm>> -> memref<1000000x128xf32, #tpu.memory_space<hbm>>
    tpu.enqueue_indirect_dma source(%dma_start3A_47 : memref<1000000x128xf32, #tpu.memory_space<hbm>>) target(%arg20 : memref<64x128xf32, #tpu.memory_space<vmem>>) offsets(%dma_start3A_44 : memref<64xi32, #tpu.memory_space<vmem>>) semaphore(%arg31 : memref<!tpu.dma_semaphore, #tpu.memory_space<semaphore_mem>>)
    %dma_start3A_48 = arith.constant 0 : i32
    %dma_start3A_49 = tpu.memref_slice %arg13[%dma_start3A_48] : memref<512xi32, #tpu.memory_space<vmem>> -> memref<64xi32, #tpu.memory_space<vmem>>
    %dma_start3A_50 = arith.constant 0 : i32
    %dma_start3A_51 = arith.constant 0 : i32
    %dma_start3A_52 = tpu.memref_slice %arg9[%dma_start3A_50, %dma_start3A_51] : memref<1000000x128xf32, #tpu.memory_space<hbm>> -> memref<1000000x128xf32, #tpu.memory_space<hbm>>
    tpu.enqueue_indirect_dma source(%dma_start3A_52 : memref<1000000x128xf32, #tpu.memory_space<hbm>>) target(%arg21 : memref<64x128xf32, #tpu.memory_space<vmem>>) offsets(%dma_start3A_49 : memref<64xi32, #tpu.memory_space<vmem>>) semaphore(%arg31 : memref<!tpu.dma_semaphore, #tpu.memory_space<semaphore_mem>>)
    %dma_start3A_53 = arith.constant 0 : i32
    %dma_start3A_54 = tpu.memref_slice %arg14[%dma_start3A_53] : memref<512xi32, #tpu.memory_space<vmem>> -> memref<64xi32, #tpu.memory_space<vmem>>
    %dma_start3A_55 = arith.constant 0 : i32
    %dma_start3A_56 = arith.constant 0 : i32
    %dma_start3A_57 = tpu.memref_slice %arg9[%dma_start3A_55, %dma_start3A_56] : memref<1000000x128xf32, #tpu.memory_space<hbm>> -> memref<1000000x128xf32, #tpu.memory_space<hbm>>
    tpu.enqueue_indirect_dma source(%dma_start3A_57 : memref<1000000x128xf32, #tpu.memory_space<hbm>>) target(%arg22 : memref<64x128xf32, #tpu.memory_space<vmem>>) offsets(%dma_start3A_54 : memref<64xi32, #tpu.memory_space<vmem>>) semaphore(%arg31 : memref<!tpu.dma_semaphore, #tpu.memory_space<semaphore_mem>>)
    %dma_start3A_58 = arith.constant 0 : i32
    %dma_start3A_59 = tpu.memref_slice %arg15[%dma_start3A_58] : memref<512xi32, #tpu.memory_space<vmem>> -> memref<64xi32, #tpu.memory_space<vmem>>
    %dma_start3A_60 = arith.constant 0 : i32
    %dma_start3A_61 = arith.constant 0 : i32
    %dma_start3A_62 = tpu.memref_slice %arg9[%dma_start3A_60, %dma_start3A_61] : memref<1000000x128xf32, #tpu.memory_space<hbm>> -> memref<1000000x128xf32, #tpu.memory_space<hbm>>
    tpu.enqueue_indirect_dma source(%dma_start3A_62 : memref<1000000x128xf32, #tpu.memory_space<hbm>>) target(%arg23 : memref<64x128xf32, #tpu.memory_space<vmem>>) offsets(%dma_start3A_59 : memref<64xi32, #tpu.memory_space<vmem>>) semaphore(%arg31 : memref<!tpu.dma_semaphore, #tpu.memory_space<semaphore_mem>>)
    %dma_start3A_63 = arith.constant 64 : i32
    %dma_start3A_64 = tpu.memref_slice %arg12[%dma_start3A_63] : memref<512xi32, #tpu.memory_space<vmem>> -> memref<64xi32, #tpu.memory_space<vmem>>
    %dma_start3A_65 = arith.constant 0 : i32
    %dma_start3A_66 = arith.constant 0 : i32
    %dma_start3A_67 = tpu.memref_slice %arg9[%dma_start3A_65, %dma_start3A_66] : memref<1000000x128xf32, #tpu.memory_space<hbm>> -> memref<1000000x128xf32, #tpu.memory_space<hbm>>
    tpu.enqueue_indirect_dma source(%dma_start3A_67 : memref<1000000x128xf32, #tpu.memory_space<hbm>>) target(%arg24 : memref<64x128xf32, #tpu.memory_space<vmem>>) offsets(%dma_start3A_64 : memref<64xi32, #tpu.memory_space<vmem>>) semaphore(%arg32 : memref<!tpu.dma_semaphore, #tpu.memory_space<semaphore_mem>>)
    %dma_start3A_68 = arith.constant 64 : i32
    %dma_start3A_69 = tpu.memref_slice %arg13[%dma_start3A_68] : memref<512xi32, #tpu.memory_space<vmem>> -> memref<64xi32, #tpu.memory_space<vmem>>
    %dma_start3A_70 = arith.constant 0 : i32
    %dma_start3A_71 = arith.constant 0 : i32
    %dma_start3A_72 = tpu.memref_slice %arg9[%dma_start3A_70, %dma_start3A_71] : memref<1000000x128xf32, #tpu.memory_space<hbm>> -> memref<1000000x128xf32, #tpu.memory_space<hbm>>
    tpu.enqueue_indirect_dma source(%dma_start3A_72 : memref<1000000x128xf32, #tpu.memory_space<hbm>>) target(%arg25 : memref<64x128xf32, #tpu.memory_space<vmem>>) offsets(%dma_start3A_69 : memref<64xi32, #tpu.memory_space<vmem>>) semaphore(%arg32 : memref<!tpu.dma_semaphore, #tpu.memory_space<semaphore_mem>>)
    %dma_start3A_73 = arith.constant 64 : i32
    %dma_start3A_74 = tpu.memref_slice %arg14[%dma_start3A_73] : memref<512xi32, #tpu.memory_space<vmem>> -> memref<64xi32, #tpu.memory_space<vmem>>
    %dma_start3A_75 = arith.constant 0 : i32
    %dma_start3A_76 = arith.constant 0 : i32
    %dma_start3A_77 = tpu.memref_slice %arg9[%dma_start3A_75, %dma_start3A_76] : memref<1000000x128xf32, #tpu.memory_space<hbm>> -> memref<1000000x128xf32, #tpu.memory_space<hbm>>
    tpu.enqueue_indirect_dma source(%dma_start3A_77 : memref<1000000x128xf32, #tpu.memory_space<hbm>>) target(%arg26 : memref<64x128xf32, #tpu.memory_space<vmem>>) offsets(%dma_start3A_74 : memref<64xi32, #tpu.memory_space<vmem>>) semaphore(%arg32 : memref<!tpu.dma_semaphore, #tpu.memory_space<semaphore_mem>>)
    %dma_start3A_78 = arith.constant 64 : i32
    %dma_start3A_79 = tpu.memref_slice %arg15[%dma_start3A_78] : memref<512xi32, #tpu.memory_space<vmem>> -> memref<64xi32, #tpu.memory_space<vmem>>
    %dma_start3A_80 = arith.constant 0 : i32
    %dma_start3A_81 = arith.constant 0 : i32
    %dma_start3A_82 = tpu.memref_slice %arg9[%dma_start3A_80, %dma_start3A_81] : memref<1000000x128xf32, #tpu.memory_space<hbm>> -> memref<1000000x128xf32, #tpu.memory_space<hbm>>
    tpu.enqueue_indirect_dma source(%dma_start3A_82 : memref<1000000x128xf32, #tpu.memory_space<hbm>>) target(%arg27 : memref<64x128xf32, #tpu.memory_space<vmem>>) offsets(%dma_start3A_79 : memref<64xi32, #tpu.memory_space<vmem>>) semaphore(%arg32 : memref<!tpu.dma_semaphore, #tpu.memory_space<semaphore_mem>>)
    %dma_wait3A_83 = arith.constant 0 : i32
    %dma_wait3A_84 = tpu.memref_slice %arg12[%dma_wait3A_83] : memref<512xi32, #tpu.memory_space<vmem>> -> memref<64xi32, #tpu.memory_space<vmem>>
    %dma_wait3A_85 = arith.constant 0 : i32
    %dma_wait3A_86 = arith.constant 0 : i32
    %dma_wait3A_87 = tpu.memref_slice %arg9[%dma_wait3A_85, %dma_wait3A_86] : memref<1000000x128xf32, #tpu.memory_space<hbm>> -> memref<1000000x128xf32, #tpu.memory_space<hbm>>
    tpu.wait_indirect_dma semaphore(%arg31 : memref<!tpu.dma_semaphore, #tpu.memory_space<semaphore_mem>>) src(%dma_wait3A_87 : memref<1000000x128xf32, #tpu.memory_space<hbm>>) dst(%arg20 : memref<64x128xf32, #tpu.memory_space<vmem>>)
    %dma_wait3A_88 = arith.constant 0 : i32
    %dma_wait3A_89 = tpu.memref_slice %arg13[%dma_wait3A_88] : memref<512xi32, #tpu.memory_space<vmem>> -> memref<64xi32, #tpu.memory_space<vmem>>
    %dma_wait3A_90 = arith.constant 0 : i32
    %dma_wait3A_91 = arith.constant 0 : i32
    %dma_wait3A_92 = tpu.memref_slice %arg9[%dma_wait3A_90, %dma_wait3A_91] : memref<1000000x128xf32, #tpu.memory_space<hbm>> -> memref<1000000x128xf32, #tpu.memory_space<hbm>>
    tpu.wait_indirect_dma semaphore(%arg31 : memref<!tpu.dma_semaphore, #tpu.memory_space<semaphore_mem>>) src(%dma_wait3A_92 : memref<1000000x128xf32, #tpu.memory_space<hbm>>) dst(%arg21 : memref<64x128xf32, #tpu.memory_space<vmem>>)
    %dma_wait3A_93 = arith.constant 0 : i32
    %dma_wait3A_94 = tpu.memref_slice %arg14[%dma_wait3A_93] : memref<512xi32, #tpu.memory_space<vmem>> -> memref<64xi32, #tpu.memory_space<vmem>>
    %dma_wait3A_95 = arith.constant 0 : i32
    %dma_wait3A_96 = arith.constant 0 : i32
    %dma_wait3A_97 = tpu.memref_slice %arg9[%dma_wait3A_95, %dma_wait3A_96] : memref<1000000x128xf32, #tpu.memory_space<hbm>> -> memref<1000000x128xf32, #tpu.memory_space<hbm>>
    tpu.wait_indirect_dma semaphore(%arg31 : memref<!tpu.dma_semaphore, #tpu.memory_space<semaphore_mem>>) src(%dma_wait3A_97 : memref<1000000x128xf32, #tpu.memory_space<hbm>>) dst(%arg22 : memref<64x128xf32, #tpu.memory_space<vmem>>)
    %dma_wait3A_98 = arith.constant 0 : i32
    %dma_wait3A_99 = tpu.memref_slice %arg15[%dma_wait3A_98] : memref<512xi32, #tpu.memory_space<vmem>> -> memref<64xi32, #tpu.memory_space<vmem>>
    %dma_wait3A_100 = arith.constant 0 : i32
    %dma_wait3A_101 = arith.constant 0 : i32
    %dma_wait3A_102 = tpu.memref_slice %arg9[%dma_wait3A_100, %dma_wait3A_101] : memref<1000000x128xf32, #tpu.memory_space<hbm>> -> memref<1000000x128xf32, #tpu.memory_space<hbm>>
    tpu.wait_indirect_dma semaphore(%arg31 : memref<!tpu.dma_semaphore, #tpu.memory_space<semaphore_mem>>) src(%dma_wait3A_102 : memref<1000000x128xf32, #tpu.memory_space<hbm>>) dst(%arg23 : memref<64x128xf32, #tpu.memory_space<vmem>>)
    %scan3A = arith.constant 0 : i32
    %scan3A_103 = arith.constant 4 : i32
    %scan3A_104 = arith.addi %scan3A, %scan3A_103 : i32
    %scan3A_105 = arith.constant 1 : i32
    %scan3A_106 = scf.for %scan3A_413 = %scan3A to %scan3A_104 step %scan3A_105 iter_args(%scan3A_414 = %broadcast_in_dim3A_42) -> (vector<16xf32>)  : i32 {
      %mul3A_415 = arith.constant 16 : i32
      %mul3A_416 = arith.muli %scan3A_413, %mul3A_415 : i32
      %add3A_417 = arith.constant 0 : i32
      %add3A_418 = arith.addi %add3A_417, %mul3A_416 : i32
      %scan3A_419 = arith.constant 0 : i32
      %scan3A_420 = arith.constant 0 : i32
      %scan3A_421 = arith.constant 16 : i32
      %scan3A_422 = arith.addi %scan3A_420, %scan3A_421 : i32
      %scan3A_423 = arith.constant 1 : i32
      %scan3A_424 = scf.for %scan3A_596 = %scan3A_420 to %scan3A_422 step %scan3A_423 iter_args(%scan3A_597 = %scan3A_419) -> (i32)  : i32 {
        %mul3A_598 = arith.constant 16 : i32
        %mul3A_599 = arith.muli %scan3A_413, %mul3A_598 : i32
        %add3A_600 = arith.addi %mul3A_599, %scan3A_596 : i32
        %add3A_601 = arith.addi %add3A_418, %scan3A_596 : i32
        %mul3A_602 = arith.constant 2 : i32
        %mul3A_603 = arith.muli %add3A_601, %mul3A_602 : i32
        %get3A_604 = arith.index_cast %mul3A_603 : i32 to index
        %get3A_605 = tpu.vector_load %arg16[%get3A_604] {strides = array<i32>} : memref<1040xi32, #tpu.memory_space<vmem>>, vector<16xi32>,
        %slice3A = vector.extract_strided_slice %get3A_605 {offsets = [0], sizes = [1], strides = [1]} : vector<16xi32> to vector<1xi32>
        %squeeze3A = vector.extract %slice3A[0] : i32 from vector<1xi32>
        %slice3A_606 = vector.extract_strided_slice %get3A_605 {offsets = [1], sizes = [1], strides = [1]} : vector<16xi32> to vector<1xi32>
        %squeeze3A_607 = vector.extract %slice3A_606[0] : i32 from vector<1xi32>
        %get3A_608 = arith.index_cast %add3A_600 : i32 to index
        %get3A_609 = arith.constant 0 : index
        %get3A_610 = tpu.vector_load %arg20[%get3A_608, %get3A_609] {strides = array<i32>} : memref<64x128xf32, #tpu.memory_space<vmem>>, vector<16xf32>,
        %get3A_611 = arith.index_cast %add3A_600 : i32 to index
        %get3A_612 = arith.constant 0 : index
        %get3A_613 = tpu.vector_load %arg21[%get3A_611, %get3A_612] {strides = array<i32>} : memref<64x128xf32, #tpu.memory_space<vmem>>, vector<16xf32>,
        %add3A_614 = arith.constant 0 : i32
        %add3A_615 = arith.addi %squeeze3A, %add3A_614 : i32
        %get3A_616 = arith.index_cast %add3A_615 : i32 to index
        %get3A_617 = tpu.vector_load %arg19[%get3A_616] {strides = array<i32>} : memref<512xf32, #tpu.memory_space<vmem>>, vector<16xf32>,
        %get3A_618 = arith.index_cast %add3A_600 : i32 to index
        %get3A_619 = arith.constant 0 : index
        %get3A_620 = tpu.vector_load %arg22[%get3A_618, %get3A_619] {strides = array<i32>} : memref<64x128xf32, #tpu.memory_space<vmem>>, vector<16xf32>,
        %get3A_621 = arith.index_cast %add3A_600 : i32 to index
        %get3A_622 = arith.constant 0 : index
        %get3A_623 = tpu.vector_load %arg23[%get3A_621, %get3A_622] {strides = array<i32>} : memref<64x128xf32, #tpu.memory_space<vmem>>, vector<16xf32>,
        %add3A_624 = arith.constant 0 : i32
        %add3A_625 = arith.addi %squeeze3A_607, %add3A_624 : i32
        %get3A_626 = arith.index_cast %add3A_625 : i32 to index
        %get3A_627 = tpu.vector_load %arg19[%get3A_626] {strides = array<i32>} : memref<512xf32, #tpu.memory_space<vmem>>, vector<16xf32>,
        %add3A_628 = arith.addf %get3A_610, %get3A_617 : vector<16xf32>
        %sub3A_629 = arith.subf %add3A_628, %get3A_613 : vector<16xf32>
        %abs3A = math.absf %sub3A_629 : vector<16xf32>
        %add3A_630 = arith.addf %broadcast_in_dim3A_42, %abs3A : vector<16xf32>
        %add3A_631 = arith.addf %get3A_620, %get3A_627 : vector<16xf32>
        %sub3A_632 = arith.subf %add3A_631, %get3A_623 : vector<16xf32>
        %abs3A_633 = math.absf %sub3A_632 : vector<16xf32>
        %add3A_634 = arith.addf %broadcast_in_dim3A_42, %abs3A_633 : vector<16xf32>
        %get3A_635 = arith.index_cast %add3A_600 : i32 to index
        %get3A_636 = arith.constant 16 : index
        %get3A_637 = tpu.vector_load %arg20[%get3A_635, %get3A_636] {strides = array<i32>} : memref<64x128xf32, #tpu.memory_space<vmem>>, vector<16xf32>,
        %get3A_638 = arith.index_cast %add3A_600 : i32 to index
        %get3A_639 = arith.constant 16 : index
        %get3A_640 = tpu.vector_load %arg21[%get3A_638, %get3A_639] {strides = array<i32>} : memref<64x128xf32, #tpu.memory_space<vmem>>, vector<16xf32>,
        %add3A_641 = arith.constant 16 : i32
        %add3A_642 = arith.addi %squeeze3A, %add3A_641 : i32
        %get3A_643 = arith.index_cast %add3A_642 : i32 to index
        %get3A_644 = tpu.vector_load %arg19[%get3A_643] {strides = array<i32>} : memref<512xf32, #tpu.memory_space<vmem>>, vector<16xf32>,
        %get3A_645 = arith.index_cast %add3A_600 : i32 to index
        %get3A_646 = arith.constant 16 : index
        %get3A_647 = tpu.vector_load %arg22[%get3A_645, %get3A_646] {strides = array<i32>} : memref<64x128xf32, #tpu.memory_space<vmem>>, vector<16xf32>,
        %get3A_648 = arith.index_cast %add3A_600 : i32 to index
        %get3A_649 = arith.constant 16 : index
        %get3A_650 = tpu.vector_load %arg23[%get3A_648, %get3A_649] {strides = array<i32>} : memref<64x128xf32, #tpu.memory_space<vmem>>, vector<16xf32>,
        %add3A_651 = arith.constant 16 : i32
        %add3A_652 = arith.addi %squeeze3A_607, %add3A_651 : i32
        %get3A_653 = arith.index_cast %add3A_652 : i32 to index
        %get3A_654 = tpu.vector_load %arg19[%get3A_653] {strides = array<i32>} : memref<512xf32, #tpu.memory_space<vmem>>, vector<16xf32>,
        %add3A_655 = arith.addf %get3A_637, %get3A_644 : vector<16xf32>
        %sub3A_656 = arith.subf %add3A_655, %get3A_640 : vector<16xf32>
        %abs3A_657 = math.absf %sub3A_656 : vector<16xf32>
        %add3A_658 = arith.addf %add3A_630, %abs3A_657 : vector<16xf32>
        %add3A_659 = arith.addf %get3A_647, %get3A_654 : vector<16xf32>
        %sub3A_660 = arith.subf %add3A_659, %get3A_650 : vector<16xf32>
        %abs3A_661 = math.absf %sub3A_660 : vector<16xf32>
        %add3A_662 = arith.addf %add3A_634, %abs3A_661 : vector<16xf32>
        %get3A_663 = arith.index_cast %add3A_600 : i32 to index
        %get3A_664 = arith.constant 32 : index
        %get3A_665 = tpu.vector_load %arg20[%get3A_663, %get3A_664] {strides = array<i32>} : memref<64x128xf32, #tpu.memory_space<vmem>>, vector<16xf32>,
        %get3A_666 = arith.index_cast %add3A_600 : i32 to index
        %get3A_667 = arith.constant 32 : index
        %get3A_668 = tpu.vector_load %arg21[%get3A_666, %get3A_667] {strides = array<i32>} : memref<64x128xf32, #tpu.memory_space<vmem>>, vector<16xf32>,
        %add3A_669 = arith.constant 32 : i32
        %add3A_670 = arith.addi %squeeze3A, %add3A_669 : i32
        %get3A_671 = arith.index_cast %add3A_670 : i32 to index
        %get3A_672 = tpu.vector_load %arg19[%get3A_671] {strides = array<i32>} : memref<512xf32, #tpu.memory_space<vmem>>, vector<16xf32>,
        %get3A_673 = arith.index_cast %add3A_600 : i32 to index
        %get3A_674 = arith.constant 32 : index
        %get3A_675 = tpu.vector_load %arg22[%get3A_673, %get3A_674] {strides = array<i32>} : memref<64x128xf32, #tpu.memory_space<vmem>>, vector<16xf32>,
        %get3A_676 = arith.index_cast %add3A_600 : i32 to index
        %get3A_677 = arith.constant 32 : index
        %get3A_678 = tpu.vector_load %arg23[%get3A_676, %get3A_677] {strides = array<i32>} : memref<64x128xf32, #tpu.memory_space<vmem>>, vector<16xf32>,
        %add3A_679 = arith.constant 32 : i32
        %add3A_680 = arith.addi %squeeze3A_607, %add3A_679 : i32
        %get3A_681 = arith.index_cast %add3A_680 : i32 to index
        %get3A_682 = tpu.vector_load %arg19[%get3A_681] {strides = array<i32>} : memref<512xf32, #tpu.memory_space<vmem>>, vector<16xf32>,
        %add3A_683 = arith.addf %get3A_665, %get3A_672 : vector<16xf32>
        %sub3A_684 = arith.subf %add3A_683, %get3A_668 : vector<16xf32>
        %abs3A_685 = math.absf %sub3A_684 : vector<16xf32>
        %add3A_686 = arith.addf %add3A_658, %abs3A_685 : vector<16xf32>
        %add3A_687 = arith.addf %get3A_675, %get3A_682 : vector<16xf32>
        %sub3A_688 = arith.subf %add3A_687, %get3A_678 : vector<16xf32>
        %abs3A_689 = math.absf %sub3A_688 : vector<16xf32>
        %add3A_690 = arith.addf %add3A_662, %abs3A_689 : vector<16xf32>
        %get3A_691 = arith.index_cast %add3A_600 : i32 to index
        %get3A_692 = arith.constant 48 : index
        %get3A_693 = tpu.vector_load %arg20[%get3A_691, %get3A_692] {strides = array<i32>} : memref<64x128xf32, #tpu.memory_space<vmem>>, vector<16xf32>,
        %get3A_694 = arith.index_cast %add3A_600 : i32 to index
        %get3A_695 = arith.constant 48 : index
        %get3A_696 = tpu.vector_load %arg21[%get3A_694, %get3A_695] {strides = array<i32>} : memref<64x128xf32, #tpu.memory_space<vmem>>, vector<16xf32>,
        %add3A_697 = arith.constant 48 : i32
        %add3A_698 = arith.addi %squeeze3A, %add3A_697 : i32
        %get3A_699 = arith.index_cast %add3A_698 : i32 to index
        %get3A_700 = tpu.vector_load %arg19[%get3A_699] {strides = array<i32>} : memref<512xf32, #tpu.memory_space<vmem>>, vector<16xf32>,
        %get3A_701 = arith.index_cast %add3A_600 : i32 to index
        %get3A_702 = arith.constant 48 : index
        %get3A_703 = tpu.vector_load %arg22[%get3A_701, %get3A_702] {strides = array<i32>} : memref<64x128xf32, #tpu.memory_space<vmem>>, vector<16xf32>,
        %get3A_704 = arith.index_cast %add3A_600 : i32 to index
        %get3A_705 = arith.constant 48 : index
        %get3A_706 = tpu.vector_load %arg23[%get3A_704, %get3A_705] {strides = array<i32>} : memref<64x128xf32, #tpu.memory_space<vmem>>, vector<16xf32>,
        %add3A_707 = arith.constant 48 : i32
        %add3A_708 = arith.addi %squeeze3A_607, %add3A_707 : i32
        %get3A_709 = arith.index_cast %add3A_708 : i32 to index
        %get3A_710 = tpu.vector_load %arg19[%get3A_709] {strides = array<i32>} : memref<512xf32, #tpu.memory_space<vmem>>, vector<16xf32>,
        %add3A_711 = arith.addf %get3A_693, %get3A_700 : vector<16xf32>
        %sub3A_712 = arith.subf %add3A_711, %get3A_696 : vector<16xf32>
        %abs3A_713 = math.absf %sub3A_712 : vector<16xf32>
        %add3A_714 = arith.addf %add3A_686, %abs3A_713 : vector<16xf32>
        %add3A_715 = arith.addf %get3A_703, %get3A_710 : vector<16xf32>
        %sub3A_716 = arith.subf %add3A_715, %get3A_706 : vector<16xf32>
        %abs3A_717 = math.absf %sub3A_716 : vector<16xf32>
        %add3A_718 = arith.addf %add3A_690, %abs3A_717 : vector<16xf32>
        %mul3A_719 = arith.constant 17 : i32
        %mul3A_720 = arith.muli %scan3A_596, %mul3A_719 : i32
        %swap3A_721 = arith.index_cast %mul3A_720 : i32 to index
        %swap3A_722 = tpu.vector_load %arg28[%swap3A_721] {strides = array<i32>} : memref<272xf32, #tpu.memory_space<vmem>>, vector<16xf32>,
        tpu.vector_store %arg28[%swap3A_721], %add3A_714 {strides = array<i32>} : memref<272xf32, #tpu.memory_space<vmem>>, vector<16xf32>,
        %mul3A_723 = arith.constant 17 : i32
        %mul3A_724 = arith.muli %scan3A_596, %mul3A_723 : i32
        %swap3A_725 = arith.index_cast %mul3A_724 : i32 to index
        %swap3A_726 = tpu.vector_load %arg29[%swap3A_725] {strides = array<i32>} : memref<272xf32, #tpu.memory_space<vmem>>, vector<16xf32>,
        tpu.vector_store %arg29[%swap3A_725], %add3A_718 {strides = array<i32>} : memref<272xf32, #tpu.memory_space<vmem>>, vector<16xf32>,
        %scan3A_727 = arith.constant 0 : i32
        scf.yield %scan3A_727 : i32
      }
      %scan3A_425 = arith.constant 16 : i32
      %add3A_426 = arith.constant 0 : i32
      %add3A_427 = vector.broadcast %add3A_426 : i32 to vector<16xi32>
      %add3A_428 = arith.addi %mul3A_41, %add3A_427 : vector<16xi32>
      %gather3A = tpu.vector_load_idx %arg28[%add3A_428] : memref<272xf32, #tpu.memory_space<vmem>>[vector<16xi32>], vector<16xf32>,
      %add3A_429 = arith.addf %broadcast_in_dim3A_42, %gather3A : vector<16xf32>
      %add3A_430 = arith.constant 0 : i32
      %add3A_431 = vector.broadcast %add3A_430 : i32 to vector<16xi32>
      %add3A_432 = arith.addi %mul3A_41, %add3A_431 : vector<16xi32>
      %gather3A_433 = tpu.vector_load_idx %arg29[%add3A_432] : memref<272xf32, #tpu.memory_space<vmem>>[vector<16xi32>], vector<16xf32>,
      %add3A_434 = arith.addf %broadcast_in_dim3A_42, %gather3A_433 : vector<16xf32>
      %add3A_435 = arith.constant 1 : i32
      %add3A_436 = vector.broadcast %add3A_435 : i32 to vector<16xi32>
      %add3A_437 = arith.addi %mul3A_41, %add3A_436 : vector<16xi32>
      %gather3A_438 = tpu.vector_load_idx %arg28[%add3A_437] : memref<272xf32, #tpu.memory_space<vmem>>[vector<16xi32>], vector<16xf32>,
      %add3A_439 = arith.addf %add3A_429, %gather3A_438 : vector<16xf32>
      %add3A_440 = arith.constant 1 : i32
      %add3A_441 = vector.broadcast %add3A_440 : i32 to vector<16xi32>
      %add3A_442 = arith.addi %mul3A_41, %add3A_441 : vector<16xi32>
      %gather3A_443 = tpu.vector_load_idx %arg29[%add3A_442] : memref<272xf32, #tpu.memory_space<vmem>>[vector<16xi32>], vector<16xf32>,
      %add3A_444 = arith.addf %add3A_434, %gather3A_443 : vector<16xf32>
      %add3A_445 = arith.constant 2 : i32
      %add3A_446 = vector.broadcast %add3A_445 : i32 to vector<16xi32>
      %add3A_447 = arith.addi %mul3A_41, %add3A_446 : vector<16xi32>
      %gather3A_448 = tpu.vector_load_idx %arg28[%add3A_447] : memref<272xf32, #tpu.memory_space<vmem>>[vector<16xi32>], vector<16xf32>,
      %add3A_449 = arith.addf %add3A_439, %gather3A_448 : vector<16xf32>
      %add3A_450 = arith.constant 2 : i32
      %add3A_451 = vector.broadcast %add3A_450 : i32 to vector<16xi32>
      %add3A_452 = arith.addi %mul3A_41, %add3A_451 : vector<16xi32>
      %gather3A_453 = tpu.vector_load_idx %arg29[%add3A_452] : memref<272xf32, #tpu.memory_space<vmem>>[vector<16xi32>], vector<16xf32>,
      %add3A_454 = arith.addf %add3A_444, %gather3A_453 : vector<16xf32>
      %add3A_455 = arith.constant 3 : i32
      %add3A_456 = vector.broadcast %add3A_455 : i32 to vector<16xi32>
      %add3A_457 = arith.addi %mul3A_41, %add3A_456 : vector<16xi32>
      %gather3A_458 = tpu.vector_load_idx %arg28[%add3A_457] : memref<272xf32, #tpu.memory_space<vmem>>[vector<16xi32>], vector<16xf32>,
      %add3A_459 = arith.addf %add3A_449, %gather3A_458 : vector<16xf32>
      %add3A_460 = arith.constant 3 : i32
      %add3A_461 = vector.broadcast %add3A_460 : i32 to vector<16xi32>
      %add3A_462 = arith.addi %mul3A_41, %add3A_461 : vector<16xi32>
      %gather3A_463 = tpu.vector_load_idx %arg29[%add3A_462] : memref<272xf32, #tpu.memory_space<vmem>>[vector<16xi32>], vector<16xf32>,
      %add3A_464 = arith.addf %add3A_454, %gather3A_463 : vector<16xf32>
      %add3A_465 = arith.constant 4 : i32
      %add3A_466 = vector.broadcast %add3A_465 : i32 to vector<16xi32>
      %add3A_467 = arith.addi %mul3A_41, %add3A_466 : vector<16xi32>
      %gather3A_468 = tpu.vector_load_idx %arg28[%add3A_467] : memref<272xf32, #tpu.memory_space<vmem>>[vector<16xi32>], vector<16xf32>,
      %add3A_469 = arith.addf %add3A_459, %gather3A_468 : vector<16xf32>
      %add3A_470 = arith.constant 4 : i32
      %add3A_471 = vector.broadcast %add3A_470 : i32 to vector<16xi32>
      %add3A_472 = arith.addi %mul3A_41, %add3A_471 : vector<16xi32>
      %gather3A_473 = tpu.vector_load_idx %arg29[%add3A_472] : memref<272xf32, #tpu.memory_space<vmem>>[vector<16xi32>], vector<16xf32>,
      %add3A_474 = arith.addf %add3A_464, %gather3A_473 : vector<16xf32>
      %add3A_475 = arith.constant 5 : i32
      %add3A_476 = vector.broadcast %add3A_475 : i32 to vector<16xi32>
      %add3A_477 = arith.addi %mul3A_41, %add3A_476 : vector<16xi32>
      %gather3A_478 = tpu.vector_load_idx %arg28[%add3A_477] : memref<272xf32, #tpu.memory_space<vmem>>[vector<16xi32>], vector<16xf32>,
      %add3A_479 = arith.addf %add3A_469, %gather3A_478 : vector<16xf32>
      %add3A_480 = arith.constant 5 : i32
      %add3A_481 = vector.broadcast %add3A_480 : i32 to vector<16xi32>
      %add3A_482 = arith.addi %mul3A_41, %add3A_481 : vector<16xi32>
      %gather3A_483 = tpu.vector_load_idx %arg29[%add3A_482] : memref<272xf32, #tpu.memory_space<vmem>>[vector<16xi32>], vector<16xf32>,
      %add3A_484 = arith.addf %add3A_474, %gather3A_483 : vector<16xf32>
      %add3A_485 = arith.constant 6 : i32
      %add3A_486 = vector.broadcast %add3A_485 : i32 to vector<16xi32>
      %add3A_487 = arith.addi %mul3A_41, %add3A_486 : vector<16xi32>
      %gather3A_488 = tpu.vector_load_idx %arg28[%add3A_487] : memref<272xf32, #tpu.memory_space<vmem>>[vector<16xi32>], vector<16xf32>,
      %add3A_489 = arith.addf %add3A_479, %gather3A_488 : vector<16xf32>
      %add3A_490 = arith.constant 6 : i32
      %add3A_491 = vector.broadcast %add3A_490 : i32 to vector<16xi32>
      %add3A_492 = arith.addi %mul3A_41, %add3A_491 : vector<16xi32>
      %gather3A_493 = tpu.vector_load_idx %arg29[%add3A_492] : memref<272xf32, #tpu.memory_space<vmem>>[vector<16xi32>], vector<16xf32>,
      %add3A_494 = arith.addf %add3A_484, %gather3A_493 : vector<16xf32>
      %add3A_495 = arith.constant 7 : i32
      %add3A_496 = vector.broadcast %add3A_495 : i32 to vector<16xi32>
      %add3A_497 = arith.addi %mul3A_41, %add3A_496 : vector<16xi32>
      %gather3A_498 = tpu.vector_load_idx %arg28[%add3A_497] : memref<272xf32, #tpu.memory_space<vmem>>[vector<16xi32>], vector<16xf32>,
      %add3A_499 = arith.addf %add3A_489, %gather3A_498 : vector<16xf32>
      %add3A_500 = arith.constant 7 : i32
      %add3A_501 = vector.broadcast %add3A_500 : i32 to vector<16xi32>
      %add3A_502 = arith.addi %mul3A_41, %add3A_501 : vector<16xi32>
      %gather3A_503 = tpu.vector_load_idx %arg29[%add3A_502] : memref<272xf32, #tpu.memory_space<vmem>>[vector<16xi32>], vector<16xf32>,
      %add3A_504 = arith.addf %add3A_494, %gather3A_503 : vector<16xf32>
      %add3A_505 = arith.constant 8 : i32
      %add3A_506 = vector.broadcast %add3A_505 : i32 to vector<16xi32>
      %add3A_507 = arith.addi %mul3A_41, %add3A_506 : vector<16xi32>
      %gather3A_508 = tpu.vector_load_idx %arg28[%add3A_507] : memref<272xf32, #tpu.memory_space<vmem>>[vector<16xi32>], vector<16xf32>,
      %add3A_509 = arith.addf %add3A_499, %gather3A_508 : vector<16xf32>
      %add3A_510 = arith.constant 8 : i32
      %add3A_511 = vector.broadcast %add3A_510 : i32 to vector<16xi32>
      %add3A_512 = arith.addi %mul3A_41, %add3A_511 : vector<16xi32>
      %gather3A_513 = tpu.vector_load_idx %arg29[%add3A_512] : memref<272xf32, #tpu.memory_space<vmem>>[vector<16xi32>], vector<16xf32>,
      %add3A_514 = arith.addf %add3A_504, %gather3A_513 : vector<16xf32>
      %add3A_515 = arith.constant 9 : i32
      %add3A_516 = vector.broadcast %add3A_515 : i32 to vector<16xi32>
      %add3A_517 = arith.addi %mul3A_41, %add3A_516 : vector<16xi32>
      %gather3A_518 = tpu.vector_load_idx %arg28[%add3A_517] : memref<272xf32, #tpu.memory_space<vmem>>[vector<16xi32>], vector<16xf32>,
      %add3A_519 = arith.addf %add3A_509, %gather3A_518 : vector<16xf32>
      %add3A_520 = arith.constant 9 : i32
      %add3A_521 = vector.broadcast %add3A_520 : i32 to vector<16xi32>
      %add3A_522 = arith.addi %mul3A_41, %add3A_521 : vector<16xi32>
      %gather3A_523 = tpu.vector_load_idx %arg29[%add3A_522] : memref<272xf32, #tpu.memory_space<vmem>>[vector<16xi32>], vector<16xf32>,
      %add3A_524 = arith.addf %add3A_514, %gather3A_523 : vector<16xf32>
      %add3A_525 = arith.constant 10 : i32
      %add3A_526 = vector.broadcast %add3A_525 : i32 to vector<16xi32>
      %add3A_527 = arith.addi %mul3A_41, %add3A_526 : vector<16xi32>
      %gather3A_528 = tpu.vector_load_idx %arg28[%add3A_527] : memref<272xf32, #tpu.memory_space<vmem>>[vector<16xi32>], vector<16xf32>,
      %add3A_529 = arith.addf %add3A_519, %gather3A_528 : vector<16xf32>
      %add3A_530 = arith.constant 10 : i32
      %add3A_531 = vector.broadcast %add3A_530 : i32 to vector<16xi32>
      %add3A_532 = arith.addi %mul3A_41, %add3A_531 : vector<16xi32>
      %gather3A_533 = tpu.vector_load_idx %arg29[%add3A_532] : memref<272xf32, #tpu.memory_space<vmem>>[vector<16xi32>], vector<16xf32>,
      %add3A_534 = arith.addf %add3A_524, %gather3A_533 : vector<16xf32>
      %add3A_535 = arith.constant 11 : i32
      %add3A_536 = vector.broadcast %add3A_535 : i32 to vector<16xi32>
      %add3A_537 = arith.addi %mul3A_41, %add3A_536 : vector<16xi32>
      %gather3A_538 = tpu.vector_load_idx %arg28[%add3A_537] : memref<272xf32, #tpu.memory_space<vmem>>[vector<16xi32>], vector<16xf32>,
      %add3A_539 = arith.addf %add3A_529, %gather3A_538 : vector<16xf32>
      %add3A_540 = arith.constant 11 : i32
      %add3A_541 = vector.broadcast %add3A_540 : i32 to vector<16xi32>
      %add3A_542 = arith.addi %mul3A_41, %add3A_541 : vector<16xi32>
      %gather3A_543 = tpu.vector_load_idx %arg29[%add3A_542] : memref<272xf32, #tpu.memory_space<vmem>>[vector<16xi32>], vector<16xf32>,
      %add3A_544 = arith.addf %add3A_534, %gather3A_543 : vector<16xf32>
      %add3A_545 = arith.constant 12 : i32
      %add3A_546 = vector.broadcast %add3A_545 : i32 to vector<16xi32>
      %add3A_547 = arith.addi %mul3A_41, %add3A_546 : vector<16xi32>
      %gather3A_548 = tpu.vector_load_idx %arg28[%add3A_547] : memref<272xf32, #tpu.memory_space<vmem>>[vector<16xi32>], vector<16xf32>,
      %add3A_549 = arith.addf %add3A_539, %gather3A_548 : vector<16xf32>
      %add3A_550 = arith.constant 12 : i32
      %add3A_551 = vector.broadcast %add3A_550 : i32 to vector<16xi32>
      %add3A_552 = arith.addi %mul3A_41, %add3A_551 : vector<16xi32>
      %gather3A_553 = tpu.vector_load_idx %arg29[%add3A_552] : memref<272xf32, #tpu.memory_space<vmem>>[vector<16xi32>], vector<16xf32>,
      %add3A_554 = arith.addf %add3A_544, %gather3A_553 : vector<16xf32>
      %add3A_555 = arith.constant 13 : i32
      %add3A_556 = vector.broadcast %add3A_555 : i32 to vector<16xi32>
      %add3A_557 = arith.addi %mul3A_41, %add3A_556 : vector<16xi32>
      %gather3A_558 = tpu.vector_load_idx %arg28[%add3A_557] : memref<272xf32, #tpu.memory_space<vmem>>[vector<16xi32>], vector<16xf32>,
      %add3A_559 = arith.addf %add3A_549, %gather3A_558 : vector<16xf32>
      %add3A_560 = arith.constant 13 : i32
      %add3A_561 = vector.broadcast %add3A_560 : i32 to vector<16xi32>
      %add3A_562 = arith.addi %mul3A_41, %add3A_561 : vector<16xi32>
      %gather3A_563 = tpu.vector_load_idx %arg29[%add3A_562] : memref<272xf32, #tpu.memory_space<vmem>>[vector<16xi32>], vector<16xf32>,
      %add3A_564 = arith.addf %add3A_554, %gather3A_563 : vector<16xf32>
      %add3A_565 = arith.constant 14 : i32
      %add3A_566 = vector.broadcast %add3A_565 : i32 to vector<16xi32>
      %add3A_567 = arith.addi %mul3A_41, %add3A_566 : vector<16xi32>
      %gather3A_568 = tpu.vector_load_idx %arg28[%add3A_567] : memref<272xf32, #tpu.memory_space<vmem>>[vector<16xi32>], vector<16xf32>,
      %add3A_569 = arith.addf %add3A_559, %gather3A_568 : vector<16xf32>
      %add3A_570 = arith.constant 14 : i32
      %add3A_571 = vector.broadcast %add3A_570 : i32 to vector<16xi32>
      %add3A_572 = arith.addi %mul3A_41, %add3A_571 : vector<16xi32>
      %gather3A_573 = tpu.vector_load_idx %arg29[%add3A_572] : memref<272xf32, #tpu.memory_space<vmem>>[vector<16xi32>], vector<16xf32>,
      %add3A_574 = arith.addf %add3A_564, %gather3A_573 : vector<16xf32>
      %add3A_575 = arith.constant 15 : i32
      %add3A_576 = vector.broadcast %add3A_575 : i32 to vector<16xi32>
      %add3A_577 = arith.addi %mul3A_41, %add3A_576 : vector<16xi32>
      %gather3A_578 = tpu.vector_load_idx %arg28[%add3A_577] : memref<272xf32, #tpu.memory_space<vmem>>[vector<16xi32>], vector<16xf32>,
      %add3A_579 = arith.addf %add3A_569, %gather3A_578 : vector<16xf32>
      %add3A_580 = arith.constant 15 : i32
      %add3A_581 = vector.broadcast %add3A_580 : i32 to vector<16xi32>
      %add3A_582 = arith.addi %mul3A_41, %add3A_581 : vector<16xi32>
      %gather3A_583 = tpu.vector_load_idx %arg29[%add3A_582] : memref<272xf32, #tpu.memory_space<vmem>>[vector<16xi32>], vector<16xf32>,
      %add3A_584 = arith.addf %add3A_574, %gather3A_583 : vector<16xf32>
      %get3A = arith.index_cast %add3A_418 : i32 to index
      %get3A_585 = tpu.vector_load %arg17[%get3A] {strides = array<i32>} : memref<512xf32, #tpu.memory_space<vmem>>, vector<16xf32>,
      %get3A_586 = arith.index_cast %add3A_418 : i32 to index
      %get3A_587 = tpu.vector_load %arg18[%get3A_586] {strides = array<i32>} : memref<512xf32, #tpu.memory_space<vmem>>, vector<16xf32>,
      %mul3A_588 = arith.mulf %get3A_585, %add3A_579 : vector<16xf32>
      %mul3A_589 = arith.mulf %get3A_587, %add3A_584 : vector<16xf32>
      %sub3A = arith.subf %mul3A_588, %mul3A_589 : vector<16xf32>
      %add3A_590 = arith.constant 1.000000e+00 : f32
      %add3A_591 = vector.broadcast %add3A_590 : f32 to vector<16xf32>
      %add3A_592 = arith.addf %sub3A, %add3A_591 : vector<16xf32>
      %max3A = arith.constant 0.000000e+00 : f32
      %max3A_593 = vector.broadcast %max3A : f32 to vector<16xf32>
      %max3A_594 = arith.maximumf %add3A_592, %max3A_593 : vector<16xf32>
      %add3A_595 = arith.addf %scan3A_414, %max3A_594 : vector<16xf32>
      scf.yield %add3A_595 : vector<16xf32>
    }
    %scan3A_107 = arith.constant 4 : i32
    %dma_start3A_108 = arith.constant 128 : i32
    %dma_start3A_109 = tpu.memref_slice %arg12[%dma_start3A_108] : memref<512xi32, #tpu.memory_space<vmem>> -> memref<64xi32, #tpu.memory_space<vmem>>
    %dma_start3A_110 = arith.constant 0 : i32
    %dma_start3A_111 = arith.constant 0 : i32
    %dma_start3A_112 = tpu.memref_slice %arg9[%dma_start3A_110, %dma_start3A_111] : memref<1000000x128xf32, #tpu.memory_space<hbm>> -> memref<1000000x128xf32, #tpu.memory_space<hbm>>
    tpu.enqueue_indirect_dma source(%dma_start3A_112 : memref<1000000x128xf32, #tpu.memory_space<hbm>>) target(%arg20 : memref<64x128xf32, #tpu.memory_space<vmem>>) offsets(%dma_start3A_109 : memref<64xi32, #tpu.memory_space<vmem>>) semaphore(%arg31 : memref<!tpu.dma_semaphore, #tpu.memory_space<semaphore_mem>>)
    %dma_start3A_113 = arith.constant 128 : i32
    %dma_start3A_114 = tpu.memref_slice %arg13[%dma_start3A_113] : memref<512xi32, #tpu.memory_space<vmem>> -> memref<64xi32, #tpu.memory_space<vmem>>
    %dma_start3A_115 = arith.constant 0 : i32
    %dma_start3A_116 = arith.constant 0 : i32
    %dma_start3A_117 = tpu.memref_slice %arg9[%dma_start3A_115, %dma_start3A_116] : memref<1000000x128xf32, #tpu.memory_space<hbm>> -> memref<1000000x128xf32, #tpu.memory_space<hbm>>
    tpu.enqueue_indirect_dma source(%dma_start3A_117 : memref<1000000x128xf32, #tpu.memory_space<hbm>>) target(%arg21 : memref<64x128xf32, #tpu.memory_space<vmem>>) offsets(%dma_start3A_114 : memref<64xi32, #tpu.memory_space<vmem>>) semaphore(%arg31 : memref<!tpu.dma_semaphore, #tpu.memory_space<semaphore_mem>>)
    %dma_start3A_118 = arith.constant 128 : i32
    %dma_start3A_119 = tpu.memref_slice %arg14[%dma_start3A_118] : memref<512xi32, #tpu.memory_space<vmem>> -> memref<64xi32, #tpu.memory_space<vmem>>
    %dma_start3A_120 = arith.constant 0 : i32
    %dma_start3A_121 = arith.constant 0 : i32
    %dma_start3A_122 = tpu.memref_slice %arg9[%dma_start3A_120, %dma_start3A_121] : memref<1000000x128xf32, #tpu.memory_space<hbm>> -> memref<1000000x128xf32, #tpu.memory_space<hbm>>
    tpu.enqueue_indirect_dma source(%dma_start3A_122 : memref<1000000x128xf32, #tpu.memory_space<hbm>>) target(%arg22 : memref<64x128xf32, #tpu.memory_space<vmem>>) offsets(%dma_start3A_119 : memref<64xi32, #tpu.memory_space<vmem>>) semaphore(%arg31 : memref<!tpu.dma_semaphore, #tpu.memory_space<semaphore_mem>>)
    %dma_start3A_123 = arith.constant 128 : i32
    %dma_start3A_124 = tpu.memref_slice %arg15[%dma_start3A_123] : memref<512xi32, #tpu.memory_space<vmem>> -> memref<64xi32, #tpu.memory_space<vmem>>
    %dma_start3A_125 = arith.constant 0 : i32
    %dma_start3A_126 = arith.constant 0 : i32
    %dma_start3A_127 = tpu.memref_slice %arg9[%dma_start3A_125, %dma_start3A_126] : memref<1000000x128xf32, #tpu.memory_space<hbm>> -> memref<1000000x128xf32, #tpu.memory_space<hbm>>
    tpu.enqueue_indirect_dma source(%dma_start3A_127 : memref<1000000x128xf32, #tpu.memory_space<hbm>>) target(%arg23 : memref<64x128xf32, #tpu.memory_space<vmem>>) offsets(%dma_start3A_124 : memref<64xi32, #tpu.memory_space<vmem>>) semaphore(%arg31 : memref<!tpu.dma_semaphore, #tpu.memory_space<semaphore_mem>>)
    %dma_wait3A_128 = arith.constant 64 : i32
    %dma_wait3A_129 = tpu.memref_slice %arg12[%dma_wait3A_128] : memref<512xi32, #tpu.memory_space<vmem>> -> memref<64xi32, #tpu.memory_space<vmem>>
    %dma_wait3A_130 = arith.constant 0 : i32
    %dma_wait3A_131 = arith.constant 0 : i32
    %dma_wait3A_132 = tpu.memref_slice %arg9[%dma_wait3A_130, %dma_wait3A_131] : memref<1000000x128xf32, #tpu.memory_space<hbm>> -> memref<1000000x128xf32, #tpu.memory_space<hbm>>
    tpu.wait_indirect_dma semaphore(%arg32 : memref<!tpu.dma_semaphore, #tpu.memory_space<semaphore_mem>>) src(%dma_wait3A_132 : memref<1000000x128xf32, #tpu.memory_space<hbm>>) dst(%arg24 : memref<64x128xf32, #tpu.memory_space<vmem>>)
    %dma_wait3A_133 = arith.constant 64 : i32
    %dma_wait3A_134 = tpu.memref_slice %arg13[%dma_wait3A_133] : memref<512xi32, #tpu.memory_space<vmem>> -> memref<64xi32, #tpu.memory_space<vmem>>
    %dma_wait3A_135 = arith.constant 0 : i32
    %dma_wait3A_136 = arith.constant 0 : i32
    %dma_wait3A_137 = tpu.memref_slice %arg9[%dma_wait3A_135, %dma_wait3A_136] : memref<1000000x128xf32, #tpu.memory_space<hbm>> -> memref<1000000x128xf32, #tpu.memory_space<hbm>>
    tpu.wait_indirect_dma semaphore(%arg32 : memref<!tpu.dma_semaphore, #tpu.memory_space<semaphore_mem>>) src(%dma_wait3A_137 : memref<1000000x128xf32, #tpu.memory_space<hbm>>) dst(%arg25 : memref<64x128xf32, #tpu.memory_space<vmem>>)
    %dma_wait3A_138 = arith.constant 64 : i32
    %dma_wait3A_139 = tpu.memref_slice %arg14[%dma_wait3A_138] : memref<512xi32, #tpu.memory_space<vmem>> -> memref<64xi32, #tpu.memory_space<vmem>>
    %dma_wait3A_140 = arith.constant 0 : i32
    %dma_wait3A_141 = arith.constant 0 : i32
    %dma_wait3A_142 = tpu.memref_slice %arg9[%dma_wait3A_140, %dma_wait3A_141] : memref<1000000x128xf32, #tpu.memory_space<hbm>> -> memref<1000000x128xf32, #tpu.memory_space<hbm>>
    tpu.wait_indirect_dma semaphore(%arg32 : memref<!tpu.dma_semaphore, #tpu.memory_space<semaphore_mem>>) src(%dma_wait3A_142 : memref<1000000x128xf32, #tpu.memory_space<hbm>>) dst(%arg26 : memref<64x128xf32, #tpu.memory_space<vmem>>)
    %dma_wait3A_143 = arith.constant 64 : i32
    %dma_wait3A_144 = tpu.memref_slice %arg15[%dma_wait3A_143] : memref<512xi32, #tpu.memory_space<vmem>> -> memref<64xi32, #tpu.memory_space<vmem>>
    %dma_wait3A_145 = arith.constant 0 : i32
    %dma_wait3A_146 = arith.constant 0 : i32
    %dma_wait3A_147 = tpu.memref_slice %arg9[%dma_wait3A_145, %dma_wait3A_146] : memref<1000000x128xf32, #tpu.memory_space<hbm>> -> memref<1000000x128xf32, #tpu.memory_space<hbm>>
    tpu.wait_indirect_dma semaphore(%arg32 : memref<!tpu.dma_semaphore, #tpu.memory_space<semaphore_mem>>) src(%dma_wait3A_147 : memref<1000000x128xf32, #tpu.memory_space<hbm>>) dst(%arg27 : memref<64x128xf32, #tpu.memory_space<vmem>>)
    %scan3A_148 = arith.constant 0 : i32
    %scan3A_149 = arith.constant 4 : i32
    %scan3A_150 = arith.addi %scan3A_148, %scan3A_149 : i32
    %scan3A_151 = arith.constant 1 : i32
    %scan3A_152 = scf.for %scan3A_413 = %scan3A_148 to %scan3A_150 step %scan3A_151 iter_args(%scan3A_414 = %scan3A_106) -> (vector<16xf32>)  : i32 {
      %mul3A_415 = arith.constant 16 : i32
      %mul3A_416 = arith.muli %scan3A_413, %mul3A_415 : i32
      %add3A_417 = arith.constant 64 : i32
      %add3A_418 = arith.addi %add3A_417, %mul3A_416 : i32
      %scan3A_419 = arith.constant 0 : i32
      %scan3A_420 = arith.constant 0 : i32
      %scan3A_421 = arith.constant 16 : i32
      %scan3A_422 = arith.addi %scan3A_420, %scan3A_421 : i32
      %scan3A_423 = arith.constant 1 : i32
      %scan3A_424 = scf.for %scan3A_596 = %scan3A_420 to %scan3A_422 step %scan3A_423 iter_args(%scan3A_597 = %scan3A_419) -> (i32)  : i32 {
        %mul3A_598 = arith.constant 16 : i32
        %mul3A_599 = arith.muli %scan3A_413, %mul3A_598 : i32
        %add3A_600 = arith.addi %mul3A_599, %scan3A_596 : i32
        %add3A_601 = arith.addi %add3A_418, %scan3A_596 : i32
        %mul3A_602 = arith.constant 2 : i32
        %mul3A_603 = arith.muli %add3A_601, %mul3A_602 : i32
        %get3A_604 = arith.index_cast %mul3A_603 : i32 to index
        %get3A_605 = tpu.vector_load %arg16[%get3A_604] {strides = array<i32>} : memref<1040xi32, #tpu.memory_space<vmem>>, vector<16xi32>,
        %slice3A = vector.extract_strided_slice %get3A_605 {offsets = [0], sizes = [1], strides = [1]} : vector<16xi32> to vector<1xi32>
        %squeeze3A = vector.extract %slice3A[0] : i32 from vector<1xi32>
        %slice3A_606 = vector.extract_strided_slice %get3A_605 {offsets = [1], sizes = [1], strides = [1]} : vector<16xi32> to vector<1xi32>
        %squeeze3A_607 = vector.extract %slice3A_606[0] : i32 from vector<1xi32>
        %get3A_608 = arith.index_cast %add3A_600 : i32 to index
        %get3A_609 = arith.constant 0 : index
        %get3A_610 = tpu.vector_load %arg24[%get3A_608, %get3A_609] {strides = array<i32>} : memref<64x128xf32, #tpu.memory_space<vmem>>, vector<16xf32>,
        %get3A_611 = arith.index_cast %add3A_600 : i32 to index
        %get3A_612 = arith.constant 0 : index
        %get3A_613 = tpu.vector_load %arg25[%get3A_611, %get3A_612] {strides = array<i32>} : memref<64x128xf32, #tpu.memory_space<vmem>>, vector<16xf32>,
        %add3A_614 = arith.constant 0 : i32
        %add3A_615 = arith.addi %squeeze3A, %add3A_614 : i32
        %get3A_616 = arith.index_cast %add3A_615 : i32 to index
        %get3A_617 = tpu.vector_load %arg19[%get3A_616] {strides = array<i32>} : memref<512xf32, #tpu.memory_space<vmem>>, vector<16xf32>,
        %get3A_618 = arith.index_cast %add3A_600 : i32 to index
        %get3A_619 = arith.constant 0 : index
        %get3A_620 = tpu.vector_load %arg26[%get3A_618, %get3A_619] {strides = array<i32>} : memref<64x128xf32, #tpu.memory_space<vmem>>, vector<16xf32>,
        %get3A_621 = arith.index_cast %add3A_600 : i32 to index
        %get3A_622 = arith.constant 0 : index
        %get3A_623 = tpu.vector_load %arg27[%get3A_621, %get3A_622] {strides = array<i32>} : memref<64x128xf32, #tpu.memory_space<vmem>>, vector<16xf32>,
        %add3A_624 = arith.constant 0 : i32
        %add3A_625 = arith.addi %squeeze3A_607, %add3A_624 : i32
        %get3A_626 = arith.index_cast %add3A_625 : i32 to index
        %get3A_627 = tpu.vector_load %arg19[%get3A_626] {strides = array<i32>} : memref<512xf32, #tpu.memory_space<vmem>>, vector<16xf32>,
        %add3A_628 = arith.addf %get3A_610, %get3A_617 : vector<16xf32>
        %sub3A_629 = arith.subf %add3A_628, %get3A_613 : vector<16xf32>
        %abs3A = math.absf %sub3A_629 : vector<16xf32>
        %add3A_630 = arith.addf %broadcast_in_dim3A_42, %abs3A : vector<16xf32>
        %add3A_631 = arith.addf %get3A_620, %get3A_627 : vector<16xf32>
        %sub3A_632 = arith.subf %add3A_631, %get3A_623 : vector<16xf32>
        %abs3A_633 = math.absf %sub3A_632 : vector<16xf32>
        %add3A_634 = arith.addf %broadcast_in_dim3A_42, %abs3A_633 : vector<16xf32>
        %get3A_635 = arith.index_cast %add3A_600 : i32 to index
        %get3A_636 = arith.constant 16 : index
        %get3A_637 = tpu.vector_load %arg24[%get3A_635, %get3A_636] {strides = array<i32>} : memref<64x128xf32, #tpu.memory_space<vmem>>, vector<16xf32>,
        %get3A_638 = arith.index_cast %add3A_600 : i32 to index
        %get3A_639 = arith.constant 16 : index
        %get3A_640 = tpu.vector_load %arg25[%get3A_638, %get3A_639] {strides = array<i32>} : memref<64x128xf32, #tpu.memory_space<vmem>>, vector<16xf32>,
        %add3A_641 = arith.constant 16 : i32
        %add3A_642 = arith.addi %squeeze3A, %add3A_641 : i32
        %get3A_643 = arith.index_cast %add3A_642 : i32 to index
        %get3A_644 = tpu.vector_load %arg19[%get3A_643] {strides = array<i32>} : memref<512xf32, #tpu.memory_space<vmem>>, vector<16xf32>,
        %get3A_645 = arith.index_cast %add3A_600 : i32 to index
        %get3A_646 = arith.constant 16 : index
        %get3A_647 = tpu.vector_load %arg26[%get3A_645, %get3A_646] {strides = array<i32>} : memref<64x128xf32, #tpu.memory_space<vmem>>, vector<16xf32>,
        %get3A_648 = arith.index_cast %add3A_600 : i32 to index
        %get3A_649 = arith.constant 16 : index
        %get3A_650 = tpu.vector_load %arg27[%get3A_648, %get3A_649] {strides = array<i32>} : memref<64x128xf32, #tpu.memory_space<vmem>>, vector<16xf32>,
        %add3A_651 = arith.constant 16 : i32
        %add3A_652 = arith.addi %squeeze3A_607, %add3A_651 : i32
        %get3A_653 = arith.index_cast %add3A_652 : i32 to index
        %get3A_654 = tpu.vector_load %arg19[%get3A_653] {strides = array<i32>} : memref<512xf32, #tpu.memory_space<vmem>>, vector<16xf32>,
        %add3A_655 = arith.addf %get3A_637, %get3A_644 : vector<16xf32>
        %sub3A_656 = arith.subf %add3A_655, %get3A_640 : vector<16xf32>
        %abs3A_657 = math.absf %sub3A_656 : vector<16xf32>
        %add3A_658 = arith.addf %add3A_630, %abs3A_657 : vector<16xf32>
        %add3A_659 = arith.addf %get3A_647, %get3A_654 : vector<16xf32>
        %sub3A_660 = arith.subf %add3A_659, %get3A_650 : vector<16xf32>
        %abs3A_661 = math.absf %sub3A_660 : vector<16xf32>
        %add3A_662 = arith.addf %add3A_634, %abs3A_661 : vector<16xf32>
        %get3A_663 = arith.index_cast %add3A_600 : i32 to index
        %get3A_664 = arith.constant 32 : index
        %get3A_665 = tpu.vector_load %arg24[%get3A_663, %get3A_664] {strides = array<i32>} : memref<64x128xf32, #tpu.memory_space<vmem>>, vector<16xf32>,
        %get3A_666 = arith.index_cast %add3A_600 : i32 to index
        %get3A_667 = arith.constant 32 : index
        %get3A_668 = tpu.vector_load %arg25[%get3A_666, %get3A_667] {strides = array<i32>} : memref<64x128xf32, #tpu.memory_space<vmem>>, vector<16xf32>,
        %add3A_669 = arith.constant 32 : i32
        %add3A_670 = arith.addi %squeeze3A, %add3A_669 : i32
        %get3A_671 = arith.index_cast %add3A_670 : i32 to index
        %get3A_672 = tpu.vector_load %arg19[%get3A_671] {strides = array<i32>} : memref<512xf32, #tpu.memory_space<vmem>>, vector<16xf32>,
        %get3A_673 = arith.index_cast %add3A_600 : i32 to index
        %get3A_674 = arith.constant 32 : index
        %get3A_675 = tpu.vector_load %arg26[%get3A_673, %get3A_674] {strides = array<i32>} : memref<64x128xf32, #tpu.memory_space<vmem>>, vector<16xf32>,
        %get3A_676 = arith.index_cast %add3A_600 : i32 to index
        %get3A_677 = arith.constant 32 : index
        %get3A_678 = tpu.vector_load %arg27[%get3A_676, %get3A_677] {strides = array<i32>} : memref<64x128xf32, #tpu.memory_space<vmem>>, vector<16xf32>,
        %add3A_679 = arith.constant 32 : i32
        %add3A_680 = arith.addi %squeeze3A_607, %add3A_679 : i32
        %get3A_681 = arith.index_cast %add3A_680 : i32 to index
        %get3A_682 = tpu.vector_load %arg19[%get3A_681] {strides = array<i32>} : memref<512xf32, #tpu.memory_space<vmem>>, vector<16xf32>,
        %add3A_683 = arith.addf %get3A_665, %get3A_672 : vector<16xf32>
        %sub3A_684 = arith.subf %add3A_683, %get3A_668 : vector<16xf32>
        %abs3A_685 = math.absf %sub3A_684 : vector<16xf32>
        %add3A_686 = arith.addf %add3A_658, %abs3A_685 : vector<16xf32>
        %add3A_687 = arith.addf %get3A_675, %get3A_682 : vector<16xf32>
        %sub3A_688 = arith.subf %add3A_687, %get3A_678 : vector<16xf32>
        %abs3A_689 = math.absf %sub3A_688 : vector<16xf32>
        %add3A_690 = arith.addf %add3A_662, %abs3A_689 : vector<16xf32>
        %get3A_691 = arith.index_cast %add3A_600 : i32 to index
        %get3A_692 = arith.constant 48 : index
        %get3A_693 = tpu.vector_load %arg24[%get3A_691, %get3A_692] {strides = array<i32>} : memref<64x128xf32, #tpu.memory_space<vmem>>, vector<16xf32>,
        %get3A_694 = arith.index_cast %add3A_600 : i32 to index
        %get3A_695 = arith.constant 48 : index
        %get3A_696 = tpu.vector_load %arg25[%get3A_694, %get3A_695] {strides = array<i32>} : memref<64x128xf32, #tpu.memory_space<vmem>>, vector<16xf32>,
        %add3A_697 = arith.constant 48 : i32
        %add3A_698 = arith.addi %squeeze3A, %add3A_697 : i32
        %get3A_699 = arith.index_cast %add3A_698 : i32 to index
        %get3A_700 = tpu.vector_load %arg19[%get3A_699] {strides = array<i32>} : memref<512xf32, #tpu.memory_space<vmem>>, vector<16xf32>,
        %get3A_701 = arith.index_cast %add3A_600 : i32 to index
        %get3A_702 = arith.constant 48 : index
        %get3A_703 = tpu.vector_load %arg26[%get3A_701, %get3A_702] {strides = array<i32>} : memref<64x128xf32, #tpu.memory_space<vmem>>, vector<16xf32>,
        %get3A_704 = arith.index_cast %add3A_600 : i32 to index
        %get3A_705 = arith.constant 48 : index
        %get3A_706 = tpu.vector_load %arg27[%get3A_704, %get3A_705] {strides = array<i32>} : memref<64x128xf32, #tpu.memory_space<vmem>>, vector<16xf32>,
        %add3A_707 = arith.constant 48 : i32
        %add3A_708 = arith.addi %squeeze3A_607, %add3A_707 : i32
        %get3A_709 = arith.index_cast %add3A_708 : i32 to index
        %get3A_710 = tpu.vector_load %arg19[%get3A_709] {strides = array<i32>} : memref<512xf32, #tpu.memory_space<vmem>>, vector<16xf32>,
        %add3A_711 = arith.addf %get3A_693, %get3A_700 : vector<16xf32>
        %sub3A_712 = arith.subf %add3A_711, %get3A_696 : vector<16xf32>
        %abs3A_713 = math.absf %sub3A_712 : vector<16xf32>
        %add3A_714 = arith.addf %add3A_686, %abs3A_713 : vector<16xf32>
        %add3A_715 = arith.addf %get3A_703, %get3A_710 : vector<16xf32>
        %sub3A_716 = arith.subf %add3A_715, %get3A_706 : vector<16xf32>
        %abs3A_717 = math.absf %sub3A_716 : vector<16xf32>
        %add3A_718 = arith.addf %add3A_690, %abs3A_717 : vector<16xf32>
        %mul3A_719 = arith.constant 17 : i32
        %mul3A_720 = arith.muli %scan3A_596, %mul3A_719 : i32
        %swap3A_721 = arith.index_cast %mul3A_720 : i32 to index
        %swap3A_722 = tpu.vector_load %arg28[%swap3A_721] {strides = array<i32>} : memref<272xf32, #tpu.memory_space<vmem>>, vector<16xf32>,
        tpu.vector_store %arg28[%swap3A_721], %add3A_714 {strides = array<i32>} : memref<272xf32, #tpu.memory_space<vmem>>, vector<16xf32>,
        %mul3A_723 = arith.constant 17 : i32
        %mul3A_724 = arith.muli %scan3A_596, %mul3A_723 : i32
        %swap3A_725 = arith.index_cast %mul3A_724 : i32 to index
        %swap3A_726 = tpu.vector_load %arg29[%swap3A_725] {strides = array<i32>} : memref<272xf32, #tpu.memory_space<vmem>>, vector<16xf32>,
        tpu.vector_store %arg29[%swap3A_725], %add3A_718 {strides = array<i32>} : memref<272xf32, #tpu.memory_space<vmem>>, vector<16xf32>,
        %scan3A_727 = arith.constant 0 : i32
        scf.yield %scan3A_727 : i32
      }
      %scan3A_425 = arith.constant 16 : i32
      %add3A_426 = arith.constant 0 : i32
      %add3A_427 = vector.broadcast %add3A_426 : i32 to vector<16xi32>
      %add3A_428 = arith.addi %mul3A_41, %add3A_427 : vector<16xi32>
      %gather3A = tpu.vector_load_idx %arg28[%add3A_428] : memref<272xf32, #tpu.memory_space<vmem>>[vector<16xi32>], vector<16xf32>,
      %add3A_429 = arith.addf %broadcast_in_dim3A_42, %gather3A : vector<16xf32>
      %add3A_430 = arith.constant 0 : i32
      %add3A_431 = vector.broadcast %add3A_430 : i32 to vector<16xi32>
      %add3A_432 = arith.addi %mul3A_41, %add3A_431 : vector<16xi32>
      %gather3A_433 = tpu.vector_load_idx %arg29[%add3A_432] : memref<272xf32, #tpu.memory_space<vmem>>[vector<16xi32>], vector<16xf32>,
      %add3A_434 = arith.addf %broadcast_in_dim3A_42, %gather3A_433 : vector<16xf32>
      %add3A_435 = arith.constant 1 : i32
      %add3A_436 = vector.broadcast %add3A_435 : i32 to vector<16xi32>
      %add3A_437 = arith.addi %mul3A_41, %add3A_436 : vector<16xi32>
      %gather3A_438 = tpu.vector_load_idx %arg28[%add3A_437] : memref<272xf32, #tpu.memory_space<vmem>>[vector<16xi32>], vector<16xf32>,
      %add3A_439 = arith.addf %add3A_429, %gather3A_438 : vector<16xf32>
      %add3A_440 = arith.constant 1 : i32
      %add3A_441 = vector.broadcast %add3A_440 : i32 to vector<16xi32>
      %add3A_442 = arith.addi %mul3A_41, %add3A_441 : vector<16xi32>
      %gather3A_443 = tpu.vector_load_idx %arg29[%add3A_442] : memref<272xf32, #tpu.memory_space<vmem>>[vector<16xi32>], vector<16xf32>,
      %add3A_444 = arith.addf %add3A_434, %gather3A_443 : vector<16xf32>
      %add3A_445 = arith.constant 2 : i32
      %add3A_446 = vector.broadcast %add3A_445 : i32 to vector<16xi32>
      %add3A_447 = arith.addi %mul3A_41, %add3A_446 : vector<16xi32>
      %gather3A_448 = tpu.vector_load_idx %arg28[%add3A_447] : memref<272xf32, #tpu.memory_space<vmem>>[vector<16xi32>], vector<16xf32>,
      %add3A_449 = arith.addf %add3A_439, %gather3A_448 : vector<16xf32>
      %add3A_450 = arith.constant 2 : i32
      %add3A_451 = vector.broadcast %add3A_450 : i32 to vector<16xi32>
      %add3A_452 = arith.addi %mul3A_41, %add3A_451 : vector<16xi32>
      %gather3A_453 = tpu.vector_load_idx %arg29[%add3A_452] : memref<272xf32, #tpu.memory_space<vmem>>[vector<16xi32>], vector<16xf32>,
      %add3A_454 = arith.addf %add3A_444, %gather3A_453 : vector<16xf32>
      %add3A_455 = arith.constant 3 : i32
      %add3A_456 = vector.broadcast %add3A_455 : i32 to vector<16xi32>
      %add3A_457 = arith.addi %mul3A_41, %add3A_456 : vector<16xi32>
      %gather3A_458 = tpu.vector_load_idx %arg28[%add3A_457] : memref<272xf32, #tpu.memory_space<vmem>>[vector<16xi32>], vector<16xf32>,
      %add3A_459 = arith.addf %add3A_449, %gather3A_458 : vector<16xf32>
      %add3A_460 = arith.constant 3 : i32
      %add3A_461 = vector.broadcast %add3A_460 : i32 to vector<16xi32>
      %add3A_462 = arith.addi %mul3A_41, %add3A_461 : vector<16xi32>
      %gather3A_463 = tpu.vector_load_idx %arg29[%add3A_462] : memref<272xf32, #tpu.memory_space<vmem>>[vector<16xi32>], vector<16xf32>,
      %add3A_464 = arith.addf %add3A_454, %gather3A_463 : vector<16xf32>
      %add3A_465 = arith.constant 4 : i32
      %add3A_466 = vector.broadcast %add3A_465 : i32 to vector<16xi32>
      %add3A_467 = arith.addi %mul3A_41, %add3A_466 : vector<16xi32>
      %gather3A_468 = tpu.vector_load_idx %arg28[%add3A_467] : memref<272xf32, #tpu.memory_space<vmem>>[vector<16xi32>], vector<16xf32>,
      %add3A_469 = arith.addf %add3A_459, %gather3A_468 : vector<16xf32>
      %add3A_470 = arith.constant 4 : i32
      %add3A_471 = vector.broadcast %add3A_470 : i32 to vector<16xi32>
      %add3A_472 = arith.addi %mul3A_41, %add3A_471 : vector<16xi32>
      %gather3A_473 = tpu.vector_load_idx %arg29[%add3A_472] : memref<272xf32, #tpu.memory_space<vmem>>[vector<16xi32>], vector<16xf32>,
      %add3A_474 = arith.addf %add3A_464, %gather3A_473 : vector<16xf32>
      %add3A_475 = arith.constant 5 : i32
      %add3A_476 = vector.broadcast %add3A_475 : i32 to vector<16xi32>
      %add3A_477 = arith.addi %mul3A_41, %add3A_476 : vector<16xi32>
      %gather3A_478 = tpu.vector_load_idx %arg28[%add3A_477] : memref<272xf32, #tpu.memory_space<vmem>>[vector<16xi32>], vector<16xf32>,
      %add3A_479 = arith.addf %add3A_469, %gather3A_478 : vector<16xf32>
      %add3A_480 = arith.constant 5 : i32
      %add3A_481 = vector.broadcast %add3A_480 : i32 to vector<16xi32>
      %add3A_482 = arith.addi %mul3A_41, %add3A_481 : vector<16xi32>
      %gather3A_483 = tpu.vector_load_idx %arg29[%add3A_482] : memref<272xf32, #tpu.memory_space<vmem>>[vector<16xi32>], vector<16xf32>,
      %add3A_484 = arith.addf %add3A_474, %gather3A_483 : vector<16xf32>
      %add3A_485 = arith.constant 6 : i32
      %add3A_486 = vector.broadcast %add3A_485 : i32 to vector<16xi32>
      %add3A_487 = arith.addi %mul3A_41, %add3A_486 : vector<16xi32>
      %gather3A_488 = tpu.vector_load_idx %arg28[%add3A_487] : memref<272xf32, #tpu.memory_space<vmem>>[vector<16xi32>], vector<16xf32>,
      %add3A_489 = arith.addf %add3A_479, %gather3A_488 : vector<16xf32>
      %add3A_490 = arith.constant 6 : i32
      %add3A_491 = vector.broadcast %add3A_490 : i32 to vector<16xi32>
      %add3A_492 = arith.addi %mul3A_41, %add3A_491 : vector<16xi32>
      %gather3A_493 = tpu.vector_load_idx %arg29[%add3A_492] : memref<272xf32, #tpu.memory_space<vmem>>[vector<16xi32>], vector<16xf32>,
      %add3A_494 = arith.addf %add3A_484, %gather3A_493 : vector<16xf32>
      %add3A_495 = arith.constant 7 : i32
      %add3A_496 = vector.broadcast %add3A_495 : i32 to vector<16xi32>
      %add3A_497 = arith.addi %mul3A_41, %add3A_496 : vector<16xi32>
      %gather3A_498 = tpu.vector_load_idx %arg28[%add3A_497] : memref<272xf32, #tpu.memory_space<vmem>>[vector<16xi32>], vector<16xf32>,
      %add3A_499 = arith.addf %add3A_489, %gather3A_498 : vector<16xf32>
      %add3A_500 = arith.constant 7 : i32
      %add3A_501 = vector.broadcast %add3A_500 : i32 to vector<16xi32>
      %add3A_502 = arith.addi %mul3A_41, %add3A_501 : vector<16xi32>
      %gather3A_503 = tpu.vector_load_idx %arg29[%add3A_502] : memref<272xf32, #tpu.memory_space<vmem>>[vector<16xi32>], vector<16xf32>,
      %add3A_504 = arith.addf %add3A_494, %gather3A_503 : vector<16xf32>
      %add3A_505 = arith.constant 8 : i32
      %add3A_506 = vector.broadcast %add3A_505 : i32 to vector<16xi32>
      %add3A_507 = arith.addi %mul3A_41, %add3A_506 : vector<16xi32>
      %gather3A_508 = tpu.vector_load_idx %arg28[%add3A_507] : memref<272xf32, #tpu.memory_space<vmem>>[vector<16xi32>], vector<16xf32>,
      %add3A_509 = arith.addf %add3A_499, %gather3A_508 : vector<16xf32>
      %add3A_510 = arith.constant 8 : i32
      %add3A_511 = vector.broadcast %add3A_510 : i32 to vector<16xi32>
      %add3A_512 = arith.addi %mul3A_41, %add3A_511 : vector<16xi32>
      %gather3A_513 = tpu.vector_load_idx %arg29[%add3A_512] : memref<272xf32, #tpu.memory_space<vmem>>[vector<16xi32>], vector<16xf32>,
      %add3A_514 = arith.addf %add3A_504, %gather3A_513 : vector<16xf32>
      %add3A_515 = arith.constant 9 : i32
      %add3A_516 = vector.broadcast %add3A_515 : i32 to vector<16xi32>
      %add3A_517 = arith.addi %mul3A_41, %add3A_516 : vector<16xi32>
      %gather3A_518 = tpu.vector_load_idx %arg28[%add3A_517] : memref<272xf32, #tpu.memory_space<vmem>>[vector<16xi32>], vector<16xf32>,
      %add3A_519 = arith.addf %add3A_509, %gather3A_518 : vector<16xf32>
      %add3A_520 = arith.constant 9 : i32
      %add3A_521 = vector.broadcast %add3A_520 : i32 to vector<16xi32>
      %add3A_522 = arith.addi %mul3A_41, %add3A_521 : vector<16xi32>
      %gather3A_523 = tpu.vector_load_idx %arg29[%add3A_522] : memref<272xf32, #tpu.memory_space<vmem>>[vector<16xi32>], vector<16xf32>,
      %add3A_524 = arith.addf %add3A_514, %gather3A_523 : vector<16xf32>
      %add3A_525 = arith.constant 10 : i32
      %add3A_526 = vector.broadcast %add3A_525 : i32 to vector<16xi32>
      %add3A_527 = arith.addi %mul3A_41, %add3A_526 : vector<16xi32>
      %gather3A_528 = tpu.vector_load_idx %arg28[%add3A_527] : memref<272xf32, #tpu.memory_space<vmem>>[vector<16xi32>], vector<16xf32>,
      %add3A_529 = arith.addf %add3A_519, %gather3A_528 : vector<16xf32>
      %add3A_530 = arith.constant 10 : i32
      %add3A_531 = vector.broadcast %add3A_530 : i32 to vector<16xi32>
      %add3A_532 = arith.addi %mul3A_41, %add3A_531 : vector<16xi32>
      %gather3A_533 = tpu.vector_load_idx %arg29[%add3A_532] : memref<272xf32, #tpu.memory_space<vmem>>[vector<16xi32>], vector<16xf32>,
      %add3A_534 = arith.addf %add3A_524, %gather3A_533 : vector<16xf32>
      %add3A_535 = arith.constant 11 : i32
      %add3A_536 = vector.broadcast %add3A_535 : i32 to vector<16xi32>
      %add3A_537 = arith.addi %mul3A_41, %add3A_536 : vector<16xi32>
      %gather3A_538 = tpu.vector_load_idx %arg28[%add3A_537] : memref<272xf32, #tpu.memory_space<vmem>>[vector<16xi32>], vector<16xf32>,
      %add3A_539 = arith.addf %add3A_529, %gather3A_538 : vector<16xf32>
      %add3A_540 = arith.constant 11 : i32
      %add3A_541 = vector.broadcast %add3A_540 : i32 to vector<16xi32>
      %add3A_542 = arith.addi %mul3A_41, %add3A_541 : vector<16xi32>
      %gather3A_543 = tpu.vector_load_idx %arg29[%add3A_542] : memref<272xf32, #tpu.memory_space<vmem>>[vector<16xi32>], vector<16xf32>,
      %add3A_544 = arith.addf %add3A_534, %gather3A_543 : vector<16xf32>
      %add3A_545 = arith.constant 12 : i32
      %add3A_546 = vector.broadcast %add3A_545 : i32 to vector<16xi32>
      %add3A_547 = arith.addi %mul3A_41, %add3A_546 : vector<16xi32>
      %gather3A_548 = tpu.vector_load_idx %arg28[%add3A_547] : memref<272xf32, #tpu.memory_space<vmem>>[vector<16xi32>], vector<16xf32>,
      %add3A_549 = arith.addf %add3A_539, %gather3A_548 : vector<16xf32>
      %add3A_550 = arith.constant 12 : i32
      %add3A_551 = vector.broadcast %add3A_550 : i32 to vector<16xi32>
      %add3A_552 = arith.addi %mul3A_41, %add3A_551 : vector<16xi32>
      %gather3A_553 = tpu.vector_load_idx %arg29[%add3A_552] : memref<272xf32, #tpu.memory_space<vmem>>[vector<16xi32>], vector<16xf32>,
      %add3A_554 = arith.addf %add3A_544, %gather3A_553 : vector<16xf32>
      %add3A_555 = arith.constant 13 : i32
      %add3A_556 = vector.broadcast %add3A_555 : i32 to vector<16xi32>
      %add3A_557 = arith.addi %mul3A_41, %add3A_556 : vector<16xi32>
      %gather3A_558 = tpu.vector_load_idx %arg28[%add3A_557] : memref<272xf32, #tpu.memory_space<vmem>>[vector<16xi32>], vector<16xf32>,
      %add3A_559 = arith.addf %add3A_549, %gather3A_558 : vector<16xf32>
      %add3A_560 = arith.constant 13 : i32
      %add3A_561 = vector.broadcast %add3A_560 : i32 to vector<16xi32>
      %add3A_562 = arith.addi %mul3A_41, %add3A_561 : vector<16xi32>
      %gather3A_563 = tpu.vector_load_idx %arg29[%add3A_562] : memref<272xf32, #tpu.memory_space<vmem>>[vector<16xi32>], vector<16xf32>,
      %add3A_564 = arith.addf %add3A_554, %gather3A_563 : vector<16xf32>
      %add3A_565 = arith.constant 14 : i32
      %add3A_566 = vector.broadcast %add3A_565 : i32 to vector<16xi32>
      %add3A_567 = arith.addi %mul3A_41, %add3A_566 : vector<16xi32>
      %gather3A_568 = tpu.vector_load_idx %arg28[%add3A_567] : memref<272xf32, #tpu.memory_space<vmem>>[vector<16xi32>], vector<16xf32>,
      %add3A_569 = arith.addf %add3A_559, %gather3A_568 : vector<16xf32>
      %add3A_570 = arith.constant 14 : i32
      %add3A_571 = vector.broadcast %add3A_570 : i32 to vector<16xi32>
      %add3A_572 = arith.addi %mul3A_41, %add3A_571 : vector<16xi32>
      %gather3A_573 = tpu.vector_load_idx %arg29[%add3A_572] : memref<272xf32, #tpu.memory_space<vmem>>[vector<16xi32>], vector<16xf32>,
      %add3A_574 = arith.addf %add3A_564, %gather3A_573 : vector<16xf32>
      %add3A_575 = arith.constant 15 : i32
      %add3A_576 = vector.broadcast %add3A_575 : i32 to vector<16xi32>
      %add3A_577 = arith.addi %mul3A_41, %add3A_576 : vector<16xi32>
      %gather3A_578 = tpu.vector_load_idx %arg28[%add3A_577] : memref<272xf32, #tpu.memory_space<vmem>>[vector<16xi32>], vector<16xf32>,
      %add3A_579 = arith.addf %add3A_569, %gather3A_578 : vector<16xf32>
      %add3A_580 = arith.constant 15 : i32
      %add3A_581 = vector.broadcast %add3A_580 : i32 to vector<16xi32>
      %add3A_582 = arith.addi %mul3A_41, %add3A_581 : vector<16xi32>
      %gather3A_583 = tpu.vector_load_idx %arg29[%add3A_582] : memref<272xf32, #tpu.memory_space<vmem>>[vector<16xi32>], vector<16xf32>,
      %add3A_584 = arith.addf %add3A_574, %gather3A_583 : vector<16xf32>
      %get3A = arith.index_cast %add3A_418 : i32 to index
      %get3A_585 = tpu.vector_load %arg17[%get3A] {strides = array<i32>} : memref<512xf32, #tpu.memory_space<vmem>>, vector<16xf32>,
      %get3A_586 = arith.index_cast %add3A_418 : i32 to index
      %get3A_587 = tpu.vector_load %arg18[%get3A_586] {strides = array<i32>} : memref<512xf32, #tpu.memory_space<vmem>>, vector<16xf32>,
      %mul3A_588 = arith.mulf %get3A_585, %add3A_579 : vector<16xf32>
      %mul3A_589 = arith.mulf %get3A_587, %add3A_584 : vector<16xf32>
      %sub3A = arith.subf %mul3A_588, %mul3A_589 : vector<16xf32>
      %add3A_590 = arith.constant 1.000000e+00 : f32
      %add3A_591 = vector.broadcast %add3A_590 : f32 to vector<16xf32>
      %add3A_592 = arith.addf %sub3A, %add3A_591 : vector<16xf32>
      %max3A = arith.constant 0.000000e+00 : f32
      %max3A_593 = vector.broadcast %max3A : f32 to vector<16xf32>
      %max3A_594 = arith.maximumf %add3A_592, %max3A_593 : vector<16xf32>
      %add3A_595 = arith.addf %scan3A_414, %max3A_594 : vector<16xf32>
      scf.yield %add3A_595 : vector<16xf32>
    }
    %scan3A_153 = arith.constant 4 : i32
    %dma_start3A_154 = arith.constant 192 : i32
    %dma_start3A_155 = tpu.memref_slice %arg12[%dma_start3A_154] : memref<512xi32, #tpu.memory_space<vmem>> -> memref<64xi32, #tpu.memory_space<vmem>>
    %dma_start3A_156 = arith.constant 0 : i32
    %dma_start3A_157 = arith.constant 0 : i32
    %dma_start3A_158 = tpu.memref_slice %arg9[%dma_start3A_156, %dma_start3A_157] : memref<1000000x128xf32, #tpu.memory_space<hbm>> -> memref<1000000x128xf32, #tpu.memory_space<hbm>>
    tpu.enqueue_indirect_dma source(%dma_start3A_158 : memref<1000000x128xf32, #tpu.memory_space<hbm>>) target(%arg24 : memref<64x128xf32, #tpu.memory_space<vmem>>) offsets(%dma_start3A_155 : memref<64xi32, #tpu.memory_space<vmem>>) semaphore(%arg32 : memref<!tpu.dma_semaphore, #tpu.memory_space<semaphore_mem>>)
    %dma_start3A_159 = arith.constant 192 : i32
    %dma_start3A_160 = tpu.memref_slice %arg13[%dma_start3A_159] : memref<512xi32, #tpu.memory_space<vmem>> -> memref<64xi32, #tpu.memory_space<vmem>>
    %dma_start3A_161 = arith.constant 0 : i32
    %dma_start3A_162 = arith.constant 0 : i32
    %dma_start3A_163 = tpu.memref_slice %arg9[%dma_start3A_161, %dma_start3A_162] : memref<1000000x128xf32, #tpu.memory_space<hbm>> -> memref<1000000x128xf32, #tpu.memory_space<hbm>>
    tpu.enqueue_indirect_dma source(%dma_start3A_163 : memref<1000000x128xf32, #tpu.memory_space<hbm>>) target(%arg25 : memref<64x128xf32, #tpu.memory_space<vmem>>) offsets(%dma_start3A_160 : memref<64xi32, #tpu.memory_space<vmem>>) semaphore(%arg32 : memref<!tpu.dma_semaphore, #tpu.memory_space<semaphore_mem>>)
    %dma_start3A_164 = arith.constant 192 : i32
    %dma_start3A_165 = tpu.memref_slice %arg14[%dma_start3A_164] : memref<512xi32, #tpu.memory_space<vmem>> -> memref<64xi32, #tpu.memory_space<vmem>>
    %dma_start3A_166 = arith.constant 0 : i32
    %dma_start3A_167 = arith.constant 0 : i32
    %dma_start3A_168 = tpu.memref_slice %arg9[%dma_start3A_166, %dma_start3A_167] : memref<1000000x128xf32, #tpu.memory_space<hbm>> -> memref<1000000x128xf32, #tpu.memory_space<hbm>>
    tpu.enqueue_indirect_dma source(%dma_start3A_168 : memref<1000000x128xf32, #tpu.memory_space<hbm>>) target(%arg26 : memref<64x128xf32, #tpu.memory_space<vmem>>) offsets(%dma_start3A_165 : memref<64xi32, #tpu.memory_space<vmem>>) semaphore(%arg32 : memref<!tpu.dma_semaphore, #tpu.memory_space<semaphore_mem>>)
    %dma_start3A_169 = arith.constant 192 : i32
    %dma_start3A_170 = tpu.memref_slice %arg15[%dma_start3A_169] : memref<512xi32, #tpu.memory_space<vmem>> -> memref<64xi32, #tpu.memory_space<vmem>>
    %dma_start3A_171 = arith.constant 0 : i32
    %dma_start3A_172 = arith.constant 0 : i32
    %dma_start3A_173 = tpu.memref_slice %arg9[%dma_start3A_171, %dma_start3A_172] : memref<1000000x128xf32, #tpu.memory_space<hbm>> -> memref<1000000x128xf32, #tpu.memory_space<hbm>>
    tpu.enqueue_indirect_dma source(%dma_start3A_173 : memref<1000000x128xf32, #tpu.memory_space<hbm>>) target(%arg27 : memref<64x128xf32, #tpu.memory_space<vmem>>) offsets(%dma_start3A_170 : memref<64xi32, #tpu.memory_space<vmem>>) semaphore(%arg32 : memref<!tpu.dma_semaphore, #tpu.memory_space<semaphore_mem>>)
    %dma_wait3A_174 = arith.constant 128 : i32
    %dma_wait3A_175 = tpu.memref_slice %arg12[%dma_wait3A_174] : memref<512xi32, #tpu.memory_space<vmem>> -> memref<64xi32, #tpu.memory_space<vmem>>
    %dma_wait3A_176 = arith.constant 0 : i32
    %dma_wait3A_177 = arith.constant 0 : i32
    %dma_wait3A_178 = tpu.memref_slice %arg9[%dma_wait3A_176, %dma_wait3A_177] : memref<1000000x128xf32, #tpu.memory_space<hbm>> -> memref<1000000x128xf32, #tpu.memory_space<hbm>>
    tpu.wait_indirect_dma semaphore(%arg31 : memref<!tpu.dma_semaphore, #tpu.memory_space<semaphore_mem>>) src(%dma_wait3A_178 : memref<1000000x128xf32, #tpu.memory_space<hbm>>) dst(%arg20 : memref<64x128xf32, #tpu.memory_space<vmem>>)
    %dma_wait3A_179 = arith.constant 128 : i32
    %dma_wait3A_180 = tpu.memref_slice %arg13[%dma_wait3A_179] : memref<512xi32, #tpu.memory_space<vmem>> -> memref<64xi32, #tpu.memory_space<vmem>>
    %dma_wait3A_181 = arith.constant 0 : i32
    %dma_wait3A_182 = arith.constant 0 : i32
    %dma_wait3A_183 = tpu.memref_slice %arg9[%dma_wait3A_181, %dma_wait3A_182] : memref<1000000x128xf32, #tpu.memory_space<hbm>> -> memref<1000000x128xf32, #tpu.memory_space<hbm>>
    tpu.wait_indirect_dma semaphore(%arg31 : memref<!tpu.dma_semaphore, #tpu.memory_space<semaphore_mem>>) src(%dma_wait3A_183 : memref<1000000x128xf32, #tpu.memory_space<hbm>>) dst(%arg21 : memref<64x128xf32, #tpu.memory_space<vmem>>)
    %dma_wait3A_184 = arith.constant 128 : i32
    %dma_wait3A_185 = tpu.memref_slice %arg14[%dma_wait3A_184] : memref<512xi32, #tpu.memory_space<vmem>> -> memref<64xi32, #tpu.memory_space<vmem>>
    %dma_wait3A_186 = arith.constant 0 : i32
    %dma_wait3A_187 = arith.constant 0 : i32
    %dma_wait3A_188 = tpu.memref_slice %arg9[%dma_wait3A_186, %dma_wait3A_187] : memref<1000000x128xf32, #tpu.memory_space<hbm>> -> memref<1000000x128xf32, #tpu.memory_space<hbm>>
    tpu.wait_indirect_dma semaphore(%arg31 : memref<!tpu.dma_semaphore, #tpu.memory_space<semaphore_mem>>) src(%dma_wait3A_188 : memref<1000000x128xf32, #tpu.memory_space<hbm>>) dst(%arg22 : memref<64x128xf32, #tpu.memory_space<vmem>>)
    %dma_wait3A_189 = arith.constant 128 : i32
    %dma_wait3A_190 = tpu.memref_slice %arg15[%dma_wait3A_189] : memref<512xi32, #tpu.memory_space<vmem>> -> memref<64xi32, #tpu.memory_space<vmem>>
    %dma_wait3A_191 = arith.constant 0 : i32
    %dma_wait3A_192 = arith.constant 0 : i32
    %dma_wait3A_193 = tpu.memref_slice %arg9[%dma_wait3A_191, %dma_wait3A_192] : memref<1000000x128xf32, #tpu.memory_space<hbm>> -> memref<1000000x128xf32, #tpu.memory_space<hbm>>
    tpu.wait_indirect_dma semaphore(%arg31 : memref<!tpu.dma_semaphore, #tpu.memory_space<semaphore_mem>>) src(%dma_wait3A_193 : memref<1000000x128xf32, #tpu.memory_space<hbm>>) dst(%arg23 : memref<64x128xf32, #tpu.memory_space<vmem>>)
    %scan3A_194 = arith.constant 0 : i32
    %scan3A_195 = arith.constant 4 : i32
    %scan3A_196 = arith.addi %scan3A_194, %scan3A_195 : i32
    %scan3A_197 = arith.constant 1 : i32
    %scan3A_198 = scf.for %scan3A_413 = %scan3A_194 to %scan3A_196 step %scan3A_197 iter_args(%scan3A_414 = %scan3A_152) -> (vector<16xf32>)  : i32 {
      %mul3A_415 = arith.constant 16 : i32
      %mul3A_416 = arith.muli %scan3A_413, %mul3A_415 : i32
      %add3A_417 = arith.constant 128 : i32
      %add3A_418 = arith.addi %add3A_417, %mul3A_416 : i32
      %scan3A_419 = arith.constant 0 : i32
      %scan3A_420 = arith.constant 0 : i32
      %scan3A_421 = arith.constant 16 : i32
      %scan3A_422 = arith.addi %scan3A_420, %scan3A_421 : i32
      %scan3A_423 = arith.constant 1 : i32
      %scan3A_424 = scf.for %scan3A_596 = %scan3A_420 to %scan3A_422 step %scan3A_423 iter_args(%scan3A_597 = %scan3A_419) -> (i32)  : i32 {
        %mul3A_598 = arith.constant 16 : i32
        %mul3A_599 = arith.muli %scan3A_413, %mul3A_598 : i32
        %add3A_600 = arith.addi %mul3A_599, %scan3A_596 : i32
        %add3A_601 = arith.addi %add3A_418, %scan3A_596 : i32
        %mul3A_602 = arith.constant 2 : i32
        %mul3A_603 = arith.muli %add3A_601, %mul3A_602 : i32
        %get3A_604 = arith.index_cast %mul3A_603 : i32 to index
        %get3A_605 = tpu.vector_load %arg16[%get3A_604] {strides = array<i32>} : memref<1040xi32, #tpu.memory_space<vmem>>, vector<16xi32>,
        %slice3A = vector.extract_strided_slice %get3A_605 {offsets = [0], sizes = [1], strides = [1]} : vector<16xi32> to vector<1xi32>
        %squeeze3A = vector.extract %slice3A[0] : i32 from vector<1xi32>
        %slice3A_606 = vector.extract_strided_slice %get3A_605 {offsets = [1], sizes = [1], strides = [1]} : vector<16xi32> to vector<1xi32>
        %squeeze3A_607 = vector.extract %slice3A_606[0] : i32 from vector<1xi32>
        %get3A_608 = arith.index_cast %add3A_600 : i32 to index
        %get3A_609 = arith.constant 0 : index
        %get3A_610 = tpu.vector_load %arg20[%get3A_608, %get3A_609] {strides = array<i32>} : memref<64x128xf32, #tpu.memory_space<vmem>>, vector<16xf32>,
        %get3A_611 = arith.index_cast %add3A_600 : i32 to index
        %get3A_612 = arith.constant 0 : index
        %get3A_613 = tpu.vector_load %arg21[%get3A_611, %get3A_612] {strides = array<i32>} : memref<64x128xf32, #tpu.memory_space<vmem>>, vector<16xf32>,
        %add3A_614 = arith.constant 0 : i32
        %add3A_615 = arith.addi %squeeze3A, %add3A_614 : i32
        %get3A_616 = arith.index_cast %add3A_615 : i32 to index
        %get3A_617 = tpu.vector_load %arg19[%get3A_616] {strides = array<i32>} : memref<512xf32, #tpu.memory_space<vmem>>, vector<16xf32>,
        %get3A_618 = arith.index_cast %add3A_600 : i32 to index
        %get3A_619 = arith.constant 0 : index
        %get3A_620 = tpu.vector_load %arg22[%get3A_618, %get3A_619] {strides = array<i32>} : memref<64x128xf32, #tpu.memory_space<vmem>>, vector<16xf32>,
        %get3A_621 = arith.index_cast %add3A_600 : i32 to index
        %get3A_622 = arith.constant 0 : index
        %get3A_623 = tpu.vector_load %arg23[%get3A_621, %get3A_622] {strides = array<i32>} : memref<64x128xf32, #tpu.memory_space<vmem>>, vector<16xf32>,
        %add3A_624 = arith.constant 0 : i32
        %add3A_625 = arith.addi %squeeze3A_607, %add3A_624 : i32
        %get3A_626 = arith.index_cast %add3A_625 : i32 to index
        %get3A_627 = tpu.vector_load %arg19[%get3A_626] {strides = array<i32>} : memref<512xf32, #tpu.memory_space<vmem>>, vector<16xf32>,
        %add3A_628 = arith.addf %get3A_610, %get3A_617 : vector<16xf32>
        %sub3A_629 = arith.subf %add3A_628, %get3A_613 : vector<16xf32>
        %abs3A = math.absf %sub3A_629 : vector<16xf32>
        %add3A_630 = arith.addf %broadcast_in_dim3A_42, %abs3A : vector<16xf32>
        %add3A_631 = arith.addf %get3A_620, %get3A_627 : vector<16xf32>
        %sub3A_632 = arith.subf %add3A_631, %get3A_623 : vector<16xf32>
        %abs3A_633 = math.absf %sub3A_632 : vector<16xf32>
        %add3A_634 = arith.addf %broadcast_in_dim3A_42, %abs3A_633 : vector<16xf32>
        %get3A_635 = arith.index_cast %add3A_600 : i32 to index
        %get3A_636 = arith.constant 16 : index
        %get3A_637 = tpu.vector_load %arg20[%get3A_635, %get3A_636] {strides = array<i32>} : memref<64x128xf32, #tpu.memory_space<vmem>>, vector<16xf32>,
        %get3A_638 = arith.index_cast %add3A_600 : i32 to index
        %get3A_639 = arith.constant 16 : index
        %get3A_640 = tpu.vector_load %arg21[%get3A_638, %get3A_639] {strides = array<i32>} : memref<64x128xf32, #tpu.memory_space<vmem>>, vector<16xf32>,
        %add3A_641 = arith.constant 16 : i32
        %add3A_642 = arith.addi %squeeze3A, %add3A_641 : i32
        %get3A_643 = arith.index_cast %add3A_642 : i32 to index
        %get3A_644 = tpu.vector_load %arg19[%get3A_643] {strides = array<i32>} : memref<512xf32, #tpu.memory_space<vmem>>, vector<16xf32>,
        %get3A_645 = arith.index_cast %add3A_600 : i32 to index
        %get3A_646 = arith.constant 16 : index
        %get3A_647 = tpu.vector_load %arg22[%get3A_645, %get3A_646] {strides = array<i32>} : memref<64x128xf32, #tpu.memory_space<vmem>>, vector<16xf32>,
        %get3A_648 = arith.index_cast %add3A_600 : i32 to index
        %get3A_649 = arith.constant 16 : index
        %get3A_650 = tpu.vector_load %arg23[%get3A_648, %get3A_649] {strides = array<i32>} : memref<64x128xf32, #tpu.memory_space<vmem>>, vector<16xf32>,
        %add3A_651 = arith.constant 16 : i32
        %add3A_652 = arith.addi %squeeze3A_607, %add3A_651 : i32
        %get3A_653 = arith.index_cast %add3A_652 : i32 to index
        %get3A_654 = tpu.vector_load %arg19[%get3A_653] {strides = array<i32>} : memref<512xf32, #tpu.memory_space<vmem>>, vector<16xf32>,
        %add3A_655 = arith.addf %get3A_637, %get3A_644 : vector<16xf32>
        %sub3A_656 = arith.subf %add3A_655, %get3A_640 : vector<16xf32>
        %abs3A_657 = math.absf %sub3A_656 : vector<16xf32>
        %add3A_658 = arith.addf %add3A_630, %abs3A_657 : vector<16xf32>
        %add3A_659 = arith.addf %get3A_647, %get3A_654 : vector<16xf32>
        %sub3A_660 = arith.subf %add3A_659, %get3A_650 : vector<16xf32>
        %abs3A_661 = math.absf %sub3A_660 : vector<16xf32>
        %add3A_662 = arith.addf %add3A_634, %abs3A_661 : vector<16xf32>
        %get3A_663 = arith.index_cast %add3A_600 : i32 to index
        %get3A_664 = arith.constant 32 : index
        %get3A_665 = tpu.vector_load %arg20[%get3A_663, %get3A_664] {strides = array<i32>} : memref<64x128xf32, #tpu.memory_space<vmem>>, vector<16xf32>,
        %get3A_666 = arith.index_cast %add3A_600 : i32 to index
        %get3A_667 = arith.constant 32 : index
        %get3A_668 = tpu.vector_load %arg21[%get3A_666, %get3A_667] {strides = array<i32>} : memref<64x128xf32, #tpu.memory_space<vmem>>, vector<16xf32>,
        %add3A_669 = arith.constant 32 : i32
        %add3A_670 = arith.addi %squeeze3A, %add3A_669 : i32
        %get3A_671 = arith.index_cast %add3A_670 : i32 to index
        %get3A_672 = tpu.vector_load %arg19[%get3A_671] {strides = array<i32>} : memref<512xf32, #tpu.memory_space<vmem>>, vector<16xf32>,
        %get3A_673 = arith.index_cast %add3A_600 : i32 to index
        %get3A_674 = arith.constant 32 : index
        %get3A_675 = tpu.vector_load %arg22[%get3A_673, %get3A_674] {strides = array<i32>} : memref<64x128xf32, #tpu.memory_space<vmem>>, vector<16xf32>,
        %get3A_676 = arith.index_cast %add3A_600 : i32 to index
        %get3A_677 = arith.constant 32 : index
        %get3A_678 = tpu.vector_load %arg23[%get3A_676, %get3A_677] {strides = array<i32>} : memref<64x128xf32, #tpu.memory_space<vmem>>, vector<16xf32>,
        %add3A_679 = arith.constant 32 : i32
        %add3A_680 = arith.addi %squeeze3A_607, %add3A_679 : i32
        %get3A_681 = arith.index_cast %add3A_680 : i32 to index
        %get3A_682 = tpu.vector_load %arg19[%get3A_681] {strides = array<i32>} : memref<512xf32, #tpu.memory_space<vmem>>, vector<16xf32>,
        %add3A_683 = arith.addf %get3A_665, %get3A_672 : vector<16xf32>
        %sub3A_684 = arith.subf %add3A_683, %get3A_668 : vector<16xf32>
        %abs3A_685 = math.absf %sub3A_684 : vector<16xf32>
        %add3A_686 = arith.addf %add3A_658, %abs3A_685 : vector<16xf32>
        %add3A_687 = arith.addf %get3A_675, %get3A_682 : vector<16xf32>
        %sub3A_688 = arith.subf %add3A_687, %get3A_678 : vector<16xf32>
        %abs3A_689 = math.absf %sub3A_688 : vector<16xf32>
        %add3A_690 = arith.addf %add3A_662, %abs3A_689 : vector<16xf32>
        %get3A_691 = arith.index_cast %add3A_600 : i32 to index
        %get3A_692 = arith.constant 48 : index
        %get3A_693 = tpu.vector_load %arg20[%get3A_691, %get3A_692] {strides = array<i32>} : memref<64x128xf32, #tpu.memory_space<vmem>>, vector<16xf32>,
        %get3A_694 = arith.index_cast %add3A_600 : i32 to index
        %get3A_695 = arith.constant 48 : index
        %get3A_696 = tpu.vector_load %arg21[%get3A_694, %get3A_695] {strides = array<i32>} : memref<64x128xf32, #tpu.memory_space<vmem>>, vector<16xf32>,
        %add3A_697 = arith.constant 48 : i32
        %add3A_698 = arith.addi %squeeze3A, %add3A_697 : i32
        %get3A_699 = arith.index_cast %add3A_698 : i32 to index
        %get3A_700 = tpu.vector_load %arg19[%get3A_699] {strides = array<i32>} : memref<512xf32, #tpu.memory_space<vmem>>, vector<16xf32>,
        %get3A_701 = arith.index_cast %add3A_600 : i32 to index
        %get3A_702 = arith.constant 48 : index
        %get3A_703 = tpu.vector_load %arg22[%get3A_701, %get3A_702] {strides = array<i32>} : memref<64x128xf32, #tpu.memory_space<vmem>>, vector<16xf32>,
        %get3A_704 = arith.index_cast %add3A_600 : i32 to index
        %get3A_705 = arith.constant 48 : index
        %get3A_706 = tpu.vector_load %arg23[%get3A_704, %get3A_705] {strides = array<i32>} : memref<64x128xf32, #tpu.memory_space<vmem>>, vector<16xf32>,
        %add3A_707 = arith.constant 48 : i32
        %add3A_708 = arith.addi %squeeze3A_607, %add3A_707 : i32
        %get3A_709 = arith.index_cast %add3A_708 : i32 to index
        %get3A_710 = tpu.vector_load %arg19[%get3A_709] {strides = array<i32>} : memref<512xf32, #tpu.memory_space<vmem>>, vector<16xf32>,
        %add3A_711 = arith.addf %get3A_693, %get3A_700 : vector<16xf32>
        %sub3A_712 = arith.subf %add3A_711, %get3A_696 : vector<16xf32>
        %abs3A_713 = math.absf %sub3A_712 : vector<16xf32>
        %add3A_714 = arith.addf %add3A_686, %abs3A_713 : vector<16xf32>
        %add3A_715 = arith.addf %get3A_703, %get3A_710 : vector<16xf32>
        %sub3A_716 = arith.subf %add3A_715, %get3A_706 : vector<16xf32>
        %abs3A_717 = math.absf %sub3A_716 : vector<16xf32>
        %add3A_718 = arith.addf %add3A_690, %abs3A_717 : vector<16xf32>
        %mul3A_719 = arith.constant 17 : i32
        %mul3A_720 = arith.muli %scan3A_596, %mul3A_719 : i32
        %swap3A_721 = arith.index_cast %mul3A_720 : i32 to index
        %swap3A_722 = tpu.vector_load %arg28[%swap3A_721] {strides = array<i32>} : memref<272xf32, #tpu.memory_space<vmem>>, vector<16xf32>,
        tpu.vector_store %arg28[%swap3A_721], %add3A_714 {strides = array<i32>} : memref<272xf32, #tpu.memory_space<vmem>>, vector<16xf32>,
        %mul3A_723 = arith.constant 17 : i32
        %mul3A_724 = arith.muli %scan3A_596, %mul3A_723 : i32
        %swap3A_725 = arith.index_cast %mul3A_724 : i32 to index
        %swap3A_726 = tpu.vector_load %arg29[%swap3A_725] {strides = array<i32>} : memref<272xf32, #tpu.memory_space<vmem>>, vector<16xf32>,
        tpu.vector_store %arg29[%swap3A_725], %add3A_718 {strides = array<i32>} : memref<272xf32, #tpu.memory_space<vmem>>, vector<16xf32>,
        %scan3A_727 = arith.constant 0 : i32
        scf.yield %scan3A_727 : i32
      }
      %scan3A_425 = arith.constant 16 : i32
      %add3A_426 = arith.constant 0 : i32
      %add3A_427 = vector.broadcast %add3A_426 : i32 to vector<16xi32>
      %add3A_428 = arith.addi %mul3A_41, %add3A_427 : vector<16xi32>
      %gather3A = tpu.vector_load_idx %arg28[%add3A_428] : memref<272xf32, #tpu.memory_space<vmem>>[vector<16xi32>], vector<16xf32>,
      %add3A_429 = arith.addf %broadcast_in_dim3A_42, %gather3A : vector<16xf32>
      %add3A_430 = arith.constant 0 : i32
      %add3A_431 = vector.broadcast %add3A_430 : i32 to vector<16xi32>
      %add3A_432 = arith.addi %mul3A_41, %add3A_431 : vector<16xi32>
      %gather3A_433 = tpu.vector_load_idx %arg29[%add3A_432] : memref<272xf32, #tpu.memory_space<vmem>>[vector<16xi32>], vector<16xf32>,
      %add3A_434 = arith.addf %broadcast_in_dim3A_42, %gather3A_433 : vector<16xf32>
      %add3A_435 = arith.constant 1 : i32
      %add3A_436 = vector.broadcast %add3A_435 : i32 to vector<16xi32>
      %add3A_437 = arith.addi %mul3A_41, %add3A_436 : vector<16xi32>
      %gather3A_438 = tpu.vector_load_idx %arg28[%add3A_437] : memref<272xf32, #tpu.memory_space<vmem>>[vector<16xi32>], vector<16xf32>,
      %add3A_439 = arith.addf %add3A_429, %gather3A_438 : vector<16xf32>
      %add3A_440 = arith.constant 1 : i32
      %add3A_441 = vector.broadcast %add3A_440 : i32 to vector<16xi32>
      %add3A_442 = arith.addi %mul3A_41, %add3A_441 : vector<16xi32>
      %gather3A_443 = tpu.vector_load_idx %arg29[%add3A_442] : memref<272xf32, #tpu.memory_space<vmem>>[vector<16xi32>], vector<16xf32>,
      %add3A_444 = arith.addf %add3A_434, %gather3A_443 : vector<16xf32>
      %add3A_445 = arith.constant 2 : i32
      %add3A_446 = vector.broadcast %add3A_445 : i32 to vector<16xi32>
      %add3A_447 = arith.addi %mul3A_41, %add3A_446 : vector<16xi32>
      %gather3A_448 = tpu.vector_load_idx %arg28[%add3A_447] : memref<272xf32, #tpu.memory_space<vmem>>[vector<16xi32>], vector<16xf32>,
      %add3A_449 = arith.addf %add3A_439, %gather3A_448 : vector<16xf32>
      %add3A_450 = arith.constant 2 : i32
      %add3A_451 = vector.broadcast %add3A_450 : i32 to vector<16xi32>
      %add3A_452 = arith.addi %mul3A_41, %add3A_451 : vector<16xi32>
      %gather3A_453 = tpu.vector_load_idx %arg29[%add3A_452] : memref<272xf32, #tpu.memory_space<vmem>>[vector<16xi32>], vector<16xf32>,
      %add3A_454 = arith.addf %add3A_444, %gather3A_453 : vector<16xf32>
      %add3A_455 = arith.constant 3 : i32
      %add3A_456 = vector.broadcast %add3A_455 : i32 to vector<16xi32>
      %add3A_457 = arith.addi %mul3A_41, %add3A_456 : vector<16xi32>
      %gather3A_458 = tpu.vector_load_idx %arg28[%add3A_457] : memref<272xf32, #tpu.memory_space<vmem>>[vector<16xi32>], vector<16xf32>,
      %add3A_459 = arith.addf %add3A_449, %gather3A_458 : vector<16xf32>
      %add3A_460 = arith.constant 3 : i32
      %add3A_461 = vector.broadcast %add3A_460 : i32 to vector<16xi32>
      %add3A_462 = arith.addi %mul3A_41, %add3A_461 : vector<16xi32>
      %gather3A_463 = tpu.vector_load_idx %arg29[%add3A_462] : memref<272xf32, #tpu.memory_space<vmem>>[vector<16xi32>], vector<16xf32>,
      %add3A_464 = arith.addf %add3A_454, %gather3A_463 : vector<16xf32>
      %add3A_465 = arith.constant 4 : i32
      %add3A_466 = vector.broadcast %add3A_465 : i32 to vector<16xi32>
      %add3A_467 = arith.addi %mul3A_41, %add3A_466 : vector<16xi32>
      %gather3A_468 = tpu.vector_load_idx %arg28[%add3A_467] : memref<272xf32, #tpu.memory_space<vmem>>[vector<16xi32>], vector<16xf32>,
      %add3A_469 = arith.addf %add3A_459, %gather3A_468 : vector<16xf32>
      %add3A_470 = arith.constant 4 : i32
      %add3A_471 = vector.broadcast %add3A_470 : i32 to vector<16xi32>
      %add3A_472 = arith.addi %mul3A_41, %add3A_471 : vector<16xi32>
      %gather3A_473 = tpu.vector_load_idx %arg29[%add3A_472] : memref<272xf32, #tpu.memory_space<vmem>>[vector<16xi32>], vector<16xf32>,
      %add3A_474 = arith.addf %add3A_464, %gather3A_473 : vector<16xf32>
      %add3A_475 = arith.constant 5 : i32
      %add3A_476 = vector.broadcast %add3A_475 : i32 to vector<16xi32>
      %add3A_477 = arith.addi %mul3A_41, %add3A_476 : vector<16xi32>
      %gather3A_478 = tpu.vector_load_idx %arg28[%add3A_477] : memref<272xf32, #tpu.memory_space<vmem>>[vector<16xi32>], vector<16xf32>,
      %add3A_479 = arith.addf %add3A_469, %gather3A_478 : vector<16xf32>
      %add3A_480 = arith.constant 5 : i32
      %add3A_481 = vector.broadcast %add3A_480 : i32 to vector<16xi32>
      %add3A_482 = arith.addi %mul3A_41, %add3A_481 : vector<16xi32>
      %gather3A_483 = tpu.vector_load_idx %arg29[%add3A_482] : memref<272xf32, #tpu.memory_space<vmem>>[vector<16xi32>], vector<16xf32>,
      %add3A_484 = arith.addf %add3A_474, %gather3A_483 : vector<16xf32>
      %add3A_485 = arith.constant 6 : i32
      %add3A_486 = vector.broadcast %add3A_485 : i32 to vector<16xi32>
      %add3A_487 = arith.addi %mul3A_41, %add3A_486 : vector<16xi32>
      %gather3A_488 = tpu.vector_load_idx %arg28[%add3A_487] : memref<272xf32, #tpu.memory_space<vmem>>[vector<16xi32>], vector<16xf32>,
      %add3A_489 = arith.addf %add3A_479, %gather3A_488 : vector<16xf32>
      %add3A_490 = arith.constant 6 : i32
      %add3A_491 = vector.broadcast %add3A_490 : i32 to vector<16xi32>
      %add3A_492 = arith.addi %mul3A_41, %add3A_491 : vector<16xi32>
      %gather3A_493 = tpu.vector_load_idx %arg29[%add3A_492] : memref<272xf32, #tpu.memory_space<vmem>>[vector<16xi32>], vector<16xf32>,
      %add3A_494 = arith.addf %add3A_484, %gather3A_493 : vector<16xf32>
      %add3A_495 = arith.constant 7 : i32
      %add3A_496 = vector.broadcast %add3A_495 : i32 to vector<16xi32>
      %add3A_497 = arith.addi %mul3A_41, %add3A_496 : vector<16xi32>
      %gather3A_498 = tpu.vector_load_idx %arg28[%add3A_497] : memref<272xf32, #tpu.memory_space<vmem>>[vector<16xi32>], vector<16xf32>,
      %add3A_499 = arith.addf %add3A_489, %gather3A_498 : vector<16xf32>
      %add3A_500 = arith.constant 7 : i32
      %add3A_501 = vector.broadcast %add3A_500 : i32 to vector<16xi32>
      %add3A_502 = arith.addi %mul3A_41, %add3A_501 : vector<16xi32>
      %gather3A_503 = tpu.vector_load_idx %arg29[%add3A_502] : memref<272xf32, #tpu.memory_space<vmem>>[vector<16xi32>], vector<16xf32>,
      %add3A_504 = arith.addf %add3A_494, %gather3A_503 : vector<16xf32>
      %add3A_505 = arith.constant 8 : i32
      %add3A_506 = vector.broadcast %add3A_505 : i32 to vector<16xi32>
      %add3A_507 = arith.addi %mul3A_41, %add3A_506 : vector<16xi32>
      %gather3A_508 = tpu.vector_load_idx %arg28[%add3A_507] : memref<272xf32, #tpu.memory_space<vmem>>[vector<16xi32>], vector<16xf32>,
      %add3A_509 = arith.addf %add3A_499, %gather3A_508 : vector<16xf32>
      %add3A_510 = arith.constant 8 : i32
      %add3A_511 = vector.broadcast %add3A_510 : i32 to vector<16xi32>
      %add3A_512 = arith.addi %mul3A_41, %add3A_511 : vector<16xi32>
      %gather3A_513 = tpu.vector_load_idx %arg29[%add3A_512] : memref<272xf32, #tpu.memory_space<vmem>>[vector<16xi32>], vector<16xf32>,
      %add3A_514 = arith.addf %add3A_504, %gather3A_513 : vector<16xf32>
      %add3A_515 = arith.constant 9 : i32
      %add3A_516 = vector.broadcast %add3A_515 : i32 to vector<16xi32>
      %add3A_517 = arith.addi %mul3A_41, %add3A_516 : vector<16xi32>
      %gather3A_518 = tpu.vector_load_idx %arg28[%add3A_517] : memref<272xf32, #tpu.memory_space<vmem>>[vector<16xi32>], vector<16xf32>,
      %add3A_519 = arith.addf %add3A_509, %gather3A_518 : vector<16xf32>
      %add3A_520 = arith.constant 9 : i32
      %add3A_521 = vector.broadcast %add3A_520 : i32 to vector<16xi32>
      %add3A_522 = arith.addi %mul3A_41, %add3A_521 : vector<16xi32>
      %gather3A_523 = tpu.vector_load_idx %arg29[%add3A_522] : memref<272xf32, #tpu.memory_space<vmem>>[vector<16xi32>], vector<16xf32>,
      %add3A_524 = arith.addf %add3A_514, %gather3A_523 : vector<16xf32>
      %add3A_525 = arith.constant 10 : i32
      %add3A_526 = vector.broadcast %add3A_525 : i32 to vector<16xi32>
      %add3A_527 = arith.addi %mul3A_41, %add3A_526 : vector<16xi32>
      %gather3A_528 = tpu.vector_load_idx %arg28[%add3A_527] : memref<272xf32, #tpu.memory_space<vmem>>[vector<16xi32>], vector<16xf32>,
      %add3A_529 = arith.addf %add3A_519, %gather3A_528 : vector<16xf32>
      %add3A_530 = arith.constant 10 : i32
      %add3A_531 = vector.broadcast %add3A_530 : i32 to vector<16xi32>
      %add3A_532 = arith.addi %mul3A_41, %add3A_531 : vector<16xi32>
      %gather3A_533 = tpu.vector_load_idx %arg29[%add3A_532] : memref<272xf32, #tpu.memory_space<vmem>>[vector<16xi32>], vector<16xf32>,
      %add3A_534 = arith.addf %add3A_524, %gather3A_533 : vector<16xf32>
      %add3A_535 = arith.constant 11 : i32
      %add3A_536 = vector.broadcast %add3A_535 : i32 to vector<16xi32>
      %add3A_537 = arith.addi %mul3A_41, %add3A_536 : vector<16xi32>
      %gather3A_538 = tpu.vector_load_idx %arg28[%add3A_537] : memref<272xf32, #tpu.memory_space<vmem>>[vector<16xi32>], vector<16xf32>,
      %add3A_539 = arith.addf %add3A_529, %gather3A_538 : vector<16xf32>
      %add3A_540 = arith.constant 11 : i32
      %add3A_541 = vector.broadcast %add3A_540 : i32 to vector<16xi32>
      %add3A_542 = arith.addi %mul3A_41, %add3A_541 : vector<16xi32>
      %gather3A_543 = tpu.vector_load_idx %arg29[%add3A_542] : memref<272xf32, #tpu.memory_space<vmem>>[vector<16xi32>], vector<16xf32>,
      %add3A_544 = arith.addf %add3A_534, %gather3A_543 : vector<16xf32>
      %add3A_545 = arith.constant 12 : i32
      %add3A_546 = vector.broadcast %add3A_545 : i32 to vector<16xi32>
      %add3A_547 = arith.addi %mul3A_41, %add3A_546 : vector<16xi32>
      %gather3A_548 = tpu.vector_load_idx %arg28[%add3A_547] : memref<272xf32, #tpu.memory_space<vmem>>[vector<16xi32>], vector<16xf32>,
      %add3A_549 = arith.addf %add3A_539, %gather3A_548 : vector<16xf32>
      %add3A_550 = arith.constant 12 : i32
      %add3A_551 = vector.broadcast %add3A_550 : i32 to vector<16xi32>
      %add3A_552 = arith.addi %mul3A_41, %add3A_551 : vector<16xi32>
      %gather3A_553 = tpu.vector_load_idx %arg29[%add3A_552] : memref<272xf32, #tpu.memory_space<vmem>>[vector<16xi32>], vector<16xf32>,
      %add3A_554 = arith.addf %add3A_544, %gather3A_553 : vector<16xf32>
      %add3A_555 = arith.constant 13 : i32
      %add3A_556 = vector.broadcast %add3A_555 : i32 to vector<16xi32>
      %add3A_557 = arith.addi %mul3A_41, %add3A_556 : vector<16xi32>
      %gather3A_558 = tpu.vector_load_idx %arg28[%add3A_557] : memref<272xf32, #tpu.memory_space<vmem>>[vector<16xi32>], vector<16xf32>,
      %add3A_559 = arith.addf %add3A_549, %gather3A_558 : vector<16xf32>
      %add3A_560 = arith.constant 13 : i32
      %add3A_561 = vector.broadcast %add3A_560 : i32 to vector<16xi32>
      %add3A_562 = arith.addi %mul3A_41, %add3A_561 : vector<16xi32>
      %gather3A_563 = tpu.vector_load_idx %arg29[%add3A_562] : memref<272xf32, #tpu.memory_space<vmem>>[vector<16xi32>], vector<16xf32>,
      %add3A_564 = arith.addf %add3A_554, %gather3A_563 : vector<16xf32>
      %add3A_565 = arith.constant 14 : i32
      %add3A_566 = vector.broadcast %add3A_565 : i32 to vector<16xi32>
      %add3A_567 = arith.addi %mul3A_41, %add3A_566 : vector<16xi32>
      %gather3A_568 = tpu.vector_load_idx %arg28[%add3A_567] : memref<272xf32, #tpu.memory_space<vmem>>[vector<16xi32>], vector<16xf32>,
      %add3A_569 = arith.addf %add3A_559, %gather3A_568 : vector<16xf32>
      %add3A_570 = arith.constant 14 : i32
      %add3A_571 = vector.broadcast %add3A_570 : i32 to vector<16xi32>
      %add3A_572 = arith.addi %mul3A_41, %add3A_571 : vector<16xi32>
      %gather3A_573 = tpu.vector_load_idx %arg29[%add3A_572] : memref<272xf32, #tpu.memory_space<vmem>>[vector<16xi32>], vector<16xf32>,
      %add3A_574 = arith.addf %add3A_564, %gather3A_573 : vector<16xf32>
      %add3A_575 = arith.constant 15 : i32
      %add3A_576 = vector.broadcast %add3A_575 : i32 to vector<16xi32>
      %add3A_577 = arith.addi %mul3A_41, %add3A_576 : vector<16xi32>
      %gather3A_578 = tpu.vector_load_idx %arg28[%add3A_577] : memref<272xf32, #tpu.memory_space<vmem>>[vector<16xi32>], vector<16xf32>,
      %add3A_579 = arith.addf %add3A_569, %gather3A_578 : vector<16xf32>
      %add3A_580 = arith.constant 15 : i32
      %add3A_581 = vector.broadcast %add3A_580 : i32 to vector<16xi32>
      %add3A_582 = arith.addi %mul3A_41, %add3A_581 : vector<16xi32>
      %gather3A_583 = tpu.vector_load_idx %arg29[%add3A_582] : memref<272xf32, #tpu.memory_space<vmem>>[vector<16xi32>], vector<16xf32>,
      %add3A_584 = arith.addf %add3A_574, %gather3A_583 : vector<16xf32>
      %get3A = arith.index_cast %add3A_418 : i32 to index
      %get3A_585 = tpu.vector_load %arg17[%get3A] {strides = array<i32>} : memref<512xf32, #tpu.memory_space<vmem>>, vector<16xf32>,
      %get3A_586 = arith.index_cast %add3A_418 : i32 to index
      %get3A_587 = tpu.vector_load %arg18[%get3A_586] {strides = array<i32>} : memref<512xf32, #tpu.memory_space<vmem>>, vector<16xf32>,
      %mul3A_588 = arith.mulf %get3A_585, %add3A_579 : vector<16xf32>
      %mul3A_589 = arith.mulf %get3A_587, %add3A_584 : vector<16xf32>
      %sub3A = arith.subf %mul3A_588, %mul3A_589 : vector<16xf32>
      %add3A_590 = arith.constant 1.000000e+00 : f32
      %add3A_591 = vector.broadcast %add3A_590 : f32 to vector<16xf32>
      %add3A_592 = arith.addf %sub3A, %add3A_591 : vector<16xf32>
      %max3A = arith.constant 0.000000e+00 : f32
      %max3A_593 = vector.broadcast %max3A : f32 to vector<16xf32>
      %max3A_594 = arith.maximumf %add3A_592, %max3A_593 : vector<16xf32>
      %add3A_595 = arith.addf %scan3A_414, %max3A_594 : vector<16xf32>
      scf.yield %add3A_595 : vector<16xf32>
    }
    %scan3A_199 = arith.constant 4 : i32
    %dma_start3A_200 = arith.constant 256 : i32
    %dma_start3A_201 = tpu.memref_slice %arg12[%dma_start3A_200] : memref<512xi32, #tpu.memory_space<vmem>> -> memref<64xi32, #tpu.memory_space<vmem>>
    %dma_start3A_202 = arith.constant 0 : i32
    %dma_start3A_203 = arith.constant 0 : i32
    %dma_start3A_204 = tpu.memref_slice %arg9[%dma_start3A_202, %dma_start3A_203] : memref<1000000x128xf32, #tpu.memory_space<hbm>> -> memref<1000000x128xf32, #tpu.memory_space<hbm>>
    tpu.enqueue_indirect_dma source(%dma_start3A_204 : memref<1000000x128xf32, #tpu.memory_space<hbm>>) target(%arg20 : memref<64x128xf32, #tpu.memory_space<vmem>>) offsets(%dma_start3A_201 : memref<64xi32, #tpu.memory_space<vmem>>) semaphore(%arg31 : memref<!tpu.dma_semaphore, #tpu.memory_space<semaphore_mem>>)
    %dma_start3A_205 = arith.constant 256 : i32
    %dma_start3A_206 = tpu.memref_slice %arg13[%dma_start3A_205] : memref<512xi32, #tpu.memory_space<vmem>> -> memref<64xi32, #tpu.memory_space<vmem>>
    %dma_start3A_207 = arith.constant 0 : i32
    %dma_start3A_208 = arith.constant 0 : i32
    %dma_start3A_209 = tpu.memref_slice %arg9[%dma_start3A_207, %dma_start3A_208] : memref<1000000x128xf32, #tpu.memory_space<hbm>> -> memref<1000000x128xf32, #tpu.memory_space<hbm>>
    tpu.enqueue_indirect_dma source(%dma_start3A_209 : memref<1000000x128xf32, #tpu.memory_space<hbm>>) target(%arg21 : memref<64x128xf32, #tpu.memory_space<vmem>>) offsets(%dma_start3A_206 : memref<64xi32, #tpu.memory_space<vmem>>) semaphore(%arg31 : memref<!tpu.dma_semaphore, #tpu.memory_space<semaphore_mem>>)
    %dma_start3A_210 = arith.constant 256 : i32
    %dma_start3A_211 = tpu.memref_slice %arg14[%dma_start3A_210] : memref<512xi32, #tpu.memory_space<vmem>> -> memref<64xi32, #tpu.memory_space<vmem>>
    %dma_start3A_212 = arith.constant 0 : i32
    %dma_start3A_213 = arith.constant 0 : i32
    %dma_start3A_214 = tpu.memref_slice %arg9[%dma_start3A_212, %dma_start3A_213] : memref<1000000x128xf32, #tpu.memory_space<hbm>> -> memref<1000000x128xf32, #tpu.memory_space<hbm>>
    tpu.enqueue_indirect_dma source(%dma_start3A_214 : memref<1000000x128xf32, #tpu.memory_space<hbm>>) target(%arg22 : memref<64x128xf32, #tpu.memory_space<vmem>>) offsets(%dma_start3A_211 : memref<64xi32, #tpu.memory_space<vmem>>) semaphore(%arg31 : memref<!tpu.dma_semaphore, #tpu.memory_space<semaphore_mem>>)
    %dma_start3A_215 = arith.constant 256 : i32
    %dma_start3A_216 = tpu.memref_slice %arg15[%dma_start3A_215] : memref<512xi32, #tpu.memory_space<vmem>> -> memref<64xi32, #tpu.memory_space<vmem>>
    %dma_start3A_217 = arith.constant 0 : i32
    %dma_start3A_218 = arith.constant 0 : i32
    %dma_start3A_219 = tpu.memref_slice %arg9[%dma_start3A_217, %dma_start3A_218] : memref<1000000x128xf32, #tpu.memory_space<hbm>> -> memref<1000000x128xf32, #tpu.memory_space<hbm>>
    tpu.enqueue_indirect_dma source(%dma_start3A_219 : memref<1000000x128xf32, #tpu.memory_space<hbm>>) target(%arg23 : memref<64x128xf32, #tpu.memory_space<vmem>>) offsets(%dma_start3A_216 : memref<64xi32, #tpu.memory_space<vmem>>) semaphore(%arg31 : memref<!tpu.dma_semaphore, #tpu.memory_space<semaphore_mem>>)
    %dma_wait3A_220 = arith.constant 192 : i32
    %dma_wait3A_221 = tpu.memref_slice %arg12[%dma_wait3A_220] : memref<512xi32, #tpu.memory_space<vmem>> -> memref<64xi32, #tpu.memory_space<vmem>>
    %dma_wait3A_222 = arith.constant 0 : i32
    %dma_wait3A_223 = arith.constant 0 : i32
    %dma_wait3A_224 = tpu.memref_slice %arg9[%dma_wait3A_222, %dma_wait3A_223] : memref<1000000x128xf32, #tpu.memory_space<hbm>> -> memref<1000000x128xf32, #tpu.memory_space<hbm>>
    tpu.wait_indirect_dma semaphore(%arg32 : memref<!tpu.dma_semaphore, #tpu.memory_space<semaphore_mem>>) src(%dma_wait3A_224 : memref<1000000x128xf32, #tpu.memory_space<hbm>>) dst(%arg24 : memref<64x128xf32, #tpu.memory_space<vmem>>)
    %dma_wait3A_225 = arith.constant 192 : i32
    %dma_wait3A_226 = tpu.memref_slice %arg13[%dma_wait3A_225] : memref<512xi32, #tpu.memory_space<vmem>> -> memref<64xi32, #tpu.memory_space<vmem>>
    %dma_wait3A_227 = arith.constant 0 : i32
    %dma_wait3A_228 = arith.constant 0 : i32
    %dma_wait3A_229 = tpu.memref_slice %arg9[%dma_wait3A_227, %dma_wait3A_228] : memref<1000000x128xf32, #tpu.memory_space<hbm>> -> memref<1000000x128xf32, #tpu.memory_space<hbm>>
    tpu.wait_indirect_dma semaphore(%arg32 : memref<!tpu.dma_semaphore, #tpu.memory_space<semaphore_mem>>) src(%dma_wait3A_229 : memref<1000000x128xf32, #tpu.memory_space<hbm>>) dst(%arg25 : memref<64x128xf32, #tpu.memory_space<vmem>>)
    %dma_wait3A_230 = arith.constant 192 : i32
    %dma_wait3A_231 = tpu.memref_slice %arg14[%dma_wait3A_230] : memref<512xi32, #tpu.memory_space<vmem>> -> memref<64xi32, #tpu.memory_space<vmem>>
    %dma_wait3A_232 = arith.constant 0 : i32
    %dma_wait3A_233 = arith.constant 0 : i32
    %dma_wait3A_234 = tpu.memref_slice %arg9[%dma_wait3A_232, %dma_wait3A_233] : memref<1000000x128xf32, #tpu.memory_space<hbm>> -> memref<1000000x128xf32, #tpu.memory_space<hbm>>
    tpu.wait_indirect_dma semaphore(%arg32 : memref<!tpu.dma_semaphore, #tpu.memory_space<semaphore_mem>>) src(%dma_wait3A_234 : memref<1000000x128xf32, #tpu.memory_space<hbm>>) dst(%arg26 : memref<64x128xf32, #tpu.memory_space<vmem>>)
    %dma_wait3A_235 = arith.constant 192 : i32
    %dma_wait3A_236 = tpu.memref_slice %arg15[%dma_wait3A_235] : memref<512xi32, #tpu.memory_space<vmem>> -> memref<64xi32, #tpu.memory_space<vmem>>
    %dma_wait3A_237 = arith.constant 0 : i32
    %dma_wait3A_238 = arith.constant 0 : i32
    %dma_wait3A_239 = tpu.memref_slice %arg9[%dma_wait3A_237, %dma_wait3A_238] : memref<1000000x128xf32, #tpu.memory_space<hbm>> -> memref<1000000x128xf32, #tpu.memory_space<hbm>>
    tpu.wait_indirect_dma semaphore(%arg32 : memref<!tpu.dma_semaphore, #tpu.memory_space<semaphore_mem>>) src(%dma_wait3A_239 : memref<1000000x128xf32, #tpu.memory_space<hbm>>) dst(%arg27 : memref<64x128xf32, #tpu.memory_space<vmem>>)
    %scan3A_240 = arith.constant 0 : i32
    %scan3A_241 = arith.constant 4 : i32
    %scan3A_242 = arith.addi %scan3A_240, %scan3A_241 : i32
    %scan3A_243 = arith.constant 1 : i32
    %scan3A_244 = scf.for %scan3A_413 = %scan3A_240 to %scan3A_242 step %scan3A_243 iter_args(%scan3A_414 = %scan3A_198) -> (vector<16xf32>)  : i32 {
      %mul3A_415 = arith.constant 16 : i32
      %mul3A_416 = arith.muli %scan3A_413, %mul3A_415 : i32
      %add3A_417 = arith.constant 192 : i32
      %add3A_418 = arith.addi %add3A_417, %mul3A_416 : i32
      %scan3A_419 = arith.constant 0 : i32
      %scan3A_420 = arith.constant 0 : i32
      %scan3A_421 = arith.constant 16 : i32
      %scan3A_422 = arith.addi %scan3A_420, %scan3A_421 : i32
      %scan3A_423 = arith.constant 1 : i32
      %scan3A_424 = scf.for %scan3A_596 = %scan3A_420 to %scan3A_422 step %scan3A_423 iter_args(%scan3A_597 = %scan3A_419) -> (i32)  : i32 {
        %mul3A_598 = arith.constant 16 : i32
        %mul3A_599 = arith.muli %scan3A_413, %mul3A_598 : i32
        %add3A_600 = arith.addi %mul3A_599, %scan3A_596 : i32
        %add3A_601 = arith.addi %add3A_418, %scan3A_596 : i32
        %mul3A_602 = arith.constant 2 : i32
        %mul3A_603 = arith.muli %add3A_601, %mul3A_602 : i32
        %get3A_604 = arith.index_cast %mul3A_603 : i32 to index
        %get3A_605 = tpu.vector_load %arg16[%get3A_604] {strides = array<i32>} : memref<1040xi32, #tpu.memory_space<vmem>>, vector<16xi32>,
        %slice3A = vector.extract_strided_slice %get3A_605 {offsets = [0], sizes = [1], strides = [1]} : vector<16xi32> to vector<1xi32>
        %squeeze3A = vector.extract %slice3A[0] : i32 from vector<1xi32>
        %slice3A_606 = vector.extract_strided_slice %get3A_605 {offsets = [1], sizes = [1], strides = [1]} : vector<16xi32> to vector<1xi32>
        %squeeze3A_607 = vector.extract %slice3A_606[0] : i32 from vector<1xi32>
        %get3A_608 = arith.index_cast %add3A_600 : i32 to index
        %get3A_609 = arith.constant 0 : index
        %get3A_610 = tpu.vector_load %arg24[%get3A_608, %get3A_609] {strides = array<i32>} : memref<64x128xf32, #tpu.memory_space<vmem>>, vector<16xf32>,
        %get3A_611 = arith.index_cast %add3A_600 : i32 to index
        %get3A_612 = arith.constant 0 : index
        %get3A_613 = tpu.vector_load %arg25[%get3A_611, %get3A_612] {strides = array<i32>} : memref<64x128xf32, #tpu.memory_space<vmem>>, vector<16xf32>,
        %add3A_614 = arith.constant 0 : i32
        %add3A_615 = arith.addi %squeeze3A, %add3A_614 : i32
        %get3A_616 = arith.index_cast %add3A_615 : i32 to index
        %get3A_617 = tpu.vector_load %arg19[%get3A_616] {strides = array<i32>} : memref<512xf32, #tpu.memory_space<vmem>>, vector<16xf32>,
        %get3A_618 = arith.index_cast %add3A_600 : i32 to index
        %get3A_619 = arith.constant 0 : index
        %get3A_620 = tpu.vector_load %arg26[%get3A_618, %get3A_619] {strides = array<i32>} : memref<64x128xf32, #tpu.memory_space<vmem>>, vector<16xf32>,
        %get3A_621 = arith.index_cast %add3A_600 : i32 to index
        %get3A_622 = arith.constant 0 : index
        %get3A_623 = tpu.vector_load %arg27[%get3A_621, %get3A_622] {strides = array<i32>} : memref<64x128xf32, #tpu.memory_space<vmem>>, vector<16xf32>,
        %add3A_624 = arith.constant 0 : i32
        %add3A_625 = arith.addi %squeeze3A_607, %add3A_624 : i32
        %get3A_626 = arith.index_cast %add3A_625 : i32 to index
        %get3A_627 = tpu.vector_load %arg19[%get3A_626] {strides = array<i32>} : memref<512xf32, #tpu.memory_space<vmem>>, vector<16xf32>,
        %add3A_628 = arith.addf %get3A_610, %get3A_617 : vector<16xf32>
        %sub3A_629 = arith.subf %add3A_628, %get3A_613 : vector<16xf32>
        %abs3A = math.absf %sub3A_629 : vector<16xf32>
        %add3A_630 = arith.addf %broadcast_in_dim3A_42, %abs3A : vector<16xf32>
        %add3A_631 = arith.addf %get3A_620, %get3A_627 : vector<16xf32>
        %sub3A_632 = arith.subf %add3A_631, %get3A_623 : vector<16xf32>
        %abs3A_633 = math.absf %sub3A_632 : vector<16xf32>
        %add3A_634 = arith.addf %broadcast_in_dim3A_42, %abs3A_633 : vector<16xf32>
        %get3A_635 = arith.index_cast %add3A_600 : i32 to index
        %get3A_636 = arith.constant 16 : index
        %get3A_637 = tpu.vector_load %arg24[%get3A_635, %get3A_636] {strides = array<i32>} : memref<64x128xf32, #tpu.memory_space<vmem>>, vector<16xf32>,
        %get3A_638 = arith.index_cast %add3A_600 : i32 to index
        %get3A_639 = arith.constant 16 : index
        %get3A_640 = tpu.vector_load %arg25[%get3A_638, %get3A_639] {strides = array<i32>} : memref<64x128xf32, #tpu.memory_space<vmem>>, vector<16xf32>,
        %add3A_641 = arith.constant 16 : i32
        %add3A_642 = arith.addi %squeeze3A, %add3A_641 : i32
        %get3A_643 = arith.index_cast %add3A_642 : i32 to index
        %get3A_644 = tpu.vector_load %arg19[%get3A_643] {strides = array<i32>} : memref<512xf32, #tpu.memory_space<vmem>>, vector<16xf32>,
        %get3A_645 = arith.index_cast %add3A_600 : i32 to index
        %get3A_646 = arith.constant 16 : index
        %get3A_647 = tpu.vector_load %arg26[%get3A_645, %get3A_646] {strides = array<i32>} : memref<64x128xf32, #tpu.memory_space<vmem>>, vector<16xf32>,
        %get3A_648 = arith.index_cast %add3A_600 : i32 to index
        %get3A_649 = arith.constant 16 : index
        %get3A_650 = tpu.vector_load %arg27[%get3A_648, %get3A_649] {strides = array<i32>} : memref<64x128xf32, #tpu.memory_space<vmem>>, vector<16xf32>,
        %add3A_651 = arith.constant 16 : i32
        %add3A_652 = arith.addi %squeeze3A_607, %add3A_651 : i32
        %get3A_653 = arith.index_cast %add3A_652 : i32 to index
        %get3A_654 = tpu.vector_load %arg19[%get3A_653] {strides = array<i32>} : memref<512xf32, #tpu.memory_space<vmem>>, vector<16xf32>,
        %add3A_655 = arith.addf %get3A_637, %get3A_644 : vector<16xf32>
        %sub3A_656 = arith.subf %add3A_655, %get3A_640 : vector<16xf32>
        %abs3A_657 = math.absf %sub3A_656 : vector<16xf32>
        %add3A_658 = arith.addf %add3A_630, %abs3A_657 : vector<16xf32>
        %add3A_659 = arith.addf %get3A_647, %get3A_654 : vector<16xf32>
        %sub3A_660 = arith.subf %add3A_659, %get3A_650 : vector<16xf32>
        %abs3A_661 = math.absf %sub3A_660 : vector<16xf32>
        %add3A_662 = arith.addf %add3A_634, %abs3A_661 : vector<16xf32>
        %get3A_663 = arith.index_cast %add3A_600 : i32 to index
        %get3A_664 = arith.constant 32 : index
        %get3A_665 = tpu.vector_load %arg24[%get3A_663, %get3A_664] {strides = array<i32>} : memref<64x128xf32, #tpu.memory_space<vmem>>, vector<16xf32>,
        %get3A_666 = arith.index_cast %add3A_600 : i32 to index
        %get3A_667 = arith.constant 32 : index
        %get3A_668 = tpu.vector_load %arg25[%get3A_666, %get3A_667] {strides = array<i32>} : memref<64x128xf32, #tpu.memory_space<vmem>>, vector<16xf32>,
        %add3A_669 = arith.constant 32 : i32
        %add3A_670 = arith.addi %squeeze3A, %add3A_669 : i32
        %get3A_671 = arith.index_cast %add3A_670 : i32 to index
        %get3A_672 = tpu.vector_load %arg19[%get3A_671] {strides = array<i32>} : memref<512xf32, #tpu.memory_space<vmem>>, vector<16xf32>,
        %get3A_673 = arith.index_cast %add3A_600 : i32 to index
        %get3A_674 = arith.constant 32 : index
        %get3A_675 = tpu.vector_load %arg26[%get3A_673, %get3A_674] {strides = array<i32>} : memref<64x128xf32, #tpu.memory_space<vmem>>, vector<16xf32>,
        %get3A_676 = arith.index_cast %add3A_600 : i32 to index
        %get3A_677 = arith.constant 32 : index
        %get3A_678 = tpu.vector_load %arg27[%get3A_676, %get3A_677] {strides = array<i32>} : memref<64x128xf32, #tpu.memory_space<vmem>>, vector<16xf32>,
        %add3A_679 = arith.constant 32 : i32
        %add3A_680 = arith.addi %squeeze3A_607, %add3A_679 : i32
        %get3A_681 = arith.index_cast %add3A_680 : i32 to index
        %get3A_682 = tpu.vector_load %arg19[%get3A_681] {strides = array<i32>} : memref<512xf32, #tpu.memory_space<vmem>>, vector<16xf32>,
        %add3A_683 = arith.addf %get3A_665, %get3A_672 : vector<16xf32>
        %sub3A_684 = arith.subf %add3A_683, %get3A_668 : vector<16xf32>
        %abs3A_685 = math.absf %sub3A_684 : vector<16xf32>
        %add3A_686 = arith.addf %add3A_658, %abs3A_685 : vector<16xf32>
        %add3A_687 = arith.addf %get3A_675, %get3A_682 : vector<16xf32>
        %sub3A_688 = arith.subf %add3A_687, %get3A_678 : vector<16xf32>
        %abs3A_689 = math.absf %sub3A_688 : vector<16xf32>
        %add3A_690 = arith.addf %add3A_662, %abs3A_689 : vector<16xf32>
        %get3A_691 = arith.index_cast %add3A_600 : i32 to index
        %get3A_692 = arith.constant 48 : index
        %get3A_693 = tpu.vector_load %arg24[%get3A_691, %get3A_692] {strides = array<i32>} : memref<64x128xf32, #tpu.memory_space<vmem>>, vector<16xf32>,
        %get3A_694 = arith.index_cast %add3A_600 : i32 to index
        %get3A_695 = arith.constant 48 : index
        %get3A_696 = tpu.vector_load %arg25[%get3A_694, %get3A_695] {strides = array<i32>} : memref<64x128xf32, #tpu.memory_space<vmem>>, vector<16xf32>,
        %add3A_697 = arith.constant 48 : i32
        %add3A_698 = arith.addi %squeeze3A, %add3A_697 : i32
        %get3A_699 = arith.index_cast %add3A_698 : i32 to index
        %get3A_700 = tpu.vector_load %arg19[%get3A_699] {strides = array<i32>} : memref<512xf32, #tpu.memory_space<vmem>>, vector<16xf32>,
        %get3A_701 = arith.index_cast %add3A_600 : i32 to index
        %get3A_702 = arith.constant 48 : index
        %get3A_703 = tpu.vector_load %arg26[%get3A_701, %get3A_702] {strides = array<i32>} : memref<64x128xf32, #tpu.memory_space<vmem>>, vector<16xf32>,
        %get3A_704 = arith.index_cast %add3A_600 : i32 to index
        %get3A_705 = arith.constant 48 : index
        %get3A_706 = tpu.vector_load %arg27[%get3A_704, %get3A_705] {strides = array<i32>} : memref<64x128xf32, #tpu.memory_space<vmem>>, vector<16xf32>,
        %add3A_707 = arith.constant 48 : i32
        %add3A_708 = arith.addi %squeeze3A_607, %add3A_707 : i32
        %get3A_709 = arith.index_cast %add3A_708 : i32 to index
        %get3A_710 = tpu.vector_load %arg19[%get3A_709] {strides = array<i32>} : memref<512xf32, #tpu.memory_space<vmem>>, vector<16xf32>,
        %add3A_711 = arith.addf %get3A_693, %get3A_700 : vector<16xf32>
        %sub3A_712 = arith.subf %add3A_711, %get3A_696 : vector<16xf32>
        %abs3A_713 = math.absf %sub3A_712 : vector<16xf32>
        %add3A_714 = arith.addf %add3A_686, %abs3A_713 : vector<16xf32>
        %add3A_715 = arith.addf %get3A_703, %get3A_710 : vector<16xf32>
        %sub3A_716 = arith.subf %add3A_715, %get3A_706 : vector<16xf32>
        %abs3A_717 = math.absf %sub3A_716 : vector<16xf32>
        %add3A_718 = arith.addf %add3A_690, %abs3A_717 : vector<16xf32>
        %mul3A_719 = arith.constant 17 : i32
        %mul3A_720 = arith.muli %scan3A_596, %mul3A_719 : i32
        %swap3A_721 = arith.index_cast %mul3A_720 : i32 to index
        %swap3A_722 = tpu.vector_load %arg28[%swap3A_721] {strides = array<i32>} : memref<272xf32, #tpu.memory_space<vmem>>, vector<16xf32>,
        tpu.vector_store %arg28[%swap3A_721], %add3A_714 {strides = array<i32>} : memref<272xf32, #tpu.memory_space<vmem>>, vector<16xf32>,
        %mul3A_723 = arith.constant 17 : i32
        %mul3A_724 = arith.muli %scan3A_596, %mul3A_723 : i32
        %swap3A_725 = arith.index_cast %mul3A_724 : i32 to index
        %swap3A_726 = tpu.vector_load %arg29[%swap3A_725] {strides = array<i32>} : memref<272xf32, #tpu.memory_space<vmem>>, vector<16xf32>,
        tpu.vector_store %arg29[%swap3A_725], %add3A_718 {strides = array<i32>} : memref<272xf32, #tpu.memory_space<vmem>>, vector<16xf32>,
        %scan3A_727 = arith.constant 0 : i32
        scf.yield %scan3A_727 : i32
      }
      %scan3A_425 = arith.constant 16 : i32
      %add3A_426 = arith.constant 0 : i32
      %add3A_427 = vector.broadcast %add3A_426 : i32 to vector<16xi32>
      %add3A_428 = arith.addi %mul3A_41, %add3A_427 : vector<16xi32>
      %gather3A = tpu.vector_load_idx %arg28[%add3A_428] : memref<272xf32, #tpu.memory_space<vmem>>[vector<16xi32>], vector<16xf32>,
      %add3A_429 = arith.addf %broadcast_in_dim3A_42, %gather3A : vector<16xf32>
      %add3A_430 = arith.constant 0 : i32
      %add3A_431 = vector.broadcast %add3A_430 : i32 to vector<16xi32>
      %add3A_432 = arith.addi %mul3A_41, %add3A_431 : vector<16xi32>
      %gather3A_433 = tpu.vector_load_idx %arg29[%add3A_432] : memref<272xf32, #tpu.memory_space<vmem>>[vector<16xi32>], vector<16xf32>,
      %add3A_434 = arith.addf %broadcast_in_dim3A_42, %gather3A_433 : vector<16xf32>
      %add3A_435 = arith.constant 1 : i32
      %add3A_436 = vector.broadcast %add3A_435 : i32 to vector<16xi32>
      %add3A_437 = arith.addi %mul3A_41, %add3A_436 : vector<16xi32>
      %gather3A_438 = tpu.vector_load_idx %arg28[%add3A_437] : memref<272xf32, #tpu.memory_space<vmem>>[vector<16xi32>], vector<16xf32>,
      %add3A_439 = arith.addf %add3A_429, %gather3A_438 : vector<16xf32>
      %add3A_440 = arith.constant 1 : i32
      %add3A_441 = vector.broadcast %add3A_440 : i32 to vector<16xi32>
      %add3A_442 = arith.addi %mul3A_41, %add3A_441 : vector<16xi32>
      %gather3A_443 = tpu.vector_load_idx %arg29[%add3A_442] : memref<272xf32, #tpu.memory_space<vmem>>[vector<16xi32>], vector<16xf32>,
      %add3A_444 = arith.addf %add3A_434, %gather3A_443 : vector<16xf32>
      %add3A_445 = arith.constant 2 : i32
      %add3A_446 = vector.broadcast %add3A_445 : i32 to vector<16xi32>
      %add3A_447 = arith.addi %mul3A_41, %add3A_446 : vector<16xi32>
      %gather3A_448 = tpu.vector_load_idx %arg28[%add3A_447] : memref<272xf32, #tpu.memory_space<vmem>>[vector<16xi32>], vector<16xf32>,
      %add3A_449 = arith.addf %add3A_439, %gather3A_448 : vector<16xf32>
      %add3A_450 = arith.constant 2 : i32
      %add3A_451 = vector.broadcast %add3A_450 : i32 to vector<16xi32>
      %add3A_452 = arith.addi %mul3A_41, %add3A_451 : vector<16xi32>
      %gather3A_453 = tpu.vector_load_idx %arg29[%add3A_452] : memref<272xf32, #tpu.memory_space<vmem>>[vector<16xi32>], vector<16xf32>,
      %add3A_454 = arith.addf %add3A_444, %gather3A_453 : vector<16xf32>
      %add3A_455 = arith.constant 3 : i32
      %add3A_456 = vector.broadcast %add3A_455 : i32 to vector<16xi32>
      %add3A_457 = arith.addi %mul3A_41, %add3A_456 : vector<16xi32>
      %gather3A_458 = tpu.vector_load_idx %arg28[%add3A_457] : memref<272xf32, #tpu.memory_space<vmem>>[vector<16xi32>], vector<16xf32>,
      %add3A_459 = arith.addf %add3A_449, %gather3A_458 : vector<16xf32>
      %add3A_460 = arith.constant 3 : i32
      %add3A_461 = vector.broadcast %add3A_460 : i32 to vector<16xi32>
      %add3A_462 = arith.addi %mul3A_41, %add3A_461 : vector<16xi32>
      %gather3A_463 = tpu.vector_load_idx %arg29[%add3A_462] : memref<272xf32, #tpu.memory_space<vmem>>[vector<16xi32>], vector<16xf32>,
      %add3A_464 = arith.addf %add3A_454, %gather3A_463 : vector<16xf32>
      %add3A_465 = arith.constant 4 : i32
      %add3A_466 = vector.broadcast %add3A_465 : i32 to vector<16xi32>
      %add3A_467 = arith.addi %mul3A_41, %add3A_466 : vector<16xi32>
      %gather3A_468 = tpu.vector_load_idx %arg28[%add3A_467] : memref<272xf32, #tpu.memory_space<vmem>>[vector<16xi32>], vector<16xf32>,
      %add3A_469 = arith.addf %add3A_459, %gather3A_468 : vector<16xf32>
      %add3A_470 = arith.constant 4 : i32
      %add3A_471 = vector.broadcast %add3A_470 : i32 to vector<16xi32>
      %add3A_472 = arith.addi %mul3A_41, %add3A_471 : vector<16xi32>
      %gather3A_473 = tpu.vector_load_idx %arg29[%add3A_472] : memref<272xf32, #tpu.memory_space<vmem>>[vector<16xi32>], vector<16xf32>,
      %add3A_474 = arith.addf %add3A_464, %gather3A_473 : vector<16xf32>
      %add3A_475 = arith.constant 5 : i32
      %add3A_476 = vector.broadcast %add3A_475 : i32 to vector<16xi32>
      %add3A_477 = arith.addi %mul3A_41, %add3A_476 : vector<16xi32>
      %gather3A_478 = tpu.vector_load_idx %arg28[%add3A_477] : memref<272xf32, #tpu.memory_space<vmem>>[vector<16xi32>], vector<16xf32>,
      %add3A_479 = arith.addf %add3A_469, %gather3A_478 : vector<16xf32>
      %add3A_480 = arith.constant 5 : i32
      %add3A_481 = vector.broadcast %add3A_480 : i32 to vector<16xi32>
      %add3A_482 = arith.addi %mul3A_41, %add3A_481 : vector<16xi32>
      %gather3A_483 = tpu.vector_load_idx %arg29[%add3A_482] : memref<272xf32, #tpu.memory_space<vmem>>[vector<16xi32>], vector<16xf32>,
      %add3A_484 = arith.addf %add3A_474, %gather3A_483 : vector<16xf32>
      %add3A_485 = arith.constant 6 : i32
      %add3A_486 = vector.broadcast %add3A_485 : i32 to vector<16xi32>
      %add3A_487 = arith.addi %mul3A_41, %add3A_486 : vector<16xi32>
      %gather3A_488 = tpu.vector_load_idx %arg28[%add3A_487] : memref<272xf32, #tpu.memory_space<vmem>>[vector<16xi32>], vector<16xf32>,
      %add3A_489 = arith.addf %add3A_479, %gather3A_488 : vector<16xf32>
      %add3A_490 = arith.constant 6 : i32
      %add3A_491 = vector.broadcast %add3A_490 : i32 to vector<16xi32>
      %add3A_492 = arith.addi %mul3A_41, %add3A_491 : vector<16xi32>
      %gather3A_493 = tpu.vector_load_idx %arg29[%add3A_492] : memref<272xf32, #tpu.memory_space<vmem>>[vector<16xi32>], vector<16xf32>,
      %add3A_494 = arith.addf %add3A_484, %gather3A_493 : vector<16xf32>
      %add3A_495 = arith.constant 7 : i32
      %add3A_496 = vector.broadcast %add3A_495 : i32 to vector<16xi32>
      %add3A_497 = arith.addi %mul3A_41, %add3A_496 : vector<16xi32>
      %gather3A_498 = tpu.vector_load_idx %arg28[%add3A_497] : memref<272xf32, #tpu.memory_space<vmem>>[vector<16xi32>], vector<16xf32>,
      %add3A_499 = arith.addf %add3A_489, %gather3A_498 : vector<16xf32>
      %add3A_500 = arith.constant 7 : i32
      %add3A_501 = vector.broadcast %add3A_500 : i32 to vector<16xi32>
      %add3A_502 = arith.addi %mul3A_41, %add3A_501 : vector<16xi32>
      %gather3A_503 = tpu.vector_load_idx %arg29[%add3A_502] : memref<272xf32, #tpu.memory_space<vmem>>[vector<16xi32>], vector<16xf32>,
      %add3A_504 = arith.addf %add3A_494, %gather3A_503 : vector<16xf32>
      %add3A_505 = arith.constant 8 : i32
      %add3A_506 = vector.broadcast %add3A_505 : i32 to vector<16xi32>
      %add3A_507 = arith.addi %mul3A_41, %add3A_506 : vector<16xi32>
      %gather3A_508 = tpu.vector_load_idx %arg28[%add3A_507] : memref<272xf32, #tpu.memory_space<vmem>>[vector<16xi32>], vector<16xf32>,
      %add3A_509 = arith.addf %add3A_499, %gather3A_508 : vector<16xf32>
      %add3A_510 = arith.constant 8 : i32
      %add3A_511 = vector.broadcast %add3A_510 : i32 to vector<16xi32>
      %add3A_512 = arith.addi %mul3A_41, %add3A_511 : vector<16xi32>
      %gather3A_513 = tpu.vector_load_idx %arg29[%add3A_512] : memref<272xf32, #tpu.memory_space<vmem>>[vector<16xi32>], vector<16xf32>,
      %add3A_514 = arith.addf %add3A_504, %gather3A_513 : vector<16xf32>
      %add3A_515 = arith.constant 9 : i32
      %add3A_516 = vector.broadcast %add3A_515 : i32 to vector<16xi32>
      %add3A_517 = arith.addi %mul3A_41, %add3A_516 : vector<16xi32>
      %gather3A_518 = tpu.vector_load_idx %arg28[%add3A_517] : memref<272xf32, #tpu.memory_space<vmem>>[vector<16xi32>], vector<16xf32>,
      %add3A_519 = arith.addf %add3A_509, %gather3A_518 : vector<16xf32>
      %add3A_520 = arith.constant 9 : i32
      %add3A_521 = vector.broadcast %add3A_520 : i32 to vector<16xi32>
      %add3A_522 = arith.addi %mul3A_41, %add3A_521 : vector<16xi32>
      %gather3A_523 = tpu.vector_load_idx %arg29[%add3A_522] : memref<272xf32, #tpu.memory_space<vmem>>[vector<16xi32>], vector<16xf32>,
      %add3A_524 = arith.addf %add3A_514, %gather3A_523 : vector<16xf32>
      %add3A_525 = arith.constant 10 : i32
      %add3A_526 = vector.broadcast %add3A_525 : i32 to vector<16xi32>
      %add3A_527 = arith.addi %mul3A_41, %add3A_526 : vector<16xi32>
      %gather3A_528 = tpu.vector_load_idx %arg28[%add3A_527] : memref<272xf32, #tpu.memory_space<vmem>>[vector<16xi32>], vector<16xf32>,
      %add3A_529 = arith.addf %add3A_519, %gather3A_528 : vector<16xf32>
      %add3A_530 = arith.constant 10 : i32
      %add3A_531 = vector.broadcast %add3A_530 : i32 to vector<16xi32>
      %add3A_532 = arith.addi %mul3A_41, %add3A_531 : vector<16xi32>
      %gather3A_533 = tpu.vector_load_idx %arg29[%add3A_532] : memref<272xf32, #tpu.memory_space<vmem>>[vector<16xi32>], vector<16xf32>,
      %add3A_534 = arith.addf %add3A_524, %gather3A_533 : vector<16xf32>
      %add3A_535 = arith.constant 11 : i32
      %add3A_536 = vector.broadcast %add3A_535 : i32 to vector<16xi32>
      %add3A_537 = arith.addi %mul3A_41, %add3A_536 : vector<16xi32>
      %gather3A_538 = tpu.vector_load_idx %arg28[%add3A_537] : memref<272xf32, #tpu.memory_space<vmem>>[vector<16xi32>], vector<16xf32>,
      %add3A_539 = arith.addf %add3A_529, %gather3A_538 : vector<16xf32>
      %add3A_540 = arith.constant 11 : i32
      %add3A_541 = vector.broadcast %add3A_540 : i32 to vector<16xi32>
      %add3A_542 = arith.addi %mul3A_41, %add3A_541 : vector<16xi32>
      %gather3A_543 = tpu.vector_load_idx %arg29[%add3A_542] : memref<272xf32, #tpu.memory_space<vmem>>[vector<16xi32>], vector<16xf32>,
      %add3A_544 = arith.addf %add3A_534, %gather3A_543 : vector<16xf32>
      %add3A_545 = arith.constant 12 : i32
      %add3A_546 = vector.broadcast %add3A_545 : i32 to vector<16xi32>
      %add3A_547 = arith.addi %mul3A_41, %add3A_546 : vector<16xi32>
      %gather3A_548 = tpu.vector_load_idx %arg28[%add3A_547] : memref<272xf32, #tpu.memory_space<vmem>>[vector<16xi32>], vector<16xf32>,
      %add3A_549 = arith.addf %add3A_539, %gather3A_548 : vector<16xf32>
      %add3A_550 = arith.constant 12 : i32
      %add3A_551 = vector.broadcast %add3A_550 : i32 to vector<16xi32>
      %add3A_552 = arith.addi %mul3A_41, %add3A_551 : vector<16xi32>
      %gather3A_553 = tpu.vector_load_idx %arg29[%add3A_552] : memref<272xf32, #tpu.memory_space<vmem>>[vector<16xi32>], vector<16xf32>,
      %add3A_554 = arith.addf %add3A_544, %gather3A_553 : vector<16xf32>
      %add3A_555 = arith.constant 13 : i32
      %add3A_556 = vector.broadcast %add3A_555 : i32 to vector<16xi32>
      %add3A_557 = arith.addi %mul3A_41, %add3A_556 : vector<16xi32>
      %gather3A_558 = tpu.vector_load_idx %arg28[%add3A_557] : memref<272xf32, #tpu.memory_space<vmem>>[vector<16xi32>], vector<16xf32>,
      %add3A_559 = arith.addf %add3A_549, %gather3A_558 : vector<16xf32>
      %add3A_560 = arith.constant 13 : i32
      %add3A_561 = vector.broadcast %add3A_560 : i32 to vector<16xi32>
      %add3A_562 = arith.addi %mul3A_41, %add3A_561 : vector<16xi32>
      %gather3A_563 = tpu.vector_load_idx %arg29[%add3A_562] : memref<272xf32, #tpu.memory_space<vmem>>[vector<16xi32>], vector<16xf32>,
      %add3A_564 = arith.addf %add3A_554, %gather3A_563 : vector<16xf32>
      %add3A_565 = arith.constant 14 : i32
      %add3A_566 = vector.broadcast %add3A_565 : i32 to vector<16xi32>
      %add3A_567 = arith.addi %mul3A_41, %add3A_566 : vector<16xi32>
      %gather3A_568 = tpu.vector_load_idx %arg28[%add3A_567] : memref<272xf32, #tpu.memory_space<vmem>>[vector<16xi32>], vector<16xf32>,
      %add3A_569 = arith.addf %add3A_559, %gather3A_568 : vector<16xf32>
      %add3A_570 = arith.constant 14 : i32
      %add3A_571 = vector.broadcast %add3A_570 : i32 to vector<16xi32>
      %add3A_572 = arith.addi %mul3A_41, %add3A_571 : vector<16xi32>
      %gather3A_573 = tpu.vector_load_idx %arg29[%add3A_572] : memref<272xf32, #tpu.memory_space<vmem>>[vector<16xi32>], vector<16xf32>,
      %add3A_574 = arith.addf %add3A_564, %gather3A_573 : vector<16xf32>
      %add3A_575 = arith.constant 15 : i32
      %add3A_576 = vector.broadcast %add3A_575 : i32 to vector<16xi32>
      %add3A_577 = arith.addi %mul3A_41, %add3A_576 : vector<16xi32>
      %gather3A_578 = tpu.vector_load_idx %arg28[%add3A_577] : memref<272xf32, #tpu.memory_space<vmem>>[vector<16xi32>], vector<16xf32>,
      %add3A_579 = arith.addf %add3A_569, %gather3A_578 : vector<16xf32>
      %add3A_580 = arith.constant 15 : i32
      %add3A_581 = vector.broadcast %add3A_580 : i32 to vector<16xi32>
      %add3A_582 = arith.addi %mul3A_41, %add3A_581 : vector<16xi32>
      %gather3A_583 = tpu.vector_load_idx %arg29[%add3A_582] : memref<272xf32, #tpu.memory_space<vmem>>[vector<16xi32>], vector<16xf32>,
      %add3A_584 = arith.addf %add3A_574, %gather3A_583 : vector<16xf32>
      %get3A = arith.index_cast %add3A_418 : i32 to index
      %get3A_585 = tpu.vector_load %arg17[%get3A] {strides = array<i32>} : memref<512xf32, #tpu.memory_space<vmem>>, vector<16xf32>,
      %get3A_586 = arith.index_cast %add3A_418 : i32 to index
      %get3A_587 = tpu.vector_load %arg18[%get3A_586] {strides = array<i32>} : memref<512xf32, #tpu.memory_space<vmem>>, vector<16xf32>,
      %mul3A_588 = arith.mulf %get3A_585, %add3A_579 : vector<16xf32>
      %mul3A_589 = arith.mulf %get3A_587, %add3A_584 : vector<16xf32>
      %sub3A = arith.subf %mul3A_588, %mul3A_589 : vector<16xf32>
      %add3A_590 = arith.constant 1.000000e+00 : f32
      %add3A_591 = vector.broadcast %add3A_590 : f32 to vector<16xf32>
      %add3A_592 = arith.addf %sub3A, %add3A_591 : vector<16xf32>
      %max3A = arith.constant 0.000000e+00 : f32
      %max3A_593 = vector.broadcast %max3A : f32 to vector<16xf32>
      %max3A_594 = arith.maximumf %add3A_592, %max3A_593 : vector<16xf32>
      %add3A_595 = arith.addf %scan3A_414, %max3A_594 : vector<16xf32>
      scf.yield %add3A_595 : vector<16xf32>
    }
    %scan3A_245 = arith.constant 4 : i32
    %dma_start3A_246 = arith.constant 320 : i32
    %dma_start3A_247 = tpu.memref_slice %arg12[%dma_start3A_246] : memref<512xi32, #tpu.memory_space<vmem>> -> memref<64xi32, #tpu.memory_space<vmem>>
    %dma_start3A_248 = arith.constant 0 : i32
    %dma_start3A_249 = arith.constant 0 : i32
    %dma_start3A_250 = tpu.memref_slice %arg9[%dma_start3A_248, %dma_start3A_249] : memref<1000000x128xf32, #tpu.memory_space<hbm>> -> memref<1000000x128xf32, #tpu.memory_space<hbm>>
    tpu.enqueue_indirect_dma source(%dma_start3A_250 : memref<1000000x128xf32, #tpu.memory_space<hbm>>) target(%arg24 : memref<64x128xf32, #tpu.memory_space<vmem>>) offsets(%dma_start3A_247 : memref<64xi32, #tpu.memory_space<vmem>>) semaphore(%arg32 : memref<!tpu.dma_semaphore, #tpu.memory_space<semaphore_mem>>)
    %dma_start3A_251 = arith.constant 320 : i32
    %dma_start3A_252 = tpu.memref_slice %arg13[%dma_start3A_251] : memref<512xi32, #tpu.memory_space<vmem>> -> memref<64xi32, #tpu.memory_space<vmem>>
    %dma_start3A_253 = arith.constant 0 : i32
    %dma_start3A_254 = arith.constant 0 : i32
    %dma_start3A_255 = tpu.memref_slice %arg9[%dma_start3A_253, %dma_start3A_254] : memref<1000000x128xf32, #tpu.memory_space<hbm>> -> memref<1000000x128xf32, #tpu.memory_space<hbm>>
    tpu.enqueue_indirect_dma source(%dma_start3A_255 : memref<1000000x128xf32, #tpu.memory_space<hbm>>) target(%arg25 : memref<64x128xf32, #tpu.memory_space<vmem>>) offsets(%dma_start3A_252 : memref<64xi32, #tpu.memory_space<vmem>>) semaphore(%arg32 : memref<!tpu.dma_semaphore, #tpu.memory_space<semaphore_mem>>)
    %dma_start3A_256 = arith.constant 320 : i32
    %dma_start3A_257 = tpu.memref_slice %arg14[%dma_start3A_256] : memref<512xi32, #tpu.memory_space<vmem>> -> memref<64xi32, #tpu.memory_space<vmem>>
    %dma_start3A_258 = arith.constant 0 : i32
    %dma_start3A_259 = arith.constant 0 : i32
    %dma_start3A_260 = tpu.memref_slice %arg9[%dma_start3A_258, %dma_start3A_259] : memref<1000000x128xf32, #tpu.memory_space<hbm>> -> memref<1000000x128xf32, #tpu.memory_space<hbm>>
    tpu.enqueue_indirect_dma source(%dma_start3A_260 : memref<1000000x128xf32, #tpu.memory_space<hbm>>) target(%arg26 : memref<64x128xf32, #tpu.memory_space<vmem>>) offsets(%dma_start3A_257 : memref<64xi32, #tpu.memory_space<vmem>>) semaphore(%arg32 : memref<!tpu.dma_semaphore, #tpu.memory_space<semaphore_mem>>)
    %dma_start3A_261 = arith.constant 320 : i32
    %dma_start3A_262 = tpu.memref_slice %arg15[%dma_start3A_261] : memref<512xi32, #tpu.memory_space<vmem>> -> memref<64xi32, #tpu.memory_space<vmem>>
    %dma_start3A_263 = arith.constant 0 : i32
    %dma_start3A_264 = arith.constant 0 : i32
    %dma_start3A_265 = tpu.memref_slice %arg9[%dma_start3A_263, %dma_start3A_264] : memref<1000000x128xf32, #tpu.memory_space<hbm>> -> memref<1000000x128xf32, #tpu.memory_space<hbm>>
    tpu.enqueue_indirect_dma source(%dma_start3A_265 : memref<1000000x128xf32, #tpu.memory_space<hbm>>) target(%arg27 : memref<64x128xf32, #tpu.memory_space<vmem>>) offsets(%dma_start3A_262 : memref<64xi32, #tpu.memory_space<vmem>>) semaphore(%arg32 : memref<!tpu.dma_semaphore, #tpu.memory_space<semaphore_mem>>)
    %dma_wait3A_266 = arith.constant 256 : i32
    %dma_wait3A_267 = tpu.memref_slice %arg12[%dma_wait3A_266] : memref<512xi32, #tpu.memory_space<vmem>> -> memref<64xi32, #tpu.memory_space<vmem>>
    %dma_wait3A_268 = arith.constant 0 : i32
    %dma_wait3A_269 = arith.constant 0 : i32
    %dma_wait3A_270 = tpu.memref_slice %arg9[%dma_wait3A_268, %dma_wait3A_269] : memref<1000000x128xf32, #tpu.memory_space<hbm>> -> memref<1000000x128xf32, #tpu.memory_space<hbm>>
    tpu.wait_indirect_dma semaphore(%arg31 : memref<!tpu.dma_semaphore, #tpu.memory_space<semaphore_mem>>) src(%dma_wait3A_270 : memref<1000000x128xf32, #tpu.memory_space<hbm>>) dst(%arg20 : memref<64x128xf32, #tpu.memory_space<vmem>>)
    %dma_wait3A_271 = arith.constant 256 : i32
    %dma_wait3A_272 = tpu.memref_slice %arg13[%dma_wait3A_271] : memref<512xi32, #tpu.memory_space<vmem>> -> memref<64xi32, #tpu.memory_space<vmem>>
    %dma_wait3A_273 = arith.constant 0 : i32
    %dma_wait3A_274 = arith.constant 0 : i32
    %dma_wait3A_275 = tpu.memref_slice %arg9[%dma_wait3A_273, %dma_wait3A_274] : memref<1000000x128xf32, #tpu.memory_space<hbm>> -> memref<1000000x128xf32, #tpu.memory_space<hbm>>
    tpu.wait_indirect_dma semaphore(%arg31 : memref<!tpu.dma_semaphore, #tpu.memory_space<semaphore_mem>>) src(%dma_wait3A_275 : memref<1000000x128xf32, #tpu.memory_space<hbm>>) dst(%arg21 : memref<64x128xf32, #tpu.memory_space<vmem>>)
    %dma_wait3A_276 = arith.constant 256 : i32
    %dma_wait3A_277 = tpu.memref_slice %arg14[%dma_wait3A_276] : memref<512xi32, #tpu.memory_space<vmem>> -> memref<64xi32, #tpu.memory_space<vmem>>
    %dma_wait3A_278 = arith.constant 0 : i32
    %dma_wait3A_279 = arith.constant 0 : i32
    %dma_wait3A_280 = tpu.memref_slice %arg9[%dma_wait3A_278, %dma_wait3A_279] : memref<1000000x128xf32, #tpu.memory_space<hbm>> -> memref<1000000x128xf32, #tpu.memory_space<hbm>>
    tpu.wait_indirect_dma semaphore(%arg31 : memref<!tpu.dma_semaphore, #tpu.memory_space<semaphore_mem>>) src(%dma_wait3A_280 : memref<1000000x128xf32, #tpu.memory_space<hbm>>) dst(%arg22 : memref<64x128xf32, #tpu.memory_space<vmem>>)
    %dma_wait3A_281 = arith.constant 256 : i32
    %dma_wait3A_282 = tpu.memref_slice %arg15[%dma_wait3A_281] : memref<512xi32, #tpu.memory_space<vmem>> -> memref<64xi32, #tpu.memory_space<vmem>>
    %dma_wait3A_283 = arith.constant 0 : i32
    %dma_wait3A_284 = arith.constant 0 : i32
    %dma_wait3A_285 = tpu.memref_slice %arg9[%dma_wait3A_283, %dma_wait3A_284] : memref<1000000x128xf32, #tpu.memory_space<hbm>> -> memref<1000000x128xf32, #tpu.memory_space<hbm>>
    tpu.wait_indirect_dma semaphore(%arg31 : memref<!tpu.dma_semaphore, #tpu.memory_space<semaphore_mem>>) src(%dma_wait3A_285 : memref<1000000x128xf32, #tpu.memory_space<hbm>>) dst(%arg23 : memref<64x128xf32, #tpu.memory_space<vmem>>)
    %scan3A_286 = arith.constant 0 : i32
    %scan3A_287 = arith.constant 4 : i32
    %scan3A_288 = arith.addi %scan3A_286, %scan3A_287 : i32
    %scan3A_289 = arith.constant 1 : i32
    %scan3A_290 = scf.for %scan3A_413 = %scan3A_286 to %scan3A_288 step %scan3A_289 iter_args(%scan3A_414 = %scan3A_244) -> (vector<16xf32>)  : i32 {
      %mul3A_415 = arith.constant 16 : i32
      %mul3A_416 = arith.muli %scan3A_413, %mul3A_415 : i32
      %add3A_417 = arith.constant 256 : i32
      %add3A_418 = arith.addi %add3A_417, %mul3A_416 : i32
      %scan3A_419 = arith.constant 0 : i32
      %scan3A_420 = arith.constant 0 : i32
      %scan3A_421 = arith.constant 16 : i32
      %scan3A_422 = arith.addi %scan3A_420, %scan3A_421 : i32
      %scan3A_423 = arith.constant 1 : i32
      %scan3A_424 = scf.for %scan3A_596 = %scan3A_420 to %scan3A_422 step %scan3A_423 iter_args(%scan3A_597 = %scan3A_419) -> (i32)  : i32 {
        %mul3A_598 = arith.constant 16 : i32
        %mul3A_599 = arith.muli %scan3A_413, %mul3A_598 : i32
        %add3A_600 = arith.addi %mul3A_599, %scan3A_596 : i32
        %add3A_601 = arith.addi %add3A_418, %scan3A_596 : i32
        %mul3A_602 = arith.constant 2 : i32
        %mul3A_603 = arith.muli %add3A_601, %mul3A_602 : i32
        %get3A_604 = arith.index_cast %mul3A_603 : i32 to index
        %get3A_605 = tpu.vector_load %arg16[%get3A_604] {strides = array<i32>} : memref<1040xi32, #tpu.memory_space<vmem>>, vector<16xi32>,
        %slice3A = vector.extract_strided_slice %get3A_605 {offsets = [0], sizes = [1], strides = [1]} : vector<16xi32> to vector<1xi32>
        %squeeze3A = vector.extract %slice3A[0] : i32 from vector<1xi32>
        %slice3A_606 = vector.extract_strided_slice %get3A_605 {offsets = [1], sizes = [1], strides = [1]} : vector<16xi32> to vector<1xi32>
        %squeeze3A_607 = vector.extract %slice3A_606[0] : i32 from vector<1xi32>
        %get3A_608 = arith.index_cast %add3A_600 : i32 to index
        %get3A_609 = arith.constant 0 : index
        %get3A_610 = tpu.vector_load %arg20[%get3A_608, %get3A_609] {strides = array<i32>} : memref<64x128xf32, #tpu.memory_space<vmem>>, vector<16xf32>,
        %get3A_611 = arith.index_cast %add3A_600 : i32 to index
        %get3A_612 = arith.constant 0 : index
        %get3A_613 = tpu.vector_load %arg21[%get3A_611, %get3A_612] {strides = array<i32>} : memref<64x128xf32, #tpu.memory_space<vmem>>, vector<16xf32>,
        %add3A_614 = arith.constant 0 : i32
        %add3A_615 = arith.addi %squeeze3A, %add3A_614 : i32
        %get3A_616 = arith.index_cast %add3A_615 : i32 to index
        %get3A_617 = tpu.vector_load %arg19[%get3A_616] {strides = array<i32>} : memref<512xf32, #tpu.memory_space<vmem>>, vector<16xf32>,
        %get3A_618 = arith.index_cast %add3A_600 : i32 to index
        %get3A_619 = arith.constant 0 : index
        %get3A_620 = tpu.vector_load %arg22[%get3A_618, %get3A_619] {strides = array<i32>} : memref<64x128xf32, #tpu.memory_space<vmem>>, vector<16xf32>,
        %get3A_621 = arith.index_cast %add3A_600 : i32 to index
        %get3A_622 = arith.constant 0 : index
        %get3A_623 = tpu.vector_load %arg23[%get3A_621, %get3A_622] {strides = array<i32>} : memref<64x128xf32, #tpu.memory_space<vmem>>, vector<16xf32>,
        %add3A_624 = arith.constant 0 : i32
        %add3A_625 = arith.addi %squeeze3A_607, %add3A_624 : i32
        %get3A_626 = arith.index_cast %add3A_625 : i32 to index
        %get3A_627 = tpu.vector_load %arg19[%get3A_626] {strides = array<i32>} : memref<512xf32, #tpu.memory_space<vmem>>, vector<16xf32>,
        %add3A_628 = arith.addf %get3A_610, %get3A_617 : vector<16xf32>
        %sub3A_629 = arith.subf %add3A_628, %get3A_613 : vector<16xf32>
        %abs3A = math.absf %sub3A_629 : vector<16xf32>
        %add3A_630 = arith.addf %broadcast_in_dim3A_42, %abs3A : vector<16xf32>
        %add3A_631 = arith.addf %get3A_620, %get3A_627 : vector<16xf32>
        %sub3A_632 = arith.subf %add3A_631, %get3A_623 : vector<16xf32>
        %abs3A_633 = math.absf %sub3A_632 : vector<16xf32>
        %add3A_634 = arith.addf %broadcast_in_dim3A_42, %abs3A_633 : vector<16xf32>
        %get3A_635 = arith.index_cast %add3A_600 : i32 to index
        %get3A_636 = arith.constant 16 : index
        %get3A_637 = tpu.vector_load %arg20[%get3A_635, %get3A_636] {strides = array<i32>} : memref<64x128xf32, #tpu.memory_space<vmem>>, vector<16xf32>,
        %get3A_638 = arith.index_cast %add3A_600 : i32 to index
        %get3A_639 = arith.constant 16 : index
        %get3A_640 = tpu.vector_load %arg21[%get3A_638, %get3A_639] {strides = array<i32>} : memref<64x128xf32, #tpu.memory_space<vmem>>, vector<16xf32>,
        %add3A_641 = arith.constant 16 : i32
        %add3A_642 = arith.addi %squeeze3A, %add3A_641 : i32
        %get3A_643 = arith.index_cast %add3A_642 : i32 to index
        %get3A_644 = tpu.vector_load %arg19[%get3A_643] {strides = array<i32>} : memref<512xf32, #tpu.memory_space<vmem>>, vector<16xf32>,
        %get3A_645 = arith.index_cast %add3A_600 : i32 to index
        %get3A_646 = arith.constant 16 : index
        %get3A_647 = tpu.vector_load %arg22[%get3A_645, %get3A_646] {strides = array<i32>} : memref<64x128xf32, #tpu.memory_space<vmem>>, vector<16xf32>,
        %get3A_648 = arith.index_cast %add3A_600 : i32 to index
        %get3A_649 = arith.constant 16 : index
        %get3A_650 = tpu.vector_load %arg23[%get3A_648, %get3A_649] {strides = array<i32>} : memref<64x128xf32, #tpu.memory_space<vmem>>, vector<16xf32>,
        %add3A_651 = arith.constant 16 : i32
        %add3A_652 = arith.addi %squeeze3A_607, %add3A_651 : i32
        %get3A_653 = arith.index_cast %add3A_652 : i32 to index
        %get3A_654 = tpu.vector_load %arg19[%get3A_653] {strides = array<i32>} : memref<512xf32, #tpu.memory_space<vmem>>, vector<16xf32>,
        %add3A_655 = arith.addf %get3A_637, %get3A_644 : vector<16xf32>
        %sub3A_656 = arith.subf %add3A_655, %get3A_640 : vector<16xf32>
        %abs3A_657 = math.absf %sub3A_656 : vector<16xf32>
        %add3A_658 = arith.addf %add3A_630, %abs3A_657 : vector<16xf32>
        %add3A_659 = arith.addf %get3A_647, %get3A_654 : vector<16xf32>
        %sub3A_660 = arith.subf %add3A_659, %get3A_650 : vector<16xf32>
        %abs3A_661 = math.absf %sub3A_660 : vector<16xf32>
        %add3A_662 = arith.addf %add3A_634, %abs3A_661 : vector<16xf32>
        %get3A_663 = arith.index_cast %add3A_600 : i32 to index
        %get3A_664 = arith.constant 32 : index
        %get3A_665 = tpu.vector_load %arg20[%get3A_663, %get3A_664] {strides = array<i32>} : memref<64x128xf32, #tpu.memory_space<vmem>>, vector<16xf32>,
        %get3A_666 = arith.index_cast %add3A_600 : i32 to index
        %get3A_667 = arith.constant 32 : index
        %get3A_668 = tpu.vector_load %arg21[%get3A_666, %get3A_667] {strides = array<i32>} : memref<64x128xf32, #tpu.memory_space<vmem>>, vector<16xf32>,
        %add3A_669 = arith.constant 32 : i32
        %add3A_670 = arith.addi %squeeze3A, %add3A_669 : i32
        %get3A_671 = arith.index_cast %add3A_670 : i32 to index
        %get3A_672 = tpu.vector_load %arg19[%get3A_671] {strides = array<i32>} : memref<512xf32, #tpu.memory_space<vmem>>, vector<16xf32>,
        %get3A_673 = arith.index_cast %add3A_600 : i32 to index
        %get3A_674 = arith.constant 32 : index
        %get3A_675 = tpu.vector_load %arg22[%get3A_673, %get3A_674] {strides = array<i32>} : memref<64x128xf32, #tpu.memory_space<vmem>>, vector<16xf32>,
        %get3A_676 = arith.index_cast %add3A_600 : i32 to index
        %get3A_677 = arith.constant 32 : index
        %get3A_678 = tpu.vector_load %arg23[%get3A_676, %get3A_677] {strides = array<i32>} : memref<64x128xf32, #tpu.memory_space<vmem>>, vector<16xf32>,
        %add3A_679 = arith.constant 32 : i32
        %add3A_680 = arith.addi %squeeze3A_607, %add3A_679 : i32
        %get3A_681 = arith.index_cast %add3A_680 : i32 to index
        %get3A_682 = tpu.vector_load %arg19[%get3A_681] {strides = array<i32>} : memref<512xf32, #tpu.memory_space<vmem>>, vector<16xf32>,
        %add3A_683 = arith.addf %get3A_665, %get3A_672 : vector<16xf32>
        %sub3A_684 = arith.subf %add3A_683, %get3A_668 : vector<16xf32>
        %abs3A_685 = math.absf %sub3A_684 : vector<16xf32>
        %add3A_686 = arith.addf %add3A_658, %abs3A_685 : vector<16xf32>
        %add3A_687 = arith.addf %get3A_675, %get3A_682 : vector<16xf32>
        %sub3A_688 = arith.subf %add3A_687, %get3A_678 : vector<16xf32>
        %abs3A_689 = math.absf %sub3A_688 : vector<16xf32>
        %add3A_690 = arith.addf %add3A_662, %abs3A_689 : vector<16xf32>
        %get3A_691 = arith.index_cast %add3A_600 : i32 to index
        %get3A_692 = arith.constant 48 : index
        %get3A_693 = tpu.vector_load %arg20[%get3A_691, %get3A_692] {strides = array<i32>} : memref<64x128xf32, #tpu.memory_space<vmem>>, vector<16xf32>,
        %get3A_694 = arith.index_cast %add3A_600 : i32 to index
        %get3A_695 = arith.constant 48 : index
        %get3A_696 = tpu.vector_load %arg21[%get3A_694, %get3A_695] {strides = array<i32>} : memref<64x128xf32, #tpu.memory_space<vmem>>, vector<16xf32>,
        %add3A_697 = arith.constant 48 : i32
        %add3A_698 = arith.addi %squeeze3A, %add3A_697 : i32
        %get3A_699 = arith.index_cast %add3A_698 : i32 to index
        %get3A_700 = tpu.vector_load %arg19[%get3A_699] {strides = array<i32>} : memref<512xf32, #tpu.memory_space<vmem>>, vector<16xf32>,
        %get3A_701 = arith.index_cast %add3A_600 : i32 to index
        %get3A_702 = arith.constant 48 : index
        %get3A_703 = tpu.vector_load %arg22[%get3A_701, %get3A_702] {strides = array<i32>} : memref<64x128xf32, #tpu.memory_space<vmem>>, vector<16xf32>,
        %get3A_704 = arith.index_cast %add3A_600 : i32 to index
        %get3A_705 = arith.constant 48 : index
        %get3A_706 = tpu.vector_load %arg23[%get3A_704, %get3A_705] {strides = array<i32>} : memref<64x128xf32, #tpu.memory_space<vmem>>, vector<16xf32>,
        %add3A_707 = arith.constant 48 : i32
        %add3A_708 = arith.addi %squeeze3A_607, %add3A_707 : i32
        %get3A_709 = arith.index_cast %add3A_708 : i32 to index
        %get3A_710 = tpu.vector_load %arg19[%get3A_709] {strides = array<i32>} : memref<512xf32, #tpu.memory_space<vmem>>, vector<16xf32>,
        %add3A_711 = arith.addf %get3A_693, %get3A_700 : vector<16xf32>
        %sub3A_712 = arith.subf %add3A_711, %get3A_696 : vector<16xf32>
        %abs3A_713 = math.absf %sub3A_712 : vector<16xf32>
        %add3A_714 = arith.addf %add3A_686, %abs3A_713 : vector<16xf32>
        %add3A_715 = arith.addf %get3A_703, %get3A_710 : vector<16xf32>
        %sub3A_716 = arith.subf %add3A_715, %get3A_706 : vector<16xf32>
        %abs3A_717 = math.absf %sub3A_716 : vector<16xf32>
        %add3A_718 = arith.addf %add3A_690, %abs3A_717 : vector<16xf32>
        %mul3A_719 = arith.constant 17 : i32
        %mul3A_720 = arith.muli %scan3A_596, %mul3A_719 : i32
        %swap3A_721 = arith.index_cast %mul3A_720 : i32 to index
        %swap3A_722 = tpu.vector_load %arg28[%swap3A_721] {strides = array<i32>} : memref<272xf32, #tpu.memory_space<vmem>>, vector<16xf32>,
        tpu.vector_store %arg28[%swap3A_721], %add3A_714 {strides = array<i32>} : memref<272xf32, #tpu.memory_space<vmem>>, vector<16xf32>,
        %mul3A_723 = arith.constant 17 : i32
        %mul3A_724 = arith.muli %scan3A_596, %mul3A_723 : i32
        %swap3A_725 = arith.index_cast %mul3A_724 : i32 to index
        %swap3A_726 = tpu.vector_load %arg29[%swap3A_725] {strides = array<i32>} : memref<272xf32, #tpu.memory_space<vmem>>, vector<16xf32>,
        tpu.vector_store %arg29[%swap3A_725], %add3A_718 {strides = array<i32>} : memref<272xf32, #tpu.memory_space<vmem>>, vector<16xf32>,
        %scan3A_727 = arith.constant 0 : i32
        scf.yield %scan3A_727 : i32
      }
      %scan3A_425 = arith.constant 16 : i32
      %add3A_426 = arith.constant 0 : i32
      %add3A_427 = vector.broadcast %add3A_426 : i32 to vector<16xi32>
      %add3A_428 = arith.addi %mul3A_41, %add3A_427 : vector<16xi32>
      %gather3A = tpu.vector_load_idx %arg28[%add3A_428] : memref<272xf32, #tpu.memory_space<vmem>>[vector<16xi32>], vector<16xf32>,
      %add3A_429 = arith.addf %broadcast_in_dim3A_42, %gather3A : vector<16xf32>
      %add3A_430 = arith.constant 0 : i32
      %add3A_431 = vector.broadcast %add3A_430 : i32 to vector<16xi32>
      %add3A_432 = arith.addi %mul3A_41, %add3A_431 : vector<16xi32>
      %gather3A_433 = tpu.vector_load_idx %arg29[%add3A_432] : memref<272xf32, #tpu.memory_space<vmem>>[vector<16xi32>], vector<16xf32>,
      %add3A_434 = arith.addf %broadcast_in_dim3A_42, %gather3A_433 : vector<16xf32>
      %add3A_435 = arith.constant 1 : i32
      %add3A_436 = vector.broadcast %add3A_435 : i32 to vector<16xi32>
      %add3A_437 = arith.addi %mul3A_41, %add3A_436 : vector<16xi32>
      %gather3A_438 = tpu.vector_load_idx %arg28[%add3A_437] : memref<272xf32, #tpu.memory_space<vmem>>[vector<16xi32>], vector<16xf32>,
      %add3A_439 = arith.addf %add3A_429, %gather3A_438 : vector<16xf32>
      %add3A_440 = arith.constant 1 : i32
      %add3A_441 = vector.broadcast %add3A_440 : i32 to vector<16xi32>
      %add3A_442 = arith.addi %mul3A_41, %add3A_441 : vector<16xi32>
      %gather3A_443 = tpu.vector_load_idx %arg29[%add3A_442] : memref<272xf32, #tpu.memory_space<vmem>>[vector<16xi32>], vector<16xf32>,
      %add3A_444 = arith.addf %add3A_434, %gather3A_443 : vector<16xf32>
      %add3A_445 = arith.constant 2 : i32
      %add3A_446 = vector.broadcast %add3A_445 : i32 to vector<16xi32>
      %add3A_447 = arith.addi %mul3A_41, %add3A_446 : vector<16xi32>
      %gather3A_448 = tpu.vector_load_idx %arg28[%add3A_447] : memref<272xf32, #tpu.memory_space<vmem>>[vector<16xi32>], vector<16xf32>,
      %add3A_449 = arith.addf %add3A_439, %gather3A_448 : vector<16xf32>
      %add3A_450 = arith.constant 2 : i32
      %add3A_451 = vector.broadcast %add3A_450 : i32 to vector<16xi32>
      %add3A_452 = arith.addi %mul3A_41, %add3A_451 : vector<16xi32>
      %gather3A_453 = tpu.vector_load_idx %arg29[%add3A_452] : memref<272xf32, #tpu.memory_space<vmem>>[vector<16xi32>], vector<16xf32>,
      %add3A_454 = arith.addf %add3A_444, %gather3A_453 : vector<16xf32>
      %add3A_455 = arith.constant 3 : i32
      %add3A_456 = vector.broadcast %add3A_455 : i32 to vector<16xi32>
      %add3A_457 = arith.addi %mul3A_41, %add3A_456 : vector<16xi32>
      %gather3A_458 = tpu.vector_load_idx %arg28[%add3A_457] : memref<272xf32, #tpu.memory_space<vmem>>[vector<16xi32>], vector<16xf32>,
      %add3A_459 = arith.addf %add3A_449, %gather3A_458 : vector<16xf32>
      %add3A_460 = arith.constant 3 : i32
      %add3A_461 = vector.broadcast %add3A_460 : i32 to vector<16xi32>
      %add3A_462 = arith.addi %mul3A_41, %add3A_461 : vector<16xi32>
      %gather3A_463 = tpu.vector_load_idx %arg29[%add3A_462] : memref<272xf32, #tpu.memory_space<vmem>>[vector<16xi32>], vector<16xf32>,
      %add3A_464 = arith.addf %add3A_454, %gather3A_463 : vector<16xf32>
      %add3A_465 = arith.constant 4 : i32
      %add3A_466 = vector.broadcast %add3A_465 : i32 to vector<16xi32>
      %add3A_467 = arith.addi %mul3A_41, %add3A_466 : vector<16xi32>
      %gather3A_468 = tpu.vector_load_idx %arg28[%add3A_467] : memref<272xf32, #tpu.memory_space<vmem>>[vector<16xi32>], vector<16xf32>,
      %add3A_469 = arith.addf %add3A_459, %gather3A_468 : vector<16xf32>
      %add3A_470 = arith.constant 4 : i32
      %add3A_471 = vector.broadcast %add3A_470 : i32 to vector<16xi32>
      %add3A_472 = arith.addi %mul3A_41, %add3A_471 : vector<16xi32>
      %gather3A_473 = tpu.vector_load_idx %arg29[%add3A_472] : memref<272xf32, #tpu.memory_space<vmem>>[vector<16xi32>], vector<16xf32>,
      %add3A_474 = arith.addf %add3A_464, %gather3A_473 : vector<16xf32>
      %add3A_475 = arith.constant 5 : i32
      %add3A_476 = vector.broadcast %add3A_475 : i32 to vector<16xi32>
      %add3A_477 = arith.addi %mul3A_41, %add3A_476 : vector<16xi32>
      %gather3A_478 = tpu.vector_load_idx %arg28[%add3A_477] : memref<272xf32, #tpu.memory_space<vmem>>[vector<16xi32>], vector<16xf32>,
      %add3A_479 = arith.addf %add3A_469, %gather3A_478 : vector<16xf32>
      %add3A_480 = arith.constant 5 : i32
      %add3A_481 = vector.broadcast %add3A_480 : i32 to vector<16xi32>
      %add3A_482 = arith.addi %mul3A_41, %add3A_481 : vector<16xi32>
      %gather3A_483 = tpu.vector_load_idx %arg29[%add3A_482] : memref<272xf32, #tpu.memory_space<vmem>>[vector<16xi32>], vector<16xf32>,
      %add3A_484 = arith.addf %add3A_474, %gather3A_483 : vector<16xf32>
      %add3A_485 = arith.constant 6 : i32
      %add3A_486 = vector.broadcast %add3A_485 : i32 to vector<16xi32>
      %add3A_487 = arith.addi %mul3A_41, %add3A_486 : vector<16xi32>
      %gather3A_488 = tpu.vector_load_idx %arg28[%add3A_487] : memref<272xf32, #tpu.memory_space<vmem>>[vector<16xi32>], vector<16xf32>,
      %add3A_489 = arith.addf %add3A_479, %gather3A_488 : vector<16xf32>
      %add3A_490 = arith.constant 6 : i32
      %add3A_491 = vector.broadcast %add3A_490 : i32 to vector<16xi32>
      %add3A_492 = arith.addi %mul3A_41, %add3A_491 : vector<16xi32>
      %gather3A_493 = tpu.vector_load_idx %arg29[%add3A_492] : memref<272xf32, #tpu.memory_space<vmem>>[vector<16xi32>], vector<16xf32>,
      %add3A_494 = arith.addf %add3A_484, %gather3A_493 : vector<16xf32>
      %add3A_495 = arith.constant 7 : i32
      %add3A_496 = vector.broadcast %add3A_495 : i32 to vector<16xi32>
      %add3A_497 = arith.addi %mul3A_41, %add3A_496 : vector<16xi32>
      %gather3A_498 = tpu.vector_load_idx %arg28[%add3A_497] : memref<272xf32, #tpu.memory_space<vmem>>[vector<16xi32>], vector<16xf32>,
      %add3A_499 = arith.addf %add3A_489, %gather3A_498 : vector<16xf32>
      %add3A_500 = arith.constant 7 : i32
      %add3A_501 = vector.broadcast %add3A_500 : i32 to vector<16xi32>
      %add3A_502 = arith.addi %mul3A_41, %add3A_501 : vector<16xi32>
      %gather3A_503 = tpu.vector_load_idx %arg29[%add3A_502] : memref<272xf32, #tpu.memory_space<vmem>>[vector<16xi32>], vector<16xf32>,
      %add3A_504 = arith.addf %add3A_494, %gather3A_503 : vector<16xf32>
      %add3A_505 = arith.constant 8 : i32
      %add3A_506 = vector.broadcast %add3A_505 : i32 to vector<16xi32>
      %add3A_507 = arith.addi %mul3A_41, %add3A_506 : vector<16xi32>
      %gather3A_508 = tpu.vector_load_idx %arg28[%add3A_507] : memref<272xf32, #tpu.memory_space<vmem>>[vector<16xi32>], vector<16xf32>,
      %add3A_509 = arith.addf %add3A_499, %gather3A_508 : vector<16xf32>
      %add3A_510 = arith.constant 8 : i32
      %add3A_511 = vector.broadcast %add3A_510 : i32 to vector<16xi32>
      %add3A_512 = arith.addi %mul3A_41, %add3A_511 : vector<16xi32>
      %gather3A_513 = tpu.vector_load_idx %arg29[%add3A_512] : memref<272xf32, #tpu.memory_space<vmem>>[vector<16xi32>], vector<16xf32>,
      %add3A_514 = arith.addf %add3A_504, %gather3A_513 : vector<16xf32>
      %add3A_515 = arith.constant 9 : i32
      %add3A_516 = vector.broadcast %add3A_515 : i32 to vector<16xi32>
      %add3A_517 = arith.addi %mul3A_41, %add3A_516 : vector<16xi32>
      %gather3A_518 = tpu.vector_load_idx %arg28[%add3A_517] : memref<272xf32, #tpu.memory_space<vmem>>[vector<16xi32>], vector<16xf32>,
      %add3A_519 = arith.addf %add3A_509, %gather3A_518 : vector<16xf32>
      %add3A_520 = arith.constant 9 : i32
      %add3A_521 = vector.broadcast %add3A_520 : i32 to vector<16xi32>
      %add3A_522 = arith.addi %mul3A_41, %add3A_521 : vector<16xi32>
      %gather3A_523 = tpu.vector_load_idx %arg29[%add3A_522] : memref<272xf32, #tpu.memory_space<vmem>>[vector<16xi32>], vector<16xf32>,
      %add3A_524 = arith.addf %add3A_514, %gather3A_523 : vector<16xf32>
      %add3A_525 = arith.constant 10 : i32
      %add3A_526 = vector.broadcast %add3A_525 : i32 to vector<16xi32>
      %add3A_527 = arith.addi %mul3A_41, %add3A_526 : vector<16xi32>
      %gather3A_528 = tpu.vector_load_idx %arg28[%add3A_527] : memref<272xf32, #tpu.memory_space<vmem>>[vector<16xi32>], vector<16xf32>,
      %add3A_529 = arith.addf %add3A_519, %gather3A_528 : vector<16xf32>
      %add3A_530 = arith.constant 10 : i32
      %add3A_531 = vector.broadcast %add3A_530 : i32 to vector<16xi32>
      %add3A_532 = arith.addi %mul3A_41, %add3A_531 : vector<16xi32>
      %gather3A_533 = tpu.vector_load_idx %arg29[%add3A_532] : memref<272xf32, #tpu.memory_space<vmem>>[vector<16xi32>], vector<16xf32>,
      %add3A_534 = arith.addf %add3A_524, %gather3A_533 : vector<16xf32>
      %add3A_535 = arith.constant 11 : i32
      %add3A_536 = vector.broadcast %add3A_535 : i32 to vector<16xi32>
      %add3A_537 = arith.addi %mul3A_41, %add3A_536 : vector<16xi32>
      %gather3A_538 = tpu.vector_load_idx %arg28[%add3A_537] : memref<272xf32, #tpu.memory_space<vmem>>[vector<16xi32>], vector<16xf32>,
      %add3A_539 = arith.addf %add3A_529, %gather3A_538 : vector<16xf32>
      %add3A_540 = arith.constant 11 : i32
      %add3A_541 = vector.broadcast %add3A_540 : i32 to vector<16xi32>
      %add3A_542 = arith.addi %mul3A_41, %add3A_541 : vector<16xi32>
      %gather3A_543 = tpu.vector_load_idx %arg29[%add3A_542] : memref<272xf32, #tpu.memory_space<vmem>>[vector<16xi32>], vector<16xf32>,
      %add3A_544 = arith.addf %add3A_534, %gather3A_543 : vector<16xf32>
      %add3A_545 = arith.constant 12 : i32
      %add3A_546 = vector.broadcast %add3A_545 : i32 to vector<16xi32>
      %add3A_547 = arith.addi %mul3A_41, %add3A_546 : vector<16xi32>
      %gather3A_548 = tpu.vector_load_idx %arg28[%add3A_547] : memref<272xf32, #tpu.memory_space<vmem>>[vector<16xi32>], vector<16xf32>,
      %add3A_549 = arith.addf %add3A_539, %gather3A_548 : vector<16xf32>
      %add3A_550 = arith.constant 12 : i32
      %add3A_551 = vector.broadcast %add3A_550 : i32 to vector<16xi32>
      %add3A_552 = arith.addi %mul3A_41, %add3A_551 : vector<16xi32>
      %gather3A_553 = tpu.vector_load_idx %arg29[%add3A_552] : memref<272xf32, #tpu.memory_space<vmem>>[vector<16xi32>], vector<16xf32>,
      %add3A_554 = arith.addf %add3A_544, %gather3A_553 : vector<16xf32>
      %add3A_555 = arith.constant 13 : i32
      %add3A_556 = vector.broadcast %add3A_555 : i32 to vector<16xi32>
      %add3A_557 = arith.addi %mul3A_41, %add3A_556 : vector<16xi32>
      %gather3A_558 = tpu.vector_load_idx %arg28[%add3A_557] : memref<272xf32, #tpu.memory_space<vmem>>[vector<16xi32>], vector<16xf32>,
      %add3A_559 = arith.addf %add3A_549, %gather3A_558 : vector<16xf32>
      %add3A_560 = arith.constant 13 : i32
      %add3A_561 = vector.broadcast %add3A_560 : i32 to vector<16xi32>
      %add3A_562 = arith.addi %mul3A_41, %add3A_561 : vector<16xi32>
      %gather3A_563 = tpu.vector_load_idx %arg29[%add3A_562] : memref<272xf32, #tpu.memory_space<vmem>>[vector<16xi32>], vector<16xf32>,
      %add3A_564 = arith.addf %add3A_554, %gather3A_563 : vector<16xf32>
      %add3A_565 = arith.constant 14 : i32
      %add3A_566 = vector.broadcast %add3A_565 : i32 to vector<16xi32>
      %add3A_567 = arith.addi %mul3A_41, %add3A_566 : vector<16xi32>
      %gather3A_568 = tpu.vector_load_idx %arg28[%add3A_567] : memref<272xf32, #tpu.memory_space<vmem>>[vector<16xi32>], vector<16xf32>,
      %add3A_569 = arith.addf %add3A_559, %gather3A_568 : vector<16xf32>
      %add3A_570 = arith.constant 14 : i32
      %add3A_571 = vector.broadcast %add3A_570 : i32 to vector<16xi32>
      %add3A_572 = arith.addi %mul3A_41, %add3A_571 : vector<16xi32>
      %gather3A_573 = tpu.vector_load_idx %arg29[%add3A_572] : memref<272xf32, #tpu.memory_space<vmem>>[vector<16xi32>], vector<16xf32>,
      %add3A_574 = arith.addf %add3A_564, %gather3A_573 : vector<16xf32>
      %add3A_575 = arith.constant 15 : i32
      %add3A_576 = vector.broadcast %add3A_575 : i32 to vector<16xi32>
      %add3A_577 = arith.addi %mul3A_41, %add3A_576 : vector<16xi32>
      %gather3A_578 = tpu.vector_load_idx %arg28[%add3A_577] : memref<272xf32, #tpu.memory_space<vmem>>[vector<16xi32>], vector<16xf32>,
      %add3A_579 = arith.addf %add3A_569, %gather3A_578 : vector<16xf32>
      %add3A_580 = arith.constant 15 : i32
      %add3A_581 = vector.broadcast %add3A_580 : i32 to vector<16xi32>
      %add3A_582 = arith.addi %mul3A_41, %add3A_581 : vector<16xi32>
      %gather3A_583 = tpu.vector_load_idx %arg29[%add3A_582] : memref<272xf32, #tpu.memory_space<vmem>>[vector<16xi32>], vector<16xf32>,
      %add3A_584 = arith.addf %add3A_574, %gather3A_583 : vector<16xf32>
      %get3A = arith.index_cast %add3A_418 : i32 to index
      %get3A_585 = tpu.vector_load %arg17[%get3A] {strides = array<i32>} : memref<512xf32, #tpu.memory_space<vmem>>, vector<16xf32>,
      %get3A_586 = arith.index_cast %add3A_418 : i32 to index
      %get3A_587 = tpu.vector_load %arg18[%get3A_586] {strides = array<i32>} : memref<512xf32, #tpu.memory_space<vmem>>, vector<16xf32>,
      %mul3A_588 = arith.mulf %get3A_585, %add3A_579 : vector<16xf32>
      %mul3A_589 = arith.mulf %get3A_587, %add3A_584 : vector<16xf32>
      %sub3A = arith.subf %mul3A_588, %mul3A_589 : vector<16xf32>
      %add3A_590 = arith.constant 1.000000e+00 : f32
      %add3A_591 = vector.broadcast %add3A_590 : f32 to vector<16xf32>
      %add3A_592 = arith.addf %sub3A, %add3A_591 : vector<16xf32>
      %max3A = arith.constant 0.000000e+00 : f32
      %max3A_593 = vector.broadcast %max3A : f32 to vector<16xf32>
      %max3A_594 = arith.maximumf %add3A_592, %max3A_593 : vector<16xf32>
      %add3A_595 = arith.addf %scan3A_414, %max3A_594 : vector<16xf32>
      scf.yield %add3A_595 : vector<16xf32>
    }
    %scan3A_291 = arith.constant 4 : i32
    %dma_start3A_292 = arith.constant 384 : i32
    %dma_start3A_293 = tpu.memref_slice %arg12[%dma_start3A_292] : memref<512xi32, #tpu.memory_space<vmem>> -> memref<64xi32, #tpu.memory_space<vmem>>
    %dma_start3A_294 = arith.constant 0 : i32
    %dma_start3A_295 = arith.constant 0 : i32
    %dma_start3A_296 = tpu.memref_slice %arg9[%dma_start3A_294, %dma_start3A_295] : memref<1000000x128xf32, #tpu.memory_space<hbm>> -> memref<1000000x128xf32, #tpu.memory_space<hbm>>
    tpu.enqueue_indirect_dma source(%dma_start3A_296 : memref<1000000x128xf32, #tpu.memory_space<hbm>>) target(%arg20 : memref<64x128xf32, #tpu.memory_space<vmem>>) offsets(%dma_start3A_293 : memref<64xi32, #tpu.memory_space<vmem>>) semaphore(%arg31 : memref<!tpu.dma_semaphore, #tpu.memory_space<semaphore_mem>>)
    %dma_start3A_297 = arith.constant 384 : i32
    %dma_start3A_298 = tpu.memref_slice %arg13[%dma_start3A_297] : memref<512xi32, #tpu.memory_space<vmem>> -> memref<64xi32, #tpu.memory_space<vmem>>
    %dma_start3A_299 = arith.constant 0 : i32
    %dma_start3A_300 = arith.constant 0 : i32
    %dma_start3A_301 = tpu.memref_slice %arg9[%dma_start3A_299, %dma_start3A_300] : memref<1000000x128xf32, #tpu.memory_space<hbm>> -> memref<1000000x128xf32, #tpu.memory_space<hbm>>
    tpu.enqueue_indirect_dma source(%dma_start3A_301 : memref<1000000x128xf32, #tpu.memory_space<hbm>>) target(%arg21 : memref<64x128xf32, #tpu.memory_space<vmem>>) offsets(%dma_start3A_298 : memref<64xi32, #tpu.memory_space<vmem>>) semaphore(%arg31 : memref<!tpu.dma_semaphore, #tpu.memory_space<semaphore_mem>>)
    %dma_start3A_302 = arith.constant 384 : i32
    %dma_start3A_303 = tpu.memref_slice %arg14[%dma_start3A_302] : memref<512xi32, #tpu.memory_space<vmem>> -> memref<64xi32, #tpu.memory_space<vmem>>
    %dma_start3A_304 = arith.constant 0 : i32
    %dma_start3A_305 = arith.constant 0 : i32
    %dma_start3A_306 = tpu.memref_slice %arg9[%dma_start3A_304, %dma_start3A_305] : memref<1000000x128xf32, #tpu.memory_space<hbm>> -> memref<1000000x128xf32, #tpu.memory_space<hbm>>
    tpu.enqueue_indirect_dma source(%dma_start3A_306 : memref<1000000x128xf32, #tpu.memory_space<hbm>>) target(%arg22 : memref<64x128xf32, #tpu.memory_space<vmem>>) offsets(%dma_start3A_303 : memref<64xi32, #tpu.memory_space<vmem>>) semaphore(%arg31 : memref<!tpu.dma_semaphore, #tpu.memory_space<semaphore_mem>>)
    %dma_start3A_307 = arith.constant 384 : i32
    %dma_start3A_308 = tpu.memref_slice %arg15[%dma_start3A_307] : memref<512xi32, #tpu.memory_space<vmem>> -> memref<64xi32, #tpu.memory_space<vmem>>
    %dma_start3A_309 = arith.constant 0 : i32
    %dma_start3A_310 = arith.constant 0 : i32
    %dma_start3A_311 = tpu.memref_slice %arg9[%dma_start3A_309, %dma_start3A_310] : memref<1000000x128xf32, #tpu.memory_space<hbm>> -> memref<1000000x128xf32, #tpu.memory_space<hbm>>
    tpu.enqueue_indirect_dma source(%dma_start3A_311 : memref<1000000x128xf32, #tpu.memory_space<hbm>>) target(%arg23 : memref<64x128xf32, #tpu.memory_space<vmem>>) offsets(%dma_start3A_308 : memref<64xi32, #tpu.memory_space<vmem>>) semaphore(%arg31 : memref<!tpu.dma_semaphore, #tpu.memory_space<semaphore_mem>>)
    %dma_wait3A_312 = arith.constant 320 : i32
    %dma_wait3A_313 = tpu.memref_slice %arg12[%dma_wait3A_312] : memref<512xi32, #tpu.memory_space<vmem>> -> memref<64xi32, #tpu.memory_space<vmem>>
    %dma_wait3A_314 = arith.constant 0 : i32
    %dma_wait3A_315 = arith.constant 0 : i32
    %dma_wait3A_316 = tpu.memref_slice %arg9[%dma_wait3A_314, %dma_wait3A_315] : memref<1000000x128xf32, #tpu.memory_space<hbm>> -> memref<1000000x128xf32, #tpu.memory_space<hbm>>
    tpu.wait_indirect_dma semaphore(%arg32 : memref<!tpu.dma_semaphore, #tpu.memory_space<semaphore_mem>>) src(%dma_wait3A_316 : memref<1000000x128xf32, #tpu.memory_space<hbm>>) dst(%arg24 : memref<64x128xf32, #tpu.memory_space<vmem>>)
    %dma_wait3A_317 = arith.constant 320 : i32
    %dma_wait3A_318 = tpu.memref_slice %arg13[%dma_wait3A_317] : memref<512xi32, #tpu.memory_space<vmem>> -> memref<64xi32, #tpu.memory_space<vmem>>
    %dma_wait3A_319 = arith.constant 0 : i32
    %dma_wait3A_320 = arith.constant 0 : i32
    %dma_wait3A_321 = tpu.memref_slice %arg9[%dma_wait3A_319, %dma_wait3A_320] : memref<1000000x128xf32, #tpu.memory_space<hbm>> -> memref<1000000x128xf32, #tpu.memory_space<hbm>>
    tpu.wait_indirect_dma semaphore(%arg32 : memref<!tpu.dma_semaphore, #tpu.memory_space<semaphore_mem>>) src(%dma_wait3A_321 : memref<1000000x128xf32, #tpu.memory_space<hbm>>) dst(%arg25 : memref<64x128xf32, #tpu.memory_space<vmem>>)
    %dma_wait3A_322 = arith.constant 320 : i32
    %dma_wait3A_323 = tpu.memref_slice %arg14[%dma_wait3A_322] : memref<512xi32, #tpu.memory_space<vmem>> -> memref<64xi32, #tpu.memory_space<vmem>>
    %dma_wait3A_324 = arith.constant 0 : i32
    %dma_wait3A_325 = arith.constant 0 : i32
    %dma_wait3A_326 = tpu.memref_slice %arg9[%dma_wait3A_324, %dma_wait3A_325] : memref<1000000x128xf32, #tpu.memory_space<hbm>> -> memref<1000000x128xf32, #tpu.memory_space<hbm>>
    tpu.wait_indirect_dma semaphore(%arg32 : memref<!tpu.dma_semaphore, #tpu.memory_space<semaphore_mem>>) src(%dma_wait3A_326 : memref<1000000x128xf32, #tpu.memory_space<hbm>>) dst(%arg26 : memref<64x128xf32, #tpu.memory_space<vmem>>)
    %dma_wait3A_327 = arith.constant 320 : i32
    %dma_wait3A_328 = tpu.memref_slice %arg15[%dma_wait3A_327] : memref<512xi32, #tpu.memory_space<vmem>> -> memref<64xi32, #tpu.memory_space<vmem>>
    %dma_wait3A_329 = arith.constant 0 : i32
    %dma_wait3A_330 = arith.constant 0 : i32
    %dma_wait3A_331 = tpu.memref_slice %arg9[%dma_wait3A_329, %dma_wait3A_330] : memref<1000000x128xf32, #tpu.memory_space<hbm>> -> memref<1000000x128xf32, #tpu.memory_space<hbm>>
    tpu.wait_indirect_dma semaphore(%arg32 : memref<!tpu.dma_semaphore, #tpu.memory_space<semaphore_mem>>) src(%dma_wait3A_331 : memref<1000000x128xf32, #tpu.memory_space<hbm>>) dst(%arg27 : memref<64x128xf32, #tpu.memory_space<vmem>>)
    %scan3A_332 = arith.constant 0 : i32
    %scan3A_333 = arith.constant 4 : i32
    %scan3A_334 = arith.addi %scan3A_332, %scan3A_333 : i32
    %scan3A_335 = arith.constant 1 : i32
    %scan3A_336 = scf.for %scan3A_413 = %scan3A_332 to %scan3A_334 step %scan3A_335 iter_args(%scan3A_414 = %scan3A_290) -> (vector<16xf32>)  : i32 {
      %mul3A_415 = arith.constant 16 : i32
      %mul3A_416 = arith.muli %scan3A_413, %mul3A_415 : i32
      %add3A_417 = arith.constant 320 : i32
      %add3A_418 = arith.addi %add3A_417, %mul3A_416 : i32
      %scan3A_419 = arith.constant 0 : i32
      %scan3A_420 = arith.constant 0 : i32
      %scan3A_421 = arith.constant 16 : i32
      %scan3A_422 = arith.addi %scan3A_420, %scan3A_421 : i32
      %scan3A_423 = arith.constant 1 : i32
      %scan3A_424 = scf.for %scan3A_596 = %scan3A_420 to %scan3A_422 step %scan3A_423 iter_args(%scan3A_597 = %scan3A_419) -> (i32)  : i32 {
        %mul3A_598 = arith.constant 16 : i32
        %mul3A_599 = arith.muli %scan3A_413, %mul3A_598 : i32
        %add3A_600 = arith.addi %mul3A_599, %scan3A_596 : i32
        %add3A_601 = arith.addi %add3A_418, %scan3A_596 : i32
        %mul3A_602 = arith.constant 2 : i32
        %mul3A_603 = arith.muli %add3A_601, %mul3A_602 : i32
        %get3A_604 = arith.index_cast %mul3A_603 : i32 to index
        %get3A_605 = tpu.vector_load %arg16[%get3A_604] {strides = array<i32>} : memref<1040xi32, #tpu.memory_space<vmem>>, vector<16xi32>,
        %slice3A = vector.extract_strided_slice %get3A_605 {offsets = [0], sizes = [1], strides = [1]} : vector<16xi32> to vector<1xi32>
        %squeeze3A = vector.extract %slice3A[0] : i32 from vector<1xi32>
        %slice3A_606 = vector.extract_strided_slice %get3A_605 {offsets = [1], sizes = [1], strides = [1]} : vector<16xi32> to vector<1xi32>
        %squeeze3A_607 = vector.extract %slice3A_606[0] : i32 from vector<1xi32>
        %get3A_608 = arith.index_cast %add3A_600 : i32 to index
        %get3A_609 = arith.constant 0 : index
        %get3A_610 = tpu.vector_load %arg24[%get3A_608, %get3A_609] {strides = array<i32>} : memref<64x128xf32, #tpu.memory_space<vmem>>, vector<16xf32>,
        %get3A_611 = arith.index_cast %add3A_600 : i32 to index
        %get3A_612 = arith.constant 0 : index
        %get3A_613 = tpu.vector_load %arg25[%get3A_611, %get3A_612] {strides = array<i32>} : memref<64x128xf32, #tpu.memory_space<vmem>>, vector<16xf32>,
        %add3A_614 = arith.constant 0 : i32
        %add3A_615 = arith.addi %squeeze3A, %add3A_614 : i32
        %get3A_616 = arith.index_cast %add3A_615 : i32 to index
        %get3A_617 = tpu.vector_load %arg19[%get3A_616] {strides = array<i32>} : memref<512xf32, #tpu.memory_space<vmem>>, vector<16xf32>,
        %get3A_618 = arith.index_cast %add3A_600 : i32 to index
        %get3A_619 = arith.constant 0 : index
        %get3A_620 = tpu.vector_load %arg26[%get3A_618, %get3A_619] {strides = array<i32>} : memref<64x128xf32, #tpu.memory_space<vmem>>, vector<16xf32>,
        %get3A_621 = arith.index_cast %add3A_600 : i32 to index
        %get3A_622 = arith.constant 0 : index
        %get3A_623 = tpu.vector_load %arg27[%get3A_621, %get3A_622] {strides = array<i32>} : memref<64x128xf32, #tpu.memory_space<vmem>>, vector<16xf32>,
        %add3A_624 = arith.constant 0 : i32
        %add3A_625 = arith.addi %squeeze3A_607, %add3A_624 : i32
        %get3A_626 = arith.index_cast %add3A_625 : i32 to index
        %get3A_627 = tpu.vector_load %arg19[%get3A_626] {strides = array<i32>} : memref<512xf32, #tpu.memory_space<vmem>>, vector<16xf32>,
        %add3A_628 = arith.addf %get3A_610, %get3A_617 : vector<16xf32>
        %sub3A_629 = arith.subf %add3A_628, %get3A_613 : vector<16xf32>
        %abs3A = math.absf %sub3A_629 : vector<16xf32>
        %add3A_630 = arith.addf %broadcast_in_dim3A_42, %abs3A : vector<16xf32>
        %add3A_631 = arith.addf %get3A_620, %get3A_627 : vector<16xf32>
        %sub3A_632 = arith.subf %add3A_631, %get3A_623 : vector<16xf32>
        %abs3A_633 = math.absf %sub3A_632 : vector<16xf32>
        %add3A_634 = arith.addf %broadcast_in_dim3A_42, %abs3A_633 : vector<16xf32>
        %get3A_635 = arith.index_cast %add3A_600 : i32 to index
        %get3A_636 = arith.constant 16 : index
        %get3A_637 = tpu.vector_load %arg24[%get3A_635, %get3A_636] {strides = array<i32>} : memref<64x128xf32, #tpu.memory_space<vmem>>, vector<16xf32>,
        %get3A_638 = arith.index_cast %add3A_600 : i32 to index
        %get3A_639 = arith.constant 16 : index
        %get3A_640 = tpu.vector_load %arg25[%get3A_638, %get3A_639] {strides = array<i32>} : memref<64x128xf32, #tpu.memory_space<vmem>>, vector<16xf32>,
        %add3A_641 = arith.constant 16 : i32
        %add3A_642 = arith.addi %squeeze3A, %add3A_641 : i32
        %get3A_643 = arith.index_cast %add3A_642 : i32 to index
        %get3A_644 = tpu.vector_load %arg19[%get3A_643] {strides = array<i32>} : memref<512xf32, #tpu.memory_space<vmem>>, vector<16xf32>,
        %get3A_645 = arith.index_cast %add3A_600 : i32 to index
        %get3A_646 = arith.constant 16 : index
        %get3A_647 = tpu.vector_load %arg26[%get3A_645, %get3A_646] {strides = array<i32>} : memref<64x128xf32, #tpu.memory_space<vmem>>, vector<16xf32>,
        %get3A_648 = arith.index_cast %add3A_600 : i32 to index
        %get3A_649 = arith.constant 16 : index
        %get3A_650 = tpu.vector_load %arg27[%get3A_648, %get3A_649] {strides = array<i32>} : memref<64x128xf32, #tpu.memory_space<vmem>>, vector<16xf32>,
        %add3A_651 = arith.constant 16 : i32
        %add3A_652 = arith.addi %squeeze3A_607, %add3A_651 : i32
        %get3A_653 = arith.index_cast %add3A_652 : i32 to index
        %get3A_654 = tpu.vector_load %arg19[%get3A_653] {strides = array<i32>} : memref<512xf32, #tpu.memory_space<vmem>>, vector<16xf32>,
        %add3A_655 = arith.addf %get3A_637, %get3A_644 : vector<16xf32>
        %sub3A_656 = arith.subf %add3A_655, %get3A_640 : vector<16xf32>
        %abs3A_657 = math.absf %sub3A_656 : vector<16xf32>
        %add3A_658 = arith.addf %add3A_630, %abs3A_657 : vector<16xf32>
        %add3A_659 = arith.addf %get3A_647, %get3A_654 : vector<16xf32>
        %sub3A_660 = arith.subf %add3A_659, %get3A_650 : vector<16xf32>
        %abs3A_661 = math.absf %sub3A_660 : vector<16xf32>
        %add3A_662 = arith.addf %add3A_634, %abs3A_661 : vector<16xf32>
        %get3A_663 = arith.index_cast %add3A_600 : i32 to index
        %get3A_664 = arith.constant 32 : index
        %get3A_665 = tpu.vector_load %arg24[%get3A_663, %get3A_664] {strides = array<i32>} : memref<64x128xf32, #tpu.memory_space<vmem>>, vector<16xf32>,
        %get3A_666 = arith.index_cast %add3A_600 : i32 to index
        %get3A_667 = arith.constant 32 : index
        %get3A_668 = tpu.vector_load %arg25[%get3A_666, %get3A_667] {strides = array<i32>} : memref<64x128xf32, #tpu.memory_space<vmem>>, vector<16xf32>,
        %add3A_669 = arith.constant 32 : i32
        %add3A_670 = arith.addi %squeeze3A, %add3A_669 : i32
        %get3A_671 = arith.index_cast %add3A_670 : i32 to index
        %get3A_672 = tpu.vector_load %arg19[%get3A_671] {strides = array<i32>} : memref<512xf32, #tpu.memory_space<vmem>>, vector<16xf32>,
        %get3A_673 = arith.index_cast %add3A_600 : i32 to index
        %get3A_674 = arith.constant 32 : index
        %get3A_675 = tpu.vector_load %arg26[%get3A_673, %get3A_674] {strides = array<i32>} : memref<64x128xf32, #tpu.memory_space<vmem>>, vector<16xf32>,
        %get3A_676 = arith.index_cast %add3A_600 : i32 to index
        %get3A_677 = arith.constant 32 : index
        %get3A_678 = tpu.vector_load %arg27[%get3A_676, %get3A_677] {strides = array<i32>} : memref<64x128xf32, #tpu.memory_space<vmem>>, vector<16xf32>,
        %add3A_679 = arith.constant 32 : i32
        %add3A_680 = arith.addi %squeeze3A_607, %add3A_679 : i32
        %get3A_681 = arith.index_cast %add3A_680 : i32 to index
        %get3A_682 = tpu.vector_load %arg19[%get3A_681] {strides = array<i32>} : memref<512xf32, #tpu.memory_space<vmem>>, vector<16xf32>,
        %add3A_683 = arith.addf %get3A_665, %get3A_672 : vector<16xf32>
        %sub3A_684 = arith.subf %add3A_683, %get3A_668 : vector<16xf32>
        %abs3A_685 = math.absf %sub3A_684 : vector<16xf32>
        %add3A_686 = arith.addf %add3A_658, %abs3A_685 : vector<16xf32>
        %add3A_687 = arith.addf %get3A_675, %get3A_682 : vector<16xf32>
        %sub3A_688 = arith.subf %add3A_687, %get3A_678 : vector<16xf32>
        %abs3A_689 = math.absf %sub3A_688 : vector<16xf32>
        %add3A_690 = arith.addf %add3A_662, %abs3A_689 : vector<16xf32>
        %get3A_691 = arith.index_cast %add3A_600 : i32 to index
        %get3A_692 = arith.constant 48 : index
        %get3A_693 = tpu.vector_load %arg24[%get3A_691, %get3A_692] {strides = array<i32>} : memref<64x128xf32, #tpu.memory_space<vmem>>, vector<16xf32>,
        %get3A_694 = arith.index_cast %add3A_600 : i32 to index
        %get3A_695 = arith.constant 48 : index
        %get3A_696 = tpu.vector_load %arg25[%get3A_694, %get3A_695] {strides = array<i32>} : memref<64x128xf32, #tpu.memory_space<vmem>>, vector<16xf32>,
        %add3A_697 = arith.constant 48 : i32
        %add3A_698 = arith.addi %squeeze3A, %add3A_697 : i32
        %get3A_699 = arith.index_cast %add3A_698 : i32 to index
        %get3A_700 = tpu.vector_load %arg19[%get3A_699] {strides = array<i32>} : memref<512xf32, #tpu.memory_space<vmem>>, vector<16xf32>,
        %get3A_701 = arith.index_cast %add3A_600 : i32 to index
        %get3A_702 = arith.constant 48 : index
        %get3A_703 = tpu.vector_load %arg26[%get3A_701, %get3A_702] {strides = array<i32>} : memref<64x128xf32, #tpu.memory_space<vmem>>, vector<16xf32>,
        %get3A_704 = arith.index_cast %add3A_600 : i32 to index
        %get3A_705 = arith.constant 48 : index
        %get3A_706 = tpu.vector_load %arg27[%get3A_704, %get3A_705] {strides = array<i32>} : memref<64x128xf32, #tpu.memory_space<vmem>>, vector<16xf32>,
        %add3A_707 = arith.constant 48 : i32
        %add3A_708 = arith.addi %squeeze3A_607, %add3A_707 : i32
        %get3A_709 = arith.index_cast %add3A_708 : i32 to index
        %get3A_710 = tpu.vector_load %arg19[%get3A_709] {strides = array<i32>} : memref<512xf32, #tpu.memory_space<vmem>>, vector<16xf32>,
        %add3A_711 = arith.addf %get3A_693, %get3A_700 : vector<16xf32>
        %sub3A_712 = arith.subf %add3A_711, %get3A_696 : vector<16xf32>
        %abs3A_713 = math.absf %sub3A_712 : vector<16xf32>
        %add3A_714 = arith.addf %add3A_686, %abs3A_713 : vector<16xf32>
        %add3A_715 = arith.addf %get3A_703, %get3A_710 : vector<16xf32>
        %sub3A_716 = arith.subf %add3A_715, %get3A_706 : vector<16xf32>
        %abs3A_717 = math.absf %sub3A_716 : vector<16xf32>
        %add3A_718 = arith.addf %add3A_690, %abs3A_717 : vector<16xf32>
        %mul3A_719 = arith.constant 17 : i32
        %mul3A_720 = arith.muli %scan3A_596, %mul3A_719 : i32
        %swap3A_721 = arith.index_cast %mul3A_720 : i32 to index
        %swap3A_722 = tpu.vector_load %arg28[%swap3A_721] {strides = array<i32>} : memref<272xf32, #tpu.memory_space<vmem>>, vector<16xf32>,
        tpu.vector_store %arg28[%swap3A_721], %add3A_714 {strides = array<i32>} : memref<272xf32, #tpu.memory_space<vmem>>, vector<16xf32>,
        %mul3A_723 = arith.constant 17 : i32
        %mul3A_724 = arith.muli %scan3A_596, %mul3A_723 : i32
        %swap3A_725 = arith.index_cast %mul3A_724 : i32 to index
        %swap3A_726 = tpu.vector_load %arg29[%swap3A_725] {strides = array<i32>} : memref<272xf32, #tpu.memory_space<vmem>>, vector<16xf32>,
        tpu.vector_store %arg29[%swap3A_725], %add3A_718 {strides = array<i32>} : memref<272xf32, #tpu.memory_space<vmem>>, vector<16xf32>,
        %scan3A_727 = arith.constant 0 : i32
        scf.yield %scan3A_727 : i32
      }
      %scan3A_425 = arith.constant 16 : i32
      %add3A_426 = arith.constant 0 : i32
      %add3A_427 = vector.broadcast %add3A_426 : i32 to vector<16xi32>
      %add3A_428 = arith.addi %mul3A_41, %add3A_427 : vector<16xi32>
      %gather3A = tpu.vector_load_idx %arg28[%add3A_428] : memref<272xf32, #tpu.memory_space<vmem>>[vector<16xi32>], vector<16xf32>,
      %add3A_429 = arith.addf %broadcast_in_dim3A_42, %gather3A : vector<16xf32>
      %add3A_430 = arith.constant 0 : i32
      %add3A_431 = vector.broadcast %add3A_430 : i32 to vector<16xi32>
      %add3A_432 = arith.addi %mul3A_41, %add3A_431 : vector<16xi32>
      %gather3A_433 = tpu.vector_load_idx %arg29[%add3A_432] : memref<272xf32, #tpu.memory_space<vmem>>[vector<16xi32>], vector<16xf32>,
      %add3A_434 = arith.addf %broadcast_in_dim3A_42, %gather3A_433 : vector<16xf32>
      %add3A_435 = arith.constant 1 : i32
      %add3A_436 = vector.broadcast %add3A_435 : i32 to vector<16xi32>
      %add3A_437 = arith.addi %mul3A_41, %add3A_436 : vector<16xi32>
      %gather3A_438 = tpu.vector_load_idx %arg28[%add3A_437] : memref<272xf32, #tpu.memory_space<vmem>>[vector<16xi32>], vector<16xf32>,
      %add3A_439 = arith.addf %add3A_429, %gather3A_438 : vector<16xf32>
      %add3A_440 = arith.constant 1 : i32
      %add3A_441 = vector.broadcast %add3A_440 : i32 to vector<16xi32>
      %add3A_442 = arith.addi %mul3A_41, %add3A_441 : vector<16xi32>
      %gather3A_443 = tpu.vector_load_idx %arg29[%add3A_442] : memref<272xf32, #tpu.memory_space<vmem>>[vector<16xi32>], vector<16xf32>,
      %add3A_444 = arith.addf %add3A_434, %gather3A_443 : vector<16xf32>
      %add3A_445 = arith.constant 2 : i32
      %add3A_446 = vector.broadcast %add3A_445 : i32 to vector<16xi32>
      %add3A_447 = arith.addi %mul3A_41, %add3A_446 : vector<16xi32>
      %gather3A_448 = tpu.vector_load_idx %arg28[%add3A_447] : memref<272xf32, #tpu.memory_space<vmem>>[vector<16xi32>], vector<16xf32>,
      %add3A_449 = arith.addf %add3A_439, %gather3A_448 : vector<16xf32>
      %add3A_450 = arith.constant 2 : i32
      %add3A_451 = vector.broadcast %add3A_450 : i32 to vector<16xi32>
      %add3A_452 = arith.addi %mul3A_41, %add3A_451 : vector<16xi32>
      %gather3A_453 = tpu.vector_load_idx %arg29[%add3A_452] : memref<272xf32, #tpu.memory_space<vmem>>[vector<16xi32>], vector<16xf32>,
      %add3A_454 = arith.addf %add3A_444, %gather3A_453 : vector<16xf32>
      %add3A_455 = arith.constant 3 : i32
      %add3A_456 = vector.broadcast %add3A_455 : i32 to vector<16xi32>
      %add3A_457 = arith.addi %mul3A_41, %add3A_456 : vector<16xi32>
      %gather3A_458 = tpu.vector_load_idx %arg28[%add3A_457] : memref<272xf32, #tpu.memory_space<vmem>>[vector<16xi32>], vector<16xf32>,
      %add3A_459 = arith.addf %add3A_449, %gather3A_458 : vector<16xf32>
      %add3A_460 = arith.constant 3 : i32
      %add3A_461 = vector.broadcast %add3A_460 : i32 to vector<16xi32>
      %add3A_462 = arith.addi %mul3A_41, %add3A_461 : vector<16xi32>
      %gather3A_463 = tpu.vector_load_idx %arg29[%add3A_462] : memref<272xf32, #tpu.memory_space<vmem>>[vector<16xi32>], vector<16xf32>,
      %add3A_464 = arith.addf %add3A_454, %gather3A_463 : vector<16xf32>
      %add3A_465 = arith.constant 4 : i32
      %add3A_466 = vector.broadcast %add3A_465 : i32 to vector<16xi32>
      %add3A_467 = arith.addi %mul3A_41, %add3A_466 : vector<16xi32>
      %gather3A_468 = tpu.vector_load_idx %arg28[%add3A_467] : memref<272xf32, #tpu.memory_space<vmem>>[vector<16xi32>], vector<16xf32>,
      %add3A_469 = arith.addf %add3A_459, %gather3A_468 : vector<16xf32>
      %add3A_470 = arith.constant 4 : i32
      %add3A_471 = vector.broadcast %add3A_470 : i32 to vector<16xi32>
      %add3A_472 = arith.addi %mul3A_41, %add3A_471 : vector<16xi32>
      %gather3A_473 = tpu.vector_load_idx %arg29[%add3A_472] : memref<272xf32, #tpu.memory_space<vmem>>[vector<16xi32>], vector<16xf32>,
      %add3A_474 = arith.addf %add3A_464, %gather3A_473 : vector<16xf32>
      %add3A_475 = arith.constant 5 : i32
      %add3A_476 = vector.broadcast %add3A_475 : i32 to vector<16xi32>
      %add3A_477 = arith.addi %mul3A_41, %add3A_476 : vector<16xi32>
      %gather3A_478 = tpu.vector_load_idx %arg28[%add3A_477] : memref<272xf32, #tpu.memory_space<vmem>>[vector<16xi32>], vector<16xf32>,
      %add3A_479 = arith.addf %add3A_469, %gather3A_478 : vector<16xf32>
      %add3A_480 = arith.constant 5 : i32
      %add3A_481 = vector.broadcast %add3A_480 : i32 to vector<16xi32>
      %add3A_482 = arith.addi %mul3A_41, %add3A_481 : vector<16xi32>
      %gather3A_483 = tpu.vector_load_idx %arg29[%add3A_482] : memref<272xf32, #tpu.memory_space<vmem>>[vector<16xi32>], vector<16xf32>,
      %add3A_484 = arith.addf %add3A_474, %gather3A_483 : vector<16xf32>
      %add3A_485 = arith.constant 6 : i32
      %add3A_486 = vector.broadcast %add3A_485 : i32 to vector<16xi32>
      %add3A_487 = arith.addi %mul3A_41, %add3A_486 : vector<16xi32>
      %gather3A_488 = tpu.vector_load_idx %arg28[%add3A_487] : memref<272xf32, #tpu.memory_space<vmem>>[vector<16xi32>], vector<16xf32>,
      %add3A_489 = arith.addf %add3A_479, %gather3A_488 : vector<16xf32>
      %add3A_490 = arith.constant 6 : i32
      %add3A_491 = vector.broadcast %add3A_490 : i32 to vector<16xi32>
      %add3A_492 = arith.addi %mul3A_41, %add3A_491 : vector<16xi32>
      %gather3A_493 = tpu.vector_load_idx %arg29[%add3A_492] : memref<272xf32, #tpu.memory_space<vmem>>[vector<16xi32>], vector<16xf32>,
      %add3A_494 = arith.addf %add3A_484, %gather3A_493 : vector<16xf32>
      %add3A_495 = arith.constant 7 : i32
      %add3A_496 = vector.broadcast %add3A_495 : i32 to vector<16xi32>
      %add3A_497 = arith.addi %mul3A_41, %add3A_496 : vector<16xi32>
      %gather3A_498 = tpu.vector_load_idx %arg28[%add3A_497] : memref<272xf32, #tpu.memory_space<vmem>>[vector<16xi32>], vector<16xf32>,
      %add3A_499 = arith.addf %add3A_489, %gather3A_498 : vector<16xf32>
      %add3A_500 = arith.constant 7 : i32
      %add3A_501 = vector.broadcast %add3A_500 : i32 to vector<16xi32>
      %add3A_502 = arith.addi %mul3A_41, %add3A_501 : vector<16xi32>
      %gather3A_503 = tpu.vector_load_idx %arg29[%add3A_502] : memref<272xf32, #tpu.memory_space<vmem>>[vector<16xi32>], vector<16xf32>,
      %add3A_504 = arith.addf %add3A_494, %gather3A_503 : vector<16xf32>
      %add3A_505 = arith.constant 8 : i32
      %add3A_506 = vector.broadcast %add3A_505 : i32 to vector<16xi32>
      %add3A_507 = arith.addi %mul3A_41, %add3A_506 : vector<16xi32>
      %gather3A_508 = tpu.vector_load_idx %arg28[%add3A_507] : memref<272xf32, #tpu.memory_space<vmem>>[vector<16xi32>], vector<16xf32>,
      %add3A_509 = arith.addf %add3A_499, %gather3A_508 : vector<16xf32>
      %add3A_510 = arith.constant 8 : i32
      %add3A_511 = vector.broadcast %add3A_510 : i32 to vector<16xi32>
      %add3A_512 = arith.addi %mul3A_41, %add3A_511 : vector<16xi32>
      %gather3A_513 = tpu.vector_load_idx %arg29[%add3A_512] : memref<272xf32, #tpu.memory_space<vmem>>[vector<16xi32>], vector<16xf32>,
      %add3A_514 = arith.addf %add3A_504, %gather3A_513 : vector<16xf32>
      %add3A_515 = arith.constant 9 : i32
      %add3A_516 = vector.broadcast %add3A_515 : i32 to vector<16xi32>
      %add3A_517 = arith.addi %mul3A_41, %add3A_516 : vector<16xi32>
      %gather3A_518 = tpu.vector_load_idx %arg28[%add3A_517] : memref<272xf32, #tpu.memory_space<vmem>>[vector<16xi32>], vector<16xf32>,
      %add3A_519 = arith.addf %add3A_509, %gather3A_518 : vector<16xf32>
      %add3A_520 = arith.constant 9 : i32
      %add3A_521 = vector.broadcast %add3A_520 : i32 to vector<16xi32>
      %add3A_522 = arith.addi %mul3A_41, %add3A_521 : vector<16xi32>
      %gather3A_523 = tpu.vector_load_idx %arg29[%add3A_522] : memref<272xf32, #tpu.memory_space<vmem>>[vector<16xi32>], vector<16xf32>,
      %add3A_524 = arith.addf %add3A_514, %gather3A_523 : vector<16xf32>
      %add3A_525 = arith.constant 10 : i32
      %add3A_526 = vector.broadcast %add3A_525 : i32 to vector<16xi32>
      %add3A_527 = arith.addi %mul3A_41, %add3A_526 : vector<16xi32>
      %gather3A_528 = tpu.vector_load_idx %arg28[%add3A_527] : memref<272xf32, #tpu.memory_space<vmem>>[vector<16xi32>], vector<16xf32>,
      %add3A_529 = arith.addf %add3A_519, %gather3A_528 : vector<16xf32>
      %add3A_530 = arith.constant 10 : i32
      %add3A_531 = vector.broadcast %add3A_530 : i32 to vector<16xi32>
      %add3A_532 = arith.addi %mul3A_41, %add3A_531 : vector<16xi32>
      %gather3A_533 = tpu.vector_load_idx %arg29[%add3A_532] : memref<272xf32, #tpu.memory_space<vmem>>[vector<16xi32>], vector<16xf32>,
      %add3A_534 = arith.addf %add3A_524, %gather3A_533 : vector<16xf32>
      %add3A_535 = arith.constant 11 : i32
      %add3A_536 = vector.broadcast %add3A_535 : i32 to vector<16xi32>
      %add3A_537 = arith.addi %mul3A_41, %add3A_536 : vector<16xi32>
      %gather3A_538 = tpu.vector_load_idx %arg28[%add3A_537] : memref<272xf32, #tpu.memory_space<vmem>>[vector<16xi32>], vector<16xf32>,
      %add3A_539 = arith.addf %add3A_529, %gather3A_538 : vector<16xf32>
      %add3A_540 = arith.constant 11 : i32
      %add3A_541 = vector.broadcast %add3A_540 : i32 to vector<16xi32>
      %add3A_542 = arith.addi %mul3A_41, %add3A_541 : vector<16xi32>
      %gather3A_543 = tpu.vector_load_idx %arg29[%add3A_542] : memref<272xf32, #tpu.memory_space<vmem>>[vector<16xi32>], vector<16xf32>,
      %add3A_544 = arith.addf %add3A_534, %gather3A_543 : vector<16xf32>
      %add3A_545 = arith.constant 12 : i32
      %add3A_546 = vector.broadcast %add3A_545 : i32 to vector<16xi32>
      %add3A_547 = arith.addi %mul3A_41, %add3A_546 : vector<16xi32>
      %gather3A_548 = tpu.vector_load_idx %arg28[%add3A_547] : memref<272xf32, #tpu.memory_space<vmem>>[vector<16xi32>], vector<16xf32>,
      %add3A_549 = arith.addf %add3A_539, %gather3A_548 : vector<16xf32>
      %add3A_550 = arith.constant 12 : i32
      %add3A_551 = vector.broadcast %add3A_550 : i32 to vector<16xi32>
      %add3A_552 = arith.addi %mul3A_41, %add3A_551 : vector<16xi32>
      %gather3A_553 = tpu.vector_load_idx %arg29[%add3A_552] : memref<272xf32, #tpu.memory_space<vmem>>[vector<16xi32>], vector<16xf32>,
      %add3A_554 = arith.addf %add3A_544, %gather3A_553 : vector<16xf32>
      %add3A_555 = arith.constant 13 : i32
      %add3A_556 = vector.broadcast %add3A_555 : i32 to vector<16xi32>
      %add3A_557 = arith.addi %mul3A_41, %add3A_556 : vector<16xi32>
      %gather3A_558 = tpu.vector_load_idx %arg28[%add3A_557] : memref<272xf32, #tpu.memory_space<vmem>>[vector<16xi32>], vector<16xf32>,
      %add3A_559 = arith.addf %add3A_549, %gather3A_558 : vector<16xf32>
      %add3A_560 = arith.constant 13 : i32
      %add3A_561 = vector.broadcast %add3A_560 : i32 to vector<16xi32>
      %add3A_562 = arith.addi %mul3A_41, %add3A_561 : vector<16xi32>
      %gather3A_563 = tpu.vector_load_idx %arg29[%add3A_562] : memref<272xf32, #tpu.memory_space<vmem>>[vector<16xi32>], vector<16xf32>,
      %add3A_564 = arith.addf %add3A_554, %gather3A_563 : vector<16xf32>
      %add3A_565 = arith.constant 14 : i32
      %add3A_566 = vector.broadcast %add3A_565 : i32 to vector<16xi32>
      %add3A_567 = arith.addi %mul3A_41, %add3A_566 : vector<16xi32>
      %gather3A_568 = tpu.vector_load_idx %arg28[%add3A_567] : memref<272xf32, #tpu.memory_space<vmem>>[vector<16xi32>], vector<16xf32>,
      %add3A_569 = arith.addf %add3A_559, %gather3A_568 : vector<16xf32>
      %add3A_570 = arith.constant 14 : i32
      %add3A_571 = vector.broadcast %add3A_570 : i32 to vector<16xi32>
      %add3A_572 = arith.addi %mul3A_41, %add3A_571 : vector<16xi32>
      %gather3A_573 = tpu.vector_load_idx %arg29[%add3A_572] : memref<272xf32, #tpu.memory_space<vmem>>[vector<16xi32>], vector<16xf32>,
      %add3A_574 = arith.addf %add3A_564, %gather3A_573 : vector<16xf32>
      %add3A_575 = arith.constant 15 : i32
      %add3A_576 = vector.broadcast %add3A_575 : i32 to vector<16xi32>
      %add3A_577 = arith.addi %mul3A_41, %add3A_576 : vector<16xi32>
      %gather3A_578 = tpu.vector_load_idx %arg28[%add3A_577] : memref<272xf32, #tpu.memory_space<vmem>>[vector<16xi32>], vector<16xf32>,
      %add3A_579 = arith.addf %add3A_569, %gather3A_578 : vector<16xf32>
      %add3A_580 = arith.constant 15 : i32
      %add3A_581 = vector.broadcast %add3A_580 : i32 to vector<16xi32>
      %add3A_582 = arith.addi %mul3A_41, %add3A_581 : vector<16xi32>
      %gather3A_583 = tpu.vector_load_idx %arg29[%add3A_582] : memref<272xf32, #tpu.memory_space<vmem>>[vector<16xi32>], vector<16xf32>,
      %add3A_584 = arith.addf %add3A_574, %gather3A_583 : vector<16xf32>
      %get3A = arith.index_cast %add3A_418 : i32 to index
      %get3A_585 = tpu.vector_load %arg17[%get3A] {strides = array<i32>} : memref<512xf32, #tpu.memory_space<vmem>>, vector<16xf32>,
      %get3A_586 = arith.index_cast %add3A_418 : i32 to index
      %get3A_587 = tpu.vector_load %arg18[%get3A_586] {strides = array<i32>} : memref<512xf32, #tpu.memory_space<vmem>>, vector<16xf32>,
      %mul3A_588 = arith.mulf %get3A_585, %add3A_579 : vector<16xf32>
      %mul3A_589 = arith.mulf %get3A_587, %add3A_584 : vector<16xf32>
      %sub3A = arith.subf %mul3A_588, %mul3A_589 : vector<16xf32>
      %add3A_590 = arith.constant 1.000000e+00 : f32
      %add3A_591 = vector.broadcast %add3A_590 : f32 to vector<16xf32>
      %add3A_592 = arith.addf %sub3A, %add3A_591 : vector<16xf32>
      %max3A = arith.constant 0.000000e+00 : f32
      %max3A_593 = vector.broadcast %max3A : f32 to vector<16xf32>
      %max3A_594 = arith.maximumf %add3A_592, %max3A_593 : vector<16xf32>
      %add3A_595 = arith.addf %scan3A_414, %max3A_594 : vector<16xf32>
      scf.yield %add3A_595 : vector<16xf32>
    }
    %scan3A_337 = arith.constant 4 : i32
    %dma_start3A_338 = arith.constant 448 : i32
    %dma_start3A_339 = tpu.memref_slice %arg12[%dma_start3A_338] : memref<512xi32, #tpu.memory_space<vmem>> -> memref<64xi32, #tpu.memory_space<vmem>>
    %dma_start3A_340 = arith.constant 0 : i32
    %dma_start3A_341 = arith.constant 0 : i32
    %dma_start3A_342 = tpu.memref_slice %arg9[%dma_start3A_340, %dma_start3A_341] : memref<1000000x128xf32, #tpu.memory_space<hbm>> -> memref<1000000x128xf32, #tpu.memory_space<hbm>>
    tpu.enqueue_indirect_dma source(%dma_start3A_342 : memref<1000000x128xf32, #tpu.memory_space<hbm>>) target(%arg24 : memref<64x128xf32, #tpu.memory_space<vmem>>) offsets(%dma_start3A_339 : memref<64xi32, #tpu.memory_space<vmem>>) semaphore(%arg32 : memref<!tpu.dma_semaphore, #tpu.memory_space<semaphore_mem>>)
    %dma_start3A_343 = arith.constant 448 : i32
    %dma_start3A_344 = tpu.memref_slice %arg13[%dma_start3A_343] : memref<512xi32, #tpu.memory_space<vmem>> -> memref<64xi32, #tpu.memory_space<vmem>>
    %dma_start3A_345 = arith.constant 0 : i32
    %dma_start3A_346 = arith.constant 0 : i32
    %dma_start3A_347 = tpu.memref_slice %arg9[%dma_start3A_345, %dma_start3A_346] : memref<1000000x128xf32, #tpu.memory_space<hbm>> -> memref<1000000x128xf32, #tpu.memory_space<hbm>>
    tpu.enqueue_indirect_dma source(%dma_start3A_347 : memref<1000000x128xf32, #tpu.memory_space<hbm>>) target(%arg25 : memref<64x128xf32, #tpu.memory_space<vmem>>) offsets(%dma_start3A_344 : memref<64xi32, #tpu.memory_space<vmem>>) semaphore(%arg32 : memref<!tpu.dma_semaphore, #tpu.memory_space<semaphore_mem>>)
    %dma_start3A_348 = arith.constant 448 : i32
    %dma_start3A_349 = tpu.memref_slice %arg14[%dma_start3A_348] : memref<512xi32, #tpu.memory_space<vmem>> -> memref<64xi32, #tpu.memory_space<vmem>>
    %dma_start3A_350 = arith.constant 0 : i32
    %dma_start3A_351 = arith.constant 0 : i32
    %dma_start3A_352 = tpu.memref_slice %arg9[%dma_start3A_350, %dma_start3A_351] : memref<1000000x128xf32, #tpu.memory_space<hbm>> -> memref<1000000x128xf32, #tpu.memory_space<hbm>>
    tpu.enqueue_indirect_dma source(%dma_start3A_352 : memref<1000000x128xf32, #tpu.memory_space<hbm>>) target(%arg26 : memref<64x128xf32, #tpu.memory_space<vmem>>) offsets(%dma_start3A_349 : memref<64xi32, #tpu.memory_space<vmem>>) semaphore(%arg32 : memref<!tpu.dma_semaphore, #tpu.memory_space<semaphore_mem>>)
    %dma_start3A_353 = arith.constant 448 : i32
    %dma_start3A_354 = tpu.memref_slice %arg15[%dma_start3A_353] : memref<512xi32, #tpu.memory_space<vmem>> -> memref<64xi32, #tpu.memory_space<vmem>>
    %dma_start3A_355 = arith.constant 0 : i32
    %dma_start3A_356 = arith.constant 0 : i32
    %dma_start3A_357 = tpu.memref_slice %arg9[%dma_start3A_355, %dma_start3A_356] : memref<1000000x128xf32, #tpu.memory_space<hbm>> -> memref<1000000x128xf32, #tpu.memory_space<hbm>>
    tpu.enqueue_indirect_dma source(%dma_start3A_357 : memref<1000000x128xf32, #tpu.memory_space<hbm>>) target(%arg27 : memref<64x128xf32, #tpu.memory_space<vmem>>) offsets(%dma_start3A_354 : memref<64xi32, #tpu.memory_space<vmem>>) semaphore(%arg32 : memref<!tpu.dma_semaphore, #tpu.memory_space<semaphore_mem>>)
    %dma_wait3A_358 = arith.constant 384 : i32
    %dma_wait3A_359 = tpu.memref_slice %arg12[%dma_wait3A_358] : memref<512xi32, #tpu.memory_space<vmem>> -> memref<64xi32, #tpu.memory_space<vmem>>
    %dma_wait3A_360 = arith.constant 0 : i32
    %dma_wait3A_361 = arith.constant 0 : i32
    %dma_wait3A_362 = tpu.memref_slice %arg9[%dma_wait3A_360, %dma_wait3A_361] : memref<1000000x128xf32, #tpu.memory_space<hbm>> -> memref<1000000x128xf32, #tpu.memory_space<hbm>>
    tpu.wait_indirect_dma semaphore(%arg31 : memref<!tpu.dma_semaphore, #tpu.memory_space<semaphore_mem>>) src(%dma_wait3A_362 : memref<1000000x128xf32, #tpu.memory_space<hbm>>) dst(%arg20 : memref<64x128xf32, #tpu.memory_space<vmem>>)
    %dma_wait3A_363 = arith.constant 384 : i32
    %dma_wait3A_364 = tpu.memref_slice %arg13[%dma_wait3A_363] : memref<512xi32, #tpu.memory_space<vmem>> -> memref<64xi32, #tpu.memory_space<vmem>>
    %dma_wait3A_365 = arith.constant 0 : i32
    %dma_wait3A_366 = arith.constant 0 : i32
    %dma_wait3A_367 = tpu.memref_slice %arg9[%dma_wait3A_365, %dma_wait3A_366] : memref<1000000x128xf32, #tpu.memory_space<hbm>> -> memref<1000000x128xf32, #tpu.memory_space<hbm>>
    tpu.wait_indirect_dma semaphore(%arg31 : memref<!tpu.dma_semaphore, #tpu.memory_space<semaphore_mem>>) src(%dma_wait3A_367 : memref<1000000x128xf32, #tpu.memory_space<hbm>>) dst(%arg21 : memref<64x128xf32, #tpu.memory_space<vmem>>)
    %dma_wait3A_368 = arith.constant 384 : i32
    %dma_wait3A_369 = tpu.memref_slice %arg14[%dma_wait3A_368] : memref<512xi32, #tpu.memory_space<vmem>> -> memref<64xi32, #tpu.memory_space<vmem>>
    %dma_wait3A_370 = arith.constant 0 : i32
    %dma_wait3A_371 = arith.constant 0 : i32
    %dma_wait3A_372 = tpu.memref_slice %arg9[%dma_wait3A_370, %dma_wait3A_371] : memref<1000000x128xf32, #tpu.memory_space<hbm>> -> memref<1000000x128xf32, #tpu.memory_space<hbm>>
    tpu.wait_indirect_dma semaphore(%arg31 : memref<!tpu.dma_semaphore, #tpu.memory_space<semaphore_mem>>) src(%dma_wait3A_372 : memref<1000000x128xf32, #tpu.memory_space<hbm>>) dst(%arg22 : memref<64x128xf32, #tpu.memory_space<vmem>>)
    %dma_wait3A_373 = arith.constant 384 : i32
    %dma_wait3A_374 = tpu.memref_slice %arg15[%dma_wait3A_373] : memref<512xi32, #tpu.memory_space<vmem>> -> memref<64xi32, #tpu.memory_space<vmem>>
    %dma_wait3A_375 = arith.constant 0 : i32
    %dma_wait3A_376 = arith.constant 0 : i32
    %dma_wait3A_377 = tpu.memref_slice %arg9[%dma_wait3A_375, %dma_wait3A_376] : memref<1000000x128xf32, #tpu.memory_space<hbm>> -> memref<1000000x128xf32, #tpu.memory_space<hbm>>
    tpu.wait_indirect_dma semaphore(%arg31 : memref<!tpu.dma_semaphore, #tpu.memory_space<semaphore_mem>>) src(%dma_wait3A_377 : memref<1000000x128xf32, #tpu.memory_space<hbm>>) dst(%arg23 : memref<64x128xf32, #tpu.memory_space<vmem>>)
    %scan3A_378 = arith.constant 0 : i32
    %scan3A_379 = arith.constant 4 : i32
    %scan3A_380 = arith.addi %scan3A_378, %scan3A_379 : i32
    %scan3A_381 = arith.constant 1 : i32
    %scan3A_382 = scf.for %scan3A_413 = %scan3A_378 to %scan3A_380 step %scan3A_381 iter_args(%scan3A_414 = %scan3A_336) -> (vector<16xf32>)  : i32 {
      %mul3A_415 = arith.constant 16 : i32
      %mul3A_416 = arith.muli %scan3A_413, %mul3A_415 : i32
      %add3A_417 = arith.constant 384 : i32
      %add3A_418 = arith.addi %add3A_417, %mul3A_416 : i32
      %scan3A_419 = arith.constant 0 : i32
      %scan3A_420 = arith.constant 0 : i32
      %scan3A_421 = arith.constant 16 : i32
      %scan3A_422 = arith.addi %scan3A_420, %scan3A_421 : i32
      %scan3A_423 = arith.constant 1 : i32
      %scan3A_424 = scf.for %scan3A_596 = %scan3A_420 to %scan3A_422 step %scan3A_423 iter_args(%scan3A_597 = %scan3A_419) -> (i32)  : i32 {
        %mul3A_598 = arith.constant 16 : i32
        %mul3A_599 = arith.muli %scan3A_413, %mul3A_598 : i32
        %add3A_600 = arith.addi %mul3A_599, %scan3A_596 : i32
        %add3A_601 = arith.addi %add3A_418, %scan3A_596 : i32
        %mul3A_602 = arith.constant 2 : i32
        %mul3A_603 = arith.muli %add3A_601, %mul3A_602 : i32
        %get3A_604 = arith.index_cast %mul3A_603 : i32 to index
        %get3A_605 = tpu.vector_load %arg16[%get3A_604] {strides = array<i32>} : memref<1040xi32, #tpu.memory_space<vmem>>, vector<16xi32>,
        %slice3A = vector.extract_strided_slice %get3A_605 {offsets = [0], sizes = [1], strides = [1]} : vector<16xi32> to vector<1xi32>
        %squeeze3A = vector.extract %slice3A[0] : i32 from vector<1xi32>
        %slice3A_606 = vector.extract_strided_slice %get3A_605 {offsets = [1], sizes = [1], strides = [1]} : vector<16xi32> to vector<1xi32>
        %squeeze3A_607 = vector.extract %slice3A_606[0] : i32 from vector<1xi32>
        %get3A_608 = arith.index_cast %add3A_600 : i32 to index
        %get3A_609 = arith.constant 0 : index
        %get3A_610 = tpu.vector_load %arg20[%get3A_608, %get3A_609] {strides = array<i32>} : memref<64x128xf32, #tpu.memory_space<vmem>>, vector<16xf32>,
        %get3A_611 = arith.index_cast %add3A_600 : i32 to index
        %get3A_612 = arith.constant 0 : index
        %get3A_613 = tpu.vector_load %arg21[%get3A_611, %get3A_612] {strides = array<i32>} : memref<64x128xf32, #tpu.memory_space<vmem>>, vector<16xf32>,
        %add3A_614 = arith.constant 0 : i32
        %add3A_615 = arith.addi %squeeze3A, %add3A_614 : i32
        %get3A_616 = arith.index_cast %add3A_615 : i32 to index
        %get3A_617 = tpu.vector_load %arg19[%get3A_616] {strides = array<i32>} : memref<512xf32, #tpu.memory_space<vmem>>, vector<16xf32>,
        %get3A_618 = arith.index_cast %add3A_600 : i32 to index
        %get3A_619 = arith.constant 0 : index
        %get3A_620 = tpu.vector_load %arg22[%get3A_618, %get3A_619] {strides = array<i32>} : memref<64x128xf32, #tpu.memory_space<vmem>>, vector<16xf32>,
        %get3A_621 = arith.index_cast %add3A_600 : i32 to index
        %get3A_622 = arith.constant 0 : index
        %get3A_623 = tpu.vector_load %arg23[%get3A_621, %get3A_622] {strides = array<i32>} : memref<64x128xf32, #tpu.memory_space<vmem>>, vector<16xf32>,
        %add3A_624 = arith.constant 0 : i32
        %add3A_625 = arith.addi %squeeze3A_607, %add3A_624 : i32
        %get3A_626 = arith.index_cast %add3A_625 : i32 to index
        %get3A_627 = tpu.vector_load %arg19[%get3A_626] {strides = array<i32>} : memref<512xf32, #tpu.memory_space<vmem>>, vector<16xf32>,
        %add3A_628 = arith.addf %get3A_610, %get3A_617 : vector<16xf32>
        %sub3A_629 = arith.subf %add3A_628, %get3A_613 : vector<16xf32>
        %abs3A = math.absf %sub3A_629 : vector<16xf32>
        %add3A_630 = arith.addf %broadcast_in_dim3A_42, %abs3A : vector<16xf32>
        %add3A_631 = arith.addf %get3A_620, %get3A_627 : vector<16xf32>
        %sub3A_632 = arith.subf %add3A_631, %get3A_623 : vector<16xf32>
        %abs3A_633 = math.absf %sub3A_632 : vector<16xf32>
        %add3A_634 = arith.addf %broadcast_in_dim3A_42, %abs3A_633 : vector<16xf32>
        %get3A_635 = arith.index_cast %add3A_600 : i32 to index
        %get3A_636 = arith.constant 16 : index
        %get3A_637 = tpu.vector_load %arg20[%get3A_635, %get3A_636] {strides = array<i32>} : memref<64x128xf32, #tpu.memory_space<vmem>>, vector<16xf32>,
        %get3A_638 = arith.index_cast %add3A_600 : i32 to index
        %get3A_639 = arith.constant 16 : index
        %get3A_640 = tpu.vector_load %arg21[%get3A_638, %get3A_639] {strides = array<i32>} : memref<64x128xf32, #tpu.memory_space<vmem>>, vector<16xf32>,
        %add3A_641 = arith.constant 16 : i32
        %add3A_642 = arith.addi %squeeze3A, %add3A_641 : i32
        %get3A_643 = arith.index_cast %add3A_642 : i32 to index
        %get3A_644 = tpu.vector_load %arg19[%get3A_643] {strides = array<i32>} : memref<512xf32, #tpu.memory_space<vmem>>, vector<16xf32>,
        %get3A_645 = arith.index_cast %add3A_600 : i32 to index
        %get3A_646 = arith.constant 16 : index
        %get3A_647 = tpu.vector_load %arg22[%get3A_645, %get3A_646] {strides = array<i32>} : memref<64x128xf32, #tpu.memory_space<vmem>>, vector<16xf32>,
        %get3A_648 = arith.index_cast %add3A_600 : i32 to index
        %get3A_649 = arith.constant 16 : index
        %get3A_650 = tpu.vector_load %arg23[%get3A_648, %get3A_649] {strides = array<i32>} : memref<64x128xf32, #tpu.memory_space<vmem>>, vector<16xf32>,
        %add3A_651 = arith.constant 16 : i32
        %add3A_652 = arith.addi %squeeze3A_607, %add3A_651 : i32
        %get3A_653 = arith.index_cast %add3A_652 : i32 to index
        %get3A_654 = tpu.vector_load %arg19[%get3A_653] {strides = array<i32>} : memref<512xf32, #tpu.memory_space<vmem>>, vector<16xf32>,
        %add3A_655 = arith.addf %get3A_637, %get3A_644 : vector<16xf32>
        %sub3A_656 = arith.subf %add3A_655, %get3A_640 : vector<16xf32>
        %abs3A_657 = math.absf %sub3A_656 : vector<16xf32>
        %add3A_658 = arith.addf %add3A_630, %abs3A_657 : vector<16xf32>
        %add3A_659 = arith.addf %get3A_647, %get3A_654 : vector<16xf32>
        %sub3A_660 = arith.subf %add3A_659, %get3A_650 : vector<16xf32>
        %abs3A_661 = math.absf %sub3A_660 : vector<16xf32>
        %add3A_662 = arith.addf %add3A_634, %abs3A_661 : vector<16xf32>
        %get3A_663 = arith.index_cast %add3A_600 : i32 to index
        %get3A_664 = arith.constant 32 : index
        %get3A_665 = tpu.vector_load %arg20[%get3A_663, %get3A_664] {strides = array<i32>} : memref<64x128xf32, #tpu.memory_space<vmem>>, vector<16xf32>,
        %get3A_666 = arith.index_cast %add3A_600 : i32 to index
        %get3A_667 = arith.constant 32 : index
        %get3A_668 = tpu.vector_load %arg21[%get3A_666, %get3A_667] {strides = array<i32>} : memref<64x128xf32, #tpu.memory_space<vmem>>, vector<16xf32>,
        %add3A_669 = arith.constant 32 : i32
        %add3A_670 = arith.addi %squeeze3A, %add3A_669 : i32
        %get3A_671 = arith.index_cast %add3A_670 : i32 to index
        %get3A_672 = tpu.vector_load %arg19[%get3A_671] {strides = array<i32>} : memref<512xf32, #tpu.memory_space<vmem>>, vector<16xf32>,
        %get3A_673 = arith.index_cast %add3A_600 : i32 to index
        %get3A_674 = arith.constant 32 : index
        %get3A_675 = tpu.vector_load %arg22[%get3A_673, %get3A_674] {strides = array<i32>} : memref<64x128xf32, #tpu.memory_space<vmem>>, vector<16xf32>,
        %get3A_676 = arith.index_cast %add3A_600 : i32 to index
        %get3A_677 = arith.constant 32 : index
        %get3A_678 = tpu.vector_load %arg23[%get3A_676, %get3A_677] {strides = array<i32>} : memref<64x128xf32, #tpu.memory_space<vmem>>, vector<16xf32>,
        %add3A_679 = arith.constant 32 : i32
        %add3A_680 = arith.addi %squeeze3A_607, %add3A_679 : i32
        %get3A_681 = arith.index_cast %add3A_680 : i32 to index
        %get3A_682 = tpu.vector_load %arg19[%get3A_681] {strides = array<i32>} : memref<512xf32, #tpu.memory_space<vmem>>, vector<16xf32>,
        %add3A_683 = arith.addf %get3A_665, %get3A_672 : vector<16xf32>
        %sub3A_684 = arith.subf %add3A_683, %get3A_668 : vector<16xf32>
        %abs3A_685 = math.absf %sub3A_684 : vector<16xf32>
        %add3A_686 = arith.addf %add3A_658, %abs3A_685 : vector<16xf32>
        %add3A_687 = arith.addf %get3A_675, %get3A_682 : vector<16xf32>
        %sub3A_688 = arith.subf %add3A_687, %get3A_678 : vector<16xf32>
        %abs3A_689 = math.absf %sub3A_688 : vector<16xf32>
        %add3A_690 = arith.addf %add3A_662, %abs3A_689 : vector<16xf32>
        %get3A_691 = arith.index_cast %add3A_600 : i32 to index
        %get3A_692 = arith.constant 48 : index
        %get3A_693 = tpu.vector_load %arg20[%get3A_691, %get3A_692] {strides = array<i32>} : memref<64x128xf32, #tpu.memory_space<vmem>>, vector<16xf32>,
        %get3A_694 = arith.index_cast %add3A_600 : i32 to index
        %get3A_695 = arith.constant 48 : index
        %get3A_696 = tpu.vector_load %arg21[%get3A_694, %get3A_695] {strides = array<i32>} : memref<64x128xf32, #tpu.memory_space<vmem>>, vector<16xf32>,
        %add3A_697 = arith.constant 48 : i32
        %add3A_698 = arith.addi %squeeze3A, %add3A_697 : i32
        %get3A_699 = arith.index_cast %add3A_698 : i32 to index
        %get3A_700 = tpu.vector_load %arg19[%get3A_699] {strides = array<i32>} : memref<512xf32, #tpu.memory_space<vmem>>, vector<16xf32>,
        %get3A_701 = arith.index_cast %add3A_600 : i32 to index
        %get3A_702 = arith.constant 48 : index
        %get3A_703 = tpu.vector_load %arg22[%get3A_701, %get3A_702] {strides = array<i32>} : memref<64x128xf32, #tpu.memory_space<vmem>>, vector<16xf32>,
        %get3A_704 = arith.index_cast %add3A_600 : i32 to index
        %get3A_705 = arith.constant 48 : index
        %get3A_706 = tpu.vector_load %arg23[%get3A_704, %get3A_705] {strides = array<i32>} : memref<64x128xf32, #tpu.memory_space<vmem>>, vector<16xf32>,
        %add3A_707 = arith.constant 48 : i32
        %add3A_708 = arith.addi %squeeze3A_607, %add3A_707 : i32
        %get3A_709 = arith.index_cast %add3A_708 : i32 to index
        %get3A_710 = tpu.vector_load %arg19[%get3A_709] {strides = array<i32>} : memref<512xf32, #tpu.memory_space<vmem>>, vector<16xf32>,
        %add3A_711 = arith.addf %get3A_693, %get3A_700 : vector<16xf32>
        %sub3A_712 = arith.subf %add3A_711, %get3A_696 : vector<16xf32>
        %abs3A_713 = math.absf %sub3A_712 : vector<16xf32>
        %add3A_714 = arith.addf %add3A_686, %abs3A_713 : vector<16xf32>
        %add3A_715 = arith.addf %get3A_703, %get3A_710 : vector<16xf32>
        %sub3A_716 = arith.subf %add3A_715, %get3A_706 : vector<16xf32>
        %abs3A_717 = math.absf %sub3A_716 : vector<16xf32>
        %add3A_718 = arith.addf %add3A_690, %abs3A_717 : vector<16xf32>
        %mul3A_719 = arith.constant 17 : i32
        %mul3A_720 = arith.muli %scan3A_596, %mul3A_719 : i32
        %swap3A_721 = arith.index_cast %mul3A_720 : i32 to index
        %swap3A_722 = tpu.vector_load %arg28[%swap3A_721] {strides = array<i32>} : memref<272xf32, #tpu.memory_space<vmem>>, vector<16xf32>,
        tpu.vector_store %arg28[%swap3A_721], %add3A_714 {strides = array<i32>} : memref<272xf32, #tpu.memory_space<vmem>>, vector<16xf32>,
        %mul3A_723 = arith.constant 17 : i32
        %mul3A_724 = arith.muli %scan3A_596, %mul3A_723 : i32
        %swap3A_725 = arith.index_cast %mul3A_724 : i32 to index
        %swap3A_726 = tpu.vector_load %arg29[%swap3A_725] {strides = array<i32>} : memref<272xf32, #tpu.memory_space<vmem>>, vector<16xf32>,
        tpu.vector_store %arg29[%swap3A_725], %add3A_718 {strides = array<i32>} : memref<272xf32, #tpu.memory_space<vmem>>, vector<16xf32>,
        %scan3A_727 = arith.constant 0 : i32
        scf.yield %scan3A_727 : i32
      }
      %scan3A_425 = arith.constant 16 : i32
      %add3A_426 = arith.constant 0 : i32
      %add3A_427 = vector.broadcast %add3A_426 : i32 to vector<16xi32>
      %add3A_428 = arith.addi %mul3A_41, %add3A_427 : vector<16xi32>
      %gather3A = tpu.vector_load_idx %arg28[%add3A_428] : memref<272xf32, #tpu.memory_space<vmem>>[vector<16xi32>], vector<16xf32>,
      %add3A_429 = arith.addf %broadcast_in_dim3A_42, %gather3A : vector<16xf32>
      %add3A_430 = arith.constant 0 : i32
      %add3A_431 = vector.broadcast %add3A_430 : i32 to vector<16xi32>
      %add3A_432 = arith.addi %mul3A_41, %add3A_431 : vector<16xi32>
      %gather3A_433 = tpu.vector_load_idx %arg29[%add3A_432] : memref<272xf32, #tpu.memory_space<vmem>>[vector<16xi32>], vector<16xf32>,
      %add3A_434 = arith.addf %broadcast_in_dim3A_42, %gather3A_433 : vector<16xf32>
      %add3A_435 = arith.constant 1 : i32
      %add3A_436 = vector.broadcast %add3A_435 : i32 to vector<16xi32>
      %add3A_437 = arith.addi %mul3A_41, %add3A_436 : vector<16xi32>
      %gather3A_438 = tpu.vector_load_idx %arg28[%add3A_437] : memref<272xf32, #tpu.memory_space<vmem>>[vector<16xi32>], vector<16xf32>,
      %add3A_439 = arith.addf %add3A_429, %gather3A_438 : vector<16xf32>
      %add3A_440 = arith.constant 1 : i32
      %add3A_441 = vector.broadcast %add3A_440 : i32 to vector<16xi32>
      %add3A_442 = arith.addi %mul3A_41, %add3A_441 : vector<16xi32>
      %gather3A_443 = tpu.vector_load_idx %arg29[%add3A_442] : memref<272xf32, #tpu.memory_space<vmem>>[vector<16xi32>], vector<16xf32>,
      %add3A_444 = arith.addf %add3A_434, %gather3A_443 : vector<16xf32>
      %add3A_445 = arith.constant 2 : i32
      %add3A_446 = vector.broadcast %add3A_445 : i32 to vector<16xi32>
      %add3A_447 = arith.addi %mul3A_41, %add3A_446 : vector<16xi32>
      %gather3A_448 = tpu.vector_load_idx %arg28[%add3A_447] : memref<272xf32, #tpu.memory_space<vmem>>[vector<16xi32>], vector<16xf32>,
      %add3A_449 = arith.addf %add3A_439, %gather3A_448 : vector<16xf32>
      %add3A_450 = arith.constant 2 : i32
      %add3A_451 = vector.broadcast %add3A_450 : i32 to vector<16xi32>
      %add3A_452 = arith.addi %mul3A_41, %add3A_451 : vector<16xi32>
      %gather3A_453 = tpu.vector_load_idx %arg29[%add3A_452] : memref<272xf32, #tpu.memory_space<vmem>>[vector<16xi32>], vector<16xf32>,
      %add3A_454 = arith.addf %add3A_444, %gather3A_453 : vector<16xf32>
      %add3A_455 = arith.constant 3 : i32
      %add3A_456 = vector.broadcast %add3A_455 : i32 to vector<16xi32>
      %add3A_457 = arith.addi %mul3A_41, %add3A_456 : vector<16xi32>
      %gather3A_458 = tpu.vector_load_idx %arg28[%add3A_457] : memref<272xf32, #tpu.memory_space<vmem>>[vector<16xi32>], vector<16xf32>,
      %add3A_459 = arith.addf %add3A_449, %gather3A_458 : vector<16xf32>
      %add3A_460 = arith.constant 3 : i32
      %add3A_461 = vector.broadcast %add3A_460 : i32 to vector<16xi32>
      %add3A_462 = arith.addi %mul3A_41, %add3A_461 : vector<16xi32>
      %gather3A_463 = tpu.vector_load_idx %arg29[%add3A_462] : memref<272xf32, #tpu.memory_space<vmem>>[vector<16xi32>], vector<16xf32>,
      %add3A_464 = arith.addf %add3A_454, %gather3A_463 : vector<16xf32>
      %add3A_465 = arith.constant 4 : i32
      %add3A_466 = vector.broadcast %add3A_465 : i32 to vector<16xi32>
      %add3A_467 = arith.addi %mul3A_41, %add3A_466 : vector<16xi32>
      %gather3A_468 = tpu.vector_load_idx %arg28[%add3A_467] : memref<272xf32, #tpu.memory_space<vmem>>[vector<16xi32>], vector<16xf32>,
      %add3A_469 = arith.addf %add3A_459, %gather3A_468 : vector<16xf32>
      %add3A_470 = arith.constant 4 : i32
      %add3A_471 = vector.broadcast %add3A_470 : i32 to vector<16xi32>
      %add3A_472 = arith.addi %mul3A_41, %add3A_471 : vector<16xi32>
      %gather3A_473 = tpu.vector_load_idx %arg29[%add3A_472] : memref<272xf32, #tpu.memory_space<vmem>>[vector<16xi32>], vector<16xf32>,
      %add3A_474 = arith.addf %add3A_464, %gather3A_473 : vector<16xf32>
      %add3A_475 = arith.constant 5 : i32
      %add3A_476 = vector.broadcast %add3A_475 : i32 to vector<16xi32>
      %add3A_477 = arith.addi %mul3A_41, %add3A_476 : vector<16xi32>
      %gather3A_478 = tpu.vector_load_idx %arg28[%add3A_477] : memref<272xf32, #tpu.memory_space<vmem>>[vector<16xi32>], vector<16xf32>,
      %add3A_479 = arith.addf %add3A_469, %gather3A_478 : vector<16xf32>
      %add3A_480 = arith.constant 5 : i32
      %add3A_481 = vector.broadcast %add3A_480 : i32 to vector<16xi32>
      %add3A_482 = arith.addi %mul3A_41, %add3A_481 : vector<16xi32>
      %gather3A_483 = tpu.vector_load_idx %arg29[%add3A_482] : memref<272xf32, #tpu.memory_space<vmem>>[vector<16xi32>], vector<16xf32>,
      %add3A_484 = arith.addf %add3A_474, %gather3A_483 : vector<16xf32>
      %add3A_485 = arith.constant 6 : i32
      %add3A_486 = vector.broadcast %add3A_485 : i32 to vector<16xi32>
      %add3A_487 = arith.addi %mul3A_41, %add3A_486 : vector<16xi32>
      %gather3A_488 = tpu.vector_load_idx %arg28[%add3A_487] : memref<272xf32, #tpu.memory_space<vmem>>[vector<16xi32>], vector<16xf32>,
      %add3A_489 = arith.addf %add3A_479, %gather3A_488 : vector<16xf32>
      %add3A_490 = arith.constant 6 : i32
      %add3A_491 = vector.broadcast %add3A_490 : i32 to vector<16xi32>
      %add3A_492 = arith.addi %mul3A_41, %add3A_491 : vector<16xi32>
      %gather3A_493 = tpu.vector_load_idx %arg29[%add3A_492] : memref<272xf32, #tpu.memory_space<vmem>>[vector<16xi32>], vector<16xf32>,
      %add3A_494 = arith.addf %add3A_484, %gather3A_493 : vector<16xf32>
      %add3A_495 = arith.constant 7 : i32
      %add3A_496 = vector.broadcast %add3A_495 : i32 to vector<16xi32>
      %add3A_497 = arith.addi %mul3A_41, %add3A_496 : vector<16xi32>
      %gather3A_498 = tpu.vector_load_idx %arg28[%add3A_497] : memref<272xf32, #tpu.memory_space<vmem>>[vector<16xi32>], vector<16xf32>,
      %add3A_499 = arith.addf %add3A_489, %gather3A_498 : vector<16xf32>
      %add3A_500 = arith.constant 7 : i32
      %add3A_501 = vector.broadcast %add3A_500 : i32 to vector<16xi32>
      %add3A_502 = arith.addi %mul3A_41, %add3A_501 : vector<16xi32>
      %gather3A_503 = tpu.vector_load_idx %arg29[%add3A_502] : memref<272xf32, #tpu.memory_space<vmem>>[vector<16xi32>], vector<16xf32>,
      %add3A_504 = arith.addf %add3A_494, %gather3A_503 : vector<16xf32>
      %add3A_505 = arith.constant 8 : i32
      %add3A_506 = vector.broadcast %add3A_505 : i32 to vector<16xi32>
      %add3A_507 = arith.addi %mul3A_41, %add3A_506 : vector<16xi32>
      %gather3A_508 = tpu.vector_load_idx %arg28[%add3A_507] : memref<272xf32, #tpu.memory_space<vmem>>[vector<16xi32>], vector<16xf32>,
      %add3A_509 = arith.addf %add3A_499, %gather3A_508 : vector<16xf32>
      %add3A_510 = arith.constant 8 : i32
      %add3A_511 = vector.broadcast %add3A_510 : i32 to vector<16xi32>
      %add3A_512 = arith.addi %mul3A_41, %add3A_511 : vector<16xi32>
      %gather3A_513 = tpu.vector_load_idx %arg29[%add3A_512] : memref<272xf32, #tpu.memory_space<vmem>>[vector<16xi32>], vector<16xf32>,
      %add3A_514 = arith.addf %add3A_504, %gather3A_513 : vector<16xf32>
      %add3A_515 = arith.constant 9 : i32
      %add3A_516 = vector.broadcast %add3A_515 : i32 to vector<16xi32>
      %add3A_517 = arith.addi %mul3A_41, %add3A_516 : vector<16xi32>
      %gather3A_518 = tpu.vector_load_idx %arg28[%add3A_517] : memref<272xf32, #tpu.memory_space<vmem>>[vector<16xi32>], vector<16xf32>,
      %add3A_519 = arith.addf %add3A_509, %gather3A_518 : vector<16xf32>
      %add3A_520 = arith.constant 9 : i32
      %add3A_521 = vector.broadcast %add3A_520 : i32 to vector<16xi32>
      %add3A_522 = arith.addi %mul3A_41, %add3A_521 : vector<16xi32>
      %gather3A_523 = tpu.vector_load_idx %arg29[%add3A_522] : memref<272xf32, #tpu.memory_space<vmem>>[vector<16xi32>], vector<16xf32>,
      %add3A_524 = arith.addf %add3A_514, %gather3A_523 : vector<16xf32>
      %add3A_525 = arith.constant 10 : i32
      %add3A_526 = vector.broadcast %add3A_525 : i32 to vector<16xi32>
      %add3A_527 = arith.addi %mul3A_41, %add3A_526 : vector<16xi32>
      %gather3A_528 = tpu.vector_load_idx %arg28[%add3A_527] : memref<272xf32, #tpu.memory_space<vmem>>[vector<16xi32>], vector<16xf32>,
      %add3A_529 = arith.addf %add3A_519, %gather3A_528 : vector<16xf32>
      %add3A_530 = arith.constant 10 : i32
      %add3A_531 = vector.broadcast %add3A_530 : i32 to vector<16xi32>
      %add3A_532 = arith.addi %mul3A_41, %add3A_531 : vector<16xi32>
      %gather3A_533 = tpu.vector_load_idx %arg29[%add3A_532] : memref<272xf32, #tpu.memory_space<vmem>>[vector<16xi32>], vector<16xf32>,
      %add3A_534 = arith.addf %add3A_524, %gather3A_533 : vector<16xf32>
      %add3A_535 = arith.constant 11 : i32
      %add3A_536 = vector.broadcast %add3A_535 : i32 to vector<16xi32>
      %add3A_537 = arith.addi %mul3A_41, %add3A_536 : vector<16xi32>
      %gather3A_538 = tpu.vector_load_idx %arg28[%add3A_537] : memref<272xf32, #tpu.memory_space<vmem>>[vector<16xi32>], vector<16xf32>,
      %add3A_539 = arith.addf %add3A_529, %gather3A_538 : vector<16xf32>
      %add3A_540 = arith.constant 11 : i32
      %add3A_541 = vector.broadcast %add3A_540 : i32 to vector<16xi32>
      %add3A_542 = arith.addi %mul3A_41, %add3A_541 : vector<16xi32>
      %gather3A_543 = tpu.vector_load_idx %arg29[%add3A_542] : memref<272xf32, #tpu.memory_space<vmem>>[vector<16xi32>], vector<16xf32>,
      %add3A_544 = arith.addf %add3A_534, %gather3A_543 : vector<16xf32>
      %add3A_545 = arith.constant 12 : i32
      %add3A_546 = vector.broadcast %add3A_545 : i32 to vector<16xi32>
      %add3A_547 = arith.addi %mul3A_41, %add3A_546 : vector<16xi32>
      %gather3A_548 = tpu.vector_load_idx %arg28[%add3A_547] : memref<272xf32, #tpu.memory_space<vmem>>[vector<16xi32>], vector<16xf32>,
      %add3A_549 = arith.addf %add3A_539, %gather3A_548 : vector<16xf32>
      %add3A_550 = arith.constant 12 : i32
      %add3A_551 = vector.broadcast %add3A_550 : i32 to vector<16xi32>
      %add3A_552 = arith.addi %mul3A_41, %add3A_551 : vector<16xi32>
      %gather3A_553 = tpu.vector_load_idx %arg29[%add3A_552] : memref<272xf32, #tpu.memory_space<vmem>>[vector<16xi32>], vector<16xf32>,
      %add3A_554 = arith.addf %add3A_544, %gather3A_553 : vector<16xf32>
      %add3A_555 = arith.constant 13 : i32
      %add3A_556 = vector.broadcast %add3A_555 : i32 to vector<16xi32>
      %add3A_557 = arith.addi %mul3A_41, %add3A_556 : vector<16xi32>
      %gather3A_558 = tpu.vector_load_idx %arg28[%add3A_557] : memref<272xf32, #tpu.memory_space<vmem>>[vector<16xi32>], vector<16xf32>,
      %add3A_559 = arith.addf %add3A_549, %gather3A_558 : vector<16xf32>
      %add3A_560 = arith.constant 13 : i32
      %add3A_561 = vector.broadcast %add3A_560 : i32 to vector<16xi32>
      %add3A_562 = arith.addi %mul3A_41, %add3A_561 : vector<16xi32>
      %gather3A_563 = tpu.vector_load_idx %arg29[%add3A_562] : memref<272xf32, #tpu.memory_space<vmem>>[vector<16xi32>], vector<16xf32>,
      %add3A_564 = arith.addf %add3A_554, %gather3A_563 : vector<16xf32>
      %add3A_565 = arith.constant 14 : i32
      %add3A_566 = vector.broadcast %add3A_565 : i32 to vector<16xi32>
      %add3A_567 = arith.addi %mul3A_41, %add3A_566 : vector<16xi32>
      %gather3A_568 = tpu.vector_load_idx %arg28[%add3A_567] : memref<272xf32, #tpu.memory_space<vmem>>[vector<16xi32>], vector<16xf32>,
      %add3A_569 = arith.addf %add3A_559, %gather3A_568 : vector<16xf32>
      %add3A_570 = arith.constant 14 : i32
      %add3A_571 = vector.broadcast %add3A_570 : i32 to vector<16xi32>
      %add3A_572 = arith.addi %mul3A_41, %add3A_571 : vector<16xi32>
      %gather3A_573 = tpu.vector_load_idx %arg29[%add3A_572] : memref<272xf32, #tpu.memory_space<vmem>>[vector<16xi32>], vector<16xf32>,
      %add3A_574 = arith.addf %add3A_564, %gather3A_573 : vector<16xf32>
      %add3A_575 = arith.constant 15 : i32
      %add3A_576 = vector.broadcast %add3A_575 : i32 to vector<16xi32>
      %add3A_577 = arith.addi %mul3A_41, %add3A_576 : vector<16xi32>
      %gather3A_578 = tpu.vector_load_idx %arg28[%add3A_577] : memref<272xf32, #tpu.memory_space<vmem>>[vector<16xi32>], vector<16xf32>,
      %add3A_579 = arith.addf %add3A_569, %gather3A_578 : vector<16xf32>
      %add3A_580 = arith.constant 15 : i32
      %add3A_581 = vector.broadcast %add3A_580 : i32 to vector<16xi32>
      %add3A_582 = arith.addi %mul3A_41, %add3A_581 : vector<16xi32>
      %gather3A_583 = tpu.vector_load_idx %arg29[%add3A_582] : memref<272xf32, #tpu.memory_space<vmem>>[vector<16xi32>], vector<16xf32>,
      %add3A_584 = arith.addf %add3A_574, %gather3A_583 : vector<16xf32>
      %get3A = arith.index_cast %add3A_418 : i32 to index
      %get3A_585 = tpu.vector_load %arg17[%get3A] {strides = array<i32>} : memref<512xf32, #tpu.memory_space<vmem>>, vector<16xf32>,
      %get3A_586 = arith.index_cast %add3A_418 : i32 to index
      %get3A_587 = tpu.vector_load %arg18[%get3A_586] {strides = array<i32>} : memref<512xf32, #tpu.memory_space<vmem>>, vector<16xf32>,
      %mul3A_588 = arith.mulf %get3A_585, %add3A_579 : vector<16xf32>
      %mul3A_589 = arith.mulf %get3A_587, %add3A_584 : vector<16xf32>
      %sub3A = arith.subf %mul3A_588, %mul3A_589 : vector<16xf32>
      %add3A_590 = arith.constant 1.000000e+00 : f32
      %add3A_591 = vector.broadcast %add3A_590 : f32 to vector<16xf32>
      %add3A_592 = arith.addf %sub3A, %add3A_591 : vector<16xf32>
      %max3A = arith.constant 0.000000e+00 : f32
      %max3A_593 = vector.broadcast %max3A : f32 to vector<16xf32>
      %max3A_594 = arith.maximumf %add3A_592, %max3A_593 : vector<16xf32>
      %add3A_595 = arith.addf %scan3A_414, %max3A_594 : vector<16xf32>
      scf.yield %add3A_595 : vector<16xf32>
    }
    %scan3A_383 = arith.constant 4 : i32
    %dma_wait3A_384 = arith.constant 448 : i32
    %dma_wait3A_385 = tpu.memref_slice %arg12[%dma_wait3A_384] : memref<512xi32, #tpu.memory_space<vmem>> -> memref<64xi32, #tpu.memory_space<vmem>>
    %dma_wait3A_386 = arith.constant 0 : i32
    %dma_wait3A_387 = arith.constant 0 : i32
    %dma_wait3A_388 = tpu.memref_slice %arg9[%dma_wait3A_386, %dma_wait3A_387] : memref<1000000x128xf32, #tpu.memory_space<hbm>> -> memref<1000000x128xf32, #tpu.memory_space<hbm>>
    tpu.wait_indirect_dma semaphore(%arg32 : memref<!tpu.dma_semaphore, #tpu.memory_space<semaphore_mem>>) src(%dma_wait3A_388 : memref<1000000x128xf32, #tpu.memory_space<hbm>>) dst(%arg24 : memref<64x128xf32, #tpu.memory_space<vmem>>)
    %dma_wait3A_389 = arith.constant 448 : i32
    %dma_wait3A_390 = tpu.memref_slice %arg13[%dma_wait3A_389] : memref<512xi32, #tpu.memory_space<vmem>> -> memref<64xi32, #tpu.memory_space<vmem>>
    %dma_wait3A_391 = arith.constant 0 : i32
    %dma_wait3A_392 = arith.constant 0 : i32
    %dma_wait3A_393 = tpu.memref_slice %arg9[%dma_wait3A_391, %dma_wait3A_392] : memref<1000000x128xf32, #tpu.memory_space<hbm>> -> memref<1000000x128xf32, #tpu.memory_space<hbm>>
    tpu.wait_indirect_dma semaphore(%arg32 : memref<!tpu.dma_semaphore, #tpu.memory_space<semaphore_mem>>) src(%dma_wait3A_393 : memref<1000000x128xf32, #tpu.memory_space<hbm>>) dst(%arg25 : memref<64x128xf32, #tpu.memory_space<vmem>>)
    %dma_wait3A_394 = arith.constant 448 : i32
    %dma_wait3A_395 = tpu.memref_slice %arg14[%dma_wait3A_394] : memref<512xi32, #tpu.memory_space<vmem>> -> memref<64xi32, #tpu.memory_space<vmem>>
    %dma_wait3A_396 = arith.constant 0 : i32
    %dma_wait3A_397 = arith.constant 0 : i32
    %dma_wait3A_398 = tpu.memref_slice %arg9[%dma_wait3A_396, %dma_wait3A_397] : memref<1000000x128xf32, #tpu.memory_space<hbm>> -> memref<1000000x128xf32, #tpu.memory_space<hbm>>
    tpu.wait_indirect_dma semaphore(%arg32 : memref<!tpu.dma_semaphore, #tpu.memory_space<semaphore_mem>>) src(%dma_wait3A_398 : memref<1000000x128xf32, #tpu.memory_space<hbm>>) dst(%arg26 : memref<64x128xf32, #tpu.memory_space<vmem>>)
    %dma_wait3A_399 = arith.constant 448 : i32
    %dma_wait3A_400 = tpu.memref_slice %arg15[%dma_wait3A_399] : memref<512xi32, #tpu.memory_space<vmem>> -> memref<64xi32, #tpu.memory_space<vmem>>
    %dma_wait3A_401 = arith.constant 0 : i32
    %dma_wait3A_402 = arith.constant 0 : i32
    %dma_wait3A_403 = tpu.memref_slice %arg9[%dma_wait3A_401, %dma_wait3A_402] : memref<1000000x128xf32, #tpu.memory_space<hbm>> -> memref<1000000x128xf32, #tpu.memory_space<hbm>>
    tpu.wait_indirect_dma semaphore(%arg32 : memref<!tpu.dma_semaphore, #tpu.memory_space<semaphore_mem>>) src(%dma_wait3A_403 : memref<1000000x128xf32, #tpu.memory_space<hbm>>) dst(%arg27 : memref<64x128xf32, #tpu.memory_space<vmem>>)
    %scan3A_404 = arith.constant 0 : i32
    %scan3A_405 = arith.constant 4 : i32
    %scan3A_406 = arith.addi %scan3A_404, %scan3A_405 : i32
    %scan3A_407 = arith.constant 1 : i32
    %scan3A_408 = scf.for %scan3A_413 = %scan3A_404 to %scan3A_406 step %scan3A_407 iter_args(%scan3A_414 = %scan3A_382) -> (vector<16xf32>)  : i32 {
      %mul3A_415 = arith.constant 16 : i32
      %mul3A_416 = arith.muli %scan3A_413, %mul3A_415 : i32
      %add3A_417 = arith.constant 448 : i32
      %add3A_418 = arith.addi %add3A_417, %mul3A_416 : i32
      %scan3A_419 = arith.constant 0 : i32
      %scan3A_420 = arith.constant 0 : i32
      %scan3A_421 = arith.constant 16 : i32
      %scan3A_422 = arith.addi %scan3A_420, %scan3A_421 : i32
      %scan3A_423 = arith.constant 1 : i32
      %scan3A_424 = scf.for %scan3A_596 = %scan3A_420 to %scan3A_422 step %scan3A_423 iter_args(%scan3A_597 = %scan3A_419) -> (i32)  : i32 {
        %mul3A_598 = arith.constant 16 : i32
        %mul3A_599 = arith.muli %scan3A_413, %mul3A_598 : i32
        %add3A_600 = arith.addi %mul3A_599, %scan3A_596 : i32
        %add3A_601 = arith.addi %add3A_418, %scan3A_596 : i32
        %mul3A_602 = arith.constant 2 : i32
        %mul3A_603 = arith.muli %add3A_601, %mul3A_602 : i32
        %get3A_604 = arith.index_cast %mul3A_603 : i32 to index
        %get3A_605 = tpu.vector_load %arg16[%get3A_604] {strides = array<i32>} : memref<1040xi32, #tpu.memory_space<vmem>>, vector<16xi32>,
        %slice3A = vector.extract_strided_slice %get3A_605 {offsets = [0], sizes = [1], strides = [1]} : vector<16xi32> to vector<1xi32>
        %squeeze3A = vector.extract %slice3A[0] : i32 from vector<1xi32>
        %slice3A_606 = vector.extract_strided_slice %get3A_605 {offsets = [1], sizes = [1], strides = [1]} : vector<16xi32> to vector<1xi32>
        %squeeze3A_607 = vector.extract %slice3A_606[0] : i32 from vector<1xi32>
        %get3A_608 = arith.index_cast %add3A_600 : i32 to index
        %get3A_609 = arith.constant 0 : index
        %get3A_610 = tpu.vector_load %arg24[%get3A_608, %get3A_609] {strides = array<i32>} : memref<64x128xf32, #tpu.memory_space<vmem>>, vector<16xf32>,
        %get3A_611 = arith.index_cast %add3A_600 : i32 to index
        %get3A_612 = arith.constant 0 : index
        %get3A_613 = tpu.vector_load %arg25[%get3A_611, %get3A_612] {strides = array<i32>} : memref<64x128xf32, #tpu.memory_space<vmem>>, vector<16xf32>,
        %add3A_614 = arith.constant 0 : i32
        %add3A_615 = arith.addi %squeeze3A, %add3A_614 : i32
        %get3A_616 = arith.index_cast %add3A_615 : i32 to index
        %get3A_617 = tpu.vector_load %arg19[%get3A_616] {strides = array<i32>} : memref<512xf32, #tpu.memory_space<vmem>>, vector<16xf32>,
        %get3A_618 = arith.index_cast %add3A_600 : i32 to index
        %get3A_619 = arith.constant 0 : index
        %get3A_620 = tpu.vector_load %arg26[%get3A_618, %get3A_619] {strides = array<i32>} : memref<64x128xf32, #tpu.memory_space<vmem>>, vector<16xf32>,
        %get3A_621 = arith.index_cast %add3A_600 : i32 to index
        %get3A_622 = arith.constant 0 : index
        %get3A_623 = tpu.vector_load %arg27[%get3A_621, %get3A_622] {strides = array<i32>} : memref<64x128xf32, #tpu.memory_space<vmem>>, vector<16xf32>,
        %add3A_624 = arith.constant 0 : i32
        %add3A_625 = arith.addi %squeeze3A_607, %add3A_624 : i32
        %get3A_626 = arith.index_cast %add3A_625 : i32 to index
        %get3A_627 = tpu.vector_load %arg19[%get3A_626] {strides = array<i32>} : memref<512xf32, #tpu.memory_space<vmem>>, vector<16xf32>,
        %add3A_628 = arith.addf %get3A_610, %get3A_617 : vector<16xf32>
        %sub3A_629 = arith.subf %add3A_628, %get3A_613 : vector<16xf32>
        %abs3A = math.absf %sub3A_629 : vector<16xf32>
        %add3A_630 = arith.addf %broadcast_in_dim3A_42, %abs3A : vector<16xf32>
        %add3A_631 = arith.addf %get3A_620, %get3A_627 : vector<16xf32>
        %sub3A_632 = arith.subf %add3A_631, %get3A_623 : vector<16xf32>
        %abs3A_633 = math.absf %sub3A_632 : vector<16xf32>
        %add3A_634 = arith.addf %broadcast_in_dim3A_42, %abs3A_633 : vector<16xf32>
        %get3A_635 = arith.index_cast %add3A_600 : i32 to index
        %get3A_636 = arith.constant 16 : index
        %get3A_637 = tpu.vector_load %arg24[%get3A_635, %get3A_636] {strides = array<i32>} : memref<64x128xf32, #tpu.memory_space<vmem>>, vector<16xf32>,
        %get3A_638 = arith.index_cast %add3A_600 : i32 to index
        %get3A_639 = arith.constant 16 : index
        %get3A_640 = tpu.vector_load %arg25[%get3A_638, %get3A_639] {strides = array<i32>} : memref<64x128xf32, #tpu.memory_space<vmem>>, vector<16xf32>,
        %add3A_641 = arith.constant 16 : i32
        %add3A_642 = arith.addi %squeeze3A, %add3A_641 : i32
        %get3A_643 = arith.index_cast %add3A_642 : i32 to index
        %get3A_644 = tpu.vector_load %arg19[%get3A_643] {strides = array<i32>} : memref<512xf32, #tpu.memory_space<vmem>>, vector<16xf32>,
        %get3A_645 = arith.index_cast %add3A_600 : i32 to index
        %get3A_646 = arith.constant 16 : index
        %get3A_647 = tpu.vector_load %arg26[%get3A_645, %get3A_646] {strides = array<i32>} : memref<64x128xf32, #tpu.memory_space<vmem>>, vector<16xf32>,
        %get3A_648 = arith.index_cast %add3A_600 : i32 to index
        %get3A_649 = arith.constant 16 : index
        %get3A_650 = tpu.vector_load %arg27[%get3A_648, %get3A_649] {strides = array<i32>} : memref<64x128xf32, #tpu.memory_space<vmem>>, vector<16xf32>,
        %add3A_651 = arith.constant 16 : i32
        %add3A_652 = arith.addi %squeeze3A_607, %add3A_651 : i32
        %get3A_653 = arith.index_cast %add3A_652 : i32 to index
        %get3A_654 = tpu.vector_load %arg19[%get3A_653] {strides = array<i32>} : memref<512xf32, #tpu.memory_space<vmem>>, vector<16xf32>,
        %add3A_655 = arith.addf %get3A_637, %get3A_644 : vector<16xf32>
        %sub3A_656 = arith.subf %add3A_655, %get3A_640 : vector<16xf32>
        %abs3A_657 = math.absf %sub3A_656 : vector<16xf32>
        %add3A_658 = arith.addf %add3A_630, %abs3A_657 : vector<16xf32>
        %add3A_659 = arith.addf %get3A_647, %get3A_654 : vector<16xf32>
        %sub3A_660 = arith.subf %add3A_659, %get3A_650 : vector<16xf32>
        %abs3A_661 = math.absf %sub3A_660 : vector<16xf32>
        %add3A_662 = arith.addf %add3A_634, %abs3A_661 : vector<16xf32>
        %get3A_663 = arith.index_cast %add3A_600 : i32 to index
        %get3A_664 = arith.constant 32 : index
        %get3A_665 = tpu.vector_load %arg24[%get3A_663, %get3A_664] {strides = array<i32>} : memref<64x128xf32, #tpu.memory_space<vmem>>, vector<16xf32>,
        %get3A_666 = arith.index_cast %add3A_600 : i32 to index
        %get3A_667 = arith.constant 32 : index
        %get3A_668 = tpu.vector_load %arg25[%get3A_666, %get3A_667] {strides = array<i32>} : memref<64x128xf32, #tpu.memory_space<vmem>>, vector<16xf32>,
        %add3A_669 = arith.constant 32 : i32
        %add3A_670 = arith.addi %squeeze3A, %add3A_669 : i32
        %get3A_671 = arith.index_cast %add3A_670 : i32 to index
        %get3A_672 = tpu.vector_load %arg19[%get3A_671] {strides = array<i32>} : memref<512xf32, #tpu.memory_space<vmem>>, vector<16xf32>,
        %get3A_673 = arith.index_cast %add3A_600 : i32 to index
        %get3A_674 = arith.constant 32 : index
        %get3A_675 = tpu.vector_load %arg26[%get3A_673, %get3A_674] {strides = array<i32>} : memref<64x128xf32, #tpu.memory_space<vmem>>, vector<16xf32>,
        %get3A_676 = arith.index_cast %add3A_600 : i32 to index
        %get3A_677 = arith.constant 32 : index
        %get3A_678 = tpu.vector_load %arg27[%get3A_676, %get3A_677] {strides = array<i32>} : memref<64x128xf32, #tpu.memory_space<vmem>>, vector<16xf32>,
        %add3A_679 = arith.constant 32 : i32
        %add3A_680 = arith.addi %squeeze3A_607, %add3A_679 : i32
        %get3A_681 = arith.index_cast %add3A_680 : i32 to index
        %get3A_682 = tpu.vector_load %arg19[%get3A_681] {strides = array<i32>} : memref<512xf32, #tpu.memory_space<vmem>>, vector<16xf32>,
        %add3A_683 = arith.addf %get3A_665, %get3A_672 : vector<16xf32>
        %sub3A_684 = arith.subf %add3A_683, %get3A_668 : vector<16xf32>
        %abs3A_685 = math.absf %sub3A_684 : vector<16xf32>
        %add3A_686 = arith.addf %add3A_658, %abs3A_685 : vector<16xf32>
        %add3A_687 = arith.addf %get3A_675, %get3A_682 : vector<16xf32>
        %sub3A_688 = arith.subf %add3A_687, %get3A_678 : vector<16xf32>
        %abs3A_689 = math.absf %sub3A_688 : vector<16xf32>
        %add3A_690 = arith.addf %add3A_662, %abs3A_689 : vector<16xf32>
        %get3A_691 = arith.index_cast %add3A_600 : i32 to index
        %get3A_692 = arith.constant 48 : index
        %get3A_693 = tpu.vector_load %arg24[%get3A_691, %get3A_692] {strides = array<i32>} : memref<64x128xf32, #tpu.memory_space<vmem>>, vector<16xf32>,
        %get3A_694 = arith.index_cast %add3A_600 : i32 to index
        %get3A_695 = arith.constant 48 : index
        %get3A_696 = tpu.vector_load %arg25[%get3A_694, %get3A_695] {strides = array<i32>} : memref<64x128xf32, #tpu.memory_space<vmem>>, vector<16xf32>,
        %add3A_697 = arith.constant 48 : i32
        %add3A_698 = arith.addi %squeeze3A, %add3A_697 : i32
        %get3A_699 = arith.index_cast %add3A_698 : i32 to index
        %get3A_700 = tpu.vector_load %arg19[%get3A_699] {strides = array<i32>} : memref<512xf32, #tpu.memory_space<vmem>>, vector<16xf32>,
        %get3A_701 = arith.index_cast %add3A_600 : i32 to index
        %get3A_702 = arith.constant 48 : index
        %get3A_703 = tpu.vector_load %arg26[%get3A_701, %get3A_702] {strides = array<i32>} : memref<64x128xf32, #tpu.memory_space<vmem>>, vector<16xf32>,
        %get3A_704 = arith.index_cast %add3A_600 : i32 to index
        %get3A_705 = arith.constant 48 : index
        %get3A_706 = tpu.vector_load %arg27[%get3A_704, %get3A_705] {strides = array<i32>} : memref<64x128xf32, #tpu.memory_space<vmem>>, vector<16xf32>,
        %add3A_707 = arith.constant 48 : i32
        %add3A_708 = arith.addi %squeeze3A_607, %add3A_707 : i32
        %get3A_709 = arith.index_cast %add3A_708 : i32 to index
        %get3A_710 = tpu.vector_load %arg19[%get3A_709] {strides = array<i32>} : memref<512xf32, #tpu.memory_space<vmem>>, vector<16xf32>,
        %add3A_711 = arith.addf %get3A_693, %get3A_700 : vector<16xf32>
        %sub3A_712 = arith.subf %add3A_711, %get3A_696 : vector<16xf32>
        %abs3A_713 = math.absf %sub3A_712 : vector<16xf32>
        %add3A_714 = arith.addf %add3A_686, %abs3A_713 : vector<16xf32>
        %add3A_715 = arith.addf %get3A_703, %get3A_710 : vector<16xf32>
        %sub3A_716 = arith.subf %add3A_715, %get3A_706 : vector<16xf32>
        %abs3A_717 = math.absf %sub3A_716 : vector<16xf32>
        %add3A_718 = arith.addf %add3A_690, %abs3A_717 : vector<16xf32>
        %mul3A_719 = arith.constant 17 : i32
        %mul3A_720 = arith.muli %scan3A_596, %mul3A_719 : i32
        %swap3A_721 = arith.index_cast %mul3A_720 : i32 to index
        %swap3A_722 = tpu.vector_load %arg28[%swap3A_721] {strides = array<i32>} : memref<272xf32, #tpu.memory_space<vmem>>, vector<16xf32>,
        tpu.vector_store %arg28[%swap3A_721], %add3A_714 {strides = array<i32>} : memref<272xf32, #tpu.memory_space<vmem>>, vector<16xf32>,
        %mul3A_723 = arith.constant 17 : i32
        %mul3A_724 = arith.muli %scan3A_596, %mul3A_723 : i32
        %swap3A_725 = arith.index_cast %mul3A_724 : i32 to index
        %swap3A_726 = tpu.vector_load %arg29[%swap3A_725] {strides = array<i32>} : memref<272xf32, #tpu.memory_space<vmem>>, vector<16xf32>,
        tpu.vector_store %arg29[%swap3A_725], %add3A_718 {strides = array<i32>} : memref<272xf32, #tpu.memory_space<vmem>>, vector<16xf32>,
        %scan3A_727 = arith.constant 0 : i32
        scf.yield %scan3A_727 : i32
      }
      %scan3A_425 = arith.constant 16 : i32
      %add3A_426 = arith.constant 0 : i32
      %add3A_427 = vector.broadcast %add3A_426 : i32 to vector<16xi32>
      %add3A_428 = arith.addi %mul3A_41, %add3A_427 : vector<16xi32>
      %gather3A = tpu.vector_load_idx %arg28[%add3A_428] : memref<272xf32, #tpu.memory_space<vmem>>[vector<16xi32>], vector<16xf32>,
      %add3A_429 = arith.addf %broadcast_in_dim3A_42, %gather3A : vector<16xf32>
      %add3A_430 = arith.constant 0 : i32
      %add3A_431 = vector.broadcast %add3A_430 : i32 to vector<16xi32>
      %add3A_432 = arith.addi %mul3A_41, %add3A_431 : vector<16xi32>
      %gather3A_433 = tpu.vector_load_idx %arg29[%add3A_432] : memref<272xf32, #tpu.memory_space<vmem>>[vector<16xi32>], vector<16xf32>,
      %add3A_434 = arith.addf %broadcast_in_dim3A_42, %gather3A_433 : vector<16xf32>
      %add3A_435 = arith.constant 1 : i32
      %add3A_436 = vector.broadcast %add3A_435 : i32 to vector<16xi32>
      %add3A_437 = arith.addi %mul3A_41, %add3A_436 : vector<16xi32>
      %gather3A_438 = tpu.vector_load_idx %arg28[%add3A_437] : memref<272xf32, #tpu.memory_space<vmem>>[vector<16xi32>], vector<16xf32>,
      %add3A_439 = arith.addf %add3A_429, %gather3A_438 : vector<16xf32>
      %add3A_440 = arith.constant 1 : i32
      %add3A_441 = vector.broadcast %add3A_440 : i32 to vector<16xi32>
      %add3A_442 = arith.addi %mul3A_41, %add3A_441 : vector<16xi32>
      %gather3A_443 = tpu.vector_load_idx %arg29[%add3A_442] : memref<272xf32, #tpu.memory_space<vmem>>[vector<16xi32>], vector<16xf32>,
      %add3A_444 = arith.addf %add3A_434, %gather3A_443 : vector<16xf32>
      %add3A_445 = arith.constant 2 : i32
      %add3A_446 = vector.broadcast %add3A_445 : i32 to vector<16xi32>
      %add3A_447 = arith.addi %mul3A_41, %add3A_446 : vector<16xi32>
      %gather3A_448 = tpu.vector_load_idx %arg28[%add3A_447] : memref<272xf32, #tpu.memory_space<vmem>>[vector<16xi32>], vector<16xf32>,
      %add3A_449 = arith.addf %add3A_439, %gather3A_448 : vector<16xf32>
      %add3A_450 = arith.constant 2 : i32
      %add3A_451 = vector.broadcast %add3A_450 : i32 to vector<16xi32>
      %add3A_452 = arith.addi %mul3A_41, %add3A_451 : vector<16xi32>
      %gather3A_453 = tpu.vector_load_idx %arg29[%add3A_452] : memref<272xf32, #tpu.memory_space<vmem>>[vector<16xi32>], vector<16xf32>,
      %add3A_454 = arith.addf %add3A_444, %gather3A_453 : vector<16xf32>
      %add3A_455 = arith.constant 3 : i32
      %add3A_456 = vector.broadcast %add3A_455 : i32 to vector<16xi32>
      %add3A_457 = arith.addi %mul3A_41, %add3A_456 : vector<16xi32>
      %gather3A_458 = tpu.vector_load_idx %arg28[%add3A_457] : memref<272xf32, #tpu.memory_space<vmem>>[vector<16xi32>], vector<16xf32>,
      %add3A_459 = arith.addf %add3A_449, %gather3A_458 : vector<16xf32>
      %add3A_460 = arith.constant 3 : i32
      %add3A_461 = vector.broadcast %add3A_460 : i32 to vector<16xi32>
      %add3A_462 = arith.addi %mul3A_41, %add3A_461 : vector<16xi32>
      %gather3A_463 = tpu.vector_load_idx %arg29[%add3A_462] : memref<272xf32, #tpu.memory_space<vmem>>[vector<16xi32>], vector<16xf32>,
      %add3A_464 = arith.addf %add3A_454, %gather3A_463 : vector<16xf32>
      %add3A_465 = arith.constant 4 : i32
      %add3A_466 = vector.broadcast %add3A_465 : i32 to vector<16xi32>
      %add3A_467 = arith.addi %mul3A_41, %add3A_466 : vector<16xi32>
      %gather3A_468 = tpu.vector_load_idx %arg28[%add3A_467] : memref<272xf32, #tpu.memory_space<vmem>>[vector<16xi32>], vector<16xf32>,
      %add3A_469 = arith.addf %add3A_459, %gather3A_468 : vector<16xf32>
      %add3A_470 = arith.constant 4 : i32
      %add3A_471 = vector.broadcast %add3A_470 : i32 to vector<16xi32>
      %add3A_472 = arith.addi %mul3A_41, %add3A_471 : vector<16xi32>
      %gather3A_473 = tpu.vector_load_idx %arg29[%add3A_472] : memref<272xf32, #tpu.memory_space<vmem>>[vector<16xi32>], vector<16xf32>,
      %add3A_474 = arith.addf %add3A_464, %gather3A_473 : vector<16xf32>
      %add3A_475 = arith.constant 5 : i32
      %add3A_476 = vector.broadcast %add3A_475 : i32 to vector<16xi32>
      %add3A_477 = arith.addi %mul3A_41, %add3A_476 : vector<16xi32>
      %gather3A_478 = tpu.vector_load_idx %arg28[%add3A_477] : memref<272xf32, #tpu.memory_space<vmem>>[vector<16xi32>], vector<16xf32>,
      %add3A_479 = arith.addf %add3A_469, %gather3A_478 : vector<16xf32>
      %add3A_480 = arith.constant 5 : i32
      %add3A_481 = vector.broadcast %add3A_480 : i32 to vector<16xi32>
      %add3A_482 = arith.addi %mul3A_41, %add3A_481 : vector<16xi32>
      %gather3A_483 = tpu.vector_load_idx %arg29[%add3A_482] : memref<272xf32, #tpu.memory_space<vmem>>[vector<16xi32>], vector<16xf32>,
      %add3A_484 = arith.addf %add3A_474, %gather3A_483 : vector<16xf32>
      %add3A_485 = arith.constant 6 : i32
      %add3A_486 = vector.broadcast %add3A_485 : i32 to vector<16xi32>
      %add3A_487 = arith.addi %mul3A_41, %add3A_486 : vector<16xi32>
      %gather3A_488 = tpu.vector_load_idx %arg28[%add3A_487] : memref<272xf32, #tpu.memory_space<vmem>>[vector<16xi32>], vector<16xf32>,
      %add3A_489 = arith.addf %add3A_479, %gather3A_488 : vector<16xf32>
      %add3A_490 = arith.constant 6 : i32
      %add3A_491 = vector.broadcast %add3A_490 : i32 to vector<16xi32>
      %add3A_492 = arith.addi %mul3A_41, %add3A_491 : vector<16xi32>
      %gather3A_493 = tpu.vector_load_idx %arg29[%add3A_492] : memref<272xf32, #tpu.memory_space<vmem>>[vector<16xi32>], vector<16xf32>,
      %add3A_494 = arith.addf %add3A_484, %gather3A_493 : vector<16xf32>
      %add3A_495 = arith.constant 7 : i32
      %add3A_496 = vector.broadcast %add3A_495 : i32 to vector<16xi32>
      %add3A_497 = arith.addi %mul3A_41, %add3A_496 : vector<16xi32>
      %gather3A_498 = tpu.vector_load_idx %arg28[%add3A_497] : memref<272xf32, #tpu.memory_space<vmem>>[vector<16xi32>], vector<16xf32>,
      %add3A_499 = arith.addf %add3A_489, %gather3A_498 : vector<16xf32>
      %add3A_500 = arith.constant 7 : i32
      %add3A_501 = vector.broadcast %add3A_500 : i32 to vector<16xi32>
      %add3A_502 = arith.addi %mul3A_41, %add3A_501 : vector<16xi32>
      %gather3A_503 = tpu.vector_load_idx %arg29[%add3A_502] : memref<272xf32, #tpu.memory_space<vmem>>[vector<16xi32>], vector<16xf32>,
      %add3A_504 = arith.addf %add3A_494, %gather3A_503 : vector<16xf32>
      %add3A_505 = arith.constant 8 : i32
      %add3A_506 = vector.broadcast %add3A_505 : i32 to vector<16xi32>
      %add3A_507 = arith.addi %mul3A_41, %add3A_506 : vector<16xi32>
      %gather3A_508 = tpu.vector_load_idx %arg28[%add3A_507] : memref<272xf32, #tpu.memory_space<vmem>>[vector<16xi32>], vector<16xf32>,
      %add3A_509 = arith.addf %add3A_499, %gather3A_508 : vector<16xf32>
      %add3A_510 = arith.constant 8 : i32
      %add3A_511 = vector.broadcast %add3A_510 : i32 to vector<16xi32>
      %add3A_512 = arith.addi %mul3A_41, %add3A_511 : vector<16xi32>
      %gather3A_513 = tpu.vector_load_idx %arg29[%add3A_512] : memref<272xf32, #tpu.memory_space<vmem>>[vector<16xi32>], vector<16xf32>,
      %add3A_514 = arith.addf %add3A_504, %gather3A_513 : vector<16xf32>
      %add3A_515 = arith.constant 9 : i32
      %add3A_516 = vector.broadcast %add3A_515 : i32 to vector<16xi32>
      %add3A_517 = arith.addi %mul3A_41, %add3A_516 : vector<16xi32>
      %gather3A_518 = tpu.vector_load_idx %arg28[%add3A_517] : memref<272xf32, #tpu.memory_space<vmem>>[vector<16xi32>], vector<16xf32>,
      %add3A_519 = arith.addf %add3A_509, %gather3A_518 : vector<16xf32>
      %add3A_520 = arith.constant 9 : i32
      %add3A_521 = vector.broadcast %add3A_520 : i32 to vector<16xi32>
      %add3A_522 = arith.addi %mul3A_41, %add3A_521 : vector<16xi32>
      %gather3A_523 = tpu.vector_load_idx %arg29[%add3A_522] : memref<272xf32, #tpu.memory_space<vmem>>[vector<16xi32>], vector<16xf32>,
      %add3A_524 = arith.addf %add3A_514, %gather3A_523 : vector<16xf32>
      %add3A_525 = arith.constant 10 : i32
      %add3A_526 = vector.broadcast %add3A_525 : i32 to vector<16xi32>
      %add3A_527 = arith.addi %mul3A_41, %add3A_526 : vector<16xi32>
      %gather3A_528 = tpu.vector_load_idx %arg28[%add3A_527] : memref<272xf32, #tpu.memory_space<vmem>>[vector<16xi32>], vector<16xf32>,
      %add3A_529 = arith.addf %add3A_519, %gather3A_528 : vector<16xf32>
      %add3A_530 = arith.constant 10 : i32
      %add3A_531 = vector.broadcast %add3A_530 : i32 to vector<16xi32>
      %add3A_532 = arith.addi %mul3A_41, %add3A_531 : vector<16xi32>
      %gather3A_533 = tpu.vector_load_idx %arg29[%add3A_532] : memref<272xf32, #tpu.memory_space<vmem>>[vector<16xi32>], vector<16xf32>,
      %add3A_534 = arith.addf %add3A_524, %gather3A_533 : vector<16xf32>
      %add3A_535 = arith.constant 11 : i32
      %add3A_536 = vector.broadcast %add3A_535 : i32 to vector<16xi32>
      %add3A_537 = arith.addi %mul3A_41, %add3A_536 : vector<16xi32>
      %gather3A_538 = tpu.vector_load_idx %arg28[%add3A_537] : memref<272xf32, #tpu.memory_space<vmem>>[vector<16xi32>], vector<16xf32>,
      %add3A_539 = arith.addf %add3A_529, %gather3A_538 : vector<16xf32>
      %add3A_540 = arith.constant 11 : i32
      %add3A_541 = vector.broadcast %add3A_540 : i32 to vector<16xi32>
      %add3A_542 = arith.addi %mul3A_41, %add3A_541 : vector<16xi32>
      %gather3A_543 = tpu.vector_load_idx %arg29[%add3A_542] : memref<272xf32, #tpu.memory_space<vmem>>[vector<16xi32>], vector<16xf32>,
      %add3A_544 = arith.addf %add3A_534, %gather3A_543 : vector<16xf32>
      %add3A_545 = arith.constant 12 : i32
      %add3A_546 = vector.broadcast %add3A_545 : i32 to vector<16xi32>
      %add3A_547 = arith.addi %mul3A_41, %add3A_546 : vector<16xi32>
      %gather3A_548 = tpu.vector_load_idx %arg28[%add3A_547] : memref<272xf32, #tpu.memory_space<vmem>>[vector<16xi32>], vector<16xf32>,
      %add3A_549 = arith.addf %add3A_539, %gather3A_548 : vector<16xf32>
      %add3A_550 = arith.constant 12 : i32
      %add3A_551 = vector.broadcast %add3A_550 : i32 to vector<16xi32>
      %add3A_552 = arith.addi %mul3A_41, %add3A_551 : vector<16xi32>
      %gather3A_553 = tpu.vector_load_idx %arg29[%add3A_552] : memref<272xf32, #tpu.memory_space<vmem>>[vector<16xi32>], vector<16xf32>,
      %add3A_554 = arith.addf %add3A_544, %gather3A_553 : vector<16xf32>
      %add3A_555 = arith.constant 13 : i32
      %add3A_556 = vector.broadcast %add3A_555 : i32 to vector<16xi32>
      %add3A_557 = arith.addi %mul3A_41, %add3A_556 : vector<16xi32>
      %gather3A_558 = tpu.vector_load_idx %arg28[%add3A_557] : memref<272xf32, #tpu.memory_space<vmem>>[vector<16xi32>], vector<16xf32>,
      %add3A_559 = arith.addf %add3A_549, %gather3A_558 : vector<16xf32>
      %add3A_560 = arith.constant 13 : i32
      %add3A_561 = vector.broadcast %add3A_560 : i32 to vector<16xi32>
      %add3A_562 = arith.addi %mul3A_41, %add3A_561 : vector<16xi32>
      %gather3A_563 = tpu.vector_load_idx %arg29[%add3A_562] : memref<272xf32, #tpu.memory_space<vmem>>[vector<16xi32>], vector<16xf32>,
      %add3A_564 = arith.addf %add3A_554, %gather3A_563 : vector<16xf32>
      %add3A_565 = arith.constant 14 : i32
      %add3A_566 = vector.broadcast %add3A_565 : i32 to vector<16xi32>
      %add3A_567 = arith.addi %mul3A_41, %add3A_566 : vector<16xi32>
      %gather3A_568 = tpu.vector_load_idx %arg28[%add3A_567] : memref<272xf32, #tpu.memory_space<vmem>>[vector<16xi32>], vector<16xf32>,
      %add3A_569 = arith.addf %add3A_559, %gather3A_568 : vector<16xf32>
      %add3A_570 = arith.constant 14 : i32
      %add3A_571 = vector.broadcast %add3A_570 : i32 to vector<16xi32>
      %add3A_572 = arith.addi %mul3A_41, %add3A_571 : vector<16xi32>
      %gather3A_573 = tpu.vector_load_idx %arg29[%add3A_572] : memref<272xf32, #tpu.memory_space<vmem>>[vector<16xi32>], vector<16xf32>,
      %add3A_574 = arith.addf %add3A_564, %gather3A_573 : vector<16xf32>
      %add3A_575 = arith.constant 15 : i32
      %add3A_576 = vector.broadcast %add3A_575 : i32 to vector<16xi32>
      %add3A_577 = arith.addi %mul3A_41, %add3A_576 : vector<16xi32>
      %gather3A_578 = tpu.vector_load_idx %arg28[%add3A_577] : memref<272xf32, #tpu.memory_space<vmem>>[vector<16xi32>], vector<16xf32>,
      %add3A_579 = arith.addf %add3A_569, %gather3A_578 : vector<16xf32>
      %add3A_580 = arith.constant 15 : i32
      %add3A_581 = vector.broadcast %add3A_580 : i32 to vector<16xi32>
      %add3A_582 = arith.addi %mul3A_41, %add3A_581 : vector<16xi32>
      %gather3A_583 = tpu.vector_load_idx %arg29[%add3A_582] : memref<272xf32, #tpu.memory_space<vmem>>[vector<16xi32>], vector<16xf32>,
      %add3A_584 = arith.addf %add3A_574, %gather3A_583 : vector<16xf32>
      %get3A = arith.index_cast %add3A_418 : i32 to index
      %get3A_585 = tpu.vector_load %arg17[%get3A] {strides = array<i32>} : memref<512xf32, #tpu.memory_space<vmem>>, vector<16xf32>,
      %get3A_586 = arith.index_cast %add3A_418 : i32 to index
      %get3A_587 = tpu.vector_load %arg18[%get3A_586] {strides = array<i32>} : memref<512xf32, #tpu.memory_space<vmem>>, vector<16xf32>,
      %mul3A_588 = arith.mulf %get3A_585, %add3A_579 : vector<16xf32>
      %mul3A_589 = arith.mulf %get3A_587, %add3A_584 : vector<16xf32>
      %sub3A = arith.subf %mul3A_588, %mul3A_589 : vector<16xf32>
      %add3A_590 = arith.constant 1.000000e+00 : f32
      %add3A_591 = vector.broadcast %add3A_590 : f32 to vector<16xf32>
      %add3A_592 = arith.addf %sub3A, %add3A_591 : vector<16xf32>
      %max3A = arith.constant 0.000000e+00 : f32
      %max3A_593 = vector.broadcast %max3A : f32 to vector<16xf32>
      %max3A_594 = arith.maximumf %add3A_592, %max3A_593 : vector<16xf32>
      %add3A_595 = arith.addf %scan3A_414, %max3A_594 : vector<16xf32>
      scf.yield %add3A_595 : vector<16xf32>
    }
    %scan3A_409 = arith.constant 4 : i32
    %swap3A = arith.constant 0 : index
    %swap3A_410 = tpu.vector_load %arg30[%swap3A] {strides = array<i32>} : memref<16xf32, #tpu.memory_space<vmem>>, vector<16xf32>,
    tpu.vector_store %arg30[%swap3A], %scan3A_408 {strides = array<i32>} : memref<16xf32, #tpu.memory_space<vmem>>, vector<16xf32>,
    %mul3A_411 = arith.constant 16 : i32
    %mul3A_412 = arith.muli %add3A, %mul3A_411 : i32
    "tpu.region"() ({
      %run_scoped3A = tpu.sem_alloc : memref<!tpu.dma_semaphore, #tpu.memory_space<semaphore_mem>>
      %dma_start3A_413 = tpu.memref_slice %arg11[%mul3A_412] : memref<512xf32, #tpu.memory_space<hbm>> -> memref<16xf32, #tpu.memory_space<hbm>>
      %dma_start3A_414 = tpu.memref_slice %arg11[%mul3A_412] : memref<512xf32, #tpu.memory_space<hbm>> -> memref<16xf32, #tpu.memory_space<hbm>>
      tpu.enqueue_dma source(%arg30 : memref<16xf32, #tpu.memory_space<vmem>>) target(%dma_start3A_414 : memref<16xf32, #tpu.memory_space<hbm>>) target_semaphore(%run_scoped3A : memref<!tpu.dma_semaphore, #tpu.memory_space<semaphore_mem>>)
      %dma_wait3A_415 = tpu.memref_slice %arg11[%mul3A_412] : memref<512xf32, #tpu.memory_space<hbm>> -> memref<16xf32, #tpu.memory_space<hbm>>
      %dma_wait3A_416 = tpu.memref_slice %arg11[%mul3A_412] : memref<512xf32, #tpu.memory_space<hbm>> -> memref<16xf32, #tpu.memory_space<hbm>>
      tpu.wait_dma2 semaphore(%run_scoped3A : memref<!tpu.dma_semaphore, #tpu.memory_space<semaphore_mem>>) src(%arg30 : memref<16xf32, #tpu.memory_space<vmem>>) dst(%dma_wait3A_416 : memref<16xf32, #tpu.memory_space<hbm>>)
      tpu.yield
    }) : () -> ()
    return
  }
}

</mosaic_0001>

<sc_bundles>
// kernel: _run.3.cloned.1.call-start
scs
__scs_entry_jumppad:
0x0: {  	(pc) =	sbr.rel $0x88, $3  }
0x1: {  	(tag) =	ssettag $0x0;
	lr =	simm.s32 $0x1  }
0x2: {  	[smem:$0x3F97] =	sst lr;
	_ =	strace $0xD0000000  }
0x3: {  	_ = 	snop  }
0x4: {  	_ = 	snop  }
0x5: {  	_ = 	snop  }
0x6: {  	_ = 	snop  }
0x7: {  	_ = 	snop  }
__scs_overlays_trampoline_lowered:
0x8: {  	[smem:$0x3FA6] =	sst s0  }
0x9: {  	[smem:$0x3FA7] =	sst s1  }
0xa: {  	[smem:$0x3FA8] =	sst s2  }
0xb: {  	[smem:$0x3FA9] =	sst s3  }
0xc: {  	[smem:$0x3FAA] =	sst s4  }
0xd: {  	[smem:$0x3FAB] =	sst s5  }
0xe: {  	[smem:$0x3FAC] =	sst s6  }
0xf: {  	[smem:$0x3FAD] =	sst s7  }
0x10: {  	[smem:$0x3FAE] =	sst s8  }
0x11: {  	[smem:$0x3FAF] =	sst s9;
	s0 =	simm.s32 @!p0 $0x0  }
0x12: {  	s1 =	sld [smem:$0x3F95];
	s0 =	simm.s32 @p0 $0x1  }
0x13: {  	[smem:$0x3FB0] =	sst s0;
	s0 =	simm.s32 @!p1 $0x0  }
0x14: {  	s2 =	sld [smem:$0x3F94];
	s0 =	simm.s32 @p1 $0x1  }
0x15: {  	[smem:$0x3FB1] =	sst s0;
	s0 =	simm.s32 @!p2 $0x0  }
0x16: {  	s3 =	sld [smem:$0x3FDB];
	s0 =	simm.s32 @p2 $0x1  }
0x17: {  	s4 =	simm.s32 $0x1BF5;
	[smem:$0x3FB3] =	sst s0  }
0x18: {  	s0 =	sld [smem:$0x3F96];
	_ =	swait.ge [sflag:s4], $0x0  }
0x19: {  	s7 =	sld [smem:$0x3F97]  }
0x1a: {  	s8 =	sadd.s32 $0xFFFFE003, lr  }
0x1b: {  	s9 =	sadd.s32 $0xFFFFFEF7, lr;
	s5 =	simm.s32 $0xFFFFFFFF;
	p2 =	slt.u32 s8, $0xFFFFF086  }
0x1c: {  	p1 =	slt.u32 s9, $0xF7A;
	s5 =	simm.s32 @!p2 $0x0  }
0x1d: {  	s5 =	simm.s32 @p1 $0x1;
	p0 =	seq.s32 s7, s2  }
0x1e: {  	s7 =	smul.u32 @!p0 $0xF7A, s2;
	p2 =	seq.s32 @!p0 s5, $0x0  }
0x1f: {  	s9 =	smul.u32 $0xF7A, s1;
	s8 =	simm.s32 @!p0 $0x1BF5;
	p2 =	por !p2, p0  }
0x20: {  	[sflag:s8] =	ssyncset.s32 @!p0 $0xFFFFF086;
	s6 =	sadd.s32 @!p0 s3, s7;
	s7 =	simm.s32 @!p0 $0x108  }
0x21: {  	s3 =	sadd.s32 s3, s9;
	s6 =	sadd.s32 @!p0 $0x88, s6;
	s7 =	simm.s32 @p2 $0x1082  }
0x22: {  	[simem:s7], [sflag:s8] =	dma.local @!p0 [hbm:s6], $0xF7A  }
0x23: {  	s9 =	sor.u32 $0xD0000000, s2;
	s6 =	simm.s32 $0x108;
	_ =	swait.ge @!p0 [sflag:s8], $0x0  }
0x24: {  	s3 =	sadd.s32 $0x88, s3;
	s6 =	simm.s32 @!p1 $0x1082;
	[sflag:s4] =	ssyncset.s32 $0xFFFFF086  }
0x25: {  	[simem:s6], [sflag:s4] =	dma.local [hbm:s3], $0xF7A  }
0x26: {  	[smem:$0x3F97] =	sst s1;
	(tag) =	ssettag s2;
	_ =	strace s9  }
0x27: {  	s1 =	sld [smem:$0x3FA7]  }
0x28: {  	s2 =	sld [smem:$0x3FA8]  }
0x29: {  	s4 =	sld [smem:$0x3FAA]  }
0x2a: {  	p0 =	seq.s32 s5, $0x0;
	s5 =	sld [smem:$0x3FAB]  }
0x2b: {  	s6 =	sld [smem:$0x3FAC]  }
0x2c: {  	s7 =	sld [smem:$0x3FAD]  }
0x2d: {  	s3 =	simm.s32 $0x108;
	s8 =	sld [smem:$0x3FAE]  }
0x2e: {  	s3 =	simm.s32 @!p0 $0x1082;
	s9 =	sld [smem:$0x3FAF]  }
0x2f: {  	lr =	sadd.s32 s0, s3;
	s0 =	sld [smem:$0x3FA6]  }
0x30: {  	s3 =	sld [smem:$0x3FA9]  }
0x31: {  	[smem:$0x3FB2] =	sst s10  }
0x32: {  	s10 =	sld [smem:$0x3FB0];
	_ =	sdelay $0x3  }
0x33: {  	p0 =	seq.s32 s10, $0x1;
	s10 =	sld [smem:$0x3FB2];
	_ =	sdelay $0x3  }
0x34: {  	[smem:$0x3FB2] =	sst s10  }
0x35: {  	s10 =	sld [smem:$0x3FB1];
	_ =	sdelay $0x3  }
0x36: {  	p1 =	seq.s32 s10, $0x1;
	s10 =	sld [smem:$0x3FB2];
	_ =	sdelay $0x3  }
0x37: {  	[smem:$0x3FB2] =	sst s10  }
0x38: {  	s10 =	sld [smem:$0x3FB3]  }
0x39: {  	_ = 	snop;
	(pc) =	sbr.ind lr, $3  }
0x3a: {  	_ = 	snop  }
0x3b: {  	_ = 	snop  }
0x3c: {  	p2 =	seq.s32 s10, $0x1;
	s10 =	sld [smem:$0x3FB2]  }
0x3d: {  	_ =	shalt  }
0x3e: {  	_ =	shalt  }
0x3f: {  	_ =	shalt  }
0x40: {  	_ =	shalt  }
0x41: {  	_ =	shalt  }
0x42: {  	_ =	shalt  }
0x43: {  	_ =	shalt  }
0x44: {  	_ =	shalt  }
0x45: {  	_ =	shalt  }
0x46: {  	_ =	shalt  }
0x47: {  	_ =	shalt  }
0x48: {  	_ =	shalt  }
0x49: {  	_ =	shalt  }
0x4a: {  	_ =	shalt  }
0x4b: {  	_ =	shalt  }
0x4c: {  	_ =	shalt  }
0x4d: {  	_ =	shalt  }
0x4e: {  	_ =	shalt  }
0x4f: {  	_ =	shalt  }
0x50: {  	_ =	shalt  }
0x51: {  	_ =	shalt  }
0x52: {  	_ =	shalt  }
0x53: {  	_ =	shalt  }
0x54: {  	_ =	shalt  }
0x55: {  	_ =	shalt  }
0x56: {  	_ =	shalt  }
0x57: {  	_ =	shalt  }
0x58: {  	_ =	shalt  }
0x59: {  	_ =	shalt  }
0x5a: {  	_ =	shalt  }
0x5b: {  	_ =	shalt  }
0x5c: {  	_ =	shalt  }
0x5d: {  	_ =	shalt  }
0x5e: {  	_ =	shalt  }
0x5f: {  	_ =	shalt  }
0x60: {  	_ =	shalt  }
0x61: {  	_ =	shalt  }
0x62: {  	_ =	shalt  }
0x63: {  	_ =	shalt  }
0x64: {  	_ =	shalt  }
0x65: {  	_ =	shalt  }
0x66: {  	_ =	shalt  }
0x67: {  	_ =	shalt  }
0x68: {  	_ =	shalt  }
0x69: {  	_ =	shalt  }
0x6a: {  	_ =	shalt  }
0x6b: {  	_ =	shalt  }
0x6c: {  	_ =	shalt  }
0x6d: {  	_ =	shalt  }
0x6e: {  	_ =	shalt  }
0x6f: {  	_ =	shalt  }
0x70: {  	_ =	shalt  }
0x71: {  	_ =	shalt  }
0x72: {  	_ =	shalt  }
0x73: {  	_ =	shalt  }
0x74: {  	_ =	shalt  }
0x75: {  	_ =	shalt  }
0x76: {  	_ =	shalt  }
0x77: {  	_ =	shalt  }
0x78: {  	_ =	shalt  }
0x79: {  	_ =	shalt  }
0x7a: {  	_ =	shalt  }
0x7b: {  	_ =	shalt  }
0x7c: {  	_ =	shalt  }
0x7d: {  	_ =	shalt  }
0x7e: {  	_ =	shalt  }
0x7f: {  	_ =	shalt  }
0x80: {  	_ =	shalt  }
0x81: {  	_ =	shalt  }
0x82: {  	_ =	shalt  }
0x83: {  	_ =	shalt  }
0x84: {  	_ =	shalt  }
0x85: {  	_ =	shalt  }
0x86: {  	_ =	shalt  }
0x87: {  	_ =	shalt  }
.Lfunc_end0:
.L_simem_size_0:
called_computation_lowered:
.L_overlay_start_0:
0x88: {  	s2 =	sld [smem:$0x3FD9]  }
0x89: {  	s3 =	sld [smem:$0x3FFE];
	_ =	sdelay $0x1  }
0x8a: {  	s1 =	srdreg.scid  }
0x8b: {  	s0 =	sand.u32 $0x1, s1  }
0x8c: {  	s17 =	sshll.u32 s0, $0xA;
	s2 =	sadd.s32 s3, s2  }
0x8d: {  	s2 =	sadd.s32 s2, s17  }
0x8e: {  	[smem:$0x3FBE] =	sst s2  }
0x8f: {  	_ = 	snop  }
0x90: {  	s2 =	sld [smem:$0x3FC9]  }
0x91: {  	s18 =	sld [smem:$0x3FC8]  }
0x92: {  	s4 =	sld [smem:$0x3FC6]  }
0x93: {  	s5 =	sld [smem:$0x3FC5]  }
0x94: {  	s6 =	sld [smem:$0x3FC4]  }
0x95: {  	s7 =	sld [smem:$0x3FC2];
	(tm) =	ssettm $0x1  }
0x96: {  	s8 =	sld [smem:$0x3FFB];
	_ =	sdelay $0x3  }
0x97: {  	_ =	strace s8  }
0x98: {  	s8 =	sld [smem:$0x3FFC];
	_ =	sdelay $0x3  }
0x99: {  	_ =	strace s8  }
0x9a: {  	s8 =	sld [smem:$0x3FFD];
	_ =	sdelay $0x3  }
0x9b: {  	_ =	strace s8  }
0x9c: {  	_ =	strace $0x8FFFFFFF  }
0x9d: {  	s19 =	sld [smem:$0x3FDB];
	_ =	sdelay $0x1  }
0x9e: {  	s9 =	simm.s32 $_scs_section_size  }
0x9f: {  	s10 =	simm.s32 $_size__tile_overlayer_lowered;
	s11 =	simm.s32 $_tile_overlayer_lowered  }
0xa0: {  	s22 =	simm.s32 $0x1BFF;
	s21 =	sshll.u32 s11, $0x1;
	s8 =	sadd.s32 s9, s19  }
0xa1: {  	s12 =	simm.s32 $0x0;
	s20 =	sshll.u32 s10, $0x1;
	s10 =	sadd.s32 s21, s8  }
0xa2: {  	[timem:s12], [sflag:s22] =	dma.local [hbm:s10], s20  }
0xa3: {  	_ =	swait.ge [sflag:s22], s20  }
0xa4: {  	s9 =	ssub.s32 $0x0, s20;
	[sflag:s22] =	ssyncset.done $0x0  }
0xa5: {  	[sflag:s22] =	ssyncadd.s32 s9;
	_ =	sdelay $0x1  }
0xa6: {  	s23 =	simm.s32 $0x1B8B  }
0xa7: {  	_ =	swait.ge [sflag:s23], $0x1  }
0xa8: {  	[sflag:s23] =	ssyncset.done $0x0  }
0xa9: {  	s25 =	simm.s32 $0x1B8E;
	s24 =	sld [smem:$0x3FFE];
	[sflag:s23] =	ssyncadd.s32 $0xFFFFFFFF  }
0xaa: {  	s26 =	simm.s32 $execute0_lowered;
	[smem:$0x3FD2] =	sst s25  }
0xab: {  	s10 =	sshll.u32 s26, $0x1;
	_ =	strace $0x80000046;
	[dreg:$0x1] =	wrdreg $0xFFFFFFFF  }
0xac: {  	s28 =	simm.s32 $_size_execute0_lowered;
	s8 =	sadd.s32 s8, s10;
	[dreg:$0x0] =	wrdreg $0x0  }
0xad: {  	s10 =	sshll.u32 s28, $0x1;
	[dreg:$0x2] =	wrdreg s8  }
0xae: {  	[dreg:$0x3] =	wrdreg s10  }
0xaf: {  	[dreg:$0x4] =	wrdreg $0xC0  }
0xb0: {  	_ =	task [dreg:s12], $0x5FFFF  }
0xb1: {  	[dreg:$0x1] =	wrdreg $0xFFFFFFFF  }
0xb2: {  	[dreg:$0x0] =	wrdreg $0x60  }
0xb3: {  	[dreg:$0x2] =	wrdreg s2  }
0xb4: {  	[dreg:$0x3] =	wrdreg s18  }
0xb5: {  	[dreg:$0x4] =	wrdreg s5  }
0xb6: {  	[dreg:$0x5] =	wrdreg s6  }
0xb7: {  	[dreg:$0x6] =	wrdreg s24  }
0xb8: {  	[dreg:$0x7] =	wrdreg s4  }
0xb9: {  	[dreg:$0x8] =	wrdreg s7  }
0xba: {  	[dreg:$0x9] =	wrdreg $0x9  }
0xbb: {  	_ =	task.clear_ibuf [dreg:s12], $0xAFFFF;
	_ =	strace $0x90000046  }
0xbc: {  	s29 =	simm.s32 $0x9;
	_ =	strace $0x80000048  }
0xbd: {  	_ =	swait.ge [sflag:s29], $0x1  }
0xbe: {  	[sflag:s29] =	ssyncadd.s32 $0xFFFFFFFF  }
0xbf: {  	_ =	strace $0x90000048  }
0xc0: {  	_ =	sfence  }
0xc1: {  	s30 =	sld [smem:$0x0];
	_ =	sdelay $0x2  }
0xc2: {  	s31 =	sshll.u32 s1, $0xD;
	s1 =	sshrl.u32 s1, $0x2  }
0xc3: {  	s3 =	sand.u32 $0x4000, s31;
	s1 =	sadd.s32 s1, s30  }
0xc4: {  	s0 =	sor.u32 s3, s0;
	s1 =	sshll.u32 s1, $0x11  }
0xc5: {  	s0 =	sor.u32 s1, s0  }
0xc6: {  	s0 =	sadd.s32 $0x8F2B, s0  }
0xc7: {  	[sflag:s0] =	ssyncadd.remote.s32 $0x1  }
0xc8: {  	_ =	sfence.sel $0xFFFF  }
0xc9: {  	[dreg:$0x0] =	wrdreg $0xFFFFFFFF;
	(pc) =	sbr.abs _section_cstart, $3  }
0xca: {  	[dreg:$0x1] =	wrdreg $0xFFFFFFFF  }
0xcb: {  	_ =	task.clear_ibuf [dreg:s12], $0x2FFFF;
	_ =	strace $0x9FFFFFFF  }
0xcc: {  	(tm) =	ssettm $0x7FFFFFFF  }
0xcd: {  	_ =	shalt  }
tec
execute0_lowered:
.L_overlay_start_1:
0x0: {  	(tag) =	ssettag $0x1  }
0x1: {  	s0 =	rddreg [dreg:$0x0]  }
0x2: {  	s1 =	rddreg [dreg:$0x1]  }
0x3: {  	s4 =	rddreg [dreg:$0x2]  }
0x4: {  	s5 =	rddreg [dreg:$0x3]  }
0x5: {  	s6 =	rddreg [dreg:$0x4]  }
0x6: {  	s7 =	rddreg [dreg:$0x5]  }
0x7: {  	s2 =	srdreg.scid;
	s3 =	stileid.u32  }
0x8: {  	s8 =	rddreg [dreg:$0x6];
	s29 =	simm.s32 $0xB280;
	s31 =	simm.s32 $0xD280  }
0x9: {  	s17 =	simm.s32 $0x11280;
	s18 =	simm.s32 $0x11400;
	s30 =	simm.s32 $0x0  }
0xa: {  	s9 =	sand.u32 $0x1, s2;
	s3 =	sshll.u32 s3, $0x1;
	s2 =	simm.s32 $0x0  }
0xb: {  	s12 =	sadd.s32 $0xF43A00, s6;
	s10 =	sor.u32 s9, s3;
	[smem:$0x7FF] =	sst s2  }
0xc: {  	s9 =	ssub.s32 $0x2, s9;
	s3 =	sshll.u32 s10, $0x7;
	_ =	strace $0x80000047  }
0xd: {  	[dreg:$0x8] =	wrdreg s12;
	s19 =	sshll.u32 s10, $0x1;
	s10 =	sshll.u32 s10, $0x6  }
0xe: {  	s13 =	sshrl.u32 s9, $0x1;
	s11 =	sadd.s32 s3, s6;
	s0 =	sadd.s32 s0, s10  }
0xf: {  	s3 =	sadd.s32 $0xF43C00, s6;
	s20 =	sadd.s32 s1, s10;
	[dreg:$0x9] =	wrdreg s0  }
0x10: {  	v0 =	vlaneseq.u32;
	s6 =	sadd.s32 s19, s6;
	s21 =	sadd.s32 s4, s10;
	[dreg:$0xa] =	wrdreg s20  }
0x11: {  	v0 =	vmul.u32 $0x11, v0;
	s9 =	ssub.s32 s9, s13;
	s22 =	sadd.s32 s5, s10;
	[dreg:$0xb] =	wrdreg s21  }
0x12: {  	s24 =	sadd.s32 s7, s10;
	s25 =	sadd.s32 s8, s10;
	[dreg:$0xc] =	wrdreg s22  }
0x13: {  	v1 =	vadd.s32 $0x1, v0;
	v2 =	vadd.s32 $0x2, v0;
	v3 =	vadd.s32 $0x3, v0;
	s19 =	simm.s32 $0x2;
	s23 =	sadd.s32 $0xF42A00, s11;
	[dreg:$0xe] =	wrdreg s24  }
0x14: {  	v4 =	vadd.s32 $0x4, v0;
	v5 =	vadd.s32 $0x5, v0;
	v6 =	vadd.s32 $0x6, v0;
	[dreg:$0xf] =	wrdreg s25;
	s26 =	sadd.s32 $0x600, s6;
	s28 =	smax.u32 s9, $0x1  }
0x15: {  	v7 =	vadd.s32 $0x7, v0;
	v8 =	vadd.s32 $0x8, v0;
	v9 =	vadd.s32 $0x9, v0;
	s20 =	simm.s32 $0x1;
	s21 =	simm.s32 $0x40;
	[dreg:$0xd] =	wrdreg s23  }
0x16: {  	v10 =	vadd.s32 $0xA, v0;
	v11 =	vadd.s32 $0xB, v0;
	v12 =	vadd.s32 $0xC, v0;
	s24 =	simm.s32 $0x5280;
	s25 =	simm.s32 $0x7280;
	[dreg:$0x10] =	wrdreg s26  }
0x17: {  	v13 =	vadd.s32 $0xD, v0;
	v14 =	vadd.s32 $0xE, v0;
	v15 =	vadd.s32 $0xF, v0;
	s0 =	simm.s32 $0xF280;
	[dreg:$0x11] =	wrdreg s28;
	s26 =	simm.s32 $0x9280  }
.LBB2_1:
0x18: {  	s1 =	rddreg [dreg:$0x9]  }
0x19: {  	[tilespmem:s2], [sflag:$0x1] =	stream.linear.gather [hbm4b:s1+s2], $0x200, $0x38;
	[tilespmem:$0x11600] =	vst v63  }
0x1a: {  	s7 =	rddreg [dreg:$0xa];
	s5 =	simm.s32 $0x200  }
0x1b: {  	[tilespmem:s5], [sflag:$0x1] =	stream.linear.gather [hbm4b:s7+s2], $0x200, $0x38;
	[tilespmem:$0x11600] =	vst v63  }
0x1c: {  	s8 =	rddreg [dreg:$0xb];
	s6 =	simm.s32 $0x400  }
0x1d: {  	[tilespmem:s6], [sflag:$0x1] =	stream.linear.gather [hbm4b:s8+s2], $0x200, $0x38;
	[tilespmem:$0x11600] =	vst v63  }
0x1e: {  	s9 =	rddreg [dreg:$0xc];
	s7 =	simm.s32 $0x600  }
0x1f: {  	[tilespmem:s7], [sflag:$0x1] =	stream.linear.gather [hbm4b:s9+s2], $0x200, $0x38;
	[tilespmem:$0x11600] =	vst v63  }
0x20: {  	s4 =	rddreg [dreg:$0xd];
	s1 =	simm.s32 $0x800  }
0x21: {  	[tilespmem:s1], [sflag:$0x1] =	stream.linear.gather [hbm4b:s4+s2], $0x400, $0x38;
	[tilespmem:$0x11600] =	vst v63  }
0x22: {  	s10 =	rddreg [dreg:$0xe];
	s8 =	simm.s32 $0xC80  }
0x23: {  	[tilespmem:s8], [sflag:$0x1] =	stream.linear.gather [hbm4b:s10+s2], $0x200, $0x38;
	[tilespmem:$0x11600] =	vst v63  }
0x24: {  	s11 =	rddreg [dreg:$0xf];
	s12 =	simm.s32 $0xE80  }
0x25: {  	[tilespmem:s12], [sflag:$0x1] =	stream.linear.gather [hbm4b:s11+s2], $0x200, $0x38;
	[tilespmem:$0x11600] =	vst v63  }
0x26: {  	s13 =	rddreg [dreg:$0x8];
	s14 =	simm.s32 $0x1080  }
0x27: {  	[tilespmem:s14], [sflag:$0x1] =	stream.linear.gather [hbm4b:s13+s2], $0x200, $0x38;
	[tilespmem:$0x11600] =	vst v63  }
0x28: {  	_ =	swait.ge [sflag:s20], $0x200  }
0x29: {  	[sflag:s20] =	ssyncset.done $0x0  }
0x2a: {  	[sflag:s20] =	ssyncadd.s32 $0xFFFFFE00  }
0x2b: {  	_ =	swait.ge [sflag:s20], $0x200  }
0x2c: {  	[sflag:s20] =	ssyncset.done $0x0  }
0x2d: {  	[sflag:s20] =	ssyncadd.s32 $0xFFFFFE00  }
0x2e: {  	_ =	swait.ge [sflag:s20], $0x200  }
0x2f: {  	[sflag:s20] =	ssyncset.done $0x0  }
0x30: {  	[sflag:s20] =	ssyncadd.s32 $0xFFFFFE00  }
0x31: {  	_ =	swait.ge [sflag:s20], $0x200  }
0x32: {  	[sflag:s20] =	ssyncset.done $0x0  }
0x33: {  	[sflag:s20] =	ssyncadd.s32 $0xFFFFFE00  }
0x34: {  	_ =	swait.ge [sflag:s20], $0x400  }
0x35: {  	[sflag:s20] =	ssyncset.done $0x0  }
0x36: {  	[sflag:s20] =	ssyncadd.s32 $0xFFFFFC00  }
0x37: {  	_ =	swait.ge [sflag:s20], $0x200  }
0x38: {  	[sflag:s20] =	ssyncset.done $0x0  }
0x39: {  	[sflag:s20] =	ssyncadd.s32 $0xFFFFFE00  }
0x3a: {  	_ =	swait.ge [sflag:s20], $0x200  }
0x3b: {  	[sflag:s20] =	ssyncset.done $0x0  }
0x3c: {  	[sflag:s20] =	ssyncadd.s32 $0xFFFFFE00  }
0x3d: {  	_ =	swait.ge [sflag:s20], $0x200  }
0x3e: {  	[sflag:s20] =	ssyncset.done $0x0  }
0x3f: {  	s15 =	simm.s32 $0x1280;
	[sflag:s20] =	ssyncadd.s32 $0xFFFFFE00  }
0x40: {  	[tilespmem:s15], [sflag:$0x1] =	stream.indirect.gather [hbm4b:s3+s21], $0x80, s2, s21, $0xb8;
	[tilespmem:$0x11600] =	vst v63  }
0x41: {  	s16 =	simm.s32 $0x3280  }
0x42: {  	[tilespmem:s16], [sflag:$0x1] =	stream.indirect.gather [hbm4b:s3+s21], $0x80, s5, s21, $0xb8;
	[tilespmem:$0x11600] =	vst v63  }
0x43: {  	_ = 	snop  }
0x44: {  	[tilespmem:s24], [sflag:$0x1] =	stream.indirect.gather [hbm4b:s3+s21], $0x80, s6, s21, $0xb8;
	[tilespmem:$0x11600] =	vst v63  }
0x45: {  	_ = 	snop  }
0x46: {  	[tilespmem:s25], [sflag:$0x1] =	stream.indirect.gather [hbm4b:s3+s21], $0x80, s7, s21, $0xb8;
	[tilespmem:$0x11600] =	vst v63  }
0x47: {  	_ = 	snop  }
0x48: {  	[tilespmem:s26], [sflag:$0x2] =	stream.indirect.gather [hbm4b:s3+s21], $0x80, s21, s21, $0xb8;
	[tilespmem:$0x11600] =	vst v63  }
0x49: {  	s22 =	simm.s32 $0x240  }
0x4a: {  	[tilespmem:s29], [sflag:$0x2] =	stream.indirect.gather [hbm4b:s3+s21], $0x80, s22, s21, $0xb8;
	[tilespmem:$0x11600] =	vst v63  }
0x4b: {  	s23 =	simm.s32 $0x440  }
0x4c: {  	[tilespmem:s31], [sflag:$0x2] =	stream.indirect.gather [hbm4b:s3+s21], $0x80, s23, s21, $0xb8;
	[tilespmem:$0x11600] =	vst v63  }
0x4d: {  	s28 =	simm.s32 $0x640  }
0x4e: {  	[tilespmem:s0], [sflag:$0x2] =	stream.indirect.gather [hbm4b:s3+s21], $0x80, s28, s21, $0xb8;
	[tilespmem:$0x11600] =	vst v63  }
0x4f: {  	_ =	swait.ge [sflag:s20], $0x2000  }
0x50: {  	[sflag:s20] =	ssyncset.done $0x0  }
0x51: {  	[sflag:s20] =	ssyncadd.s32 $0xFFFFE000  }
0x52: {  	_ =	swait.ge [sflag:s20], $0x2000  }
0x53: {  	[sflag:s20] =	ssyncset.done $0x0  }
0x54: {  	[sflag:s20] =	ssyncadd.s32 $0xFFFFE000  }
0x55: {  	_ =	swait.ge [sflag:s20], $0x2000  }
0x56: {  	[sflag:s20] =	ssyncset.done $0x0  }
0x57: {  	[sflag:s20] =	ssyncadd.s32 $0xFFFFE000  }
0x58: {  	s4 =	simm.s32 $0x72B0;
	_ =	swait.ge [sflag:s20], $0x2000  }
0x59: {  	s14 =	simm.s32 $0x12A0;
	s15 =	simm.s32 $0x32B0;
	[sflag:s20] =	ssyncset.done $0x0  }
0x5a: {  	v16 =	vimm.f32 $0.0e+00;
	s16 =	simm.s32 $0x52B0;
	s5 =	simm.s32 $0x0;
	[sflag:s20] =	ssyncadd.s32 $0xFFFFE000  }
.LBB2_2:
0x5b: {  	v18 =	vld [tilespmem:s1+$0x0];
	_ =	sdelay $0x1  }
0x5c: {  	v17 =	vmov s15;
	_ =	sdelay $0x1  }
0x5d: {  	v19 =	vmov s16  }
0x5e: {  	(v2sf) =	vpush v18, $0x1  }
0x5f: {  	s13 =	simm.s32 $0x0;
	(v2sf) =	vpush v18, $0x0  }
0x60: {  	v20 =	vmov s14;
	v21 =	vld.idx.msk [tilespmem:v17+s13+$0xFFFFFFE0 ss:$0x1], $0xffff  }
0x61: {  	v23 =	vld.idx.msk [tilespmem:v17+s13+$0xFFFFFFD0 ss:$0x1], $0xffff  }
0x62: {  	v24 =	vld.idx.msk [tilespmem:v19+s13+$0xFFFFFFD0 ss:$0x1], $0xffff  }
0x63: {  	v26 =	vld.idx.msk [tilespmem:v17+s13+$0xFFFFFFF0 ss:$0x1], $0xffff  }
0x64: {  	v33 =	vld.idx.msk [tilespmem:v19+s13+$0xFFFFFFE0 ss:$0x1], $0xffff  }
0x65: {  	v31 =	vld.idx.msk [tilespmem:v20+s13+$0x0 ss:$0x1], $0xffff  }
0x66: {  	v32 =	vld.idx.msk [tilespmem:v20+s13+$0xFFFFFFE0 ss:$0x1], $0xffff;
	v18 =	vmov s4  }
0x67: {  	v29 =	vld.idx.msk [tilespmem:v20+s13+$0xFFFFFFF0 ss:$0x1], $0xffff  }
0x68: {  	v25 =	vld.idx.msk [tilespmem:v20+s13+$0x10 ss:$0x1], $0xffff  }
0x69: {  	v27 =	vld.idx.msk [tilespmem:v19+s13+$0xFFFFFFF0 ss:$0x1], $0xffff  }
0x6a: {  	v30 =	vld.idx.msk [tilespmem:v19+s13+$0x0 ss:$0x1], $0xffff  }
0x6b: {  	v22 =	vld.idx.msk [tilespmem:v18+s13+$0xFFFFFFF0 ss:$0x1], $0xffff  }
0x6c: {  	v28 =	vld.idx.msk [tilespmem:v18+s13+$0xFFFFFFD0 ss:$0x1], $0xffff  }
0x6d: {  	s6 =	sshll.u32 s5, $0x4;
	s9 =	simm.s32 $0x11280;
	v34 =	vld.idx.msk [tilespmem:v18+s13+$0xFFFFFFE0 ss:$0x1], $0xffff;
	s23 =	spop (v2sf)  }
0x6e: {  	s10 =	simm.s32 $0x11400;
	s11 =	simm.s32 $0x200;
	v36 =	vld [tilespmem:s23+$0x1090];
	s22 =	spop (v2sf)  }
0x6f: {  	s12 =	smov.u32 s1;
	s7 =	simm.s32 $0x11280;
	s8 =	simm.s32 $0x11400;
	v35 =	vld [tilespmem:s22+$0x10A0]  }
.LBB2_3:
0x70: {  	v37 =	vld [tilespmem:s22+$0x1080];
	s9 =	sadd.s32 $0x11, s9;
	s10 =	sadd.s32 $0x11, s10;
	s12 =	sadd.s32 $0x2, s12  }
0x71: {  	p0 =	sne.s32 s11, $0x1E00;
	s28 =	smov.u32 s11;
	s11 =	sadd.s32 $0x200, s11;
	v38 =	vld [tilespmem:s22+$0x1090]  }
0x72: {  	v39 =	vld [tilespmem:s23+$0x1080]  }
0x73: {  	v33 =	vadd.f32 v36, v33;
	v36 =	vld [tilespmem:s23+$0x10B0]  }
0x74: {  	v40 =	vld [tilespmem:s23+$0x10A0];
	v31 =	vadd.f32 v35, v31  }
0x75: {  	v32 =	vadd.f32 v37, v32;
	v33 =	vsub.f32 v33, v34;
	v34 =	vld [tilespmem:s22+$0x10B0]  }
0x76: {  	v29 =	vadd.f32 v38, v29;
	v26 =	vsub.f32 v31, v26;
	v31 =	vld.idx.msk [tilespmem:v17+s13+$0x0 ss:$0x1], $0xffff  }
0x77: {  	v23 =	vsub.f32 v32, v23;
	v24 =	vadd.f32 v39, v24;
	v32 =	vld.idx.msk [tilespmem:v18+s13+$0x0 ss:$0x1], $0xffff  }
0x78: {  	v21 =	vsub.f32 v29, v21;
	v29 =	vadd.f32 v36, v30  }
0x79: {  	v24 =	vsub.f32 v24, v28;
	v28 =	vand.u32 $0x7FFFFFFF, v33;
	v27 =	vadd.f32 v40, v27  }
0x7a: {  	v23 =	vand.u32 $0x7FFFFFFF, v23;
	v21 =	vand.u32 $0x7FFFFFFF, v21;
	v25 =	vadd.f32 v34, v25  }
0x7b: {  	v24 =	vand.u32 $0x7FFFFFFF, v24;
	v21 =	vadd.f32 v21, v23;
	v22 =	vsub.f32 v27, v22  }
0x7c: {  	v23 =	vadd.f32 v28, v24;
	v24 =	vand.u32 $0x7FFFFFFF, v26;
	v25 =	vsub.f32 v25, v31  }
0x7d: {  	v21 =	vadd.f32 v24, v21;
	v22 =	vand.u32 $0x7FFFFFFF, v22;
	v24 =	vsub.f32 v29, v32  }
0x7e: {  	v22 =	vadd.f32 v22, v23;
	v23 =	vand.u32 $0x7FFFFFFF, v25  }
0x7f: {  	v21 =	vadd.f32 v23, v21;
	v23 =	vand.u32 $0x7FFFFFFF, v24  }
0x80: {  	v22 =	vadd.f32 v23, v22  }
0x81: {  	[tilespmem:s7+$0x0] =	vst v21;
	s7 =	smov.u32 s9  }
0x82: {  	[tilespmem:s8+$0x0] =	vst v22;
	s8 =	smov.u32 s10  }
0x83: {  	v22 =	vld [tilespmem:s12+$0x0];
	_ =	sdelay $0x2  }
0x84: {  	s13 =	sshra.s32 s28, $0x2  }
0x85: {  	v21 =	vld.idx.msk [tilespmem:v17+s13+$0xFFFFFFE0 ss:$0x1], $0xffff  }
0x86: {  	v23 =	vld.idx.msk [tilespmem:v17+s13+$0xFFFFFFD0 ss:$0x1], $0xffff;
	(v2sf) =	vpush v22, $0x1  }
0x87: {  	v24 =	vld.idx.msk [tilespmem:v19+s13+$0xFFFFFFD0 ss:$0x1], $0xffff;
	(v2sf) =	vpush v22, $0x0  }
0x88: {  	v26 =	vld.idx.msk [tilespmem:v17+s13+$0xFFFFFFF0 ss:$0x1], $0xffff  }
0x89: {  	v33 =	vld.idx.msk [tilespmem:v19+s13+$0xFFFFFFE0 ss:$0x1], $0xffff  }
0x8a: {  	v31 =	vld.idx.msk [tilespmem:v20+s13+$0x0 ss:$0x1], $0xffff  }
0x8b: {  	v32 =	vld.idx.msk [tilespmem:v20+s13+$0xFFFFFFE0 ss:$0x1], $0xffff  }
0x8c: {  	v29 =	vld.idx.msk [tilespmem:v20+s13+$0xFFFFFFF0 ss:$0x1], $0xffff;
	_ =	sdelay $0x3  }
0x8d: {  	v22 =	vld.idx.msk [tilespmem:v18+s13+$0xFFFFFFF0 ss:$0x1], $0xffff  }
0x8e: {  	v25 =	vld.idx.msk [tilespmem:v20+s13+$0x10 ss:$0x1], $0xffff  }
0x8f: {  	v27 =	vld.idx.msk [tilespmem:v19+s13+$0xFFFFFFF0 ss:$0x1], $0xffff  }
.Ltmp0:
0x90: {  	v28 =	vld.idx.msk [tilespmem:v18+s13+$0xFFFFFFD0 ss:$0x1], $0xffff;
	(pc) =	sbr.rel @p0 .LBB2_3-.Ltmp0, $4  }
0x91: {  	v30 =	vld.idx.msk [tilespmem:v19+s13+$0x0 ss:$0x1], $0xffff  }
0x92: {  	v34 =	vld.idx.msk [tilespmem:v18+s13+$0xFFFFFFE0 ss:$0x1], $0xffff;
	s23 =	spop (v2sf)  }
0x93: {  	v36 =	vld [tilespmem:s23+$0x1090];
	s22 =	spop (v2sf)  }
0x94: {  	v35 =	vld [tilespmem:s22+$0x10A0]  }
0x95: {  	v19 =	vld [tilespmem:s22+$0x1080]  }
0x96: {  	v20 =	vld [tilespmem:s22+$0x1090]  }
0x97: {  	v37 =	vld [tilespmem:s23+$0x1080]  }
0x98: {  	v38 =	vld [tilespmem:s23+$0x10A0]  }
0x99: {  	v63 =	vld [tilespmem:s22+$0x10B0]  }
0x9a: {  	v33 =	vadd.f32 v36, v33  }
0x9b: {  	v61 =	vld [tilespmem:s23+$0x10B0];
	v31 =	vadd.f32 v35, v31;
	v19 =	vadd.f32 v19, v32  }
0x9c: {  	v62 =	vsub.f32 v33, v34;
	v20 =	vadd.f32 v20, v29  }
0x9d: {  	v29 =	vadd.f32 v37, v24;
	v27 =	vadd.f32 v38, v27  }
0x9e: {  	v17 =	vld.idx.msk [tilespmem:v17+s13+$0x0 ss:$0x1], $0xffff;
	v25 =	vadd.f32 v63, v25;
	v26 =	vsub.f32 v31, v26  }
0x9f: {  	v18 =	vld.idx.msk [tilespmem:v18+s13+$0x0 ss:$0x1], $0xffff;
	v19 =	vsub.f32 v19, v23;
	v20 =	vsub.f32 v20, v21  }
0xa0: {  	v31 =	vadd.f32 v61, v30;
	v23 =	vsub.f32 v29, v28  }
0xa1: {  	v34 =	vand.u32 $0x7FFFFFFF, v62;
	v19 =	vand.u32 $0x7FFFFFFF, v19;
	v20 =	vand.u32 $0x7FFFFFFF, v20  }
0xa2: {  	v35 =	vsub.f32 v27, v22;
	v23 =	vand.u32 $0x7FFFFFFF, v23;
	v19 =	vadd.f32 v20, v19  }
0xa3: {  	v17 =	vsub.f32 v25, v17;
	v37 =	vand.u32 $0x7FFFFFFF, v26;
	v36 =	vadd.f32 v34, v23  }
0xa4: {  	v18 =	vsub.f32 v31, v18;
	v20 =	vand.u32 $0x7FFFFFFF, v35;
	v19 =	vadd.f32 v37, v19  }
0xa5: {  	v17 =	vand.u32 $0x7FFFFFFF, v17;
	v20 =	vadd.f32 v20, v36  }
0xa6: {  	v18 =	vand.u32 $0x7FFFFFFF, v18;
	v17 =	vadd.f32 v17, v19  }
0xa7: {  	v18 =	vadd.f32 v18, v20  }
0xa8: {  	[tilespmem:s7+$0x0] =	vst v17  }
0xa9: {  	[tilespmem:s8+$0x0] =	vst v18  }
0xaa: {  	v17 =	vld.idx.msk [tilespmem:v0+s17+$0x0], $0xffff  }
0xab: {  	v18 =	vld.idx.msk [tilespmem:v0+s18+$0x0], $0xffff  }
0xac: {  	v19 =	vld.idx.msk [tilespmem:v1+s17+$0x0], $0xffff  }
0xad: {  	v38 =	vld.idx.msk [tilespmem:v1+s18+$0x0], $0xffff  }
0xae: {  	v39 =	vld.idx.msk [tilespmem:v2+s17+$0x0], $0xffff  }
0xaf: {  	v40 =	vld.idx.msk [tilespmem:v2+s18+$0x0], $0xffff  }
0xb0: {  	v41 =	vld.idx.msk [tilespmem:v3+s17+$0x0], $0xffff;
	v17 =	vadd.f32 $0.0e+00, v17;
	v18 =	vadd.f32 $0.0e+00, v18  }
0xb1: {  	v42 =	vld.idx.msk [tilespmem:v3+s18+$0x0], $0xffff  }
0xb2: {  	v43 =	vld.idx.msk [tilespmem:v4+s18+$0x0], $0xffff;
	v17 =	vadd.f32 v19, v17;
	v18 =	vadd.f32 v38, v18  }
0xb3: {  	v19 =	vld.idx.msk [tilespmem:v4+s17+$0x0], $0xffff  }
0xb4: {  	v44 =	vld.idx.msk [tilespmem:v5+s17+$0x0], $0xffff;
	v17 =	vadd.f32 v39, v17;
	v18 =	vadd.f32 v40, v18  }
0xb5: {  	v45 =	vld.idx.msk [tilespmem:v5+s18+$0x0], $0xffff  }
0xb6: {  	v46 =	vld.idx.msk [tilespmem:v6+s17+$0x0], $0xffff;
	v17 =	vadd.f32 v41, v17;
	v18 =	vadd.f32 v42, v18  }
0xb7: {  	v47 =	vld.idx.msk [tilespmem:v6+s18+$0x0], $0xffff  }
0xb8: {  	v48 =	vld.idx.msk [tilespmem:v7+s18+$0x0], $0xffff;
	v17 =	vadd.f32 v19, v17;
	v18 =	vadd.f32 v43, v18  }
0xb9: {  	v19 =	vld.idx.msk [tilespmem:v7+s17+$0x0], $0xffff  }
0xba: {  	v49 =	vld.idx.msk [tilespmem:v8+s17+$0x0], $0xffff;
	v17 =	vadd.f32 v44, v17;
	v18 =	vadd.f32 v45, v18  }
0xbb: {  	v50 =	vld.idx.msk [tilespmem:v8+s18+$0x0], $0xffff  }
0xbc: {  	v51 =	vld.idx.msk [tilespmem:v9+s17+$0x0], $0xffff;
	v17 =	vadd.f32 v46, v17;
	v18 =	vadd.f32 v47, v18  }
0xbd: {  	v52 =	vld.idx.msk [tilespmem:v9+s18+$0x0], $0xffff  }
0xbe: {  	v53 =	vld.idx.msk [tilespmem:v10+s18+$0x0], $0xffff;
	v17 =	vadd.f32 v19, v17;
	v18 =	vadd.f32 v48, v18  }
0xbf: {  	v19 =	vld.idx.msk [tilespmem:v10+s17+$0x0], $0xffff  }
0xc0: {  	v54 =	vld.idx.msk [tilespmem:v11+s17+$0x0], $0xffff;
	v17 =	vadd.f32 v49, v17;
	v18 =	vadd.f32 v50, v18  }
0xc1: {  	v55 =	vld.idx.msk [tilespmem:v11+s18+$0x0], $0xffff  }
0xc2: {  	v56 =	vld.idx.msk [tilespmem:v12+s17+$0x0], $0xffff;
	v17 =	vadd.f32 v51, v17;
	v18 =	vadd.f32 v52, v18  }
0xc3: {  	v57 =	vld.idx.msk [tilespmem:v12+s18+$0x0], $0xffff  }
0xc4: {  	v58 =	vld.idx.msk [tilespmem:v13+s18+$0x0], $0xffff;
	v17 =	vadd.f32 v19, v17;
	v18 =	vadd.f32 v53, v18  }
0xc5: {  	v19 =	vld.idx.msk [tilespmem:v13+s17+$0x0], $0xffff  }
0xc6: {  	v59 =	vld.idx.msk [tilespmem:v14+s17+$0x0], $0xffff;
	v17 =	vadd.f32 v54, v17;
	v18 =	vadd.f32 v55, v18  }
0xc7: {  	v60 =	vld.idx.msk [tilespmem:v14+s18+$0x0], $0xffff  }
0xc8: {  	v61 =	vld.idx.msk [tilespmem:v15+s17+$0x0], $0xffff;
	v17 =	vadd.f32 v56, v17;
	v18 =	vadd.f32 v57, v18  }
0xc9: {  	v62 =	vld.idx.msk [tilespmem:v15+s18+$0x0], $0xffff  }
0xca: {  	v63 =	vld [tilespmem:s6+$0xE80];
	v17 =	vadd.f32 v19, v17;
	v18 =	vadd.f32 v58, v18  }
0xcb: {  	v19 =	vld [tilespmem:s6+$0xC80]  }
0xcc: {  	v17 =	vadd.f32 v59, v17;
	v18 =	vadd.f32 v60, v18;
	_ =	sdelay $0x1  }
0xcd: {  	v17 =	vadd.f32 v61, v17;
	v18 =	vadd.f32 v62, v18;
	_ =	sdelay $0x1  }
0xce: {  	v17 =	vmul.f32 v19, v17;
	v18 =	vmul.f32 v63, v18  }
0xcf: {  	s5 =	sadd.s32 $0x1, s5  }
0xd0: {  	p0 =	sne.s32 s5, $0x4;
	v17 =	vsub.f32 v17, v18  }
.Ltmp1:
0xd1: {  	_ = 	snop;
	(pc) =	sbr.rel @p0 .LBB2_2-.Ltmp1, $3  }
0xd2: {  	v17 =	vadd.f32 $1.000000000e+00, v17;
	_ =	sdelay $0x1  }
0xd3: {  	s1 =	sadd.s32 $0x20, s1;
	s14 =	sadd.s32 $0x800, s14;
	v17 =	vmax.f32 v17, $0.0e+00  }
0xd4: {  	s15 =	sadd.s32 $0x800, s15;
	s16 =	sadd.s32 $0x800, s16;
	s4 =	sadd.s32 $0x800, s4;
	v16 =	vadd.f32 v17, v16  }
0xd5: {  	s1 =	simm.s32 $0x1280;
	s4 =	simm.s32 $0x80  }
0xd6: {  	[tilespmem:s1], [sflag:$0x1] =	stream.indirect.gather [hbm4b:s3+s21], $0x80, s4, s21, $0xb8;
	[tilespmem:$0x11600] =	vst v63  }
0xd7: {  	s16 =	simm.s32 $0x3280;
	s22 =	simm.s32 $0x280  }
0xd8: {  	[tilespmem:s16], [sflag:$0x1] =	stream.indirect.gather [hbm4b:s3+s21], $0x80, s22, s21, $0xb8;
	[tilespmem:$0x11600] =	vst v63  }
0xd9: {  	s23 =	simm.s32 $0x480  }
0xda: {  	[tilespmem:s24], [sflag:$0x1] =	stream.indirect.gather [hbm4b:s3+s21], $0x80, s23, s21, $0xb8;
	[tilespmem:$0x11600] =	vst v63  }
0xdb: {  	s28 =	simm.s32 $0x680  }
0xdc: {  	[tilespmem:s25], [sflag:$0x1] =	stream.indirect.gather [hbm4b:s3+s21], $0x80, s28, s21, $0xb8;
	[tilespmem:$0x11600] =	vst v63  }
0xdd: {  	_ =	swait.ge [sflag:s19], $0x2000  }
0xde: {  	[sflag:s19] =	ssyncset.done $0x0  }
0xdf: {  	[sflag:s19] =	ssyncadd.s32 $0xFFFFE000  }
0xe0: {  	_ =	swait.ge [sflag:s19], $0x2000  }
0xe1: {  	[sflag:s19] =	ssyncset.done $0x0  }
0xe2: {  	[sflag:s19] =	ssyncadd.s32 $0xFFFFE000  }
0xe3: {  	_ =	swait.ge [sflag:s19], $0x2000  }
0xe4: {  	[sflag:s19] =	ssyncset.done $0x0  }
0xe5: {  	[sflag:s19] =	ssyncadd.s32 $0xFFFFE000  }
0xe6: {  	s13 =	simm.s32 $0x880;
	s15 =	simm.s32 $0xB2A0;
	_ =	swait.ge [sflag:s19], $0x2000  }
0xe7: {  	s5 =	simm.s32 $0x92A0;
	s1 =	simm.s32 $0x0;
	[sflag:s19] =	ssyncset.done $0x0  }
0xe8: {  	s4 =	simm.s32 $0xF2B0;
	s16 =	simm.s32 $0xD2B0;
	[sflag:s19] =	ssyncadd.s32 $0xFFFFE000  }
.LBB2_6:
0xe9: {  	v18 =	vld [tilespmem:s13+$0x0];
	_ =	sdelay $0x1  }
0xea: {  	v17 =	vmov s15;
	_ =	sdelay $0x1  }
0xeb: {  	v19 =	vmov s16  }
0xec: {  	(v2sf) =	vpush v18, $0x1  }
0xed: {  	s12 =	simm.s32 $0x0;
	(v2sf) =	vpush v18, $0x0  }
0xee: {  	v20 =	vmov s5;
	v21 =	vld.idx.msk [tilespmem:v17+s12+$0xFFFFFFF0 ss:$0x1], $0xffff  }
0xef: {  	v23 =	vld.idx.msk [tilespmem:v17+s12+$0xFFFFFFE0 ss:$0x1], $0xffff  }
0xf0: {  	v24 =	vld.idx.msk [tilespmem:v19+s12+$0xFFFFFFD0 ss:$0x1], $0xffff  }
0xf1: {  	v26 =	vld.idx.msk [tilespmem:v17+s12+$0x0 ss:$0x1], $0xffff  }
0xf2: {  	v33 =	vld.idx.msk [tilespmem:v19+s12+$0xFFFFFFE0 ss:$0x1], $0xffff  }
0xf3: {  	v31 =	vld.idx.msk [tilespmem:v20+s12+$0x0 ss:$0x1], $0xffff  }
0xf4: {  	v32 =	vld.idx.msk [tilespmem:v20+s12+$0xFFFFFFE0 ss:$0x1], $0xffff;
	v18 =	vmov s4  }
0xf5: {  	v29 =	vld.idx.msk [tilespmem:v20+s12+$0xFFFFFFF0 ss:$0x1], $0xffff  }
0xf6: {  	v25 =	vld.idx.msk [tilespmem:v20+s12+$0x10 ss:$0x1], $0xffff  }
0xf7: {  	v27 =	vld.idx.msk [tilespmem:v19+s12+$0xFFFFFFF0 ss:$0x1], $0xffff  }
0xf8: {  	v30 =	vld.idx.msk [tilespmem:v19+s12+$0x0 ss:$0x1], $0xffff  }
0xf9: {  	v22 =	vld.idx.msk [tilespmem:v18+s12+$0xFFFFFFF0 ss:$0x1], $0xffff  }
0xfa: {  	s6 =	sshll.u32 s1, $0x4;
	v28 =	vld.idx.msk [tilespmem:v18+s12+$0xFFFFFFD0 ss:$0x1], $0xffff  }
0xfb: {  	s9 =	simm.s32 $0x11280;
	s10 =	simm.s32 $0x11400;
	v34 =	vld.idx.msk [tilespmem:v18+s12+$0xFFFFFFE0 ss:$0x1], $0xffff;
	s23 =	spop (v2sf)  }
0xfc: {  	s11 =	simm.s32 $0x200;
	s14 =	smov.u32 s13;
	v36 =	vld [tilespmem:s23+$0x1090];
	s22 =	spop (v2sf)  }
0xfd: {  	s7 =	simm.s32 $0x11280;
	s8 =	simm.s32 $0x11400;
	s6 =	sor.u32 $0x40, s6;
	v35 =	vld [tilespmem:s22+$0x10A0]  }
.LBB2_7:
0xfe: {  	v37 =	vld [tilespmem:s22+$0x1080];
	s9 =	sadd.s32 $0x11, s9;
	s10 =	sadd.s32 $0x11, s10;
	s14 =	sadd.s32 $0x2, s14  }
0xff: {  	p0 =	sne.s32 s11, $0x1E00;
	s28 =	smov.u32 s11;
	s11 =	sadd.s32 $0x200, s11;
	v38 =	vld [tilespmem:s22+$0x1090]  }
0x100: {  	v39 =	vld [tilespmem:s23+$0x1080]  }
0x101: {  	v33 =	vadd.f32 v36, v33;
	v36 =	vld [tilespmem:s23+$0x10B0]  }
0x102: {  	v40 =	vld [tilespmem:s23+$0x10A0];
	v31 =	vadd.f32 v35, v31  }
0x103: {  	v32 =	vadd.f32 v37, v32;
	v33 =	vsub.f32 v33, v34;
	v34 =	vld [tilespmem:s22+$0x10B0]  }
0x104: {  	v29 =	vadd.f32 v38, v29;
	v26 =	vsub.f32 v31, v26;
	v31 =	vld.idx.msk [tilespmem:v17+s12+$0x10 ss:$0x1], $0xffff  }
0x105: {  	v23 =	vsub.f32 v32, v23;
	v24 =	vadd.f32 v39, v24;
	v32 =	vld.idx.msk [tilespmem:v18+s12+$0x0 ss:$0x1], $0xffff  }
0x106: {  	v21 =	vsub.f32 v29, v21;
	v29 =	vadd.f32 v36, v30  }
0x107: {  	v24 =	vsub.f32 v24, v28;
	v28 =	vand.u32 $0x7FFFFFFF, v33;
	v27 =	vadd.f32 v40, v27  }
0x108: {  	v23 =	vand.u32 $0x7FFFFFFF, v23;
	v21 =	vand.u32 $0x7FFFFFFF, v21;
	v25 =	vadd.f32 v34, v25  }
0x109: {  	v24 =	vand.u32 $0x7FFFFFFF, v24;
	v21 =	vadd.f32 v21, v23;
	v22 =	vsub.f32 v27, v22  }
0x10a: {  	v23 =	vadd.f32 v28, v24;
	v24 =	vand.u32 $0x7FFFFFFF, v26;
	v25 =	vsub.f32 v25, v31  }
0x10b: {  	v21 =	vadd.f32 v24, v21;
	v22 =	vand.u32 $0x7FFFFFFF, v22;
	v24 =	vsub.f32 v29, v32  }
0x10c: {  	v22 =	vadd.f32 v22, v23;
	v23 =	vand.u32 $0x7FFFFFFF, v25  }
0x10d: {  	v21 =	vadd.f32 v23, v21;
	v23 =	vand.u32 $0x7FFFFFFF, v24  }
0x10e: {  	v22 =	vadd.f32 v23, v22  }
0x10f: {  	[tilespmem:s7+$0x0] =	vst v21;
	s7 =	smov.u32 s9  }
0x110: {  	[tilespmem:s8+$0x0] =	vst v22;
	s8 =	smov.u32 s10  }
0x111: {  	v22 =	vld [tilespmem:s14+$0x0];
	_ =	sdelay $0x2  }
0x112: {  	s12 =	sshra.s32 s28, $0x2  }
0x113: {  	v21 =	vld.idx.msk [tilespmem:v17+s12+$0xFFFFFFF0 ss:$0x1], $0xffff  }
0x114: {  	v23 =	vld.idx.msk [tilespmem:v17+s12+$0xFFFFFFE0 ss:$0x1], $0xffff;
	(v2sf) =	vpush v22, $0x1  }
0x115: {  	v24 =	vld.idx.msk [tilespmem:v19+s12+$0xFFFFFFD0 ss:$0x1], $0xffff;
	(v2sf) =	vpush v22, $0x0  }
0x116: {  	v26 =	vld.idx.msk [tilespmem:v17+s12+$0x0 ss:$0x1], $0xffff  }
0x117: {  	v33 =	vld.idx.msk [tilespmem:v19+s12+$0xFFFFFFE0 ss:$0x1], $0xffff  }
0x118: {  	v31 =	vld.idx.msk [tilespmem:v20+s12+$0x0 ss:$0x1], $0xffff  }
0x119: {  	v32 =	vld.idx.msk [tilespmem:v20+s12+$0xFFFFFFE0 ss:$0x1], $0xffff  }
0x11a: {  	v29 =	vld.idx.msk [tilespmem:v20+s12+$0xFFFFFFF0 ss:$0x1], $0xffff;
	_ =	sdelay $0x3  }
0x11b: {  	v22 =	vld.idx.msk [tilespmem:v18+s12+$0xFFFFFFF0 ss:$0x1], $0xffff  }
0x11c: {  	v25 =	vld.idx.msk [tilespmem:v20+s12+$0x10 ss:$0x1], $0xffff  }
0x11d: {  	v27 =	vld.idx.msk [tilespmem:v19+s12+$0xFFFFFFF0 ss:$0x1], $0xffff  }
.Ltmp2:
0x11e: {  	v28 =	vld.idx.msk [tilespmem:v18+s12+$0xFFFFFFD0 ss:$0x1], $0xffff;
	(pc) =	sbr.rel @p0 .LBB2_7-.Ltmp2, $4  }
0x11f: {  	v30 =	vld.idx.msk [tilespmem:v19+s12+$0x0 ss:$0x1], $0xffff  }
0x120: {  	v34 =	vld.idx.msk [tilespmem:v18+s12+$0xFFFFFFE0 ss:$0x1], $0xffff;
	s23 =	spop (v2sf)  }
0x121: {  	v36 =	vld [tilespmem:s23+$0x1090];
	s22 =	spop (v2sf)  }
0x122: {  	v35 =	vld [tilespmem:s22+$0x10A0]  }
0x123: {  	v19 =	vld [tilespmem:s22+$0x1080]  }
0x124: {  	v20 =	vld [tilespmem:s22+$0x1090]  }
0x125: {  	v37 =	vld [tilespmem:s23+$0x1080]  }
0x126: {  	v38 =	vld [tilespmem:s23+$0x10A0]  }
0x127: {  	v63 =	vld [tilespmem:s22+$0x10B0]  }
0x128: {  	v33 =	vadd.f32 v36, v33  }
0x129: {  	v61 =	vld [tilespmem:s23+$0x10B0];
	v31 =	vadd.f32 v35, v31;
	v19 =	vadd.f32 v19, v32  }
0x12a: {  	v62 =	vsub.f32 v33, v34;
	v20 =	vadd.f32 v20, v29  }
0x12b: {  	v29 =	vadd.f32 v37, v24;
	v27 =	vadd.f32 v38, v27  }
0x12c: {  	v17 =	vld.idx.msk [tilespmem:v17+s12+$0x10 ss:$0x1], $0xffff;
	v25 =	vadd.f32 v63, v25;
	v26 =	vsub.f32 v31, v26  }
0x12d: {  	v18 =	vld.idx.msk [tilespmem:v18+s12+$0x0 ss:$0x1], $0xffff;
	v19 =	vsub.f32 v19, v23;
	v20 =	vsub.f32 v20, v21  }
0x12e: {  	v31 =	vadd.f32 v61, v30;
	v23 =	vsub.f32 v29, v28  }
0x12f: {  	v34 =	vand.u32 $0x7FFFFFFF, v62;
	v19 =	vand.u32 $0x7FFFFFFF, v19;
	v20 =	vand.u32 $0x7FFFFFFF, v20  }
0x130: {  	v35 =	vsub.f32 v27, v22;
	v23 =	vand.u32 $0x7FFFFFFF, v23;
	v19 =	vadd.f32 v20, v19  }
0x131: {  	v17 =	vsub.f32 v25, v17;
	v37 =	vand.u32 $0x7FFFFFFF, v26;
	v36 =	vadd.f32 v34, v23  }
0x132: {  	v18 =	vsub.f32 v31, v18;
	v20 =	vand.u32 $0x7FFFFFFF, v35;
	v19 =	vadd.f32 v37, v19  }
0x133: {  	v17 =	vand.u32 $0x7FFFFFFF, v17;
	v20 =	vadd.f32 v20, v36  }
0x134: {  	v18 =	vand.u32 $0x7FFFFFFF, v18;
	v17 =	vadd.f32 v17, v19  }
0x135: {  	v18 =	vadd.f32 v18, v20  }
0x136: {  	[tilespmem:s7+$0x0] =	vst v17  }
0x137: {  	[tilespmem:s8+$0x0] =	vst v18  }
0x138: {  	v17 =	vld.idx.msk [tilespmem:v0+s17+$0x0], $0xffff  }
0x139: {  	v18 =	vld.idx.msk [tilespmem:v0+s18+$0x0], $0xffff  }
0x13a: {  	v19 =	vld.idx.msk [tilespmem:v1+s17+$0x0], $0xffff  }
0x13b: {  	v38 =	vld.idx.msk [tilespmem:v1+s18+$0x0], $0xffff  }
0x13c: {  	v39 =	vld.idx.msk [tilespmem:v2+s17+$0x0], $0xffff  }
0x13d: {  	v40 =	vld.idx.msk [tilespmem:v2+s18+$0x0], $0xffff  }
0x13e: {  	v41 =	vld.idx.msk [tilespmem:v3+s17+$0x0], $0xffff;
	v17 =	vadd.f32 $0.0e+00, v17;
	v18 =	vadd.f32 $0.0e+00, v18  }
0x13f: {  	v42 =	vld.idx.msk [tilespmem:v3+s18+$0x0], $0xffff  }
0x140: {  	v43 =	vld.idx.msk [tilespmem:v4+s18+$0x0], $0xffff;
	v17 =	vadd.f32 v19, v17;
	v18 =	vadd.f32 v38, v18  }
0x141: {  	v19 =	vld.idx.msk [tilespmem:v4+s17+$0x0], $0xffff  }
0x142: {  	v44 =	vld.idx.msk [tilespmem:v5+s17+$0x0], $0xffff;
	v17 =	vadd.f32 v39, v17;
	v18 =	vadd.f32 v40, v18  }
0x143: {  	v45 =	vld.idx.msk [tilespmem:v5+s18+$0x0], $0xffff  }
0x144: {  	v46 =	vld.idx.msk [tilespmem:v6+s17+$0x0], $0xffff;
	v17 =	vadd.f32 v41, v17;
	v18 =	vadd.f32 v42, v18  }
0x145: {  	v47 =	vld.idx.msk [tilespmem:v6+s18+$0x0], $0xffff  }
0x146: {  	v48 =	vld.idx.msk [tilespmem:v7+s18+$0x0], $0xffff;
	v17 =	vadd.f32 v19, v17;
	v18 =	vadd.f32 v43, v18  }
0x147: {  	v19 =	vld.idx.msk [tilespmem:v7+s17+$0x0], $0xffff  }
0x148: {  	v49 =	vld.idx.msk [tilespmem:v8+s17+$0x0], $0xffff;
	v17 =	vadd.f32 v44, v17;
	v18 =	vadd.f32 v45, v18  }
0x149: {  	v50 =	vld.idx.msk [tilespmem:v8+s18+$0x0], $0xffff  }
0x14a: {  	v51 =	vld.idx.msk [tilespmem:v9+s17+$0x0], $0xffff;
	v17 =	vadd.f32 v46, v17;
	v18 =	vadd.f32 v47, v18  }
0x14b: {  	v52 =	vld.idx.msk [tilespmem:v9+s18+$0x0], $0xffff  }
0x14c: {  	v53 =	vld.idx.msk [tilespmem:v10+s18+$0x0], $0xffff;
	v17 =	vadd.f32 v19, v17;
	v18 =	vadd.f32 v48, v18  }
0x14d: {  	v19 =	vld.idx.msk [tilespmem:v10+s17+$0x0], $0xffff  }
0x14e: {  	v54 =	vld.idx.msk [tilespmem:v11+s17+$0x0], $0xffff;
	v17 =	vadd.f32 v49, v17;
	v18 =	vadd.f32 v50, v18  }
0x14f: {  	v55 =	vld.idx.msk [tilespmem:v11+s18+$0x0], $0xffff  }
0x150: {  	v56 =	vld.idx.msk [tilespmem:v12+s17+$0x0], $0xffff;
	v17 =	vadd.f32 v51, v17;
	v18 =	vadd.f32 v52, v18  }
0x151: {  	v57 =	vld.idx.msk [tilespmem:v12+s18+$0x0], $0xffff  }
0x152: {  	v58 =	vld.idx.msk [tilespmem:v13+s18+$0x0], $0xffff;
	v17 =	vadd.f32 v19, v17;
	v18 =	vadd.f32 v53, v18  }
0x153: {  	v19 =	vld.idx.msk [tilespmem:v13+s17+$0x0], $0xffff  }
0x154: {  	v59 =	vld.idx.msk [tilespmem:v14+s17+$0x0], $0xffff;
	v17 =	vadd.f32 v54, v17;
	v18 =	vadd.f32 v55, v18  }
0x155: {  	v60 =	vld.idx.msk [tilespmem:v14+s18+$0x0], $0xffff  }
0x156: {  	v61 =	vld.idx.msk [tilespmem:v15+s17+$0x0], $0xffff;
	v17 =	vadd.f32 v56, v17;
	v18 =	vadd.f32 v57, v18  }
0x157: {  	v62 =	vld.idx.msk [tilespmem:v15+s18+$0x0], $0xffff  }
0x158: {  	v63 =	vld [tilespmem:s6+$0xE80];
	v17 =	vadd.f32 v19, v17;
	v18 =	vadd.f32 v58, v18  }
0x159: {  	v19 =	vld [tilespmem:s6+$0xC80]  }
0x15a: {  	v17 =	vadd.f32 v59, v17;
	v18 =	vadd.f32 v60, v18;
	_ =	sdelay $0x1  }
0x15b: {  	v17 =	vadd.f32 v61, v17;
	v18 =	vadd.f32 v62, v18;
	_ =	sdelay $0x1  }
0x15c: {  	v17 =	vmul.f32 v19, v17;
	v18 =	vmul.f32 v63, v18  }
0x15d: {  	s1 =	sadd.s32 $0x1, s1  }
0x15e: {  	p0 =	sne.s32 s1, $0x4;
	v17 =	vsub.f32 v17, v18  }
.Ltmp3:
0x15f: {  	_ = 	snop;
	(pc) =	sbr.rel @p0 .LBB2_6-.Ltmp3, $3  }
0x160: {  	v17 =	vadd.f32 $1.000000000e+00, v17;
	_ =	sdelay $0x1  }
0x161: {  	s13 =	sadd.s32 $0x20, s13;
	s15 =	sadd.s32 $0x800, s15;
	v17 =	vmax.f32 v17, $0.0e+00  }
0x162: {  	s16 =	sadd.s32 $0x800, s16;
	s4 =	sadd.s32 $0x800, s4;
	s5 =	sadd.s32 $0x800, s5;
	v16 =	vadd.f32 v17, v16  }
0x163: {  	s1 =	simm.s32 $0xC0  }
0x164: {  	[tilespmem:s26], [sflag:$0x2] =	stream.indirect.gather [hbm4b:s3+s21], $0x80, s1, s21, $0xb8;
	[tilespmem:$0x11600] =	vst v63  }
0x165: {  	s22 =	simm.s32 $0x2C0  }
0x166: {  	[tilespmem:s29], [sflag:$0x2] =	stream.indirect.gather [hbm4b:s3+s21], $0x80, s22, s21, $0xb8;
	[tilespmem:$0x11600] =	vst v63  }
0x167: {  	s23 =	simm.s32 $0x4C0  }
0x168: {  	[tilespmem:s31], [sflag:$0x2] =	stream.indirect.gather [hbm4b:s3+s21], $0x80, s23, s21, $0xb8;
	[tilespmem:$0x11600] =	vst v63  }
0x169: {  	s28 =	simm.s32 $0x6C0  }
0x16a: {  	[tilespmem:s0], [sflag:$0x2] =	stream.indirect.gather [hbm4b:s3+s21], $0x80, s28, s21, $0xb8;
	[tilespmem:$0x11600] =	vst v63  }
0x16b: {  	_ =	swait.ge [sflag:s20], $0x2000  }
0x16c: {  	[sflag:s20] =	ssyncset.done $0x0  }
0x16d: {  	[sflag:s20] =	ssyncadd.s32 $0xFFFFE000  }
0x16e: {  	_ =	swait.ge [sflag:s20], $0x2000  }
0x16f: {  	[sflag:s20] =	ssyncset.done $0x0  }
0x170: {  	[sflag:s20] =	ssyncadd.s32 $0xFFFFE000  }
0x171: {  	_ =	swait.ge [sflag:s20], $0x2000  }
0x172: {  	[sflag:s20] =	ssyncset.done $0x0  }
0x173: {  	[sflag:s20] =	ssyncadd.s32 $0xFFFFE000  }
0x174: {  	s14 =	simm.s32 $0x900;
	s15 =	simm.s32 $0x12A0;
	_ =	swait.ge [sflag:s20], $0x2000  }
0x175: {  	s4 =	simm.s32 $0x32B0;
	s5 =	simm.s32 $0x52B0;
	[sflag:s20] =	ssyncset.done $0x0  }
0x176: {  	s16 =	simm.s32 $0x72B0;
	s1 =	simm.s32 $0x0;
	[sflag:s20] =	ssyncadd.s32 $0xFFFFE000  }
.LBB2_10:
0x177: {  	v18 =	vld [tilespmem:s14+$0x0];
	_ =	sdelay $0x1  }
0x178: {  	v17 =	vmov s4;
	_ =	sdelay $0x1  }
0x179: {  	v19 =	vmov s5  }
0x17a: {  	(v2sf) =	vpush v18, $0x1  }
0x17b: {  	s13 =	simm.s32 $0x0;
	(v2sf) =	vpush v18, $0x0  }
0x17c: {  	v20 =	vmov s15;
	v21 =	vld.idx.msk [tilespmem:v17+s13+$0xFFFFFFE0 ss:$0x1], $0xffff  }
0x17d: {  	v23 =	vld.idx.msk [tilespmem:v17+s13+$0xFFFFFFD0 ss:$0x1], $0xffff  }
0x17e: {  	v24 =	vld.idx.msk [tilespmem:v19+s13+$0xFFFFFFD0 ss:$0x1], $0xffff  }
0x17f: {  	v26 =	vld.idx.msk [tilespmem:v17+s13+$0xFFFFFFF0 ss:$0x1], $0xffff  }
0x180: {  	v33 =	vld.idx.msk [tilespmem:v19+s13+$0xFFFFFFE0 ss:$0x1], $0xffff  }
0x181: {  	v31 =	vld.idx.msk [tilespmem:v20+s13+$0x0 ss:$0x1], $0xffff  }
0x182: {  	v32 =	vld.idx.msk [tilespmem:v20+s13+$0xFFFFFFE0 ss:$0x1], $0xffff;
	v18 =	vmov s16  }
0x183: {  	v29 =	vld.idx.msk [tilespmem:v20+s13+$0xFFFFFFF0 ss:$0x1], $0xffff  }
0x184: {  	v25 =	vld.idx.msk [tilespmem:v20+s13+$0x10 ss:$0x1], $0xffff  }
0x185: {  	v27 =	vld.idx.msk [tilespmem:v19+s13+$0xFFFFFFF0 ss:$0x1], $0xffff  }
0x186: {  	v30 =	vld.idx.msk [tilespmem:v19+s13+$0x0 ss:$0x1], $0xffff  }
0x187: {  	v22 =	vld.idx.msk [tilespmem:v18+s13+$0xFFFFFFF0 ss:$0x1], $0xffff  }
0x188: {  	v28 =	vld.idx.msk [tilespmem:v18+s13+$0xFFFFFFD0 ss:$0x1], $0xffff  }
0x189: {  	s6 =	sshll.u32 s1, $0x4;
	s9 =	simm.s32 $0x11280;
	v34 =	vld.idx.msk [tilespmem:v18+s13+$0xFFFFFFE0 ss:$0x1], $0xffff;
	s23 =	spop (v2sf)  }
0x18a: {  	s10 =	simm.s32 $0x11400;
	s11 =	simm.s32 $0x200;
	v36 =	vld [tilespmem:s23+$0x1090];
	s22 =	spop (v2sf)  }
0x18b: {  	s12 =	smov.u32 s14;
	s7 =	simm.s32 $0x11280;
	s8 =	simm.s32 $0x11400;
	v35 =	vld [tilespmem:s22+$0x10A0]  }
.LBB2_11:
0x18c: {  	v37 =	vld [tilespmem:s22+$0x1080];
	s9 =	sadd.s32 $0x11, s9;
	s10 =	sadd.s32 $0x11, s10;
	s12 =	sadd.s32 $0x2, s12  }
0x18d: {  	p0 =	sne.s32 s11, $0x1E00;
	s28 =	smov.u32 s11;
	s11 =	sadd.s32 $0x200, s11;
	v38 =	vld [tilespmem:s22+$0x1090]  }
0x18e: {  	v39 =	vld [tilespmem:s23+$0x1080]  }
0x18f: {  	v33 =	vadd.f32 v36, v33;
	v36 =	vld [tilespmem:s23+$0x10B0]  }
0x190: {  	v40 =	vld [tilespmem:s23+$0x10A0];
	v31 =	vadd.f32 v35, v31  }
0x191: {  	v32 =	vadd.f32 v37, v32;
	v33 =	vsub.f32 v33, v34;
	v34 =	vld [tilespmem:s22+$0x10B0]  }
0x192: {  	v29 =	vadd.f32 v38, v29;
	v26 =	vsub.f32 v31, v26;
	v31 =	vld.idx.msk [tilespmem:v17+s13+$0x0 ss:$0x1], $0xffff  }
0x193: {  	v23 =	vsub.f32 v32, v23;
	v24 =	vadd.f32 v39, v24;
	v32 =	vld.idx.msk [tilespmem:v18+s13+$0x0 ss:$0x1], $0xffff  }
0x194: {  	v21 =	vsub.f32 v29, v21;
	v29 =	vadd.f32 v36, v30  }
0x195: {  	v24 =	vsub.f32 v24, v28;
	v28 =	vand.u32 $0x7FFFFFFF, v33;
	v27 =	vadd.f32 v40, v27  }
0x196: {  	v23 =	vand.u32 $0x7FFFFFFF, v23;
	v21 =	vand.u32 $0x7FFFFFFF, v21;
	v25 =	vadd.f32 v34, v25  }
0x197: {  	v24 =	vand.u32 $0x7FFFFFFF, v24;
	v21 =	vadd.f32 v21, v23;
	v22 =	vsub.f32 v27, v22  }
0x198: {  	v23 =	vadd.f32 v28, v24;
	v24 =	vand.u32 $0x7FFFFFFF, v26;
	v25 =	vsub.f32 v25, v31  }
0x199: {  	v21 =	vadd.f32 v24, v21;
	v22 =	vand.u32 $0x7FFFFFFF, v22;
	v24 =	vsub.f32 v29, v32  }
0x19a: {  	v22 =	vadd.f32 v22, v23;
	v23 =	vand.u32 $0x7FFFFFFF, v25  }
0x19b: {  	v21 =	vadd.f32 v23, v21;
	v23 =	vand.u32 $0x7FFFFFFF, v24  }
0x19c: {  	v22 =	vadd.f32 v23, v22  }
0x19d: {  	[tilespmem:s7+$0x0] =	vst v21;
	s7 =	smov.u32 s9  }
0x19e: {  	[tilespmem:s8+$0x0] =	vst v22;
	s8 =	smov.u32 s10  }
0x19f: {  	v22 =	vld [tilespmem:s12+$0x0];
	_ =	sdelay $0x2  }
0x1a0: {  	s13 =	sshra.s32 s28, $0x2  }
0x1a1: {  	v21 =	vld.idx.msk [tilespmem:v17+s13+$0xFFFFFFE0 ss:$0x1], $0xffff  }
0x1a2: {  	v23 =	vld.idx.msk [tilespmem:v17+s13+$0xFFFFFFD0 ss:$0x1], $0xffff;
	(v2sf) =	vpush v22, $0x1  }
0x1a3: {  	v24 =	vld.idx.msk [tilespmem:v19+s13+$0xFFFFFFD0 ss:$0x1], $0xffff;
	(v2sf) =	vpush v22, $0x0  }
0x1a4: {  	v26 =	vld.idx.msk [tilespmem:v17+s13+$0xFFFFFFF0 ss:$0x1], $0xffff  }
0x1a5: {  	v33 =	vld.idx.msk [tilespmem:v19+s13+$0xFFFFFFE0 ss:$0x1], $0xffff  }
0x1a6: {  	v31 =	vld.idx.msk [tilespmem:v20+s13+$0x0 ss:$0x1], $0xffff  }
0x1a7: {  	v32 =	vld.idx.msk [tilespmem:v20+s13+$0xFFFFFFE0 ss:$0x1], $0xffff  }
0x1a8: {  	v29 =	vld.idx.msk [tilespmem:v20+s13+$0xFFFFFFF0 ss:$0x1], $0xffff;
	_ =	sdelay $0x3  }
0x1a9: {  	v22 =	vld.idx.msk [tilespmem:v18+s13+$0xFFFFFFF0 ss:$0x1], $0xffff  }
0x1aa: {  	v25 =	vld.idx.msk [tilespmem:v20+s13+$0x10 ss:$0x1], $0xffff  }
0x1ab: {  	v27 =	vld.idx.msk [tilespmem:v19+s13+$0xFFFFFFF0 ss:$0x1], $0xffff  }
.Ltmp4:
0x1ac: {  	v28 =	vld.idx.msk [tilespmem:v18+s13+$0xFFFFFFD0 ss:$0x1], $0xffff;
	(pc) =	sbr.rel @p0 .LBB2_11-.Ltmp4, $4  }
0x1ad: {  	v30 =	vld.idx.msk [tilespmem:v19+s13+$0x0 ss:$0x1], $0xffff  }
0x1ae: {  	v34 =	vld.idx.msk [tilespmem:v18+s13+$0xFFFFFFE0 ss:$0x1], $0xffff;
	s23 =	spop (v2sf)  }
0x1af: {  	v36 =	vld [tilespmem:s23+$0x1090];
	s22 =	spop (v2sf)  }
0x1b0: {  	v35 =	vld [tilespmem:s22+$0x10A0]  }
0x1b1: {  	v19 =	vld [tilespmem:s22+$0x1080]  }
0x1b2: {  	v20 =	vld [tilespmem:s22+$0x1090]  }
0x1b3: {  	v37 =	vld [tilespmem:s23+$0x1080]  }
0x1b4: {  	v38 =	vld [tilespmem:s23+$0x10A0]  }
0x1b5: {  	v63 =	vld [tilespmem:s22+$0x10B0]  }
0x1b6: {  	v33 =	vadd.f32 v36, v33  }
0x1b7: {  	v61 =	vld [tilespmem:s23+$0x10B0];
	v31 =	vadd.f32 v35, v31;
	v19 =	vadd.f32 v19, v32  }
0x1b8: {  	v62 =	vsub.f32 v33, v34;
	v20 =	vadd.f32 v20, v29  }
0x1b9: {  	v29 =	vadd.f32 v37, v24;
	v27 =	vadd.f32 v38, v27  }
0x1ba: {  	v17 =	vld.idx.msk [tilespmem:v17+s13+$0x0 ss:$0x1], $0xffff;
	v25 =	vadd.f32 v63, v25;
	v26 =	vsub.f32 v31, v26  }
0x1bb: {  	v18 =	vld.idx.msk [tilespmem:v18+s13+$0x0 ss:$0x1], $0xffff;
	v19 =	vsub.f32 v19, v23;
	v20 =	vsub.f32 v20, v21  }
0x1bc: {  	v31 =	vadd.f32 v61, v30;
	v23 =	vsub.f32 v29, v28  }
0x1bd: {  	v34 =	vand.u32 $0x7FFFFFFF, v62;
	v19 =	vand.u32 $0x7FFFFFFF, v19;
	v20 =	vand.u32 $0x7FFFFFFF, v20  }
0x1be: {  	v35 =	vsub.f32 v27, v22;
	v23 =	vand.u32 $0x7FFFFFFF, v23;
	v19 =	vadd.f32 v20, v19  }
0x1bf: {  	v17 =	vsub.f32 v25, v17;
	v37 =	vand.u32 $0x7FFFFFFF, v26;
	v36 =	vadd.f32 v34, v23  }
0x1c0: {  	v18 =	vsub.f32 v31, v18;
	v20 =	vand.u32 $0x7FFFFFFF, v35;
	v19 =	vadd.f32 v37, v19  }
0x1c1: {  	v17 =	vand.u32 $0x7FFFFFFF, v17;
	v20 =	vadd.f32 v20, v36  }
0x1c2: {  	v18 =	vand.u32 $0x7FFFFFFF, v18;
	v17 =	vadd.f32 v17, v19  }
0x1c3: {  	v18 =	vadd.f32 v18, v20  }
0x1c4: {  	[tilespmem:s7+$0x0] =	vst v17  }
0x1c5: {  	[tilespmem:s8+$0x0] =	vst v18  }
0x1c6: {  	v17 =	vld.idx.msk [tilespmem:v0+s17+$0x0], $0xffff  }
0x1c7: {  	v18 =	vld.idx.msk [tilespmem:v0+s18+$0x0], $0xffff  }
0x1c8: {  	v19 =	vld.idx.msk [tilespmem:v1+s17+$0x0], $0xffff  }
0x1c9: {  	v38 =	vld.idx.msk [tilespmem:v1+s18+$0x0], $0xffff  }
0x1ca: {  	v39 =	vld.idx.msk [tilespmem:v2+s17+$0x0], $0xffff  }
0x1cb: {  	v40 =	vld.idx.msk [tilespmem:v2+s18+$0x0], $0xffff  }
0x1cc: {  	v41 =	vld.idx.msk [tilespmem:v3+s17+$0x0], $0xffff;
	v17 =	vadd.f32 $0.0e+00, v17;
	v18 =	vadd.f32 $0.0e+00, v18  }
0x1cd: {  	v42 =	vld.idx.msk [tilespmem:v3+s18+$0x0], $0xffff  }
0x1ce: {  	v43 =	vld.idx.msk [tilespmem:v4+s18+$0x0], $0xffff;
	v17 =	vadd.f32 v19, v17;
	v18 =	vadd.f32 v38, v18  }
0x1cf: {  	v19 =	vld.idx.msk [tilespmem:v4+s17+$0x0], $0xffff  }
0x1d0: {  	v44 =	vld.idx.msk [tilespmem:v5+s17+$0x0], $0xffff;
	v17 =	vadd.f32 v39, v17;
	v18 =	vadd.f32 v40, v18  }
0x1d1: {  	v45 =	vld.idx.msk [tilespmem:v5+s18+$0x0], $0xffff  }
0x1d2: {  	v46 =	vld.idx.msk [tilespmem:v6+s17+$0x0], $0xffff;
	v17 =	vadd.f32 v41, v17;
	v18 =	vadd.f32 v42, v18  }
0x1d3: {  	v47 =	vld.idx.msk [tilespmem:v6+s18+$0x0], $0xffff  }
0x1d4: {  	v48 =	vld.idx.msk [tilespmem:v7+s18+$0x0], $0xffff;
	v17 =	vadd.f32 v19, v17;
	v18 =	vadd.f32 v43, v18  }
0x1d5: {  	v19 =	vld.idx.msk [tilespmem:v7+s17+$0x0], $0xffff  }
0x1d6: {  	v49 =	vld.idx.msk [tilespmem:v8+s17+$0x0], $0xffff;
	v17 =	vadd.f32 v44, v17;
	v18 =	vadd.f32 v45, v18  }
0x1d7: {  	v50 =	vld.idx.msk [tilespmem:v8+s18+$0x0], $0xffff  }
0x1d8: {  	v51 =	vld.idx.msk [tilespmem:v9+s17+$0x0], $0xffff;
	v17 =	vadd.f32 v46, v17;
	v18 =	vadd.f32 v47, v18  }
0x1d9: {  	v52 =	vld.idx.msk [tilespmem:v9+s18+$0x0], $0xffff  }
0x1da: {  	v53 =	vld.idx.msk [tilespmem:v10+s18+$0x0], $0xffff;
	v17 =	vadd.f32 v19, v17;
	v18 =	vadd.f32 v48, v18  }
0x1db: {  	v19 =	vld.idx.msk [tilespmem:v10+s17+$0x0], $0xffff  }
0x1dc: {  	v54 =	vld.idx.msk [tilespmem:v11+s17+$0x0], $0xffff;
	v17 =	vadd.f32 v49, v17;
	v18 =	vadd.f32 v50, v18  }
0x1dd: {  	v55 =	vld.idx.msk [tilespmem:v11+s18+$0x0], $0xffff  }
0x1de: {  	v56 =	vld.idx.msk [tilespmem:v12+s17+$0x0], $0xffff;
	v17 =	vadd.f32 v51, v17;
	v18 =	vadd.f32 v52, v18  }
0x1df: {  	v57 =	vld.idx.msk [tilespmem:v12+s18+$0x0], $0xffff  }
0x1e0: {  	v58 =	vld.idx.msk [tilespmem:v13+s18+$0x0], $0xffff;
	v17 =	vadd.f32 v19, v17;
	v18 =	vadd.f32 v53, v18  }
0x1e1: {  	v19 =	vld.idx.msk [tilespmem:v13+s17+$0x0], $0xffff  }
0x1e2: {  	v59 =	vld.idx.msk [tilespmem:v14+s17+$0x0], $0xffff;
	v17 =	vadd.f32 v54, v17;
	v18 =	vadd.f32 v55, v18  }
0x1e3: {  	v60 =	vld.idx.msk [tilespmem:v14+s18+$0x0], $0xffff  }
0x1e4: {  	v61 =	vld.idx.msk [tilespmem:v15+s17+$0x0], $0xffff;
	v17 =	vadd.f32 v56, v17;
	v18 =	vadd.f32 v57, v18  }
0x1e5: {  	v62 =	vld.idx.msk [tilespmem:v15+s18+$0x0], $0xffff  }
0x1e6: {  	v63 =	vld [tilespmem:s6+$0xF00];
	v17 =	vadd.f32 v19, v17;
	v18 =	vadd.f32 v58, v18  }
0x1e7: {  	v19 =	vld [tilespmem:s6+$0xD00]  }
0x1e8: {  	v17 =	vadd.f32 v59, v17;
	v18 =	vadd.f32 v60, v18;
	_ =	sdelay $0x1  }
0x1e9: {  	v17 =	vadd.f32 v61, v17;
	v18 =	vadd.f32 v62, v18;
	_ =	sdelay $0x1  }
0x1ea: {  	v17 =	vmul.f32 v19, v17;
	v18 =	vmul.f32 v63, v18  }
0x1eb: {  	s1 =	sadd.s32 $0x1, s1  }
0x1ec: {  	p0 =	sne.s32 s1, $0x4;
	v17 =	vsub.f32 v17, v18  }
.Ltmp5:
0x1ed: {  	_ = 	snop;
	(pc) =	sbr.rel @p0 .LBB2_10-.Ltmp5, $3  }
0x1ee: {  	v17 =	vadd.f32 $1.000000000e+00, v17;
	_ =	sdelay $0x1  }
0x1ef: {  	s14 =	sadd.s32 $0x20, s14;
	s15 =	sadd.s32 $0x800, s15;
	v17 =	vmax.f32 v17, $0.0e+00  }
0x1f0: {  	s4 =	sadd.s32 $0x800, s4;
	s5 =	sadd.s32 $0x800, s5;
	s16 =	sadd.s32 $0x800, s16;
	v16 =	vadd.f32 v17, v16  }
0x1f1: {  	s1 =	simm.s32 $0x1280;
	s4 =	simm.s32 $0x100  }
0x1f2: {  	[tilespmem:s1], [sflag:$0x1] =	stream.indirect.gather [hbm4b:s3+s21], $0x80, s4, s21, $0xb8;
	[tilespmem:$0x11600] =	vst v63  }
0x1f3: {  	s16 =	simm.s32 $0x3280;
	s22 =	simm.s32 $0x300  }
0x1f4: {  	[tilespmem:s16], [sflag:$0x1] =	stream.indirect.gather [hbm4b:s3+s21], $0x80, s22, s21, $0xb8;
	[tilespmem:$0x11600] =	vst v63  }
0x1f5: {  	s23 =	simm.s32 $0x500  }
0x1f6: {  	[tilespmem:s24], [sflag:$0x1] =	stream.indirect.gather [hbm4b:s3+s21], $0x80, s23, s21, $0xb8;
	[tilespmem:$0x11600] =	vst v63  }
0x1f7: {  	s28 =	simm.s32 $0x700  }
0x1f8: {  	[tilespmem:s25], [sflag:$0x1] =	stream.indirect.gather [hbm4b:s3+s21], $0x80, s28, s21, $0xb8;
	[tilespmem:$0x11600] =	vst v63  }
0x1f9: {  	_ =	swait.ge [sflag:s19], $0x2000  }
0x1fa: {  	[sflag:s19] =	ssyncset.done $0x0  }
0x1fb: {  	[sflag:s19] =	ssyncadd.s32 $0xFFFFE000  }
0x1fc: {  	_ =	swait.ge [sflag:s19], $0x2000  }
0x1fd: {  	[sflag:s19] =	ssyncset.done $0x0  }
0x1fe: {  	[sflag:s19] =	ssyncadd.s32 $0xFFFFE000  }
0x1ff: {  	_ =	swait.ge [sflag:s19], $0x2000  }
0x200: {  	[sflag:s19] =	ssyncset.done $0x0  }
0x201: {  	[sflag:s19] =	ssyncadd.s32 $0xFFFFE000  }
0x202: {  	s14 =	simm.s32 $0x980;
	s15 =	simm.s32 $0xB2A0;
	_ =	swait.ge [sflag:s19], $0x2000  }
0x203: {  	s5 =	simm.s32 $0x92A0;
	s1 =	simm.s32 $0x0;
	[sflag:s19] =	ssyncset.done $0x0  }
0x204: {  	s4 =	simm.s32 $0xF2B0;
	s16 =	simm.s32 $0xD2B0;
	[sflag:s19] =	ssyncadd.s32 $0xFFFFE000  }
.LBB2_14:
0x205: {  	v18 =	vld [tilespmem:s14+$0x0];
	_ =	sdelay $0x1  }
0x206: {  	v17 =	vmov s15;
	_ =	sdelay $0x1  }
0x207: {  	v19 =	vmov s16  }
0x208: {  	(v2sf) =	vpush v18, $0x1  }
0x209: {  	s12 =	simm.s32 $0x0;
	(v2sf) =	vpush v18, $0x0  }
0x20a: {  	v20 =	vmov s5;
	v21 =	vld.idx.msk [tilespmem:v17+s12+$0xFFFFFFF0 ss:$0x1], $0xffff  }
0x20b: {  	v23 =	vld.idx.msk [tilespmem:v17+s12+$0xFFFFFFE0 ss:$0x1], $0xffff  }
0x20c: {  	v24 =	vld.idx.msk [tilespmem:v19+s12+$0xFFFFFFD0 ss:$0x1], $0xffff  }
0x20d: {  	v26 =	vld.idx.msk [tilespmem:v17+s12+$0x0 ss:$0x1], $0xffff  }
0x20e: {  	v33 =	vld.idx.msk [tilespmem:v19+s12+$0xFFFFFFE0 ss:$0x1], $0xffff  }
0x20f: {  	v31 =	vld.idx.msk [tilespmem:v20+s12+$0x0 ss:$0x1], $0xffff  }
0x210: {  	v32 =	vld.idx.msk [tilespmem:v20+s12+$0xFFFFFFE0 ss:$0x1], $0xffff;
	v18 =	vmov s4  }
0x211: {  	v29 =	vld.idx.msk [tilespmem:v20+s12+$0xFFFFFFF0 ss:$0x1], $0xffff  }
0x212: {  	v25 =	vld.idx.msk [tilespmem:v20+s12+$0x10 ss:$0x1], $0xffff  }
0x213: {  	v27 =	vld.idx.msk [tilespmem:v19+s12+$0xFFFFFFF0 ss:$0x1], $0xffff  }
0x214: {  	v30 =	vld.idx.msk [tilespmem:v19+s12+$0x0 ss:$0x1], $0xffff  }
0x215: {  	v22 =	vld.idx.msk [tilespmem:v18+s12+$0xFFFFFFF0 ss:$0x1], $0xffff  }
0x216: {  	s6 =	sshll.u32 s1, $0x4;
	v28 =	vld.idx.msk [tilespmem:v18+s12+$0xFFFFFFD0 ss:$0x1], $0xffff  }
0x217: {  	s9 =	simm.s32 $0x11280;
	s10 =	simm.s32 $0x11400;
	v34 =	vld.idx.msk [tilespmem:v18+s12+$0xFFFFFFE0 ss:$0x1], $0xffff;
	s23 =	spop (v2sf)  }
0x218: {  	s11 =	simm.s32 $0x200;
	s13 =	smov.u32 s14;
	v36 =	vld [tilespmem:s23+$0x1090];
	s22 =	spop (v2sf)  }
0x219: {  	s7 =	simm.s32 $0x11280;
	s8 =	simm.s32 $0x11400;
	s6 =	sor.u32 $0xC0, s6;
	v35 =	vld [tilespmem:s22+$0x10A0]  }
.LBB2_15:
0x21a: {  	v37 =	vld [tilespmem:s22+$0x1080];
	s9 =	sadd.s32 $0x11, s9;
	s10 =	sadd.s32 $0x11, s10;
	s13 =	sadd.s32 $0x2, s13  }
0x21b: {  	p0 =	sne.s32 s11, $0x1E00;
	s28 =	smov.u32 s11;
	s11 =	sadd.s32 $0x200, s11;
	v38 =	vld [tilespmem:s22+$0x1090]  }
0x21c: {  	v39 =	vld [tilespmem:s23+$0x1080]  }
0x21d: {  	v33 =	vadd.f32 v36, v33;
	v36 =	vld [tilespmem:s23+$0x10B0]  }
0x21e: {  	v40 =	vld [tilespmem:s23+$0x10A0];
	v31 =	vadd.f32 v35, v31  }
0x21f: {  	v32 =	vadd.f32 v37, v32;
	v33 =	vsub.f32 v33, v34;
	v34 =	vld [tilespmem:s22+$0x10B0]  }
0x220: {  	v29 =	vadd.f32 v38, v29;
	v26 =	vsub.f32 v31, v26;
	v31 =	vld.idx.msk [tilespmem:v17+s12+$0x10 ss:$0x1], $0xffff  }
0x221: {  	v23 =	vsub.f32 v32, v23;
	v24 =	vadd.f32 v39, v24;
	v32 =	vld.idx.msk [tilespmem:v18+s12+$0x0 ss:$0x1], $0xffff  }
0x222: {  	v21 =	vsub.f32 v29, v21;
	v29 =	vadd.f32 v36, v30  }
0x223: {  	v24 =	vsub.f32 v24, v28;
	v28 =	vand.u32 $0x7FFFFFFF, v33;
	v27 =	vadd.f32 v40, v27  }
0x224: {  	v23 =	vand.u32 $0x7FFFFFFF, v23;
	v21 =	vand.u32 $0x7FFFFFFF, v21;
	v25 =	vadd.f32 v34, v25  }
0x225: {  	v24 =	vand.u32 $0x7FFFFFFF, v24;
	v21 =	vadd.f32 v21, v23;
	v22 =	vsub.f32 v27, v22  }
0x226: {  	v23 =	vadd.f32 v28, v24;
	v24 =	vand.u32 $0x7FFFFFFF, v26;
	v25 =	vsub.f32 v25, v31  }
0x227: {  	v21 =	vadd.f32 v24, v21;
	v22 =	vand.u32 $0x7FFFFFFF, v22;
	v24 =	vsub.f32 v29, v32  }
0x228: {  	v22 =	vadd.f32 v22, v23;
	v23 =	vand.u32 $0x7FFFFFFF, v25  }
0x229: {  	v21 =	vadd.f32 v23, v21;
	v23 =	vand.u32 $0x7FFFFFFF, v24  }
0x22a: {  	v22 =	vadd.f32 v23, v22  }
0x22b: {  	[tilespmem:s7+$0x0] =	vst v21;
	s7 =	smov.u32 s9  }
0x22c: {  	[tilespmem:s8+$0x0] =	vst v22;
	s8 =	smov.u32 s10  }
0x22d: {  	v22 =	vld [tilespmem:s13+$0x0];
	_ =	sdelay $0x2  }
0x22e: {  	s12 =	sshra.s32 s28, $0x2  }
0x22f: {  	v21 =	vld.idx.msk [tilespmem:v17+s12+$0xFFFFFFF0 ss:$0x1], $0xffff  }
0x230: {  	v23 =	vld.idx.msk [tilespmem:v17+s12+$0xFFFFFFE0 ss:$0x1], $0xffff;
	(v2sf) =	vpush v22, $0x1  }
0x231: {  	v24 =	vld.idx.msk [tilespmem:v19+s12+$0xFFFFFFD0 ss:$0x1], $0xffff;
	(v2sf) =	vpush v22, $0x0  }
0x232: {  	v26 =	vld.idx.msk [tilespmem:v17+s12+$0x0 ss:$0x1], $0xffff  }
0x233: {  	v33 =	vld.idx.msk [tilespmem:v19+s12+$0xFFFFFFE0 ss:$0x1], $0xffff  }
0x234: {  	v31 =	vld.idx.msk [tilespmem:v20+s12+$0x0 ss:$0x1], $0xffff  }
0x235: {  	v32 =	vld.idx.msk [tilespmem:v20+s12+$0xFFFFFFE0 ss:$0x1], $0xffff  }
0x236: {  	v29 =	vld.idx.msk [tilespmem:v20+s12+$0xFFFFFFF0 ss:$0x1], $0xffff;
	_ =	sdelay $0x3  }
0x237: {  	v22 =	vld.idx.msk [tilespmem:v18+s12+$0xFFFFFFF0 ss:$0x1], $0xffff  }
0x238: {  	v25 =	vld.idx.msk [tilespmem:v20+s12+$0x10 ss:$0x1], $0xffff  }
0x239: {  	v27 =	vld.idx.msk [tilespmem:v19+s12+$0xFFFFFFF0 ss:$0x1], $0xffff  }
.Ltmp6:
0x23a: {  	v28 =	vld.idx.msk [tilespmem:v18+s12+$0xFFFFFFD0 ss:$0x1], $0xffff;
	(pc) =	sbr.rel @p0 .LBB2_15-.Ltmp6, $4  }
0x23b: {  	v30 =	vld.idx.msk [tilespmem:v19+s12+$0x0 ss:$0x1], $0xffff  }
0x23c: {  	v34 =	vld.idx.msk [tilespmem:v18+s12+$0xFFFFFFE0 ss:$0x1], $0xffff;
	s23 =	spop (v2sf)  }
0x23d: {  	v36 =	vld [tilespmem:s23+$0x1090];
	s22 =	spop (v2sf)  }
0x23e: {  	v35 =	vld [tilespmem:s22+$0x10A0]  }
0x23f: {  	v19 =	vld [tilespmem:s22+$0x1080]  }
0x240: {  	v20 =	vld [tilespmem:s22+$0x1090]  }
0x241: {  	v37 =	vld [tilespmem:s23+$0x1080]  }
0x242: {  	v38 =	vld [tilespmem:s23+$0x10A0]  }
0x243: {  	v63 =	vld [tilespmem:s22+$0x10B0]  }
0x244: {  	v33 =	vadd.f32 v36, v33  }
0x245: {  	v61 =	vld [tilespmem:s23+$0x10B0];
	v31 =	vadd.f32 v35, v31;
	v19 =	vadd.f32 v19, v32  }
0x246: {  	v62 =	vsub.f32 v33, v34;
	v20 =	vadd.f32 v20, v29  }
0x247: {  	v29 =	vadd.f32 v37, v24;
	v27 =	vadd.f32 v38, v27  }
0x248: {  	v17 =	vld.idx.msk [tilespmem:v17+s12+$0x10 ss:$0x1], $0xffff;
	v25 =	vadd.f32 v63, v25;
	v26 =	vsub.f32 v31, v26  }
0x249: {  	v18 =	vld.idx.msk [tilespmem:v18+s12+$0x0 ss:$0x1], $0xffff;
	v19 =	vsub.f32 v19, v23;
	v20 =	vsub.f32 v20, v21  }
0x24a: {  	v31 =	vadd.f32 v61, v30;
	v23 =	vsub.f32 v29, v28  }
0x24b: {  	v34 =	vand.u32 $0x7FFFFFFF, v62;
	v19 =	vand.u32 $0x7FFFFFFF, v19;
	v20 =	vand.u32 $0x7FFFFFFF, v20  }
0x24c: {  	v35 =	vsub.f32 v27, v22;
	v23 =	vand.u32 $0x7FFFFFFF, v23;
	v19 =	vadd.f32 v20, v19  }
0x24d: {  	v17 =	vsub.f32 v25, v17;
	v37 =	vand.u32 $0x7FFFFFFF, v26;
	v36 =	vadd.f32 v34, v23  }
0x24e: {  	v18 =	vsub.f32 v31, v18;
	v20 =	vand.u32 $0x7FFFFFFF, v35;
	v19 =	vadd.f32 v37, v19  }
0x24f: {  	v17 =	vand.u32 $0x7FFFFFFF, v17;
	v20 =	vadd.f32 v20, v36  }
0x250: {  	v18 =	vand.u32 $0x7FFFFFFF, v18;
	v17 =	vadd.f32 v17, v19  }
0x251: {  	v18 =	vadd.f32 v18, v20  }
0x252: {  	[tilespmem:s7+$0x0] =	vst v17  }
0x253: {  	[tilespmem:s8+$0x0] =	vst v18  }
0x254: {  	v17 =	vld.idx.msk [tilespmem:v0+s17+$0x0], $0xffff  }
0x255: {  	v18 =	vld.idx.msk [tilespmem:v0+s18+$0x0], $0xffff  }
0x256: {  	v19 =	vld.idx.msk [tilespmem:v1+s17+$0x0], $0xffff  }
0x257: {  	v38 =	vld.idx.msk [tilespmem:v1+s18+$0x0], $0xffff  }
0x258: {  	v39 =	vld.idx.msk [tilespmem:v2+s17+$0x0], $0xffff  }
0x259: {  	v40 =	vld.idx.msk [tilespmem:v2+s18+$0x0], $0xffff  }
0x25a: {  	v41 =	vld.idx.msk [tilespmem:v3+s17+$0x0], $0xffff;
	v17 =	vadd.f32 $0.0e+00, v17;
	v18 =	vadd.f32 $0.0e+00, v18  }
0x25b: {  	v42 =	vld.idx.msk [tilespmem:v3+s18+$0x0], $0xffff  }
0x25c: {  	v43 =	vld.idx.msk [tilespmem:v4+s18+$0x0], $0xffff;
	v17 =	vadd.f32 v19, v17;
	v18 =	vadd.f32 v38, v18  }
0x25d: {  	v19 =	vld.idx.msk [tilespmem:v4+s17+$0x0], $0xffff  }
0x25e: {  	v44 =	vld.idx.msk [tilespmem:v5+s17+$0x0], $0xffff;
	v17 =	vadd.f32 v39, v17;
	v18 =	vadd.f32 v40, v18  }
0x25f: {  	v45 =	vld.idx.msk [tilespmem:v5+s18+$0x0], $0xffff  }
0x260: {  	v46 =	vld.idx.msk [tilespmem:v6+s17+$0x0], $0xffff;
	v17 =	vadd.f32 v41, v17;
	v18 =	vadd.f32 v42, v18  }
0x261: {  	v47 =	vld.idx.msk [tilespmem:v6+s18+$0x0], $0xffff  }
0x262: {  	v48 =	vld.idx.msk [tilespmem:v7+s18+$0x0], $0xffff;
	v17 =	vadd.f32 v19, v17;
	v18 =	vadd.f32 v43, v18  }
0x263: {  	v19 =	vld.idx.msk [tilespmem:v7+s17+$0x0], $0xffff  }
0x264: {  	v49 =	vld.idx.msk [tilespmem:v8+s17+$0x0], $0xffff;
	v17 =	vadd.f32 v44, v17;
	v18 =	vadd.f32 v45, v18  }
0x265: {  	v50 =	vld.idx.msk [tilespmem:v8+s18+$0x0], $0xffff  }
0x266: {  	v51 =	vld.idx.msk [tilespmem:v9+s17+$0x0], $0xffff;
	v17 =	vadd.f32 v46, v17;
	v18 =	vadd.f32 v47, v18  }
0x267: {  	v52 =	vld.idx.msk [tilespmem:v9+s18+$0x0], $0xffff  }
0x268: {  	v53 =	vld.idx.msk [tilespmem:v10+s18+$0x0], $0xffff;
	v17 =	vadd.f32 v19, v17;
	v18 =	vadd.f32 v48, v18  }
0x269: {  	v19 =	vld.idx.msk [tilespmem:v10+s17+$0x0], $0xffff  }
0x26a: {  	v54 =	vld.idx.msk [tilespmem:v11+s17+$0x0], $0xffff;
	v17 =	vadd.f32 v49, v17;
	v18 =	vadd.f32 v50, v18  }
0x26b: {  	v55 =	vld.idx.msk [tilespmem:v11+s18+$0x0], $0xffff  }
0x26c: {  	v56 =	vld.idx.msk [tilespmem:v12+s17+$0x0], $0xffff;
	v17 =	vadd.f32 v51, v17;
	v18 =	vadd.f32 v52, v18  }
0x26d: {  	v57 =	vld.idx.msk [tilespmem:v12+s18+$0x0], $0xffff  }
0x26e: {  	v58 =	vld.idx.msk [tilespmem:v13+s18+$0x0], $0xffff;
	v17 =	vadd.f32 v19, v17;
	v18 =	vadd.f32 v53, v18  }
0x26f: {  	v19 =	vld.idx.msk [tilespmem:v13+s17+$0x0], $0xffff  }
0x270: {  	v59 =	vld.idx.msk [tilespmem:v14+s17+$0x0], $0xffff;
	v17 =	vadd.f32 v54, v17;
	v18 =	vadd.f32 v55, v18  }
0x271: {  	v60 =	vld.idx.msk [tilespmem:v14+s18+$0x0], $0xffff  }
0x272: {  	v61 =	vld.idx.msk [tilespmem:v15+s17+$0x0], $0xffff;
	v17 =	vadd.f32 v56, v17;
	v18 =	vadd.f32 v57, v18  }
0x273: {  	v62 =	vld.idx.msk [tilespmem:v15+s18+$0x0], $0xffff  }
0x274: {  	v63 =	vld [tilespmem:s6+$0xE80];
	v17 =	vadd.f32 v19, v17;
	v18 =	vadd.f32 v58, v18  }
0x275: {  	v19 =	vld [tilespmem:s6+$0xC80]  }
0x276: {  	v17 =	vadd.f32 v59, v17;
	v18 =	vadd.f32 v60, v18;
	_ =	sdelay $0x1  }
0x277: {  	v17 =	vadd.f32 v61, v17;
	v18 =	vadd.f32 v62, v18;
	_ =	sdelay $0x1  }
0x278: {  	v17 =	vmul.f32 v19, v17;
	v18 =	vmul.f32 v63, v18  }
0x279: {  	s1 =	sadd.s32 $0x1, s1  }
0x27a: {  	p0 =	sne.s32 s1, $0x4;
	v17 =	vsub.f32 v17, v18  }
.Ltmp7:
0x27b: {  	_ = 	snop;
	(pc) =	sbr.rel @p0 .LBB2_14-.Ltmp7, $3  }
0x27c: {  	v17 =	vadd.f32 $1.000000000e+00, v17;
	_ =	sdelay $0x1  }
0x27d: {  	s14 =	sadd.s32 $0x20, s14;
	s15 =	sadd.s32 $0x800, s15;
	v17 =	vmax.f32 v17, $0.0e+00  }
0x27e: {  	s16 =	sadd.s32 $0x800, s16;
	s4 =	sadd.s32 $0x800, s4;
	s5 =	sadd.s32 $0x800, s5;
	v16 =	vadd.f32 v17, v16  }
0x27f: {  	s1 =	simm.s32 $0x140  }
0x280: {  	[tilespmem:s26], [sflag:$0x2] =	stream.indirect.gather [hbm4b:s3+s21], $0x80, s1, s21, $0xb8;
	[tilespmem:$0x11600] =	vst v63  }
0x281: {  	s22 =	simm.s32 $0x340  }
0x282: {  	[tilespmem:s29], [sflag:$0x2] =	stream.indirect.gather [hbm4b:s3+s21], $0x80, s22, s21, $0xb8;
	[tilespmem:$0x11600] =	vst v63  }
0x283: {  	s23 =	simm.s32 $0x540  }
0x284: {  	[tilespmem:s31], [sflag:$0x2] =	stream.indirect.gather [hbm4b:s3+s21], $0x80, s23, s21, $0xb8;
	[tilespmem:$0x11600] =	vst v63  }
0x285: {  	s28 =	simm.s32 $0x740  }
0x286: {  	[tilespmem:s0], [sflag:$0x2] =	stream.indirect.gather [hbm4b:s3+s21], $0x80, s28, s21, $0xb8;
	[tilespmem:$0x11600] =	vst v63  }
0x287: {  	_ =	swait.ge [sflag:s20], $0x2000  }
0x288: {  	[sflag:s20] =	ssyncset.done $0x0  }
0x289: {  	[sflag:s20] =	ssyncadd.s32 $0xFFFFE000  }
0x28a: {  	_ =	swait.ge [sflag:s20], $0x2000  }
0x28b: {  	[sflag:s20] =	ssyncset.done $0x0  }
0x28c: {  	[sflag:s20] =	ssyncadd.s32 $0xFFFFE000  }
0x28d: {  	_ =	swait.ge [sflag:s20], $0x2000  }
0x28e: {  	[sflag:s20] =	ssyncset.done $0x0  }
0x28f: {  	[sflag:s20] =	ssyncadd.s32 $0xFFFFE000  }
0x290: {  	s14 =	simm.s32 $0xA00;
	s15 =	simm.s32 $0x12A0;
	_ =	swait.ge [sflag:s20], $0x2000  }
0x291: {  	s4 =	simm.s32 $0x32B0;
	s5 =	simm.s32 $0x52B0;
	[sflag:s20] =	ssyncset.done $0x0  }
0x292: {  	s16 =	simm.s32 $0x72B0;
	s1 =	simm.s32 $0x0;
	[sflag:s20] =	ssyncadd.s32 $0xFFFFE000  }
.LBB2_18:
0x293: {  	v18 =	vld [tilespmem:s14+$0x0];
	_ =	sdelay $0x1  }
0x294: {  	v17 =	vmov s4;
	_ =	sdelay $0x1  }
0x295: {  	v19 =	vmov s5  }
0x296: {  	(v2sf) =	vpush v18, $0x1  }
0x297: {  	s13 =	simm.s32 $0x0;
	(v2sf) =	vpush v18, $0x0  }
0x298: {  	v20 =	vmov s15;
	v21 =	vld.idx.msk [tilespmem:v17+s13+$0xFFFFFFE0 ss:$0x1], $0xffff  }
0x299: {  	v23 =	vld.idx.msk [tilespmem:v17+s13+$0xFFFFFFD0 ss:$0x1], $0xffff  }
0x29a: {  	v24 =	vld.idx.msk [tilespmem:v19+s13+$0xFFFFFFD0 ss:$0x1], $0xffff  }
0x29b: {  	v26 =	vld.idx.msk [tilespmem:v17+s13+$0xFFFFFFF0 ss:$0x1], $0xffff  }
0x29c: {  	v33 =	vld.idx.msk [tilespmem:v19+s13+$0xFFFFFFE0 ss:$0x1], $0xffff  }
0x29d: {  	v31 =	vld.idx.msk [tilespmem:v20+s13+$0x0 ss:$0x1], $0xffff  }
0x29e: {  	v32 =	vld.idx.msk [tilespmem:v20+s13+$0xFFFFFFE0 ss:$0x1], $0xffff;
	v18 =	vmov s16  }
0x29f: {  	v29 =	vld.idx.msk [tilespmem:v20+s13+$0xFFFFFFF0 ss:$0x1], $0xffff  }
0x2a0: {  	v25 =	vld.idx.msk [tilespmem:v20+s13+$0x10 ss:$0x1], $0xffff  }
0x2a1: {  	v27 =	vld.idx.msk [tilespmem:v19+s13+$0xFFFFFFF0 ss:$0x1], $0xffff  }
0x2a2: {  	v30 =	vld.idx.msk [tilespmem:v19+s13+$0x0 ss:$0x1], $0xffff  }
0x2a3: {  	v22 =	vld.idx.msk [tilespmem:v18+s13+$0xFFFFFFF0 ss:$0x1], $0xffff  }
0x2a4: {  	v28 =	vld.idx.msk [tilespmem:v18+s13+$0xFFFFFFD0 ss:$0x1], $0xffff  }
0x2a5: {  	s6 =	sshll.u32 s1, $0x4;
	s9 =	simm.s32 $0x11280;
	v34 =	vld.idx.msk [tilespmem:v18+s13+$0xFFFFFFE0 ss:$0x1], $0xffff;
	s23 =	spop (v2sf)  }
0x2a6: {  	s10 =	simm.s32 $0x11400;
	s11 =	simm.s32 $0x200;
	v36 =	vld [tilespmem:s23+$0x1090];
	s22 =	spop (v2sf)  }
0x2a7: {  	s12 =	smov.u32 s14;
	s7 =	simm.s32 $0x11280;
	s8 =	simm.s32 $0x11400;
	v35 =	vld [tilespmem:s22+$0x10A0]  }
.LBB2_19:
0x2a8: {  	v37 =	vld [tilespmem:s22+$0x1080];
	s9 =	sadd.s32 $0x11, s9;
	s10 =	sadd.s32 $0x11, s10;
	s12 =	sadd.s32 $0x2, s12  }
0x2a9: {  	p0 =	sne.s32 s11, $0x1E00;
	s28 =	smov.u32 s11;
	s11 =	sadd.s32 $0x200, s11;
	v38 =	vld [tilespmem:s22+$0x1090]  }
0x2aa: {  	v39 =	vld [tilespmem:s23+$0x1080]  }
0x2ab: {  	v33 =	vadd.f32 v36, v33;
	v36 =	vld [tilespmem:s23+$0x10B0]  }
0x2ac: {  	v40 =	vld [tilespmem:s23+$0x10A0];
	v31 =	vadd.f32 v35, v31  }
0x2ad: {  	v32 =	vadd.f32 v37, v32;
	v33 =	vsub.f32 v33, v34;
	v34 =	vld [tilespmem:s22+$0x10B0]  }
0x2ae: {  	v29 =	vadd.f32 v38, v29;
	v26 =	vsub.f32 v31, v26;
	v31 =	vld.idx.msk [tilespmem:v17+s13+$0x0 ss:$0x1], $0xffff  }
0x2af: {  	v23 =	vsub.f32 v32, v23;
	v24 =	vadd.f32 v39, v24;
	v32 =	vld.idx.msk [tilespmem:v18+s13+$0x0 ss:$0x1], $0xffff  }
0x2b0: {  	v21 =	vsub.f32 v29, v21;
	v29 =	vadd.f32 v36, v30  }
0x2b1: {  	v24 =	vsub.f32 v24, v28;
	v28 =	vand.u32 $0x7FFFFFFF, v33;
	v27 =	vadd.f32 v40, v27  }
0x2b2: {  	v23 =	vand.u32 $0x7FFFFFFF, v23;
	v21 =	vand.u32 $0x7FFFFFFF, v21;
	v25 =	vadd.f32 v34, v25  }
0x2b3: {  	v24 =	vand.u32 $0x7FFFFFFF, v24;
	v21 =	vadd.f32 v21, v23;
	v22 =	vsub.f32 v27, v22  }
0x2b4: {  	v23 =	vadd.f32 v28, v24;
	v24 =	vand.u32 $0x7FFFFFFF, v26;
	v25 =	vsub.f32 v25, v31  }
0x2b5: {  	v21 =	vadd.f32 v24, v21;
	v22 =	vand.u32 $0x7FFFFFFF, v22;
	v24 =	vsub.f32 v29, v32  }
0x2b6: {  	v22 =	vadd.f32 v22, v23;
	v23 =	vand.u32 $0x7FFFFFFF, v25  }
0x2b7: {  	v21 =	vadd.f32 v23, v21;
	v23 =	vand.u32 $0x7FFFFFFF, v24  }
0x2b8: {  	v22 =	vadd.f32 v23, v22  }
0x2b9: {  	[tilespmem:s7+$0x0] =	vst v21;
	s7 =	smov.u32 s9  }
0x2ba: {  	[tilespmem:s8+$0x0] =	vst v22;
	s8 =	smov.u32 s10  }
0x2bb: {  	v22 =	vld [tilespmem:s12+$0x0];
	_ =	sdelay $0x2  }
0x2bc: {  	s13 =	sshra.s32 s28, $0x2  }
0x2bd: {  	v21 =	vld.idx.msk [tilespmem:v17+s13+$0xFFFFFFE0 ss:$0x1], $0xffff  }
0x2be: {  	v23 =	vld.idx.msk [tilespmem:v17+s13+$0xFFFFFFD0 ss:$0x1], $0xffff;
	(v2sf) =	vpush v22, $0x1  }
0x2bf: {  	v24 =	vld.idx.msk [tilespmem:v19+s13+$0xFFFFFFD0 ss:$0x1], $0xffff;
	(v2sf) =	vpush v22, $0x0  }
0x2c0: {  	v26 =	vld.idx.msk [tilespmem:v17+s13+$0xFFFFFFF0 ss:$0x1], $0xffff  }
0x2c1: {  	v33 =	vld.idx.msk [tilespmem:v19+s13+$0xFFFFFFE0 ss:$0x1], $0xffff  }
0x2c2: {  	v31 =	vld.idx.msk [tilespmem:v20+s13+$0x0 ss:$0x1], $0xffff  }
0x2c3: {  	v32 =	vld.idx.msk [tilespmem:v20+s13+$0xFFFFFFE0 ss:$0x1], $0xffff  }
0x2c4: {  	v29 =	vld.idx.msk [tilespmem:v20+s13+$0xFFFFFFF0 ss:$0x1], $0xffff;
	_ =	sdelay $0x3  }
0x2c5: {  	v22 =	vld.idx.msk [tilespmem:v18+s13+$0xFFFFFFF0 ss:$0x1], $0xffff  }
0x2c6: {  	v25 =	vld.idx.msk [tilespmem:v20+s13+$0x10 ss:$0x1], $0xffff  }
0x2c7: {  	v27 =	vld.idx.msk [tilespmem:v19+s13+$0xFFFFFFF0 ss:$0x1], $0xffff  }
.Ltmp8:
0x2c8: {  	v28 =	vld.idx.msk [tilespmem:v18+s13+$0xFFFFFFD0 ss:$0x1], $0xffff;
	(pc) =	sbr.rel @p0 .LBB2_19-.Ltmp8, $4  }
0x2c9: {  	v30 =	vld.idx.msk [tilespmem:v19+s13+$0x0 ss:$0x1], $0xffff  }
0x2ca: {  	v34 =	vld.idx.msk [tilespmem:v18+s13+$0xFFFFFFE0 ss:$0x1], $0xffff;
	s23 =	spop (v2sf)  }
0x2cb: {  	v36 =	vld [tilespmem:s23+$0x1090];
	s22 =	spop (v2sf)  }
0x2cc: {  	v35 =	vld [tilespmem:s22+$0x10A0]  }
0x2cd: {  	v19 =	vld [tilespmem:s22+$0x1080]  }
0x2ce: {  	v20 =	vld [tilespmem:s22+$0x1090]  }
0x2cf: {  	v37 =	vld [tilespmem:s23+$0x1080]  }
0x2d0: {  	v38 =	vld [tilespmem:s23+$0x10A0]  }
0x2d1: {  	v63 =	vld [tilespmem:s22+$0x10B0]  }
0x2d2: {  	v33 =	vadd.f32 v36, v33  }
0x2d3: {  	v61 =	vld [tilespmem:s23+$0x10B0];
	v31 =	vadd.f32 v35, v31;
	v19 =	vadd.f32 v19, v32  }
0x2d4: {  	v62 =	vsub.f32 v33, v34;
	v20 =	vadd.f32 v20, v29  }
0x2d5: {  	v29 =	vadd.f32 v37, v24;
	v27 =	vadd.f32 v38, v27  }
0x2d6: {  	v17 =	vld.idx.msk [tilespmem:v17+s13+$0x0 ss:$0x1], $0xffff;
	v25 =	vadd.f32 v63, v25;
	v26 =	vsub.f32 v31, v26  }
0x2d7: {  	v18 =	vld.idx.msk [tilespmem:v18+s13+$0x0 ss:$0x1], $0xffff;
	v19 =	vsub.f32 v19, v23;
	v20 =	vsub.f32 v20, v21  }
0x2d8: {  	v31 =	vadd.f32 v61, v30;
	v23 =	vsub.f32 v29, v28  }
0x2d9: {  	v34 =	vand.u32 $0x7FFFFFFF, v62;
	v19 =	vand.u32 $0x7FFFFFFF, v19;
	v20 =	vand.u32 $0x7FFFFFFF, v20  }
0x2da: {  	v35 =	vsub.f32 v27, v22;
	v23 =	vand.u32 $0x7FFFFFFF, v23;
	v19 =	vadd.f32 v20, v19  }
0x2db: {  	v17 =	vsub.f32 v25, v17;
	v37 =	vand.u32 $0x7FFFFFFF, v26;
	v36 =	vadd.f32 v34, v23  }
0x2dc: {  	v18 =	vsub.f32 v31, v18;
	v20 =	vand.u32 $0x7FFFFFFF, v35;
	v19 =	vadd.f32 v37, v19  }
0x2dd: {  	v17 =	vand.u32 $0x7FFFFFFF, v17;
	v20 =	vadd.f32 v20, v36  }
0x2de: {  	v18 =	vand.u32 $0x7FFFFFFF, v18;
	v17 =	vadd.f32 v17, v19  }
0x2df: {  	v18 =	vadd.f32 v18, v20  }
0x2e0: {  	[tilespmem:s7+$0x0] =	vst v17  }
0x2e1: {  	[tilespmem:s8+$0x0] =	vst v18  }
0x2e2: {  	v17 =	vld.idx.msk [tilespmem:v0+s17+$0x0], $0xffff  }
0x2e3: {  	v18 =	vld.idx.msk [tilespmem:v0+s18+$0x0], $0xffff  }
0x2e4: {  	v19 =	vld.idx.msk [tilespmem:v1+s17+$0x0], $0xffff  }
0x2e5: {  	v38 =	vld.idx.msk [tilespmem:v1+s18+$0x0], $0xffff  }
0x2e6: {  	v39 =	vld.idx.msk [tilespmem:v2+s17+$0x0], $0xffff  }
0x2e7: {  	v40 =	vld.idx.msk [tilespmem:v2+s18+$0x0], $0xffff  }
0x2e8: {  	v41 =	vld.idx.msk [tilespmem:v3+s17+$0x0], $0xffff;
	v17 =	vadd.f32 $0.0e+00, v17;
	v18 =	vadd.f32 $0.0e+00, v18  }
0x2e9: {  	v42 =	vld.idx.msk [tilespmem:v3+s18+$0x0], $0xffff  }
0x2ea: {  	v43 =	vld.idx.msk [tilespmem:v4+s18+$0x0], $0xffff;
	v17 =	vadd.f32 v19, v17;
	v18 =	vadd.f32 v38, v18  }
0x2eb: {  	v19 =	vld.idx.msk [tilespmem:v4+s17+$0x0], $0xffff  }
0x2ec: {  	v44 =	vld.idx.msk [tilespmem:v5+s17+$0x0], $0xffff;
	v17 =	vadd.f32 v39, v17;
	v18 =	vadd.f32 v40, v18  }
0x2ed: {  	v45 =	vld.idx.msk [tilespmem:v5+s18+$0x0], $0xffff  }
0x2ee: {  	v46 =	vld.idx.msk [tilespmem:v6+s17+$0x0], $0xffff;
	v17 =	vadd.f32 v41, v17;
	v18 =	vadd.f32 v42, v18  }
0x2ef: {  	v47 =	vld.idx.msk [tilespmem:v6+s18+$0x0], $0xffff  }
0x2f0: {  	v48 =	vld.idx.msk [tilespmem:v7+s18+$0x0], $0xffff;
	v17 =	vadd.f32 v19, v17;
	v18 =	vadd.f32 v43, v18  }
0x2f1: {  	v19 =	vld.idx.msk [tilespmem:v7+s17+$0x0], $0xffff  }
0x2f2: {  	v49 =	vld.idx.msk [tilespmem:v8+s17+$0x0], $0xffff;
	v17 =	vadd.f32 v44, v17;
	v18 =	vadd.f32 v45, v18  }
0x2f3: {  	v50 =	vld.idx.msk [tilespmem:v8+s18+$0x0], $0xffff  }
0x2f4: {  	v51 =	vld.idx.msk [tilespmem:v9+s17+$0x0], $0xffff;
	v17 =	vadd.f32 v46, v17;
	v18 =	vadd.f32 v47, v18  }
0x2f5: {  	v52 =	vld.idx.msk [tilespmem:v9+s18+$0x0], $0xffff  }
0x2f6: {  	v53 =	vld.idx.msk [tilespmem:v10+s18+$0x0], $0xffff;
	v17 =	vadd.f32 v19, v17;
	v18 =	vadd.f32 v48, v18  }
0x2f7: {  	v19 =	vld.idx.msk [tilespmem:v10+s17+$0x0], $0xffff  }
0x2f8: {  	v54 =	vld.idx.msk [tilespmem:v11+s17+$0x0], $0xffff;
	v17 =	vadd.f32 v49, v17;
	v18 =	vadd.f32 v50, v18  }
0x2f9: {  	v55 =	vld.idx.msk [tilespmem:v11+s18+$0x0], $0xffff  }
0x2fa: {  	v56 =	vld.idx.msk [tilespmem:v12+s17+$0x0], $0xffff;
	v17 =	vadd.f32 v51, v17;
	v18 =	vadd.f32 v52, v18  }
0x2fb: {  	v57 =	vld.idx.msk [tilespmem:v12+s18+$0x0], $0xffff  }
0x2fc: {  	v58 =	vld.idx.msk [tilespmem:v13+s18+$0x0], $0xffff;
	v17 =	vadd.f32 v19, v17;
	v18 =	vadd.f32 v53, v18  }
0x2fd: {  	v19 =	vld.idx.msk [tilespmem:v13+s17+$0x0], $0xffff  }
0x2fe: {  	v59 =	vld.idx.msk [tilespmem:v14+s17+$0x0], $0xffff;
	v17 =	vadd.f32 v54, v17;
	v18 =	vadd.f32 v55, v18  }
0x2ff: {  	v60 =	vld.idx.msk [tilespmem:v14+s18+$0x0], $0xffff  }
0x300: {  	v61 =	vld.idx.msk [tilespmem:v15+s17+$0x0], $0xffff;
	v17 =	vadd.f32 v56, v17;
	v18 =	vadd.f32 v57, v18  }
0x301: {  	v62 =	vld.idx.msk [tilespmem:v15+s18+$0x0], $0xffff  }
0x302: {  	v63 =	vld [tilespmem:s6+$0xF80];
	v17 =	vadd.f32 v19, v17;
	v18 =	vadd.f32 v58, v18  }
0x303: {  	v19 =	vld [tilespmem:s6+$0xD80]  }
0x304: {  	v17 =	vadd.f32 v59, v17;
	v18 =	vadd.f32 v60, v18;
	_ =	sdelay $0x1  }
0x305: {  	v17 =	vadd.f32 v61, v17;
	v18 =	vadd.f32 v62, v18;
	_ =	sdelay $0x1  }
0x306: {  	v17 =	vmul.f32 v19, v17;
	v18 =	vmul.f32 v63, v18  }
0x307: {  	s1 =	sadd.s32 $0x1, s1  }
0x308: {  	p0 =	sne.s32 s1, $0x4;
	v17 =	vsub.f32 v17, v18  }
.Ltmp9:
0x309: {  	_ = 	snop;
	(pc) =	sbr.rel @p0 .LBB2_18-.Ltmp9, $3  }
0x30a: {  	v17 =	vadd.f32 $1.000000000e+00, v17;
	_ =	sdelay $0x1  }
0x30b: {  	s14 =	sadd.s32 $0x20, s14;
	s15 =	sadd.s32 $0x800, s15;
	v17 =	vmax.f32 v17, $0.0e+00  }
0x30c: {  	s4 =	sadd.s32 $0x800, s4;
	s5 =	sadd.s32 $0x800, s5;
	s16 =	sadd.s32 $0x800, s16;
	v16 =	vadd.f32 v17, v16  }
0x30d: {  	s1 =	simm.s32 $0x1280;
	s4 =	simm.s32 $0x180  }
0x30e: {  	[tilespmem:s1], [sflag:$0x1] =	stream.indirect.gather [hbm4b:s3+s21], $0x80, s4, s21, $0xb8;
	[tilespmem:$0x11600] =	vst v63  }
0x30f: {  	s16 =	simm.s32 $0x3280;
	s22 =	simm.s32 $0x380  }
0x310: {  	[tilespmem:s16], [sflag:$0x1] =	stream.indirect.gather [hbm4b:s3+s21], $0x80, s22, s21, $0xb8;
	[tilespmem:$0x11600] =	vst v63  }
0x311: {  	s23 =	simm.s32 $0x580  }
0x312: {  	[tilespmem:s24], [sflag:$0x1] =	stream.indirect.gather [hbm4b:s3+s21], $0x80, s23, s21, $0xb8;
	[tilespmem:$0x11600] =	vst v63  }
0x313: {  	s28 =	simm.s32 $0x780  }
0x314: {  	[tilespmem:s25], [sflag:$0x1] =	stream.indirect.gather [hbm4b:s3+s21], $0x80, s28, s21, $0xb8;
	[tilespmem:$0x11600] =	vst v63  }
0x315: {  	_ =	swait.ge [sflag:s19], $0x2000  }
0x316: {  	[sflag:s19] =	ssyncset.done $0x0  }
0x317: {  	[sflag:s19] =	ssyncadd.s32 $0xFFFFE000  }
0x318: {  	_ =	swait.ge [sflag:s19], $0x2000  }
0x319: {  	[sflag:s19] =	ssyncset.done $0x0  }
0x31a: {  	[sflag:s19] =	ssyncadd.s32 $0xFFFFE000  }
0x31b: {  	_ =	swait.ge [sflag:s19], $0x2000  }
0x31c: {  	[sflag:s19] =	ssyncset.done $0x0  }
0x31d: {  	[sflag:s19] =	ssyncadd.s32 $0xFFFFE000  }
0x31e: {  	s14 =	simm.s32 $0xA80;
	s15 =	simm.s32 $0xB2A0;
	_ =	swait.ge [sflag:s19], $0x2000  }
0x31f: {  	s5 =	simm.s32 $0x92A0;
	s1 =	simm.s32 $0x0;
	[sflag:s19] =	ssyncset.done $0x0  }
0x320: {  	s4 =	simm.s32 $0xF2B0;
	s16 =	simm.s32 $0xD2B0;
	[sflag:s19] =	ssyncadd.s32 $0xFFFFE000  }
.LBB2_22:
0x321: {  	v18 =	vld [tilespmem:s14+$0x0];
	_ =	sdelay $0x1  }
0x322: {  	v17 =	vmov s15;
	_ =	sdelay $0x1  }
0x323: {  	v19 =	vmov s16  }
0x324: {  	(v2sf) =	vpush v18, $0x1  }
0x325: {  	s12 =	simm.s32 $0x0;
	(v2sf) =	vpush v18, $0x0  }
0x326: {  	v20 =	vmov s5;
	v21 =	vld.idx.msk [tilespmem:v17+s12+$0xFFFFFFF0 ss:$0x1], $0xffff  }
0x327: {  	v23 =	vld.idx.msk [tilespmem:v17+s12+$0xFFFFFFE0 ss:$0x1], $0xffff  }
0x328: {  	v24 =	vld.idx.msk [tilespmem:v19+s12+$0xFFFFFFD0 ss:$0x1], $0xffff  }
0x329: {  	v26 =	vld.idx.msk [tilespmem:v17+s12+$0x0 ss:$0x1], $0xffff  }
0x32a: {  	v33 =	vld.idx.msk [tilespmem:v19+s12+$0xFFFFFFE0 ss:$0x1], $0xffff  }
0x32b: {  	v31 =	vld.idx.msk [tilespmem:v20+s12+$0x0 ss:$0x1], $0xffff  }
0x32c: {  	v32 =	vld.idx.msk [tilespmem:v20+s12+$0xFFFFFFE0 ss:$0x1], $0xffff;
	v18 =	vmov s4  }
0x32d: {  	v29 =	vld.idx.msk [tilespmem:v20+s12+$0xFFFFFFF0 ss:$0x1], $0xffff  }
0x32e: {  	v25 =	vld.idx.msk [tilespmem:v20+s12+$0x10 ss:$0x1], $0xffff  }
0x32f: {  	v27 =	vld.idx.msk [tilespmem:v19+s12+$0xFFFFFFF0 ss:$0x1], $0xffff  }
0x330: {  	v30 =	vld.idx.msk [tilespmem:v19+s12+$0x0 ss:$0x1], $0xffff  }
0x331: {  	v22 =	vld.idx.msk [tilespmem:v18+s12+$0xFFFFFFF0 ss:$0x1], $0xffff  }
0x332: {  	s6 =	sshll.u32 s1, $0x4;
	v28 =	vld.idx.msk [tilespmem:v18+s12+$0xFFFFFFD0 ss:$0x1], $0xffff  }
0x333: {  	s9 =	simm.s32 $0x11280;
	s10 =	simm.s32 $0x11400;
	v34 =	vld.idx.msk [tilespmem:v18+s12+$0xFFFFFFE0 ss:$0x1], $0xffff;
	s23 =	spop (v2sf)  }
0x334: {  	s11 =	simm.s32 $0x200;
	s13 =	smov.u32 s14;
	v36 =	vld [tilespmem:s23+$0x1090];
	s22 =	spop (v2sf)  }
0x335: {  	s7 =	simm.s32 $0x11280;
	s8 =	simm.s32 $0x11400;
	s6 =	sor.u32 $0x140, s6;
	v35 =	vld [tilespmem:s22+$0x10A0]  }
.LBB2_23:
0x336: {  	v37 =	vld [tilespmem:s22+$0x1080];
	s9 =	sadd.s32 $0x11, s9;
	s10 =	sadd.s32 $0x11, s10;
	s13 =	sadd.s32 $0x2, s13  }
0x337: {  	p0 =	sne.s32 s11, $0x1E00;
	s28 =	smov.u32 s11;
	s11 =	sadd.s32 $0x200, s11;
	v38 =	vld [tilespmem:s22+$0x1090]  }
0x338: {  	v39 =	vld [tilespmem:s23+$0x1080]  }
0x339: {  	v33 =	vadd.f32 v36, v33;
	v36 =	vld [tilespmem:s23+$0x10B0]  }
0x33a: {  	v40 =	vld [tilespmem:s23+$0x10A0];
	v31 =	vadd.f32 v35, v31  }
0x33b: {  	v32 =	vadd.f32 v37, v32;
	v33 =	vsub.f32 v33, v34;
	v34 =	vld [tilespmem:s22+$0x10B0]  }
0x33c: {  	v29 =	vadd.f32 v38, v29;
	v26 =	vsub.f32 v31, v26;
	v31 =	vld.idx.msk [tilespmem:v17+s12+$0x10 ss:$0x1], $0xffff  }
0x33d: {  	v23 =	vsub.f32 v32, v23;
	v24 =	vadd.f32 v39, v24;
	v32 =	vld.idx.msk [tilespmem:v18+s12+$0x0 ss:$0x1], $0xffff  }
0x33e: {  	v21 =	vsub.f32 v29, v21;
	v29 =	vadd.f32 v36, v30  }
0x33f: {  	v24 =	vsub.f32 v24, v28;
	v28 =	vand.u32 $0x7FFFFFFF, v33;
	v27 =	vadd.f32 v40, v27  }
0x340: {  	v23 =	vand.u32 $0x7FFFFFFF, v23;
	v21 =	vand.u32 $0x7FFFFFFF, v21;
	v25 =	vadd.f32 v34, v25  }
0x341: {  	v24 =	vand.u32 $0x7FFFFFFF, v24;
	v21 =	vadd.f32 v21, v23;
	v22 =	vsub.f32 v27, v22  }
0x342: {  	v23 =	vadd.f32 v28, v24;
	v24 =	vand.u32 $0x7FFFFFFF, v26;
	v25 =	vsub.f32 v25, v31  }
0x343: {  	v21 =	vadd.f32 v24, v21;
	v22 =	vand.u32 $0x7FFFFFFF, v22;
	v24 =	vsub.f32 v29, v32  }
0x344: {  	v22 =	vadd.f32 v22, v23;
	v23 =	vand.u32 $0x7FFFFFFF, v25  }
0x345: {  	v21 =	vadd.f32 v23, v21;
	v23 =	vand.u32 $0x7FFFFFFF, v24  }
0x346: {  	v22 =	vadd.f32 v23, v22  }
0x347: {  	[tilespmem:s7+$0x0] =	vst v21;
	s7 =	smov.u32 s9  }
0x348: {  	[tilespmem:s8+$0x0] =	vst v22;
	s8 =	smov.u32 s10  }
0x349: {  	v22 =	vld [tilespmem:s13+$0x0];
	_ =	sdelay $0x2  }
0x34a: {  	s12 =	sshra.s32 s28, $0x2  }
0x34b: {  	v21 =	vld.idx.msk [tilespmem:v17+s12+$0xFFFFFFF0 ss:$0x1], $0xffff  }
0x34c: {  	v23 =	vld.idx.msk [tilespmem:v17+s12+$0xFFFFFFE0 ss:$0x1], $0xffff;
	(v2sf) =	vpush v22, $0x1  }
0x34d: {  	v24 =	vld.idx.msk [tilespmem:v19+s12+$0xFFFFFFD0 ss:$0x1], $0xffff;
	(v2sf) =	vpush v22, $0x0  }
0x34e: {  	v26 =	vld.idx.msk [tilespmem:v17+s12+$0x0 ss:$0x1], $0xffff  }
0x34f: {  	v33 =	vld.idx.msk [tilespmem:v19+s12+$0xFFFFFFE0 ss:$0x1], $0xffff  }
0x350: {  	v31 =	vld.idx.msk [tilespmem:v20+s12+$0x0 ss:$0x1], $0xffff  }
0x351: {  	v32 =	vld.idx.msk [tilespmem:v20+s12+$0xFFFFFFE0 ss:$0x1], $0xffff  }
0x352: {  	v29 =	vld.idx.msk [tilespmem:v20+s12+$0xFFFFFFF0 ss:$0x1], $0xffff;
	_ =	sdelay $0x3  }
0x353: {  	v22 =	vld.idx.msk [tilespmem:v18+s12+$0xFFFFFFF0 ss:$0x1], $0xffff  }
0x354: {  	v25 =	vld.idx.msk [tilespmem:v20+s12+$0x10 ss:$0x1], $0xffff  }
0x355: {  	v27 =	vld.idx.msk [tilespmem:v19+s12+$0xFFFFFFF0 ss:$0x1], $0xffff  }
.Ltmp10:
0x356: {  	v28 =	vld.idx.msk [tilespmem:v18+s12+$0xFFFFFFD0 ss:$0x1], $0xffff;
	(pc) =	sbr.rel @p0 .LBB2_23-.Ltmp10, $4  }
0x357: {  	v30 =	vld.idx.msk [tilespmem:v19+s12+$0x0 ss:$0x1], $0xffff  }
0x358: {  	v34 =	vld.idx.msk [tilespmem:v18+s12+$0xFFFFFFE0 ss:$0x1], $0xffff;
	s23 =	spop (v2sf)  }
0x359: {  	v36 =	vld [tilespmem:s23+$0x1090];
	s22 =	spop (v2sf)  }
0x35a: {  	v35 =	vld [tilespmem:s22+$0x10A0]  }
0x35b: {  	v19 =	vld [tilespmem:s22+$0x1080]  }
0x35c: {  	v20 =	vld [tilespmem:s22+$0x1090]  }
0x35d: {  	v37 =	vld [tilespmem:s23+$0x1080]  }
0x35e: {  	v38 =	vld [tilespmem:s23+$0x10A0]  }
0x35f: {  	v63 =	vld [tilespmem:s22+$0x10B0]  }
0x360: {  	v33 =	vadd.f32 v36, v33  }
0x361: {  	v61 =	vld [tilespmem:s23+$0x10B0];
	v31 =	vadd.f32 v35, v31;
	v19 =	vadd.f32 v19, v32  }
0x362: {  	v62 =	vsub.f32 v33, v34;
	v20 =	vadd.f32 v20, v29  }
0x363: {  	v29 =	vadd.f32 v37, v24;
	v27 =	vadd.f32 v38, v27  }
0x364: {  	v17 =	vld.idx.msk [tilespmem:v17+s12+$0x10 ss:$0x1], $0xffff;
	v25 =	vadd.f32 v63, v25;
	v26 =	vsub.f32 v31, v26  }
0x365: {  	v18 =	vld.idx.msk [tilespmem:v18+s12+$0x0 ss:$0x1], $0xffff;
	v19 =	vsub.f32 v19, v23;
	v20 =	vsub.f32 v20, v21  }
0x366: {  	v31 =	vadd.f32 v61, v30;
	v23 =	vsub.f32 v29, v28  }
0x367: {  	v34 =	vand.u32 $0x7FFFFFFF, v62;
	v19 =	vand.u32 $0x7FFFFFFF, v19;
	v20 =	vand.u32 $0x7FFFFFFF, v20  }
0x368: {  	v35 =	vsub.f32 v27, v22;
	v23 =	vand.u32 $0x7FFFFFFF, v23;
	v19 =	vadd.f32 v20, v19  }
0x369: {  	v17 =	vsub.f32 v25, v17;
	v37 =	vand.u32 $0x7FFFFFFF, v26;
	v36 =	vadd.f32 v34, v23  }
0x36a: {  	v18 =	vsub.f32 v31, v18;
	v20 =	vand.u32 $0x7FFFFFFF, v35;
	v19 =	vadd.f32 v37, v19  }
0x36b: {  	v17 =	vand.u32 $0x7FFFFFFF, v17;
	v20 =	vadd.f32 v20, v36  }
0x36c: {  	v18 =	vand.u32 $0x7FFFFFFF, v18;
	v17 =	vadd.f32 v17, v19  }
0x36d: {  	v18 =	vadd.f32 v18, v20  }
0x36e: {  	[tilespmem:s7+$0x0] =	vst v17  }
0x36f: {  	[tilespmem:s8+$0x0] =	vst v18  }
0x370: {  	v17 =	vld.idx.msk [tilespmem:v0+s17+$0x0], $0xffff  }
0x371: {  	v18 =	vld.idx.msk [tilespmem:v0+s18+$0x0], $0xffff  }
0x372: {  	v19 =	vld.idx.msk [tilespmem:v1+s17+$0x0], $0xffff  }
0x373: {  	v38 =	vld.idx.msk [tilespmem:v1+s18+$0x0], $0xffff  }
0x374: {  	v39 =	vld.idx.msk [tilespmem:v2+s17+$0x0], $0xffff  }
0x375: {  	v40 =	vld.idx.msk [tilespmem:v2+s18+$0x0], $0xffff  }
0x376: {  	v41 =	vld.idx.msk [tilespmem:v3+s17+$0x0], $0xffff;
	v17 =	vadd.f32 $0.0e+00, v17;
	v18 =	vadd.f32 $0.0e+00, v18  }
0x377: {  	v42 =	vld.idx.msk [tilespmem:v3+s18+$0x0], $0xffff  }
0x378: {  	v43 =	vld.idx.msk [tilespmem:v4+s18+$0x0], $0xffff;
	v17 =	vadd.f32 v19, v17;
	v18 =	vadd.f32 v38, v18  }
0x379: {  	v19 =	vld.idx.msk [tilespmem:v4+s17+$0x0], $0xffff  }
0x37a: {  	v44 =	vld.idx.msk [tilespmem:v5+s17+$0x0], $0xffff;
	v17 =	vadd.f32 v39, v17;
	v18 =	vadd.f32 v40, v18  }
0x37b: {  	v45 =	vld.idx.msk [tilespmem:v5+s18+$0x0], $0xffff  }
0x37c: {  	v46 =	vld.idx.msk [tilespmem:v6+s17+$0x0], $0xffff;
	v17 =	vadd.f32 v41, v17;
	v18 =	vadd.f32 v42, v18  }
0x37d: {  	v47 =	vld.idx.msk [tilespmem:v6+s18+$0x0], $0xffff  }
0x37e: {  	v48 =	vld.idx.msk [tilespmem:v7+s18+$0x0], $0xffff;
	v17 =	vadd.f32 v19, v17;
	v18 =	vadd.f32 v43, v18  }
0x37f: {  	v19 =	vld.idx.msk [tilespmem:v7+s17+$0x0], $0xffff  }
0x380: {  	v49 =	vld.idx.msk [tilespmem:v8+s17+$0x0], $0xffff;
	v17 =	vadd.f32 v44, v17;
	v18 =	vadd.f32 v45, v18  }
0x381: {  	v50 =	vld.idx.msk [tilespmem:v8+s18+$0x0], $0xffff  }
0x382: {  	v51 =	vld.idx.msk [tilespmem:v9+s17+$0x0], $0xffff;
	v17 =	vadd.f32 v46, v17;
	v18 =	vadd.f32 v47, v18  }
0x383: {  	v52 =	vld.idx.msk [tilespmem:v9+s18+$0x0], $0xffff  }
0x384: {  	v53 =	vld.idx.msk [tilespmem:v10+s18+$0x0], $0xffff;
	v17 =	vadd.f32 v19, v17;
	v18 =	vadd.f32 v48, v18  }
0x385: {  	v19 =	vld.idx.msk [tilespmem:v10+s17+$0x0], $0xffff  }
0x386: {  	v54 =	vld.idx.msk [tilespmem:v11+s17+$0x0], $0xffff;
	v17 =	vadd.f32 v49, v17;
	v18 =	vadd.f32 v50, v18  }
0x387: {  	v55 =	vld.idx.msk [tilespmem:v11+s18+$0x0], $0xffff  }
0x388: {  	v56 =	vld.idx.msk [tilespmem:v12+s17+$0x0], $0xffff;
	v17 =	vadd.f32 v51, v17;
	v18 =	vadd.f32 v52, v18  }
0x389: {  	v57 =	vld.idx.msk [tilespmem:v12+s18+$0x0], $0xffff  }
0x38a: {  	v58 =	vld.idx.msk [tilespmem:v13+s18+$0x0], $0xffff;
	v17 =	vadd.f32 v19, v17;
	v18 =	vadd.f32 v53, v18  }
0x38b: {  	v19 =	vld.idx.msk [tilespmem:v13+s17+$0x0], $0xffff  }
0x38c: {  	v59 =	vld.idx.msk [tilespmem:v14+s17+$0x0], $0xffff;
	v17 =	vadd.f32 v54, v17;
	v18 =	vadd.f32 v55, v18  }
0x38d: {  	v60 =	vld.idx.msk [tilespmem:v14+s18+$0x0], $0xffff  }
0x38e: {  	v61 =	vld.idx.msk [tilespmem:v15+s17+$0x0], $0xffff;
	v17 =	vadd.f32 v56, v17;
	v18 =	vadd.f32 v57, v18  }
0x38f: {  	v62 =	vld.idx.msk [tilespmem:v15+s18+$0x0], $0xffff  }
0x390: {  	v63 =	vld [tilespmem:s6+$0xE80];
	v17 =	vadd.f32 v19, v17;
	v18 =	vadd.f32 v58, v18  }
0x391: {  	v19 =	vld [tilespmem:s6+$0xC80]  }
0x392: {  	v17 =	vadd.f32 v59, v17;
	v18 =	vadd.f32 v60, v18;
	_ =	sdelay $0x1  }
0x393: {  	v17 =	vadd.f32 v61, v17;
	v18 =	vadd.f32 v62, v18;
	_ =	sdelay $0x1  }
0x394: {  	v17 =	vmul.f32 v19, v17;
	v18 =	vmul.f32 v63, v18  }
0x395: {  	s1 =	sadd.s32 $0x1, s1  }
0x396: {  	p0 =	sne.s32 s1, $0x4;
	v17 =	vsub.f32 v17, v18  }
.Ltmp11:
0x397: {  	_ = 	snop;
	(pc) =	sbr.rel @p0 .LBB2_22-.Ltmp11, $3  }
0x398: {  	v17 =	vadd.f32 $1.000000000e+00, v17;
	_ =	sdelay $0x1  }
0x399: {  	s14 =	sadd.s32 $0x20, s14;
	s15 =	sadd.s32 $0x800, s15;
	v17 =	vmax.f32 v17, $0.0e+00  }
0x39a: {  	s16 =	sadd.s32 $0x800, s16;
	s4 =	sadd.s32 $0x800, s4;
	s5 =	sadd.s32 $0x800, s5;
	v16 =	vadd.f32 v17, v16  }
0x39b: {  	s1 =	simm.s32 $0x1C0  }
0x39c: {  	[tilespmem:s26], [sflag:$0x2] =	stream.indirect.gather [hbm4b:s3+s21], $0x80, s1, s21, $0xb8;
	[tilespmem:$0x11600] =	vst v63  }
0x39d: {  	s22 =	simm.s32 $0x3C0  }
0x39e: {  	[tilespmem:s29], [sflag:$0x2] =	stream.indirect.gather [hbm4b:s3+s21], $0x80, s22, s21, $0xb8;
	[tilespmem:$0x11600] =	vst v63  }
0x39f: {  	s23 =	simm.s32 $0x5C0  }
0x3a0: {  	[tilespmem:s31], [sflag:$0x2] =	stream.indirect.gather [hbm4b:s3+s21], $0x80, s23, s21, $0xb8;
	[tilespmem:$0x11600] =	vst v63  }
0x3a1: {  	s28 =	simm.s32 $0x7C0  }
0x3a2: {  	[tilespmem:s0], [sflag:$0x2] =	stream.indirect.gather [hbm4b:s3+s21], $0x80, s28, s21, $0xb8;
	[tilespmem:$0x11600] =	vst v63  }
0x3a3: {  	_ =	swait.ge [sflag:s20], $0x2000  }
0x3a4: {  	[sflag:s20] =	ssyncset.done $0x0  }
0x3a5: {  	[sflag:s20] =	ssyncadd.s32 $0xFFFFE000  }
0x3a6: {  	_ =	swait.ge [sflag:s20], $0x2000  }
0x3a7: {  	[sflag:s20] =	ssyncset.done $0x0  }
0x3a8: {  	[sflag:s20] =	ssyncadd.s32 $0xFFFFE000  }
0x3a9: {  	_ =	swait.ge [sflag:s20], $0x2000  }
0x3aa: {  	[sflag:s20] =	ssyncset.done $0x0  }
0x3ab: {  	[sflag:s20] =	ssyncadd.s32 $0xFFFFE000  }
0x3ac: {  	s14 =	simm.s32 $0xB00;
	s15 =	simm.s32 $0x12A0;
	_ =	swait.ge [sflag:s20], $0x2000  }
0x3ad: {  	s4 =	simm.s32 $0x32B0;
	s5 =	simm.s32 $0x52B0;
	[sflag:s20] =	ssyncset.done $0x0  }
0x3ae: {  	s16 =	simm.s32 $0x72B0;
	s1 =	simm.s32 $0x0;
	[sflag:s20] =	ssyncadd.s32 $0xFFFFE000  }
.LBB2_26:
0x3af: {  	v18 =	vld [tilespmem:s14+$0x0];
	_ =	sdelay $0x1  }
0x3b0: {  	v17 =	vmov s4;
	_ =	sdelay $0x1  }
0x3b1: {  	v19 =	vmov s5  }
0x3b2: {  	(v2sf) =	vpush v18, $0x1  }
0x3b3: {  	s13 =	simm.s32 $0x0;
	(v2sf) =	vpush v18, $0x0  }
0x3b4: {  	v20 =	vmov s15;
	v21 =	vld.idx.msk [tilespmem:v17+s13+$0xFFFFFFE0 ss:$0x1], $0xffff  }
0x3b5: {  	v23 =	vld.idx.msk [tilespmem:v17+s13+$0xFFFFFFD0 ss:$0x1], $0xffff  }
0x3b6: {  	v24 =	vld.idx.msk [tilespmem:v19+s13+$0xFFFFFFD0 ss:$0x1], $0xffff  }
0x3b7: {  	v26 =	vld.idx.msk [tilespmem:v17+s13+$0xFFFFFFF0 ss:$0x1], $0xffff  }
0x3b8: {  	v33 =	vld.idx.msk [tilespmem:v19+s13+$0xFFFFFFE0 ss:$0x1], $0xffff  }
0x3b9: {  	v31 =	vld.idx.msk [tilespmem:v20+s13+$0x0 ss:$0x1], $0xffff  }
0x3ba: {  	v32 =	vld.idx.msk [tilespmem:v20+s13+$0xFFFFFFE0 ss:$0x1], $0xffff;
	v18 =	vmov s16  }
0x3bb: {  	v29 =	vld.idx.msk [tilespmem:v20+s13+$0xFFFFFFF0 ss:$0x1], $0xffff  }
0x3bc: {  	v25 =	vld.idx.msk [tilespmem:v20+s13+$0x10 ss:$0x1], $0xffff  }
0x3bd: {  	v27 =	vld.idx.msk [tilespmem:v19+s13+$0xFFFFFFF0 ss:$0x1], $0xffff  }
0x3be: {  	v30 =	vld.idx.msk [tilespmem:v19+s13+$0x0 ss:$0x1], $0xffff  }
0x3bf: {  	v22 =	vld.idx.msk [tilespmem:v18+s13+$0xFFFFFFF0 ss:$0x1], $0xffff  }
0x3c0: {  	v28 =	vld.idx.msk [tilespmem:v18+s13+$0xFFFFFFD0 ss:$0x1], $0xffff  }
0x3c1: {  	s6 =	sshll.u32 s1, $0x4;
	s9 =	simm.s32 $0x11280;
	v34 =	vld.idx.msk [tilespmem:v18+s13+$0xFFFFFFE0 ss:$0x1], $0xffff;
	s23 =	spop (v2sf)  }
0x3c2: {  	s10 =	simm.s32 $0x11400;
	s11 =	simm.s32 $0x200;
	v36 =	vld [tilespmem:s23+$0x1090];
	s22 =	spop (v2sf)  }
0x3c3: {  	s12 =	smov.u32 s14;
	s7 =	simm.s32 $0x11280;
	s8 =	simm.s32 $0x11400;
	v35 =	vld [tilespmem:s22+$0x10A0]  }
.LBB2_27:
0x3c4: {  	v37 =	vld [tilespmem:s22+$0x1080];
	s9 =	sadd.s32 $0x11, s9;
	s10 =	sadd.s32 $0x11, s10;
	s12 =	sadd.s32 $0x2, s12  }
0x3c5: {  	p0 =	sne.s32 s11, $0x1E00;
	s28 =	smov.u32 s11;
	s11 =	sadd.s32 $0x200, s11;
	v38 =	vld [tilespmem:s22+$0x1090]  }
0x3c6: {  	v39 =	vld [tilespmem:s23+$0x1080]  }
0x3c7: {  	v33 =	vadd.f32 v36, v33;
	v36 =	vld [tilespmem:s23+$0x10B0]  }
0x3c8: {  	v40 =	vld [tilespmem:s23+$0x10A0];
	v31 =	vadd.f32 v35, v31  }
0x3c9: {  	v32 =	vadd.f32 v37, v32;
	v33 =	vsub.f32 v33, v34;
	v34 =	vld [tilespmem:s22+$0x10B0]  }
0x3ca: {  	v29 =	vadd.f32 v38, v29;
	v26 =	vsub.f32 v31, v26;
	v31 =	vld.idx.msk [tilespmem:v17+s13+$0x0 ss:$0x1], $0xffff  }
0x3cb: {  	v23 =	vsub.f32 v32, v23;
	v24 =	vadd.f32 v39, v24;
	v32 =	vld.idx.msk [tilespmem:v18+s13+$0x0 ss:$0x1], $0xffff  }
0x3cc: {  	v21 =	vsub.f32 v29, v21;
	v29 =	vadd.f32 v36, v30  }
0x3cd: {  	v24 =	vsub.f32 v24, v28;
	v28 =	vand.u32 $0x7FFFFFFF, v33;
	v27 =	vadd.f32 v40, v27  }
0x3ce: {  	v23 =	vand.u32 $0x7FFFFFFF, v23;
	v21 =	vand.u32 $0x7FFFFFFF, v21;
	v25 =	vadd.f32 v34, v25  }
0x3cf: {  	v24 =	vand.u32 $0x7FFFFFFF, v24;
	v21 =	vadd.f32 v21, v23;
	v22 =	vsub.f32 v27, v22  }
0x3d0: {  	v23 =	vadd.f32 v28, v24;
	v24 =	vand.u32 $0x7FFFFFFF, v26;
	v25 =	vsub.f32 v25, v31  }
0x3d1: {  	v21 =	vadd.f32 v24, v21;
	v22 =	vand.u32 $0x7FFFFFFF, v22;
	v24 =	vsub.f32 v29, v32  }
0x3d2: {  	v22 =	vadd.f32 v22, v23;
	v23 =	vand.u32 $0x7FFFFFFF, v25  }
0x3d3: {  	v21 =	vadd.f32 v23, v21;
	v23 =	vand.u32 $0x7FFFFFFF, v24  }
0x3d4: {  	v22 =	vadd.f32 v23, v22  }
0x3d5: {  	[tilespmem:s7+$0x0] =	vst v21;
	s7 =	smov.u32 s9  }
0x3d6: {  	[tilespmem:s8+$0x0] =	vst v22;
	s8 =	smov.u32 s10  }
0x3d7: {  	v22 =	vld [tilespmem:s12+$0x0];
	_ =	sdelay $0x2  }
0x3d8: {  	s13 =	sshra.s32 s28, $0x2  }
0x3d9: {  	v21 =	vld.idx.msk [tilespmem:v17+s13+$0xFFFFFFE0 ss:$0x1], $0xffff  }
0x3da: {  	v23 =	vld.idx.msk [tilespmem:v17+s13+$0xFFFFFFD0 ss:$0x1], $0xffff;
	(v2sf) =	vpush v22, $0x1  }
0x3db: {  	v24 =	vld.idx.msk [tilespmem:v19+s13+$0xFFFFFFD0 ss:$0x1], $0xffff;
	(v2sf) =	vpush v22, $0x0  }
0x3dc: {  	v26 =	vld.idx.msk [tilespmem:v17+s13+$0xFFFFFFF0 ss:$0x1], $0xffff  }
0x3dd: {  	v33 =	vld.idx.msk [tilespmem:v19+s13+$0xFFFFFFE0 ss:$0x1], $0xffff  }
0x3de: {  	v31 =	vld.idx.msk [tilespmem:v20+s13+$0x0 ss:$0x1], $0xffff  }
0x3df: {  	v32 =	vld.idx.msk [tilespmem:v20+s13+$0xFFFFFFE0 ss:$0x1], $0xffff  }
0x3e0: {  	v29 =	vld.idx.msk [tilespmem:v20+s13+$0xFFFFFFF0 ss:$0x1], $0xffff;
	_ =	sdelay $0x3  }
0x3e1: {  	v22 =	vld.idx.msk [tilespmem:v18+s13+$0xFFFFFFF0 ss:$0x1], $0xffff  }
0x3e2: {  	v25 =	vld.idx.msk [tilespmem:v20+s13+$0x10 ss:$0x1], $0xffff  }
0x3e3: {  	v27 =	vld.idx.msk [tilespmem:v19+s13+$0xFFFFFFF0 ss:$0x1], $0xffff  }
.Ltmp12:
0x3e4: {  	v28 =	vld.idx.msk [tilespmem:v18+s13+$0xFFFFFFD0 ss:$0x1], $0xffff;
	(pc) =	sbr.rel @p0 .LBB2_27-.Ltmp12, $4  }
0x3e5: {  	v30 =	vld.idx.msk [tilespmem:v19+s13+$0x0 ss:$0x1], $0xffff  }
0x3e6: {  	v34 =	vld.idx.msk [tilespmem:v18+s13+$0xFFFFFFE0 ss:$0x1], $0xffff;
	s23 =	spop (v2sf)  }
0x3e7: {  	v36 =	vld [tilespmem:s23+$0x1090];
	s22 =	spop (v2sf)  }
0x3e8: {  	v35 =	vld [tilespmem:s22+$0x10A0]  }
0x3e9: {  	v19 =	vld [tilespmem:s22+$0x1080]  }
0x3ea: {  	v20 =	vld [tilespmem:s22+$0x1090]  }
0x3eb: {  	v37 =	vld [tilespmem:s23+$0x1080]  }
0x3ec: {  	v38 =	vld [tilespmem:s23+$0x10A0]  }
0x3ed: {  	v63 =	vld [tilespmem:s22+$0x10B0]  }
0x3ee: {  	v33 =	vadd.f32 v36, v33  }
0x3ef: {  	v61 =	vld [tilespmem:s23+$0x10B0];
	v31 =	vadd.f32 v35, v31;
	v19 =	vadd.f32 v19, v32  }
0x3f0: {  	v62 =	vsub.f32 v33, v34;
	v20 =	vadd.f32 v20, v29  }
0x3f1: {  	v29 =	vadd.f32 v37, v24;
	v27 =	vadd.f32 v38, v27  }
0x3f2: {  	v17 =	vld.idx.msk [tilespmem:v17+s13+$0x0 ss:$0x1], $0xffff;
	v25 =	vadd.f32 v63, v25;
	v26 =	vsub.f32 v31, v26  }
0x3f3: {  	v18 =	vld.idx.msk [tilespmem:v18+s13+$0x0 ss:$0x1], $0xffff;
	v19 =	vsub.f32 v19, v23;
	v20 =	vsub.f32 v20, v21  }
0x3f4: {  	v31 =	vadd.f32 v61, v30;
	v23 =	vsub.f32 v29, v28  }
0x3f5: {  	v34 =	vand.u32 $0x7FFFFFFF, v62;
	v19 =	vand.u32 $0x7FFFFFFF, v19;
	v20 =	vand.u32 $0x7FFFFFFF, v20  }
0x3f6: {  	v35 =	vsub.f32 v27, v22;
	v23 =	vand.u32 $0x7FFFFFFF, v23;
	v19 =	vadd.f32 v20, v19  }
0x3f7: {  	v17 =	vsub.f32 v25, v17;
	v37 =	vand.u32 $0x7FFFFFFF, v26;
	v36 =	vadd.f32 v34, v23  }
0x3f8: {  	v18 =	vsub.f32 v31, v18;
	v20 =	vand.u32 $0x7FFFFFFF, v35;
	v19 =	vadd.f32 v37, v19  }
0x3f9: {  	v17 =	vand.u32 $0x7FFFFFFF, v17;
	v20 =	vadd.f32 v20, v36  }
0x3fa: {  	v18 =	vand.u32 $0x7FFFFFFF, v18;
	v17 =	vadd.f32 v17, v19  }
0x3fb: {  	v18 =	vadd.f32 v18, v20  }
0x3fc: {  	[tilespmem:s7+$0x0] =	vst v17  }
0x3fd: {  	[tilespmem:s8+$0x0] =	vst v18  }
0x3fe: {  	v17 =	vld.idx.msk [tilespmem:v0+s17+$0x0], $0xffff  }
0x3ff: {  	v18 =	vld.idx.msk [tilespmem:v0+s18+$0x0], $0xffff  }
0x400: {  	v19 =	vld.idx.msk [tilespmem:v1+s17+$0x0], $0xffff  }
0x401: {  	v38 =	vld.idx.msk [tilespmem:v1+s18+$0x0], $0xffff  }
0x402: {  	v39 =	vld.idx.msk [tilespmem:v2+s17+$0x0], $0xffff  }
0x403: {  	v40 =	vld.idx.msk [tilespmem:v2+s18+$0x0], $0xffff  }
0x404: {  	v41 =	vld.idx.msk [tilespmem:v3+s17+$0x0], $0xffff;
	v17 =	vadd.f32 $0.0e+00, v17;
	v18 =	vadd.f32 $0.0e+00, v18  }
0x405: {  	v42 =	vld.idx.msk [tilespmem:v3+s18+$0x0], $0xffff  }
0x406: {  	v43 =	vld.idx.msk [tilespmem:v4+s18+$0x0], $0xffff;
	v17 =	vadd.f32 v19, v17;
	v18 =	vadd.f32 v38, v18  }
0x407: {  	v19 =	vld.idx.msk [tilespmem:v4+s17+$0x0], $0xffff  }
0x408: {  	v44 =	vld.idx.msk [tilespmem:v5+s17+$0x0], $0xffff;
	v17 =	vadd.f32 v39, v17;
	v18 =	vadd.f32 v40, v18  }
0x409: {  	v45 =	vld.idx.msk [tilespmem:v5+s18+$0x0], $0xffff  }
0x40a: {  	v46 =	vld.idx.msk [tilespmem:v6+s17+$0x0], $0xffff;
	v17 =	vadd.f32 v41, v17;
	v18 =	vadd.f32 v42, v18  }
0x40b: {  	v47 =	vld.idx.msk [tilespmem:v6+s18+$0x0], $0xffff  }
0x40c: {  	v48 =	vld.idx.msk [tilespmem:v7+s18+$0x0], $0xffff;
	v17 =	vadd.f32 v19, v17;
	v18 =	vadd.f32 v43, v18  }
0x40d: {  	v19 =	vld.idx.msk [tilespmem:v7+s17+$0x0], $0xffff  }
0x40e: {  	v49 =	vld.idx.msk [tilespmem:v8+s17+$0x0], $0xffff;
	v17 =	vadd.f32 v44, v17;
	v18 =	vadd.f32 v45, v18  }
0x40f: {  	v50 =	vld.idx.msk [tilespmem:v8+s18+$0x0], $0xffff  }
0x410: {  	v51 =	vld.idx.msk [tilespmem:v9+s17+$0x0], $0xffff;
	v17 =	vadd.f32 v46, v17;
	v18 =	vadd.f32 v47, v18  }
0x411: {  	v52 =	vld.idx.msk [tilespmem:v9+s18+$0x0], $0xffff  }
0x412: {  	v53 =	vld.idx.msk [tilespmem:v10+s18+$0x0], $0xffff;
	v17 =	vadd.f32 v19, v17;
	v18 =	vadd.f32 v48, v18  }
0x413: {  	v19 =	vld.idx.msk [tilespmem:v10+s17+$0x0], $0xffff  }
0x414: {  	v54 =	vld.idx.msk [tilespmem:v11+s17+$0x0], $0xffff;
	v17 =	vadd.f32 v49, v17;
	v18 =	vadd.f32 v50, v18  }
0x415: {  	v55 =	vld.idx.msk [tilespmem:v11+s18+$0x0], $0xffff  }
0x416: {  	v56 =	vld.idx.msk [tilespmem:v12+s17+$0x0], $0xffff;
	v17 =	vadd.f32 v51, v17;
	v18 =	vadd.f32 v52, v18  }
0x417: {  	v57 =	vld.idx.msk [tilespmem:v12+s18+$0x0], $0xffff  }
0x418: {  	v58 =	vld.idx.msk [tilespmem:v13+s18+$0x0], $0xffff;
	v17 =	vadd.f32 v19, v17;
	v18 =	vadd.f32 v53, v18  }
0x419: {  	v19 =	vld.idx.msk [tilespmem:v13+s17+$0x0], $0xffff  }
0x41a: {  	v59 =	vld.idx.msk [tilespmem:v14+s17+$0x0], $0xffff;
	v17 =	vadd.f32 v54, v17;
	v18 =	vadd.f32 v55, v18  }
0x41b: {  	v60 =	vld.idx.msk [tilespmem:v14+s18+$0x0], $0xffff  }
0x41c: {  	v61 =	vld.idx.msk [tilespmem:v15+s17+$0x0], $0xffff;
	v17 =	vadd.f32 v56, v17;
	v18 =	vadd.f32 v57, v18  }
0x41d: {  	v62 =	vld.idx.msk [tilespmem:v15+s18+$0x0], $0xffff  }
0x41e: {  	v63 =	vld [tilespmem:s6+$0x1000];
	v17 =	vadd.f32 v19, v17;
	v18 =	vadd.f32 v58, v18  }
0x41f: {  	v19 =	vld [tilespmem:s6+$0xE00]  }
0x420: {  	v17 =	vadd.f32 v59, v17;
	v18 =	vadd.f32 v60, v18;
	_ =	sdelay $0x1  }
0x421: {  	v17 =	vadd.f32 v61, v17;
	v18 =	vadd.f32 v62, v18;
	_ =	sdelay $0x1  }
0x422: {  	v17 =	vmul.f32 v19, v17;
	v18 =	vmul.f32 v63, v18  }
0x423: {  	s1 =	sadd.s32 $0x1, s1  }
0x424: {  	p0 =	sne.s32 s1, $0x4;
	v17 =	vsub.f32 v17, v18  }
.Ltmp13:
0x425: {  	_ = 	snop;
	(pc) =	sbr.rel @p0 .LBB2_26-.Ltmp13, $3  }
0x426: {  	v17 =	vadd.f32 $1.000000000e+00, v17;
	_ =	sdelay $0x1  }
0x427: {  	s14 =	sadd.s32 $0x20, s14;
	s15 =	sadd.s32 $0x800, s15;
	v17 =	vmax.f32 v17, $0.0e+00  }
0x428: {  	s4 =	sadd.s32 $0x800, s4;
	s5 =	sadd.s32 $0x800, s5;
	s16 =	sadd.s32 $0x800, s16;
	v16 =	vadd.f32 v17, v16  }
0x429: {  	_ =	swait.ge [sflag:s19], $0x2000  }
0x42a: {  	[sflag:s19] =	ssyncset.done $0x0  }
0x42b: {  	[sflag:s19] =	ssyncadd.s32 $0xFFFFE000  }
0x42c: {  	_ =	swait.ge [sflag:s19], $0x2000  }
0x42d: {  	[sflag:s19] =	ssyncset.done $0x0  }
0x42e: {  	[sflag:s19] =	ssyncadd.s32 $0xFFFFE000  }
0x42f: {  	_ =	swait.ge [sflag:s19], $0x2000  }
0x430: {  	[sflag:s19] =	ssyncset.done $0x0  }
0x431: {  	[sflag:s19] =	ssyncadd.s32 $0xFFFFE000  }
0x432: {  	s1 =	simm.s32 $0x0;
	s14 =	simm.s32 $0xB80;
	_ =	swait.ge [sflag:s19], $0x2000  }
0x433: {  	s15 =	simm.s32 $0xB2A0;
	s16 =	simm.s32 $0xD2B0;
	[sflag:s19] =	ssyncset.done $0x0  }
0x434: {  	s4 =	simm.s32 $0xF2B0;
	s5 =	simm.s32 $0x92A0;
	[sflag:s19] =	ssyncadd.s32 $0xFFFFE000  }
.LBB2_30:
0x435: {  	v18 =	vld [tilespmem:s14+$0x0];
	_ =	sdelay $0x1  }
0x436: {  	v17 =	vmov s15;
	_ =	sdelay $0x1  }
0x437: {  	v19 =	vmov s16  }
0x438: {  	(v2sf) =	vpush v18, $0x1  }
0x439: {  	s12 =	simm.s32 $0x0;
	(v2sf) =	vpush v18, $0x0  }
0x43a: {  	v20 =	vmov s5;
	v21 =	vld.idx.msk [tilespmem:v17+s12+$0xFFFFFFF0 ss:$0x1], $0xffff  }
0x43b: {  	v23 =	vld.idx.msk [tilespmem:v17+s12+$0xFFFFFFE0 ss:$0x1], $0xffff  }
0x43c: {  	v24 =	vld.idx.msk [tilespmem:v19+s12+$0xFFFFFFD0 ss:$0x1], $0xffff  }
0x43d: {  	v26 =	vld.idx.msk [tilespmem:v17+s12+$0x0 ss:$0x1], $0xffff  }
0x43e: {  	v33 =	vld.idx.msk [tilespmem:v19+s12+$0xFFFFFFE0 ss:$0x1], $0xffff  }
0x43f: {  	v31 =	vld.idx.msk [tilespmem:v20+s12+$0x0 ss:$0x1], $0xffff  }
0x440: {  	v32 =	vld.idx.msk [tilespmem:v20+s12+$0xFFFFFFE0 ss:$0x1], $0xffff;
	v18 =	vmov s4  }
0x441: {  	v29 =	vld.idx.msk [tilespmem:v20+s12+$0xFFFFFFF0 ss:$0x1], $0xffff  }
0x442: {  	v25 =	vld.idx.msk [tilespmem:v20+s12+$0x10 ss:$0x1], $0xffff  }
0x443: {  	v27 =	vld.idx.msk [tilespmem:v19+s12+$0xFFFFFFF0 ss:$0x1], $0xffff  }
0x444: {  	v30 =	vld.idx.msk [tilespmem:v19+s12+$0x0 ss:$0x1], $0xffff  }
0x445: {  	v22 =	vld.idx.msk [tilespmem:v18+s12+$0xFFFFFFF0 ss:$0x1], $0xffff  }
0x446: {  	s6 =	sshll.u32 s1, $0x4;
	v28 =	vld.idx.msk [tilespmem:v18+s12+$0xFFFFFFD0 ss:$0x1], $0xffff  }
0x447: {  	s9 =	simm.s32 $0x11280;
	s10 =	simm.s32 $0x11400;
	v34 =	vld.idx.msk [tilespmem:v18+s12+$0xFFFFFFE0 ss:$0x1], $0xffff;
	s23 =	spop (v2sf)  }
0x448: {  	s11 =	simm.s32 $0x200;
	s13 =	smov.u32 s14;
	v36 =	vld [tilespmem:s23+$0x1090];
	s22 =	spop (v2sf)  }
0x449: {  	s7 =	simm.s32 $0x11280;
	s8 =	simm.s32 $0x11400;
	s6 =	sor.u32 $0x1C0, s6;
	v35 =	vld [tilespmem:s22+$0x10A0]  }
.LBB2_31:
0x44a: {  	v37 =	vld [tilespmem:s22+$0x1080];
	s9 =	sadd.s32 $0x11, s9;
	s10 =	sadd.s32 $0x11, s10;
	s13 =	sadd.s32 $0x2, s13  }
0x44b: {  	p0 =	sne.s32 s11, $0x1E00;
	s28 =	smov.u32 s11;
	s11 =	sadd.s32 $0x200, s11;
	v38 =	vld [tilespmem:s22+$0x1090]  }
0x44c: {  	v39 =	vld [tilespmem:s23+$0x1080]  }
0x44d: {  	v33 =	vadd.f32 v36, v33;
	v36 =	vld [tilespmem:s23+$0x10B0]  }
0x44e: {  	v40 =	vld [tilespmem:s23+$0x10A0];
	v31 =	vadd.f32 v35, v31  }
0x44f: {  	v32 =	vadd.f32 v37, v32;
	v33 =	vsub.f32 v33, v34;
	v34 =	vld [tilespmem:s22+$0x10B0]  }
0x450: {  	v29 =	vadd.f32 v38, v29;
	v26 =	vsub.f32 v31, v26;
	v31 =	vld.idx.msk [tilespmem:v17+s12+$0x10 ss:$0x1], $0xffff  }
0x451: {  	v23 =	vsub.f32 v32, v23;
	v24 =	vadd.f32 v39, v24;
	v32 =	vld.idx.msk [tilespmem:v18+s12+$0x0 ss:$0x1], $0xffff  }
0x452: {  	v21 =	vsub.f32 v29, v21;
	v29 =	vadd.f32 v36, v30  }
0x453: {  	v24 =	vsub.f32 v24, v28;
	v28 =	vand.u32 $0x7FFFFFFF, v33;
	v27 =	vadd.f32 v40, v27  }
0x454: {  	v23 =	vand.u32 $0x7FFFFFFF, v23;
	v21 =	vand.u32 $0x7FFFFFFF, v21;
	v25 =	vadd.f32 v34, v25  }
0x455: {  	v24 =	vand.u32 $0x7FFFFFFF, v24;
	v21 =	vadd.f32 v21, v23;
	v22 =	vsub.f32 v27, v22  }
0x456: {  	v23 =	vadd.f32 v28, v24;
	v24 =	vand.u32 $0x7FFFFFFF, v26;
	v25 =	vsub.f32 v25, v31  }
0x457: {  	v21 =	vadd.f32 v24, v21;
	v22 =	vand.u32 $0x7FFFFFFF, v22;
	v24 =	vsub.f32 v29, v32  }
0x458: {  	v22 =	vadd.f32 v22, v23;
	v23 =	vand.u32 $0x7FFFFFFF, v25  }
0x459: {  	v21 =	vadd.f32 v23, v21;
	v23 =	vand.u32 $0x7FFFFFFF, v24  }
0x45a: {  	v22 =	vadd.f32 v23, v22  }
0x45b: {  	[tilespmem:s7+$0x0] =	vst v21;
	s7 =	smov.u32 s9  }
0x45c: {  	[tilespmem:s8+$0x0] =	vst v22;
	s8 =	smov.u32 s10  }
0x45d: {  	v22 =	vld [tilespmem:s13+$0x0];
	_ =	sdelay $0x2  }
0x45e: {  	s12 =	sshra.s32 s28, $0x2  }
0x45f: {  	v21 =	vld.idx.msk [tilespmem:v17+s12+$0xFFFFFFF0 ss:$0x1], $0xffff  }
0x460: {  	v23 =	vld.idx.msk [tilespmem:v17+s12+$0xFFFFFFE0 ss:$0x1], $0xffff;
	(v2sf) =	vpush v22, $0x1  }
0x461: {  	v24 =	vld.idx.msk [tilespmem:v19+s12+$0xFFFFFFD0 ss:$0x1], $0xffff;
	(v2sf) =	vpush v22, $0x0  }
0x462: {  	v26 =	vld.idx.msk [tilespmem:v17+s12+$0x0 ss:$0x1], $0xffff  }
0x463: {  	v33 =	vld.idx.msk [tilespmem:v19+s12+$0xFFFFFFE0 ss:$0x1], $0xffff  }
0x464: {  	v31 =	vld.idx.msk [tilespmem:v20+s12+$0x0 ss:$0x1], $0xffff  }
0x465: {  	v32 =	vld.idx.msk [tilespmem:v20+s12+$0xFFFFFFE0 ss:$0x1], $0xffff  }
0x466: {  	v29 =	vld.idx.msk [tilespmem:v20+s12+$0xFFFFFFF0 ss:$0x1], $0xffff;
	_ =	sdelay $0x3  }
0x467: {  	v22 =	vld.idx.msk [tilespmem:v18+s12+$0xFFFFFFF0 ss:$0x1], $0xffff  }
0x468: {  	v25 =	vld.idx.msk [tilespmem:v20+s12+$0x10 ss:$0x1], $0xffff  }
0x469: {  	v27 =	vld.idx.msk [tilespmem:v19+s12+$0xFFFFFFF0 ss:$0x1], $0xffff  }
.Ltmp14:
0x46a: {  	v28 =	vld.idx.msk [tilespmem:v18+s12+$0xFFFFFFD0 ss:$0x1], $0xffff;
	(pc) =	sbr.rel @p0 .LBB2_31-.Ltmp14, $4  }
0x46b: {  	v30 =	vld.idx.msk [tilespmem:v19+s12+$0x0 ss:$0x1], $0xffff  }
0x46c: {  	v34 =	vld.idx.msk [tilespmem:v18+s12+$0xFFFFFFE0 ss:$0x1], $0xffff;
	s23 =	spop (v2sf)  }
0x46d: {  	v36 =	vld [tilespmem:s23+$0x1090];
	s22 =	spop (v2sf)  }
0x46e: {  	v35 =	vld [tilespmem:s22+$0x10A0]  }
0x46f: {  	v19 =	vld [tilespmem:s22+$0x1080]  }
0x470: {  	v20 =	vld [tilespmem:s22+$0x1090]  }
0x471: {  	v37 =	vld [tilespmem:s23+$0x1080]  }
0x472: {  	v38 =	vld [tilespmem:s23+$0x10A0]  }
0x473: {  	v63 =	vld [tilespmem:s22+$0x10B0]  }
0x474: {  	v33 =	vadd.f32 v36, v33  }
0x475: {  	v61 =	vld [tilespmem:s23+$0x10B0];
	v31 =	vadd.f32 v35, v31;
	v19 =	vadd.f32 v19, v32  }
0x476: {  	v62 =	vsub.f32 v33, v34;
	v20 =	vadd.f32 v20, v29  }
0x477: {  	v29 =	vadd.f32 v37, v24;
	v27 =	vadd.f32 v38, v27  }
0x478: {  	v17 =	vld.idx.msk [tilespmem:v17+s12+$0x10 ss:$0x1], $0xffff;
	v25 =	vadd.f32 v63, v25;
	v26 =	vsub.f32 v31, v26  }
0x479: {  	v18 =	vld.idx.msk [tilespmem:v18+s12+$0x0 ss:$0x1], $0xffff;
	v19 =	vsub.f32 v19, v23;
	v20 =	vsub.f32 v20, v21  }
0x47a: {  	v31 =	vadd.f32 v61, v30;
	v23 =	vsub.f32 v29, v28  }
0x47b: {  	v34 =	vand.u32 $0x7FFFFFFF, v62;
	v19 =	vand.u32 $0x7FFFFFFF, v19;
	v20 =	vand.u32 $0x7FFFFFFF, v20  }
0x47c: {  	v35 =	vsub.f32 v27, v22;
	v23 =	vand.u32 $0x7FFFFFFF, v23;
	v19 =	vadd.f32 v20, v19  }
0x47d: {  	v17 =	vsub.f32 v25, v17;
	v37 =	vand.u32 $0x7FFFFFFF, v26;
	v36 =	vadd.f32 v34, v23  }
0x47e: {  	v18 =	vsub.f32 v31, v18;
	v20 =	vand.u32 $0x7FFFFFFF, v35;
	v19 =	vadd.f32 v37, v19  }
0x47f: {  	v17 =	vand.u32 $0x7FFFFFFF, v17;
	v20 =	vadd.f32 v20, v36  }
0x480: {  	v18 =	vand.u32 $0x7FFFFFFF, v18;
	v17 =	vadd.f32 v17, v19  }
0x481: {  	v18 =	vadd.f32 v18, v20  }
0x482: {  	[tilespmem:s7+$0x0] =	vst v17  }
0x483: {  	[tilespmem:s8+$0x0] =	vst v18  }
0x484: {  	v17 =	vld.idx.msk [tilespmem:v0+s17+$0x0], $0xffff  }
0x485: {  	v18 =	vld.idx.msk [tilespmem:v0+s18+$0x0], $0xffff  }
0x486: {  	v19 =	vld.idx.msk [tilespmem:v1+s17+$0x0], $0xffff  }
0x487: {  	v38 =	vld.idx.msk [tilespmem:v1+s18+$0x0], $0xffff  }
0x488: {  	v39 =	vld.idx.msk [tilespmem:v2+s17+$0x0], $0xffff  }
0x489: {  	v40 =	vld.idx.msk [tilespmem:v2+s18+$0x0], $0xffff  }
0x48a: {  	v41 =	vld.idx.msk [tilespmem:v3+s17+$0x0], $0xffff;
	v17 =	vadd.f32 $0.0e+00, v17;
	v18 =	vadd.f32 $0.0e+00, v18  }
0x48b: {  	v42 =	vld.idx.msk [tilespmem:v3+s18+$0x0], $0xffff  }
0x48c: {  	v43 =	vld.idx.msk [tilespmem:v4+s18+$0x0], $0xffff;
	v17 =	vadd.f32 v19, v17;
	v18 =	vadd.f32 v38, v18  }
0x48d: {  	v19 =	vld.idx.msk [tilespmem:v4+s17+$0x0], $0xffff  }
0x48e: {  	v44 =	vld.idx.msk [tilespmem:v5+s17+$0x0], $0xffff;
	v17 =	vadd.f32 v39, v17;
	v18 =	vadd.f32 v40, v18  }
0x48f: {  	v45 =	vld.idx.msk [tilespmem:v5+s18+$0x0], $0xffff  }
0x490: {  	v46 =	vld.idx.msk [tilespmem:v6+s17+$0x0], $0xffff;
	v17 =	vadd.f32 v41, v17;
	v18 =	vadd.f32 v42, v18  }
0x491: {  	v47 =	vld.idx.msk [tilespmem:v6+s18+$0x0], $0xffff  }
0x492: {  	v48 =	vld.idx.msk [tilespmem:v7+s18+$0x0], $0xffff;
	v17 =	vadd.f32 v19, v17;
	v18 =	vadd.f32 v43, v18  }
0x493: {  	v19 =	vld.idx.msk [tilespmem:v7+s17+$0x0], $0xffff  }
0x494: {  	v49 =	vld.idx.msk [tilespmem:v8+s17+$0x0], $0xffff;
	v17 =	vadd.f32 v44, v17;
	v18 =	vadd.f32 v45, v18  }
0x495: {  	v50 =	vld.idx.msk [tilespmem:v8+s18+$0x0], $0xffff  }
0x496: {  	v51 =	vld.idx.msk [tilespmem:v9+s17+$0x0], $0xffff;
	v17 =	vadd.f32 v46, v17;
	v18 =	vadd.f32 v47, v18  }
0x497: {  	v52 =	vld.idx.msk [tilespmem:v9+s18+$0x0], $0xffff  }
0x498: {  	v53 =	vld.idx.msk [tilespmem:v10+s18+$0x0], $0xffff;
	v17 =	vadd.f32 v19, v17;
	v18 =	vadd.f32 v48, v18  }
0x499: {  	v19 =	vld.idx.msk [tilespmem:v10+s17+$0x0], $0xffff  }
0x49a: {  	v54 =	vld.idx.msk [tilespmem:v11+s17+$0x0], $0xffff;
	v17 =	vadd.f32 v49, v17;
	v18 =	vadd.f32 v50, v18  }
0x49b: {  	v55 =	vld.idx.msk [tilespmem:v11+s18+$0x0], $0xffff  }
0x49c: {  	v56 =	vld.idx.msk [tilespmem:v12+s17+$0x0], $0xffff;
	v17 =	vadd.f32 v51, v17;
	v18 =	vadd.f32 v52, v18  }
0x49d: {  	v57 =	vld.idx.msk [tilespmem:v12+s18+$0x0], $0xffff  }
0x49e: {  	v58 =	vld.idx.msk [tilespmem:v13+s18+$0x0], $0xffff;
	v17 =	vadd.f32 v19, v17;
	v18 =	vadd.f32 v53, v18  }
0x49f: {  	v19 =	vld.idx.msk [tilespmem:v13+s17+$0x0], $0xffff  }
0x4a0: {  	v59 =	vld.idx.msk [tilespmem:v14+s17+$0x0], $0xffff;
	v17 =	vadd.f32 v54, v17;
	v18 =	vadd.f32 v55, v18  }
0x4a1: {  	v60 =	vld.idx.msk [tilespmem:v14+s18+$0x0], $0xffff  }
0x4a2: {  	v61 =	vld.idx.msk [tilespmem:v15+s17+$0x0], $0xffff;
	v17 =	vadd.f32 v56, v17;
	v18 =	vadd.f32 v57, v18  }
0x4a3: {  	v62 =	vld.idx.msk [tilespmem:v15+s18+$0x0], $0xffff  }
0x4a4: {  	v63 =	vld [tilespmem:s6+$0xE80];
	v17 =	vadd.f32 v19, v17;
	v18 =	vadd.f32 v58, v18  }
0x4a5: {  	v19 =	vld [tilespmem:s6+$0xC80]  }
0x4a6: {  	v17 =	vadd.f32 v59, v17;
	v18 =	vadd.f32 v60, v18;
	_ =	sdelay $0x1  }
0x4a7: {  	v17 =	vadd.f32 v61, v17;
	v18 =	vadd.f32 v62, v18;
	_ =	sdelay $0x1  }
0x4a8: {  	v17 =	vmul.f32 v19, v17;
	v18 =	vmul.f32 v63, v18  }
0x4a9: {  	s1 =	sadd.s32 $0x1, s1  }
0x4aa: {  	p0 =	sne.s32 s1, $0x4;
	v17 =	vsub.f32 v17, v18  }
.Ltmp15:
0x4ab: {  	_ = 	snop;
	(pc) =	sbr.rel @p0 .LBB2_30-.Ltmp15, $3  }
0x4ac: {  	v17 =	vadd.f32 $1.000000000e+00, v17;
	_ =	sdelay $0x1  }
0x4ad: {  	s14 =	sadd.s32 $0x20, s14;
	s15 =	sadd.s32 $0x800, s15;
	v17 =	vmax.f32 v17, $0.0e+00  }
0x4ae: {  	s16 =	sadd.s32 $0x800, s16;
	s4 =	sadd.s32 $0x800, s4;
	s5 =	sadd.s32 $0x800, s5;
	v16 =	vadd.f32 v17, v16  }
0x4af: {  	_ = 	snop  }
0x4b0: {  	s1 =	rddreg [dreg:$0x10];
	s4 =	simm.s32 $0x11580;
	s23 =	simm.s32 $0x3;
	[tilespmem:$0x11580] =	vst v16  }
0x4b1: {  	[hbm4b:s1+s2] =	stream.linear.scatter [tilespmem:s4], [sflag:$0x3], $0x10, $0x38;
	[tilespmem:$0x11600] =	vst v63  }
0x4b2: {  	_ =	swait.ge [sflag:s23], $0x10  }
0x4b3: {  	s30 =	sadd.s32 $0x1, s30;
	s28 =	rddreg [dreg:$0x11]  }
0x4b4: {  	p0 =	sne.s32 s30, s28  }
.Ltmp16:
0x4b5: {  	_ = 	snop;
	(pc) =	sbr.rel @p0 .LBB2_1-.Ltmp16, $3  }
0x4b6: {  	_ =	sdelay $0x1  }
0x4b7: {  	[sflag:s23] =	ssyncset.done $0x0  }
0x4b8: {  	[sflag:s23] =	ssyncadd.s32 $0xFFFFFFF0  }
0x4b9: {  	_ =	sfence.sel $0x180000  }
0x4ba: {  	[bflag:$0x0] =	sbarrier.arrive $0xFFFF  }
0x4bb: {  	_ =	strace $0x90000047  }
0x4bc: {  	s0 =	stileid.u32;
	[bflag:$0x2] =	sbarrier.arrive $0xFFFF  }
0x4bd: {  	p0 =	sne.s32 s0, $0x0;
	s0 =	rddreg [dreg:$0x7]  }
0x4be: {  	s0 =	sadd.s32 @!p0 $0x100000, s0  }
0x4bf: {  	[sflag:s0] =	ssyncadd.tile.s32 @!p0 $0x1;
	_ =	shalt  }
.Lfunc_end2:
_tile_overlayer_lowered:
.L_overlay_start_2:
0x4c0: {  	(tag) =	ssettag $0x2  }
0x4c1: {  	s0 =	rddreg [dreg:$0x0];
	s2 =	stileid.u32  }
0x4c2: {  	s1 =	rddreg [dreg:$0x1];
	p0 =	sne.s32 s2, $0x0  }
0x4c3: {  	s3 =	rddreg [dreg:$0x2];
	[bflag:$0x3] =	sbarrier.arrive $0xFFFF;
	s2 =	simm.s32 @!p0 $0x1C03  }
0x4c4: {  	[timem:s3], [sflag:s2] =	dma.local @!p0 [hbm:s0], s1  }
0x4c5: {  	s0 =	simm.s32 @!p0 $0x3  }
0x4c6: {  	_ =	swait.ge @!p0 [sflag:s0], s1  }
0x4c7: {  	s1 =	ssub.s32 @!p0 $0x0, s1;
	[sflag:s0] =	ssyncset.done @!p0 $0x0  }
0x4c8: {  	[sflag:s0] =	ssyncadd.s32 @!p0 s1  }
0x4c9: {  	[bflag:$0x3] =	sbarrier.arrive $0xFFFF  }
0x4ca: {  	_ =	shalt  }

</sc_bundles>
